<compile_context>
chip_gen: v7x
topology: tpu7x:2x2x1
jax: 0.10.2.dev20260603
libtpu: 0.0.44.dev20260713+nightly
codegen_flags: <defaults>
</compile_context>

<pallas_src>
import dataclasses
import functools

import jax
import jax.numpy as jnp
from jax import lax
from jax.experimental import pallas as pl
from jax.experimental.pallas import tpu as pltpu
from jax.experimental.pallas import tpu_sc as plsc

NUM_EXPERTS = 8
TOP_K = 2
HIDDEN = 1024
INTER = 768
BLK = 256

NC = 2
NS = 16
NW = NC * NS



def _meta_kernel(nblk, lg_ref, pos_ref, wts_ref, eids_ref):
    t = lg_ref.shape[0]
    lg = lg_ref[...]
    m = jnp.max(lg, axis=1, keepdims=True)
    ex = jnp.exp(lg - m)
    p = ex / jnp.sum(ex, axis=1, keepdims=True)

    idx = jax.lax.broadcasted_iota(jnp.int32, (t, NUM_EXPERTS), 1)
    m1 = jnp.max(p, axis=1, keepdims=True)
    i1 = jnp.min(jnp.where(p == m1, idx, NUM_EXPERTS), axis=1, keepdims=True)
    masked = jnp.where(idx == i1, -1.0, p)
    m2 = jnp.max(masked, axis=1, keepdims=True)
    i2 = jnp.min(jnp.where(masked == m2, idx, NUM_EXPERTS), axis=1, keepdims=True)
    wsum = m1 + m2
    w0 = m1 / wsum
    w1 = m2 / wsum

    oh0 = (idx == i1).astype(jnp.float32)
    oh1 = (idx == i2).astype(jnp.float32)
    ohsum = oh0 + oh1

    ci = jax.lax.broadcasted_iota(jnp.int32, (256, 256), 0)
    cj = jax.lax.broadcasted_iota(jnp.int32, (256, 256), 1)
    lstrict = (cj < ci).astype(jnp.bfloat16)
    nchunks = t // 256
    carry = jnp.zeros((1, NUM_EXPERTS), jnp.float32)
    excls = []
    for c in range(nchunks):
        oh_c = jax.lax.slice(ohsum, (c * 256, 0), ((c + 1) * 256, NUM_EXPERTS))
        excl_c = jax.lax.dot_general(lstrict, oh_c.astype(jnp.bfloat16),
                                     (((1,), (0,)), ((), ())),
                                     preferred_element_type=jnp.float32) + carry
        excls.append(excl_c)
        carry = carry + jnp.sum(oh_c, axis=0, keepdims=True)
    counts = carry

    padded = jnp.floor((counts + float(BLK - 1)) * (1.0 / BLK)) * float(BLK)
    lane = jax.lax.broadcasted_iota(jnp.int32, (1, NUM_EXPERTS), 1)
    cum = padded
    sh = 1
    while sh < NUM_EXPERTS:
        cum = cum + jnp.where(lane >= sh, pltpu.roll(cum, sh, 1), 0.0)
        sh *= 2
    pad_off = cum - padded

    excl = jnp.concatenate(excls, axis=0)
    pos0 = jnp.sum(oh0 * (pad_off + excl), axis=1, keepdims=True)
    pos1 = jnp.sum(oh1 * (pad_off + excl + oh0), axis=1, keepdims=True)
    pos_ref[...] = jnp.concatenate([pos0, pos1], axis=1).astype(jnp.int32)
    wts_ref[...] = jnp.concatenate([w0, w1], axis=1)

    eye = (jax.lax.broadcasted_iota(jnp.int32, (NUM_EXPERTS, NUM_EXPERTS), 0) ==
           jax.lax.broadcasted_iota(jnp.int32, (NUM_EXPERTS, NUM_EXPERTS), 1))
    cum_col = jnp.sum(jnp.where(eye, cum, 0.0), axis=1, keepdims=True)
    bstart = (jax.lax.broadcasted_iota(jnp.int32, (1, 128), 1) * BLK).astype(jnp.float32)
    ge = (bstart >= cum_col).astype(jnp.int32)
    eids = jnp.minimum(jnp.sum(ge, axis=0, keepdims=True), NUM_EXPERTS - 1)
    nb = (jnp.sum(padded, axis=1, keepdims=True) * (1.0 / BLK)).astype(jnp.int32)
    rowi = jax.lax.broadcasted_iota(jnp.int32, (8, 128), 0)
    eids_ref[...] = jnp.where(rowi == 0, jnp.broadcast_to(eids, (8, 128)),
                              jnp.broadcast_to(nb, (8, 128)))


def _router_meta(logits, nblk):
    t = logits.shape[0]
    return pl.pallas_call(
        functools.partial(_meta_kernel, nblk),
        out_shape=(
            jax.ShapeDtypeStruct((t, TOP_K), jnp.int32),
            jax.ShapeDtypeStruct((t, TOP_K), jnp.float32),
            jax.ShapeDtypeStruct((8, 128), jnp.int32),
        ),
    )(logits)



NSLOT = 3


def _start_weight_copies(gp_hbm, up_hbm, dp_hbm, wg, wu, wd, sem, e, s):
    pltpu.make_async_copy(gp_hbm.at[e], wg.at[s], sem.at[s, 0]).start()
    pltpu.make_async_copy(up_hbm.at[e], wu.at[s], sem.at[s, 1]).start()
    pltpu.make_async_copy(dp_hbm.at[e], wd.at[s], sem.at[s, 2]).start()


def _ffn_block_kernel(mb_ref, xs_ref, gp_hbm, up_hbm, dp_hbm, out_ref,
                      wg, wu, wd, sem):
    b = pl.program_id(0)
    slot = mb_ref[2, b]
    chg = mb_ref[1, b]

    @pl.when(b == 0)
    def _prologue():
        _start_weight_copies(gp_hbm, up_hbm, dp_hbm, wg, wu, wd, sem,
                             mb_ref[0, 0], 0)

        @pl.when(mb_ref[7, 0] >= 1)
        def _p1():
            _start_weight_copies(gp_hbm, up_hbm, dp_hbm, wg, wu, wd, sem,
                                 mb_ref[6, 0], 1)

    @pl.when(b < mb_ref[5, 0])
    def _compute():
        e = mb_ref[0, b]

        @pl.when(chg == 1)
        def _on_change():
            pltpu.make_async_copy(gp_hbm.at[e], wg.at[slot], sem.at[slot, 0]).wait()
            pltpu.make_async_copy(up_hbm.at[e], wu.at[slot], sem.at[slot, 1]).wait()
            pltpu.make_async_copy(dp_hbm.at[e], wd.at[slot], sem.at[slot, 2]).wait()

            @pl.when(mb_ref[4, b] == 1)
            def _issue_2ahead():
                ns = slot + 2 - NSLOT * ((slot + 2) // NSLOT)
                _start_weight_copies(gp_hbm, up_hbm, dp_hbm, wg, wu, wd, sem,
                                     mb_ref[3, b], ns)

        x = xs_ref[...].astype(jnp.bfloat16)
        g = lax.dot_general(x, wg[slot].astype(jnp.bfloat16),
                            (((1,), (1,)), ((), ())),
                            preferred_element_type=jnp.float32)
        u = lax.dot_general(x, wu[slot].astype(jnp.bfloat16),
                            (((1,), (1,)), ((), ())),
                            preferred_element_type=jnp.float32)
        h = (g * jax.nn.sigmoid(g) * u).astype(jnp.bfloat16)
        out_ref[...] = lax.dot_general(h, wd[slot].astype(jnp.bfloat16),
                                       (((1,), (1,)), ((), ())),
                                       preferred_element_type=jnp.float32)


def _grouped_ffn(xs, gate_proj, up_proj, down_proj, meta_blk, nblk):
    hbm = pl.BlockSpec(memory_space=pltpu.MemorySpace.HBM)
    grid_spec = pltpu.PrefetchScalarGridSpec(
        num_scalar_prefetch=1,
        grid=(nblk,),
        in_specs=[
            pl.BlockSpec((BLK, HIDDEN),
                         lambda b, mb: (jnp.minimum(b, mb[5, 0] - 1), 0)),
            hbm, hbm, hbm,
        ],
        out_specs=pl.BlockSpec((BLK, HIDDEN),
                               lambda b, mb: (jnp.minimum(b, mb[5, 0] - 1), 0)),
        scratch_shapes=[
            pltpu.VMEM((NSLOT, INTER, HIDDEN), jnp.float32),
            pltpu.VMEM((NSLOT, INTER, HIDDEN), jnp.float32),
            pltpu.VMEM((NSLOT, HIDDEN, INTER), jnp.float32),
            pltpu.SemaphoreType.DMA((NSLOT, 3)),
        ],
    )
    return pl.pallas_call(
        _ffn_block_kernel,
        grid_spec=grid_spec,
        out_shape=jax.ShapeDtypeStruct((xs.shape[0], HIDDEN), jnp.float32),
    )(meta_blk, xs, gate_proj, up_proj, down_proj)



def _sc_mesh():
    return plsc.VectorSubcoreMesh(core_axis_name="c", subcore_axis_name="s",
                                  num_cores=NC, num_subcores=NS)


def _sc_params():
    cp = pltpu.CompilerParams()
    if "needs_layout_passes" in pltpu.CompilerParams.__dataclass_fields__:
        cp = dataclasses.replace(cp, needs_layout_passes=False)
    return cp


def _scatter_body(tpw, x_hbm, idx_hbm, xs_hbm, rows_v, idx_v, sem):
    wid = lax.axis_index("c") * NS + lax.axis_index("s")
    base = wid * tpw
    pltpu.sync_copy(x_hbm.at[pl.ds(base, tpw)], rows_v)
    pltpu.sync_copy(idx_hbm.at[wid], idx_v)
    c0 = pltpu.async_copy(rows_v, xs_hbm.at[idx_v.at[0]], sem)
    c1 = pltpu.async_copy(rows_v, xs_hbm.at[idx_v.at[1]], sem)
    c0.wait()
    c1.wait()


def _dispatch_scatter(x, idx3, padded):
    t = x.shape[0]
    tpw = t // NW
    return pl.kernel(
        functools.partial(_scatter_body, tpw),
        out_type=jax.ShapeDtypeStruct((padded, HIDDEN), jnp.float32),
        mesh=_sc_mesh(),
        scratch_types=[
            pltpu.VMEM((tpw, HIDDEN), jnp.float32),
            pltpu.VMEM((TOP_K, tpw), jnp.int32),
            pltpu.SemaphoreType.DMA,
        ],
    )(x, idx3)



def _combine_body(tpw, chunk, y_hbm, idx_hbm, w_hbm, out_hbm,
                  bufs, idx_v, w_v, sems):
    wid = lax.axis_index("c") * NS + lax.axis_index("s")
    base = wid * tpw
    pltpu.sync_copy(idx_hbm.at[wid], idx_v)
    pltpu.sync_copy(w_hbm.at[wid], w_v)
    nchunks = tpw // chunk
    zero16 = jnp.zeros((16,), jnp.int32)
    one16 = jnp.ones((16,), jnp.int32)

    for c in range(nchunks):
        c0 = pltpu.async_copy(y_hbm.at[idx_v.at[0, pl.ds(c * chunk, chunk)]],
                              bufs.at[0], sems.at[0])
        c1 = pltpu.async_copy(y_hbm.at[idx_v.at[1, pl.ds(c * chunk, chunk)]],
                              bufs.at[1], sems.at[1])
        c0.wait()
        c1.wait()

        def row_body(r, _, c=c):
            rsplat = jnp.full((16,), c * chunk + r, jnp.int32)
            w0 = plsc.load_gather(w_v, [zero16, rsplat])
            w1 = plsc.load_gather(w_v, [one16, rsplat])
            for l in range(HIDDEN // 16):
                sl = pl.ds(l * 16, 16)
                bufs[0, r, sl] = bufs[0, r, sl] * w0 + bufs[1, r, sl] * w1
            return 0

        lax.fori_loop(0, chunk, row_body, 0)
        pltpu.sync_copy(bufs.at[0],
                        out_hbm.at[pl.ds(base + c * chunk, chunk)])


def _combine(ybuf, idx3, w3, t):
    tpw = t // NW
    chunk = 32
    return pl.kernel(
        functools.partial(_combine_body, tpw, chunk),
        out_type=jax.ShapeDtypeStruct((t, HIDDEN), jnp.float32),
        mesh=_sc_mesh(),
        scratch_types=[
            pltpu.VMEM((2, chunk, HIDDEN), jnp.float32),
            pltpu.VMEM((TOP_K, tpw), jnp.int32),
            pltpu.VMEM((TOP_K, tpw), jnp.float32),
            pltpu.SemaphoreType.DMA((2,)),
        ],
        compiler_params=_sc_params(),
    )(ybuf, idx3, w3)



def _block_meta(eids, nb, nblk):
    idxs = jnp.arange(nblk, dtype=jnp.int32)
    prev = jnp.concatenate([jnp.full((1,), -1, jnp.int32), eids[:-1]])
    chg = ((eids != prev) & (idxs < nb)).astype(jnp.int32)
    lower = idxs[:, None] >= idxs[None, :]
    slot = (jnp.sum(jnp.where(lower, chg[None, :], 0), axis=1) - 1) % 3
    big = nblk + 1
    upper = idxs[:, None] < idxs[None, :]
    cand = jnp.where(chg == 1, idxs, big)
    nxt_idx = jnp.min(jnp.where(upper, cand[None, :], big), axis=1)
    between = (idxs[:, None] < idxs[None, :]) & (nxt_idx[:, None] < idxs[None, :])
    nxt2_idx = jnp.min(jnp.where(between, cand[None, :], big), axis=1)
    has2 = (nxt2_idx < nblk).astype(jnp.int32)
    oh2 = (jnp.minimum(nxt2_idx, nblk - 1)[:, None] == idxs[None, :]).astype(jnp.int32)
    nxt2_e = jnp.sum(oh2 * eids[None, :], axis=1)
    nbvec = jnp.full((nblk,), 1, jnp.int32) * nb
    oh1 = (jnp.minimum(nxt_idx, nblk - 1)[:, None] == idxs[None, :]).astype(jnp.int32)
    nxt_e = jnp.sum(oh1 * eids[None, :], axis=1)
    nup0 = (nxt_idx[0] < nblk).astype(jnp.int32)
    row6 = jnp.where(idxs == 0, nxt_e[0], 0)
    row7 = jnp.full((nblk,), 1, jnp.int32) * nup0
    return jnp.stack([eids, chg, slot, nxt2_e, has2, nbvec, row6, row7])



def kernel(hidden_states, gate_weight, gate_proj, up_proj, down_proj):
    b, s, h = hidden_states.shape
    x = hidden_states.reshape(-1, h)
    T = x.shape[0]
    nblk = T * TOP_K // BLK + NUM_EXPERTS
    padded = nblk * BLK

    logits = x @ gate_weight.T
    pos2, wts, eids_meta = _router_meta(logits, nblk)
    eids = eids_meta[0, :nblk]

    meta_blk = _block_meta(eids, eids_meta[1, 0], nblk)

    idx3 = pos2.reshape(NW, T // NW, TOP_K).transpose(0, 2, 1)
    w3 = wts.reshape(NW, T // NW, TOP_K).transpose(0, 2, 1)

    xs = _dispatch_scatter(x, idx3, padded)
    ybuf = _grouped_ffn(xs, gate_proj, up_proj, down_proj, meta_blk, nblk)
    out = _combine(ybuf, idx3, w3, T)
    return out.reshape(b, s, h), logits

# --- scband reference (transcript-rebuilt; emitter-appended) ---
"""Pipeline reference for scband-qwen3-moe-sparse-fused-moe-block-21638045237564 (READ-ONLY COPY).

The authoritative reference and input builder live on the scoring server;
editing this copy changes nothing except your own understanding.
"""

import jax, jax.numpy as jnp
import numpy as np

NUM_EXPERTS = 8
TOP_K = 2
HIDDEN = 1024
INTER = 768
BATCH = 1
SEQ = 2048


def setup_inputs(seed: int = 0):
    key = jax.random.key(seed)
    ks = jax.random.split(key, 5)
    hidden_states = jax.random.normal(ks[0], (BATCH, SEQ, HIDDEN), dtype=jnp.float32)
    gate_weight = jax.random.normal(ks[1], (NUM_EXPERTS, HIDDEN), dtype=jnp.float32) * 0.02
    gate_proj = jax.random.normal(ks[2], (NUM_EXPERTS, INTER, HIDDEN), dtype=jnp.float32) * 0.02
    up_proj = jax.random.normal(ks[3], (NUM_EXPERTS, INTER, HIDDEN), dtype=jnp.float32) * 0.02
    down_proj = jax.random.normal(ks[4], (NUM_EXPERTS, HIDDEN, INTER), dtype=jnp.float32) * 0.02
    return {"hidden_states": hidden_states, "gate_weight": gate_weight, "gate_proj": gate_proj, "up_proj": up_proj, "down_proj": down_proj}


def _silu(x):
    return x * jax.nn.sigmoid(x)


def reference(hidden_states, gate_weight, gate_proj, up_proj, down_proj):
    b, s, h = hidden_states.shape
    x = hidden_states.reshape(-1, h)
    # router: nn.Linear(hidden, num_experts, bias=False)
    router_logits = x @ gate_weight.T
    routing_weights = jax.nn.softmax(router_logits.astype(jnp.float32), axis=1)
    w, selected_experts = jax.lax.top_k(routing_weights, TOP_K)
    # norm_topk_prob = True
    w = w / jnp.sum(w, axis=-1, keepdims=True)
    w = w.astype(x.dtype)
    T = x.shape[0]
    # combine per-token per-expert weights via scatter-add (SparseCore-friendly)
    combine_w = jnp.zeros((T, NUM_EXPERTS), dtype=x.dtype)
    for k in range(TOP_K):
        combine_w = combine_w.at[jnp.arange(T), selected_experts[:, k]].add(w[:, k])
    out = jnp.zeros_like(x)
    for e in range(NUM_EXPERTS):
        g = x @ gate_proj[e].T
        u = x @ up_proj[e].T
        o = (_silu(g) * u) @ down_proj[e].T
        out = out + combine_w[:, e:e + 1] * o
    final_hidden_states = out.reshape(b, s, h)
    return final_hidden_states, router_logits

if __name__ == "__main__":
    import jax
    _d = setup_inputs()
    print(jax.jit(kernel)(*tuple(_d.values())))

</pallas_src>

<mosaic_0001>
#map = affine_map<(d0, d1) -> (0, 0)>
#map1 = affine_map<(d0, d1) -> (0, 0, 0)>
module attributes {stable_mosaic.version = 14 : i64} {
  func.func @_combine_body(%arg0: i32, %arg1: i32, %arg2: memref<6144x1024xf32, #tpu.memory_space<hbm>>, %arg3: memref<32x2x64xi32, #tpu.memory_space<hbm>>, %arg4: memref<32x2x64xf32, #tpu.memory_space<hbm>>, %arg5: memref<2048x1024xf32, #tpu.memory_space<hbm>>, %arg6: memref<2x32x1024xf32, #tpu.memory_space<vmem>>, %arg7: memref<2x64xi32, #tpu.memory_space<vmem>>, %arg8: memref<2x64xf32, #tpu.memory_space<vmem>>, %arg9: memref<2x!tpu.dma_semaphore, #tpu.memory_space<semaphore_mem>>) attributes {dimension_semantics = [#tpu.dimension_semantics<core_parallel>, #tpu.dimension_semantics<subcore_parallel>], iteration_bounds = array<i64: 2, 16>, scalar_prefetch = 0 : i64, scratch_operands = 4 : i64, tpu.core_type = #tpu.core_type<sc_vector_subcore>, window_params = [{transform_indices = #map}, {transform_indices = #map1}, {transform_indices = #map1}, {transform_indices = #map}]} {
    %mul3A = arith.constant 16 : i32
    %mul3A_0 = arith.muli %arg0, %mul3A : i32
    %add3A = arith.addi %mul3A_0, %arg1 : i32
    %mul3A_1 = arith.constant 64 : i32
    %mul3A_2 = arith.muli %add3A, %mul3A_1 : i32
    "tpu.region"() ({
      %run_scoped3A_142 = tpu.sem_alloc : memref<!tpu.dma_semaphore, #tpu.memory_space<semaphore_mem>>
      %dma_start3A_143 = arith.constant 0 : i32
      %dma_start3A_144 = arith.constant 0 : i32
      %dma_start3A_145 = tpu.memref_slice %arg3[%add3A, %dma_start3A_143, %dma_start3A_144] : memref<32x2x64xi32, #tpu.memory_space<hbm>> -> memref<1x2x64xi32, #tpu.memory_space<hbm>>
      %dma_start3A_146 = tpu.memref_squeeze %dma_start3A_145 : memref<1x2x64xi32, #tpu.memory_space<hbm>> -> memref<2x64xi32, #tpu.memory_space<hbm>>
      %dma_start3A_147 = arith.constant 0 : i32
      %dma_start3A_148 = arith.constant 0 : i32
      %dma_start3A_149 = tpu.memref_slice %arg3[%add3A, %dma_start3A_147, %dma_start3A_148] : memref<32x2x64xi32, #tpu.memory_space<hbm>> -> memref<1x2x64xi32, #tpu.memory_space<hbm>>
      %dma_start3A_150 = tpu.memref_squeeze %dma_start3A_149 : memref<1x2x64xi32, #tpu.memory_space<hbm>> -> memref<2x64xi32, #tpu.memory_space<hbm>>
      tpu.enqueue_dma source(%dma_start3A_150 : memref<2x64xi32, #tpu.memory_space<hbm>>) target(%arg7 : memref<2x64xi32, #tpu.memory_space<vmem>>) target_semaphore(%run_scoped3A_142 : memref<!tpu.dma_semaphore, #tpu.memory_space<semaphore_mem>>)
      %dma_wait3A_151 = arith.constant 0 : i32
      %dma_wait3A_152 = arith.constant 0 : i32
      %dma_wait3A_153 = tpu.memref_slice %arg3[%add3A, %dma_wait3A_151, %dma_wait3A_152] : memref<32x2x64xi32, #tpu.memory_space<hbm>> -> memref<1x2x64xi32, #tpu.memory_space<hbm>>
      %dma_wait3A_154 = tpu.memref_squeeze %dma_wait3A_153 : memref<1x2x64xi32, #tpu.memory_space<hbm>> -> memref<2x64xi32, #tpu.memory_space<hbm>>
      %dma_wait3A_155 = arith.constant 0 : i32
      %dma_wait3A_156 = arith.constant 0 : i32
      %dma_wait3A_157 = tpu.memref_slice %arg3[%add3A, %dma_wait3A_155, %dma_wait3A_156] : memref<32x2x64xi32, #tpu.memory_space<hbm>> -> memref<1x2x64xi32, #tpu.memory_space<hbm>>
      %dma_wait3A_158 = tpu.memref_squeeze %dma_wait3A_157 : memref<1x2x64xi32, #tpu.memory_space<hbm>> -> memref<2x64xi32, #tpu.memory_space<hbm>>
      tpu.wait_dma2 semaphore(%run_scoped3A_142 : memref<!tpu.dma_semaphore, #tpu.memory_space<semaphore_mem>>) src(%dma_wait3A_158 : memref<2x64xi32, #tpu.memory_space<hbm>>) dst(%arg7 : memref<2x64xi32, #tpu.memory_space<vmem>>)
      tpu.yield
    }) : () -> ()
    "tpu.region"() ({
      %run_scoped3A_142 = tpu.sem_alloc : memref<!tpu.dma_semaphore, #tpu.memory_space<semaphore_mem>>
      %dma_start3A_143 = arith.constant 0 : i32
      %dma_start3A_144 = arith.constant 0 : i32
      %dma_start3A_145 = tpu.memref_slice %arg4[%add3A, %dma_start3A_143, %dma_start3A_144] : memref<32x2x64xf32, #tpu.memory_space<hbm>> -> memref<1x2x64xf32, #tpu.memory_space<hbm>>
      %dma_start3A_146 = tpu.memref_squeeze %dma_start3A_145 : memref<1x2x64xf32, #tpu.memory_space<hbm>> -> memref<2x64xf32, #tpu.memory_space<hbm>>
      %dma_start3A_147 = arith.constant 0 : i32
      %dma_start3A_148 = arith.constant 0 : i32
      %dma_start3A_149 = tpu.memref_slice %arg4[%add3A, %dma_start3A_147, %dma_start3A_148] : memref<32x2x64xf32, #tpu.memory_space<hbm>> -> memref<1x2x64xf32, #tpu.memory_space<hbm>>
      %dma_start3A_150 = tpu.memref_squeeze %dma_start3A_149 : memref<1x2x64xf32, #tpu.memory_space<hbm>> -> memref<2x64xf32, #tpu.memory_space<hbm>>
      tpu.enqueue_dma source(%dma_start3A_150 : memref<2x64xf32, #tpu.memory_space<hbm>>) target(%arg8 : memref<2x64xf32, #tpu.memory_space<vmem>>) target_semaphore(%run_scoped3A_142 : memref<!tpu.dma_semaphore, #tpu.memory_space<semaphore_mem>>)
      %dma_wait3A_151 = arith.constant 0 : i32
      %dma_wait3A_152 = arith.constant 0 : i32
      %dma_wait3A_153 = tpu.memref_slice %arg4[%add3A, %dma_wait3A_151, %dma_wait3A_152] : memref<32x2x64xf32, #tpu.memory_space<hbm>> -> memref<1x2x64xf32, #tpu.memory_space<hbm>>
      %dma_wait3A_154 = tpu.memref_squeeze %dma_wait3A_153 : memref<1x2x64xf32, #tpu.memory_space<hbm>> -> memref<2x64xf32, #tpu.memory_space<hbm>>
      %dma_wait3A_155 = arith.constant 0 : i32
      %dma_wait3A_156 = arith.constant 0 : i32
      %dma_wait3A_157 = tpu.memref_slice %arg4[%add3A, %dma_wait3A_155, %dma_wait3A_156] : memref<32x2x64xf32, #tpu.memory_space<hbm>> -> memref<1x2x64xf32, #tpu.memory_space<hbm>>
      %dma_wait3A_158 = tpu.memref_squeeze %dma_wait3A_157 : memref<1x2x64xf32, #tpu.memory_space<hbm>> -> memref<2x64xf32, #tpu.memory_space<hbm>>
      tpu.wait_dma2 semaphore(%run_scoped3A_142 : memref<!tpu.dma_semaphore, #tpu.memory_space<semaphore_mem>>) src(%dma_wait3A_158 : memref<2x64xf32, #tpu.memory_space<hbm>>) dst(%arg8 : memref<2x64xf32, #tpu.memory_space<vmem>>)
      tpu.yield
    }) : () -> ()
    %broadcast_in_dim3A = arith.constant 0 : i32
    %broadcast_in_dim3A_3 = vector.broadcast %broadcast_in_dim3A : i32 to vector<16xi32>
    %broadcast_in_dim3A_4 = arith.constant 1 : i32
    %broadcast_in_dim3A_5 = vector.broadcast %broadcast_in_dim3A_4 : i32 to vector<16xi32>
    %dma_start3A = arith.constant 0 : i32
    %dma_start3A_6 = arith.constant 0 : i32
    %dma_start3A_7 = arith.constant 0 : i32
    %dma_start3A_8 = arith.constant 0 : i32
    %dma_start3A_9 = arith.constant 0 : i32
    %dma_start3A_10 = tpu.memref_slice %arg6[%dma_start3A_6, %dma_start3A_8, %dma_start3A_9] : memref<2x32x1024xf32, #tpu.memory_space<vmem>> -> memref<1x32x1024xf32, #tpu.memory_space<vmem>>
    %dma_start3A_11 = tpu.memref_squeeze %dma_start3A_10 : memref<1x32x1024xf32, #tpu.memory_space<vmem>> -> memref<32x1024xf32, #tpu.memory_space<vmem>>
    %dma_start3A_12 = arith.constant 0 : i32
    %dma_start3A_13 = tpu.memref_slice %arg7[%dma_start3A, %dma_start3A_12] : memref<2x64xi32, #tpu.memory_space<vmem>> -> memref<1x32xi32, #tpu.memory_space<vmem>>
    %dma_start3A_14 = tpu.memref_squeeze %dma_start3A_13 : memref<1x32xi32, #tpu.memory_space<vmem>> -> memref<32xi32, #tpu.memory_space<vmem>>
    %dma_start3A_15 = arith.constant 0 : i32
    %dma_start3A_16 = arith.constant 0 : i32
    %dma_start3A_17 = tpu.memref_slice %arg2[%dma_start3A_15, %dma_start3A_16] : memref<6144x1024xf32, #tpu.memory_space<hbm>> -> memref<6144x1024xf32, #tpu.memory_space<hbm>>
    %dma_start3A_18 = tpu.memref_slice %arg9[%dma_start3A_7] : memref<2x!tpu.dma_semaphore, #tpu.memory_space<semaphore_mem>> -> memref<1x!tpu.dma_semaphore, #tpu.memory_space<semaphore_mem>>
    %dma_start3A_19 = tpu.memref_squeeze %dma_start3A_18 : memref<1x!tpu.dma_semaphore, #tpu.memory_space<semaphore_mem>> -> memref<!tpu.dma_semaphore, #tpu.memory_space<semaphore_mem>>
    tpu.enqueue_indirect_dma source(%dma_start3A_17 : memref<6144x1024xf32, #tpu.memory_space<hbm>>) target(%dma_start3A_11 : memref<32x1024xf32, #tpu.memory_space<vmem>>) offsets(%dma_start3A_14 : memref<32xi32, #tpu.memory_space<vmem>>) semaphore(%dma_start3A_19 : memref<!tpu.dma_semaphore, #tpu.memory_space<semaphore_mem>>)
    %dma_start3A_20 = arith.constant 1 : i32
    %dma_start3A_21 = arith.constant 1 : i32
    %dma_start3A_22 = arith.constant 1 : i32
    %dma_start3A_23 = arith.constant 0 : i32
    %dma_start3A_24 = arith.constant 0 : i32
    %dma_start3A_25 = tpu.memref_slice %arg6[%dma_start3A_21, %dma_start3A_23, %dma_start3A_24] : memref<2x32x1024xf32, #tpu.memory_space<vmem>> -> memref<1x32x1024xf32, #tpu.memory_space<vmem>>
    %dma_start3A_26 = tpu.memref_squeeze %dma_start3A_25 : memref<1x32x1024xf32, #tpu.memory_space<vmem>> -> memref<32x1024xf32, #tpu.memory_space<vmem>>
    %dma_start3A_27 = arith.constant 0 : i32
    %dma_start3A_28 = tpu.memref_slice %arg7[%dma_start3A_20, %dma_start3A_27] : memref<2x64xi32, #tpu.memory_space<vmem>> -> memref<1x32xi32, #tpu.memory_space<vmem>>
    %dma_start3A_29 = tpu.memref_squeeze %dma_start3A_28 : memref<1x32xi32, #tpu.memory_space<vmem>> -> memref<32xi32, #tpu.memory_space<vmem>>
    %dma_start3A_30 = arith.constant 0 : i32
    %dma_start3A_31 = arith.constant 0 : i32
    %dma_start3A_32 = tpu.memref_slice %arg2[%dma_start3A_30, %dma_start3A_31] : memref<6144x1024xf32, #tpu.memory_space<hbm>> -> memref<6144x1024xf32, #tpu.memory_space<hbm>>
    %dma_start3A_33 = tpu.memref_slice %arg9[%dma_start3A_22] : memref<2x!tpu.dma_semaphore, #tpu.memory_space<semaphore_mem>> -> memref<1x!tpu.dma_semaphore, #tpu.memory_space<semaphore_mem>>
    %dma_start3A_34 = tpu.memref_squeeze %dma_start3A_33 : memref<1x!tpu.dma_semaphore, #tpu.memory_space<semaphore_mem>> -> memref<!tpu.dma_semaphore, #tpu.memory_space<semaphore_mem>>
    tpu.enqueue_indirect_dma source(%dma_start3A_32 : memref<6144x1024xf32, #tpu.memory_space<hbm>>) target(%dma_start3A_26 : memref<32x1024xf32, #tpu.memory_space<vmem>>) offsets(%dma_start3A_29 : memref<32xi32, #tpu.memory_space<vmem>>) semaphore(%dma_start3A_34 : memref<!tpu.dma_semaphore, #tpu.memory_space<semaphore_mem>>)
    %dma_wait3A = arith.constant 0 : i32
    %dma_wait3A_35 = arith.constant 0 : i32
    %dma_wait3A_36 = arith.constant 0 : i32
    %dma_wait3A_37 = arith.constant 0 : i32
    %dma_wait3A_38 = arith.constant 0 : i32
    %dma_wait3A_39 = tpu.memref_slice %arg6[%dma_wait3A_35, %dma_wait3A_37, %dma_wait3A_38] : memref<2x32x1024xf32, #tpu.memory_space<vmem>> -> memref<1x32x1024xf32, #tpu.memory_space<vmem>>
    %dma_wait3A_40 = tpu.memref_squeeze %dma_wait3A_39 : memref<1x32x1024xf32, #tpu.memory_space<vmem>> -> memref<32x1024xf32, #tpu.memory_space<vmem>>
    %dma_wait3A_41 = arith.constant 0 : i32
    %dma_wait3A_42 = tpu.memref_slice %arg7[%dma_wait3A, %dma_wait3A_41] : memref<2x64xi32, #tpu.memory_space<vmem>> -> memref<1x32xi32, #tpu.memory_space<vmem>>
    %dma_wait3A_43 = tpu.memref_squeeze %dma_wait3A_42 : memref<1x32xi32, #tpu.memory_space<vmem>> -> memref<32xi32, #tpu.memory_space<vmem>>
    %dma_wait3A_44 = arith.constant 0 : i32
    %dma_wait3A_45 = arith.constant 0 : i32
    %dma_wait3A_46 = tpu.memref_slice %arg2[%dma_wait3A_44, %dma_wait3A_45] : memref<6144x1024xf32, #tpu.memory_space<hbm>> -> memref<6144x1024xf32, #tpu.memory_space<hbm>>
    %dma_wait3A_47 = tpu.memref_slice %arg9[%dma_wait3A_36] : memref<2x!tpu.dma_semaphore, #tpu.memory_space<semaphore_mem>> -> memref<1x!tpu.dma_semaphore, #tpu.memory_space<semaphore_mem>>
    %dma_wait3A_48 = tpu.memref_squeeze %dma_wait3A_47 : memref<1x!tpu.dma_semaphore, #tpu.memory_space<semaphore_mem>> -> memref<!tpu.dma_semaphore, #tpu.memory_space<semaphore_mem>>
    tpu.wait_indirect_dma semaphore(%dma_wait3A_48 : memref<!tpu.dma_semaphore, #tpu.memory_space<semaphore_mem>>) src(%dma_wait3A_46 : memref<6144x1024xf32, #tpu.memory_space<hbm>>) dst(%dma_wait3A_40 : memref<32x1024xf32, #tpu.memory_space<vmem>>)
    %dma_wait3A_49 = arith.constant 1 : i32
    %dma_wait3A_50 = arith.constant 1 : i32
    %dma_wait3A_51 = arith.constant 1 : i32
    %dma_wait3A_52 = arith.constant 0 : i32
    %dma_wait3A_53 = arith.constant 0 : i32
    %dma_wait3A_54 = tpu.memref_slice %arg6[%dma_wait3A_50, %dma_wait3A_52, %dma_wait3A_53] : memref<2x32x1024xf32, #tpu.memory_space<vmem>> -> memref<1x32x1024xf32, #tpu.memory_space<vmem>>
    %dma_wait3A_55 = tpu.memref_squeeze %dma_wait3A_54 : memref<1x32x1024xf32, #tpu.memory_space<vmem>> -> memref<32x1024xf32, #tpu.memory_space<vmem>>
    %dma_wait3A_56 = arith.constant 0 : i32
    %dma_wait3A_57 = tpu.memref_slice %arg7[%dma_wait3A_49, %dma_wait3A_56] : memref<2x64xi32, #tpu.memory_space<vmem>> -> memref<1x32xi32, #tpu.memory_space<vmem>>
    %dma_wait3A_58 = tpu.memref_squeeze %dma_wait3A_57 : memref<1x32xi32, #tpu.memory_space<vmem>> -> memref<32xi32, #tpu.memory_space<vmem>>
    %dma_wait3A_59 = arith.constant 0 : i32
    %dma_wait3A_60 = arith.constant 0 : i32
    %dma_wait3A_61 = tpu.memref_slice %arg2[%dma_wait3A_59, %dma_wait3A_60] : memref<6144x1024xf32, #tpu.memory_space<hbm>> -> memref<6144x1024xf32, #tpu.memory_space<hbm>>
    %dma_wait3A_62 = tpu.memref_slice %arg9[%dma_wait3A_51] : memref<2x!tpu.dma_semaphore, #tpu.memory_space<semaphore_mem>> -> memref<1x!tpu.dma_semaphore, #tpu.memory_space<semaphore_mem>>
    %dma_wait3A_63 = tpu.memref_squeeze %dma_wait3A_62 : memref<1x!tpu.dma_semaphore, #tpu.memory_space<semaphore_mem>> -> memref<!tpu.dma_semaphore, #tpu.memory_space<semaphore_mem>>
    tpu.wait_indirect_dma semaphore(%dma_wait3A_63 : memref<!tpu.dma_semaphore, #tpu.memory_space<semaphore_mem>>) src(%dma_wait3A_61 : memref<6144x1024xf32, #tpu.memory_space<hbm>>) dst(%dma_wait3A_55 : memref<32x1024xf32, #tpu.memory_space<vmem>>)
    %scan3A = arith.constant 0 : i32
    %scan3A_64 = arith.constant 0 : i32
    %scan3A_65 = arith.constant 32 : i32
    %scan3A_66 = arith.addi %scan3A_64, %scan3A_65 : i32
    %scan3A_67 = arith.constant 1 : i32
    %scan3A_68 = scf.for %scan3A_142 = %scan3A_64 to %scan3A_66 step %scan3A_67 iter_args(%scan3A_143 = %scan3A) -> (i32)  : i32 {
      %add3A_144 = arith.constant 0 : i32
      %add3A_145 = arith.addi %add3A_144, %scan3A_142 : i32
      %broadcast_in_dim3A_146 = vector.broadcast %add3A_145 : i32 to vector<16xi32>
      %gather3A = tpu.vector_load_idx %arg8[%broadcast_in_dim3A_3, %broadcast_in_dim3A_146] : memref<2x64xf32, #tpu.memory_space<vmem>>[vector<16xi32>, vector<16xi32>], vector<16xf32>,
      %gather3A_147 = tpu.vector_load_idx %arg8[%broadcast_in_dim3A_5, %broadcast_in_dim3A_146] : memref<2x64xf32, #tpu.memory_space<vmem>>[vector<16xi32>, vector<16xi32>], vector<16xf32>,
      %get3A = arith.constant 0 : i32
      %get3A_148 = arith.index_cast %get3A : i32 to index
      %get3A_149 = arith.index_cast %scan3A_142 : i32 to index
      %get3A_150 = arith.constant 0 : index
      %get3A_151 = tpu.vector_load %arg6[%get3A_148, %get3A_149, %get3A_150] {strides = array<i32>} : memref<2x32x1024xf32, #tpu.memory_space<vmem>>, vector<16xf32>,
      %mul3A_152 = arith.mulf %get3A_151, %gather3A : vector<16xf32>
      %get3A_153 = arith.constant 1 : i32
      %get3A_154 = arith.index_cast %get3A_153 : i32 to index
      %get3A_155 = arith.index_cast %scan3A_142 : i32 to index
      %get3A_156 = arith.constant 0 : index
      %get3A_157 = tpu.vector_load %arg6[%get3A_154, %get3A_155, %get3A_156] {strides = array<i32>} : memref<2x32x1024xf32, #tpu.memory_space<vmem>>, vector<16xf32>,
      %mul3A_158 = arith.mulf %get3A_157, %gather3A_147 : vector<16xf32>
      %add3A_159 = arith.addf %mul3A_152, %mul3A_158 : vector<16xf32>
      %swap3A = arith.constant 0 : i32
      %swap3A_160 = arith.index_cast %swap3A : i32 to index
      %swap3A_161 = arith.index_cast %scan3A_142 : i32 to index
      %swap3A_162 = arith.constant 0 : index
      %swap3A_163 = tpu.vector_load %arg6[%swap3A_160, %swap3A_161, %swap3A_162] {strides = array<i32>} : memref<2x32x1024xf32, #tpu.memory_space<vmem>>, vector<16xf32>,
      tpu.vector_store %arg6[%swap3A_160, %swap3A_161, %swap3A_162], %add3A_159 {strides = array<i32>} : memref<2x32x1024xf32, #tpu.memory_space<vmem>>, vector<16xf32>,
      %get3A_164 = arith.constant 0 : i32
      %get3A_165 = arith.index_cast %get3A_164 : i32 to index
      %get3A_166 = arith.index_cast %scan3A_142 : i32 to index
      %get3A_167 = arith.constant 16 : index
      %get3A_168 = tpu.vector_load %arg6[%get3A_165, %get3A_166, %get3A_167] {strides = array<i32>} : memref<2x32x1024xf32, #tpu.memory_space<vmem>>, vector<16xf32>,
      %mul3A_169 = arith.mulf %get3A_168, %gather3A : vector<16xf32>
      %get3A_170 = arith.constant 1 : i32
      %get3A_171 = arith.index_cast %get3A_170 : i32 to index
      %get3A_172 = arith.index_cast %scan3A_142 : i32 to index
      %get3A_173 = arith.constant 16 : index
      %get3A_174 = tpu.vector_load %arg6[%get3A_171, %get3A_172, %get3A_173] {strides = array<i32>} : memref<2x32x1024xf32, #tpu.memory_space<vmem>>, vector<16xf32>,
      %mul3A_175 = arith.mulf %get3A_174, %gather3A_147 : vector<16xf32>
      %add3A_176 = arith.addf %mul3A_169, %mul3A_175 : vector<16xf32>
      %swap3A_177 = arith.constant 0 : i32
      %swap3A_178 = arith.index_cast %swap3A_177 : i32 to index
      %swap3A_179 = arith.index_cast %scan3A_142 : i32 to index
      %swap3A_180 = arith.constant 16 : index
      %swap3A_181 = tpu.vector_load %arg6[%swap3A_178, %swap3A_179, %swap3A_180] {strides = array<i32>} : memref<2x32x1024xf32, #tpu.memory_space<vmem>>, vector<16xf32>,
      tpu.vector_store %arg6[%swap3A_178, %swap3A_179, %swap3A_180], %add3A_176 {strides = array<i32>} : memref<2x32x1024xf32, #tpu.memory_space<vmem>>, vector<16xf32>,
      %get3A_182 = arith.constant 0 : i32
      %get3A_183 = arith.index_cast %get3A_182 : i32 to index
      %get3A_184 = arith.index_cast %scan3A_142 : i32 to index
      %get3A_185 = arith.constant 32 : index
      %get3A_186 = tpu.vector_load %arg6[%get3A_183, %get3A_184, %get3A_185] {strides = array<i32>} : memref<2x32x1024xf32, #tpu.memory_space<vmem>>, vector<16xf32>,
      %mul3A_187 = arith.mulf %get3A_186, %gather3A : vector<16xf32>
      %get3A_188 = arith.constant 1 : i32
      %get3A_189 = arith.index_cast %get3A_188 : i32 to index
      %get3A_190 = arith.index_cast %scan3A_142 : i32 to index
      %get3A_191 = arith.constant 32 : index
      %get3A_192 = tpu.vector_load %arg6[%get3A_189, %get3A_190, %get3A_191] {strides = array<i32>} : memref<2x32x1024xf32, #tpu.memory_space<vmem>>, vector<16xf32>,
      %mul3A_193 = arith.mulf %get3A_192, %gather3A_147 : vector<16xf32>
      %add3A_194 = arith.addf %mul3A_187, %mul3A_193 : vector<16xf32>
      %swap3A_195 = arith.constant 0 : i32
      %swap3A_196 = arith.index_cast %swap3A_195 : i32 to index
      %swap3A_197 = arith.index_cast %scan3A_142 : i32 to index
      %swap3A_198 = arith.constant 32 : index
      %swap3A_199 = tpu.vector_load %arg6[%swap3A_196, %swap3A_197, %swap3A_198] {strides = array<i32>} : memref<2x32x1024xf32, #tpu.memory_space<vmem>>, vector<16xf32>,
      tpu.vector_store %arg6[%swap3A_196, %swap3A_197, %swap3A_198], %add3A_194 {strides = array<i32>} : memref<2x32x1024xf32, #tpu.memory_space<vmem>>, vector<16xf32>,
      %get3A_200 = arith.constant 0 : i32
      %get3A_201 = arith.index_cast %get3A_200 : i32 to index
      %get3A_202 = arith.index_cast %scan3A_142 : i32 to index
      %get3A_203 = arith.constant 48 : index
      %get3A_204 = tpu.vector_load %arg6[%get3A_201, %get3A_202, %get3A_203] {strides = array<i32>} : memref<2x32x1024xf32, #tpu.memory_space<vmem>>, vector<16xf32>,
      %mul3A_205 = arith.mulf %get3A_204, %gather3A : vector<16xf32>
      %get3A_206 = arith.constant 1 : i32
      %get3A_207 = arith.index_cast %get3A_206 : i32 to index
      %get3A_208 = arith.index_cast %scan3A_142 : i32 to index
      %get3A_209 = arith.constant 48 : index
      %get3A_210 = tpu.vector_load %arg6[%get3A_207, %get3A_208, %get3A_209] {strides = array<i32>} : memref<2x32x1024xf32, #tpu.memory_space<vmem>>, vector<16xf32>,
      %mul3A_211 = arith.mulf %get3A_210, %gather3A_147 : vector<16xf32>
      %add3A_212 = arith.addf %mul3A_205, %mul3A_211 : vector<16xf32>
      %swap3A_213 = arith.constant 0 : i32
      %swap3A_214 = arith.index_cast %swap3A_213 : i32 to index
      %swap3A_215 = arith.index_cast %scan3A_142 : i32 to index
      %swap3A_216 = arith.constant 48 : index
      %swap3A_217 = tpu.vector_load %arg6[%swap3A_214, %swap3A_215, %swap3A_216] {strides = array<i32>} : memref<2x32x1024xf32, #tpu.memory_space<vmem>>, vector<16xf32>,
      tpu.vector_store %arg6[%swap3A_214, %swap3A_215, %swap3A_216], %add3A_212 {strides = array<i32>} : memref<2x32x1024xf32, #tpu.memory_space<vmem>>, vector<16xf32>,
      %get3A_218 = arith.constant 0 : i32
      %get3A_219 = arith.index_cast %get3A_218 : i32 to index
      %get3A_220 = arith.index_cast %scan3A_142 : i32 to index
      %get3A_221 = arith.constant 64 : index
      %get3A_222 = tpu.vector_load %arg6[%get3A_219, %get3A_220, %get3A_221] {strides = array<i32>} : memref<2x32x1024xf32, #tpu.memory_space<vmem>>, vector<16xf32>,
      %mul3A_223 = arith.mulf %get3A_222, %gather3A : vector<16xf32>
      %get3A_224 = arith.constant 1 : i32
      %get3A_225 = arith.index_cast %get3A_224 : i32 to index
      %get3A_226 = arith.index_cast %scan3A_142 : i32 to index
      %get3A_227 = arith.constant 64 : index
      %get3A_228 = tpu.vector_load %arg6[%get3A_225, %get3A_226, %get3A_227] {strides = array<i32>} : memref<2x32x1024xf32, #tpu.memory_space<vmem>>, vector<16xf32>,
      %mul3A_229 = arith.mulf %get3A_228, %gather3A_147 : vector<16xf32>
      %add3A_230 = arith.addf %mul3A_223, %mul3A_229 : vector<16xf32>
      %swap3A_231 = arith.constant 0 : i32
      %swap3A_232 = arith.index_cast %swap3A_231 : i32 to index
      %swap3A_233 = arith.index_cast %scan3A_142 : i32 to index
      %swap3A_234 = arith.constant 64 : index
      %swap3A_235 = tpu.vector_load %arg6[%swap3A_232, %swap3A_233, %swap3A_234] {strides = array<i32>} : memref<2x32x1024xf32, #tpu.memory_space<vmem>>, vector<16xf32>,
      tpu.vector_store %arg6[%swap3A_232, %swap3A_233, %swap3A_234], %add3A_230 {strides = array<i32>} : memref<2x32x1024xf32, #tpu.memory_space<vmem>>, vector<16xf32>,
      %get3A_236 = arith.constant 0 : i32
      %get3A_237 = arith.index_cast %get3A_236 : i32 to index
      %get3A_238 = arith.index_cast %scan3A_142 : i32 to index
      %get3A_239 = arith.constant 80 : index
      %get3A_240 = tpu.vector_load %arg6[%get3A_237, %get3A_238, %get3A_239] {strides = array<i32>} : memref<2x32x1024xf32, #tpu.memory_space<vmem>>, vector<16xf32>,
      %mul3A_241 = arith.mulf %get3A_240, %gather3A : vector<16xf32>
      %get3A_242 = arith.constant 1 : i32
      %get3A_243 = arith.index_cast %get3A_242 : i32 to index
      %get3A_244 = arith.index_cast %scan3A_142 : i32 to index
      %get3A_245 = arith.constant 80 : index
      %get3A_246 = tpu.vector_load %arg6[%get3A_243, %get3A_244, %get3A_245] {strides = array<i32>} : memref<2x32x1024xf32, #tpu.memory_space<vmem>>, vector<16xf32>,
      %mul3A_247 = arith.mulf %get3A_246, %gather3A_147 : vector<16xf32>
      %add3A_248 = arith.addf %mul3A_241, %mul3A_247 : vector<16xf32>
      %swap3A_249 = arith.constant 0 : i32
      %swap3A_250 = arith.index_cast %swap3A_249 : i32 to index
      %swap3A_251 = arith.index_cast %scan3A_142 : i32 to index
      %swap3A_252 = arith.constant 80 : index
      %swap3A_253 = tpu.vector_load %arg6[%swap3A_250, %swap3A_251, %swap3A_252] {strides = array<i32>} : memref<2x32x1024xf32, #tpu.memory_space<vmem>>, vector<16xf32>,
      tpu.vector_store %arg6[%swap3A_250, %swap3A_251, %swap3A_252], %add3A_248 {strides = array<i32>} : memref<2x32x1024xf32, #tpu.memory_space<vmem>>, vector<16xf32>,
      %get3A_254 = arith.constant 0 : i32
      %get3A_255 = arith.index_cast %get3A_254 : i32 to index
      %get3A_256 = arith.index_cast %scan3A_142 : i32 to index
      %get3A_257 = arith.constant 96 : index
      %get3A_258 = tpu.vector_load %arg6[%get3A_255, %get3A_256, %get3A_257] {strides = array<i32>} : memref<2x32x1024xf32, #tpu.memory_space<vmem>>, vector<16xf32>,
      %mul3A_259 = arith.mulf %get3A_258, %gather3A : vector<16xf32>
      %get3A_260 = arith.constant 1 : i32
      %get3A_261 = arith.index_cast %get3A_260 : i32 to index
      %get3A_262 = arith.index_cast %scan3A_142 : i32 to index
      %get3A_263 = arith.constant 96 : index
      %get3A_264 = tpu.vector_load %arg6[%get3A_261, %get3A_262, %get3A_263] {strides = array<i32>} : memref<2x32x1024xf32, #tpu.memory_space<vmem>>, vector<16xf32>,
      %mul3A_265 = arith.mulf %get3A_264, %gather3A_147 : vector<16xf32>
      %add3A_266 = arith.addf %mul3A_259, %mul3A_265 : vector<16xf32>
      %swap3A_267 = arith.constant 0 : i32
      %swap3A_268 = arith.index_cast %swap3A_267 : i32 to index
      %swap3A_269 = arith.index_cast %scan3A_142 : i32 to index
      %swap3A_270 = arith.constant 96 : index
      %swap3A_271 = tpu.vector_load %arg6[%swap3A_268, %swap3A_269, %swap3A_270] {strides = array<i32>} : memref<2x32x1024xf32, #tpu.memory_space<vmem>>, vector<16xf32>,
      tpu.vector_store %arg6[%swap3A_268, %swap3A_269, %swap3A_270], %add3A_266 {strides = array<i32>} : memref<2x32x1024xf32, #tpu.memory_space<vmem>>, vector<16xf32>,
      %get3A_272 = arith.constant 0 : i32
      %get3A_273 = arith.index_cast %get3A_272 : i32 to index
      %get3A_274 = arith.index_cast %scan3A_142 : i32 to index
      %get3A_275 = arith.constant 112 : index
      %get3A_276 = tpu.vector_load %arg6[%get3A_273, %get3A_274, %get3A_275] {strides = array<i32>} : memref<2x32x1024xf32, #tpu.memory_space<vmem>>, vector<16xf32>,
      %mul3A_277 = arith.mulf %get3A_276, %gather3A : vector<16xf32>
      %get3A_278 = arith.constant 1 : i32
      %get3A_279 = arith.index_cast %get3A_278 : i32 to index
      %get3A_280 = arith.index_cast %scan3A_142 : i32 to index
      %get3A_281 = arith.constant 112 : index
      %get3A_282 = tpu.vector_load %arg6[%get3A_279, %get3A_280, %get3A_281] {strides = array<i32>} : memref<2x32x1024xf32, #tpu.memory_space<vmem>>, vector<16xf32>,
      %mul3A_283 = arith.mulf %get3A_282, %gather3A_147 : vector<16xf32>
      %add3A_284 = arith.addf %mul3A_277, %mul3A_283 : vector<16xf32>
      %swap3A_285 = arith.constant 0 : i32
      %swap3A_286 = arith.index_cast %swap3A_285 : i32 to index
      %swap3A_287 = arith.index_cast %scan3A_142 : i32 to index
      %swap3A_288 = arith.constant 112 : index
      %swap3A_289 = tpu.vector_load %arg6[%swap3A_286, %swap3A_287, %swap3A_288] {strides = array<i32>} : memref<2x32x1024xf32, #tpu.memory_space<vmem>>, vector<16xf32>,
      tpu.vector_store %arg6[%swap3A_286, %swap3A_287, %swap3A_288], %add3A_284 {strides = array<i32>} : memref<2x32x1024xf32, #tpu.memory_space<vmem>>, vector<16xf32>,
      %get3A_290 = arith.constant 0 : i32
      %get3A_291 = arith.index_cast %get3A_290 : i32 to index
      %get3A_292 = arith.index_cast %scan3A_142 : i32 to index
      %get3A_293 = arith.constant 128 : index
      %get3A_294 = tpu.vector_load %arg6[%get3A_291, %get3A_292, %get3A_293] {strides = array<i32>} : memref<2x32x1024xf32, #tpu.memory_space<vmem>>, vector<16xf32>,
      %mul3A_295 = arith.mulf %get3A_294, %gather3A : vector<16xf32>
      %get3A_296 = arith.constant 1 : i32
      %get3A_297 = arith.index_cast %get3A_296 : i32 to index
      %get3A_298 = arith.index_cast %scan3A_142 : i32 to index
      %get3A_299 = arith.constant 128 : index
      %get3A_300 = tpu.vector_load %arg6[%get3A_297, %get3A_298, %get3A_299] {strides = array<i32>} : memref<2x32x1024xf32, #tpu.memory_space<vmem>>, vector<16xf32>,
      %mul3A_301 = arith.mulf %get3A_300, %gather3A_147 : vector<16xf32>
      %add3A_302 = arith.addf %mul3A_295, %mul3A_301 : vector<16xf32>
      %swap3A_303 = arith.constant 0 : i32
      %swap3A_304 = arith.index_cast %swap3A_303 : i32 to index
      %swap3A_305 = arith.index_cast %scan3A_142 : i32 to index
      %swap3A_306 = arith.constant 128 : index
      %swap3A_307 = tpu.vector_load %arg6[%swap3A_304, %swap3A_305, %swap3A_306] {strides = array<i32>} : memref<2x32x1024xf32, #tpu.memory_space<vmem>>, vector<16xf32>,
      tpu.vector_store %arg6[%swap3A_304, %swap3A_305, %swap3A_306], %add3A_302 {strides = array<i32>} : memref<2x32x1024xf32, #tpu.memory_space<vmem>>, vector<16xf32>,
      %get3A_308 = arith.constant 0 : i32
      %get3A_309 = arith.index_cast %get3A_308 : i32 to index
      %get3A_310 = arith.index_cast %scan3A_142 : i32 to index
      %get3A_311 = arith.constant 144 : index
      %get3A_312 = tpu.vector_load %arg6[%get3A_309, %get3A_310, %get3A_311] {strides = array<i32>} : memref<2x32x1024xf32, #tpu.memory_space<vmem>>, vector<16xf32>,
      %mul3A_313 = arith.mulf %get3A_312, %gather3A : vector<16xf32>
      %get3A_314 = arith.constant 1 : i32
      %get3A_315 = arith.index_cast %get3A_314 : i32 to index
      %get3A_316 = arith.index_cast %scan3A_142 : i32 to index
      %get3A_317 = arith.constant 144 : index
      %get3A_318 = tpu.vector_load %arg6[%get3A_315, %get3A_316, %get3A_317] {strides = array<i32>} : memref<2x32x1024xf32, #tpu.memory_space<vmem>>, vector<16xf32>,
      %mul3A_319 = arith.mulf %get3A_318, %gather3A_147 : vector<16xf32>
      %add3A_320 = arith.addf %mul3A_313, %mul3A_319 : vector<16xf32>
      %swap3A_321 = arith.constant 0 : i32
      %swap3A_322 = arith.index_cast %swap3A_321 : i32 to index
      %swap3A_323 = arith.index_cast %scan3A_142 : i32 to index
      %swap3A_324 = arith.constant 144 : index
      %swap3A_325 = tpu.vector_load %arg6[%swap3A_322, %swap3A_323, %swap3A_324] {strides = array<i32>} : memref<2x32x1024xf32, #tpu.memory_space<vmem>>, vector<16xf32>,
      tpu.vector_store %arg6[%swap3A_322, %swap3A_323, %swap3A_324], %add3A_320 {strides = array<i32>} : memref<2x32x1024xf32, #tpu.memory_space<vmem>>, vector<16xf32>,
      %get3A_326 = arith.constant 0 : i32
      %get3A_327 = arith.index_cast %get3A_326 : i32 to index
      %get3A_328 = arith.index_cast %scan3A_142 : i32 to index
      %get3A_329 = arith.constant 160 : index
      %get3A_330 = tpu.vector_load %arg6[%get3A_327, %get3A_328, %get3A_329] {strides = array<i32>} : memref<2x32x1024xf32, #tpu.memory_space<vmem>>, vector<16xf32>,
      %mul3A_331 = arith.mulf %get3A_330, %gather3A : vector<16xf32>
      %get3A_332 = arith.constant 1 : i32
      %get3A_333 = arith.index_cast %get3A_332 : i32 to index
      %get3A_334 = arith.index_cast %scan3A_142 : i32 to index
      %get3A_335 = arith.constant 160 : index
      %get3A_336 = tpu.vector_load %arg6[%get3A_333, %get3A_334, %get3A_335] {strides = array<i32>} : memref<2x32x1024xf32, #tpu.memory_space<vmem>>, vector<16xf32>,
      %mul3A_337 = arith.mulf %get3A_336, %gather3A_147 : vector<16xf32>
      %add3A_338 = arith.addf %mul3A_331, %mul3A_337 : vector<16xf32>
      %swap3A_339 = arith.constant 0 : i32
      %swap3A_340 = arith.index_cast %swap3A_339 : i32 to index
      %swap3A_341 = arith.index_cast %scan3A_142 : i32 to index
      %swap3A_342 = arith.constant 160 : index
      %swap3A_343 = tpu.vector_load %arg6[%swap3A_340, %swap3A_341, %swap3A_342] {strides = array<i32>} : memref<2x32x1024xf32, #tpu.memory_space<vmem>>, vector<16xf32>,
      tpu.vector_store %arg6[%swap3A_340, %swap3A_341, %swap3A_342], %add3A_338 {strides = array<i32>} : memref<2x32x1024xf32, #tpu.memory_space<vmem>>, vector<16xf32>,
      %get3A_344 = arith.constant 0 : i32
      %get3A_345 = arith.index_cast %get3A_344 : i32 to index
      %get3A_346 = arith.index_cast %scan3A_142 : i32 to index
      %get3A_347 = arith.constant 176 : index
      %get3A_348 = tpu.vector_load %arg6[%get3A_345, %get3A_346, %get3A_347] {strides = array<i32>} : memref<2x32x1024xf32, #tpu.memory_space<vmem>>, vector<16xf32>,
      %mul3A_349 = arith.mulf %get3A_348, %gather3A : vector<16xf32>
      %get3A_350 = arith.constant 1 : i32
      %get3A_351 = arith.index_cast %get3A_350 : i32 to index
      %get3A_352 = arith.index_cast %scan3A_142 : i32 to index
      %get3A_353 = arith.constant 176 : index
      %get3A_354 = tpu.vector_load %arg6[%get3A_351, %get3A_352, %get3A_353] {strides = array<i32>} : memref<2x32x1024xf32, #tpu.memory_space<vmem>>, vector<16xf32>,
      %mul3A_355 = arith.mulf %get3A_354, %gather3A_147 : vector<16xf32>
      %add3A_356 = arith.addf %mul3A_349, %mul3A_355 : vector<16xf32>
      %swap3A_357 = arith.constant 0 : i32
      %swap3A_358 = arith.index_cast %swap3A_357 : i32 to index
      %swap3A_359 = arith.index_cast %scan3A_142 : i32 to index
      %swap3A_360 = arith.constant 176 : index
      %swap3A_361 = tpu.vector_load %arg6[%swap3A_358, %swap3A_359, %swap3A_360] {strides = array<i32>} : memref<2x32x1024xf32, #tpu.memory_space<vmem>>, vector<16xf32>,
      tpu.vector_store %arg6[%swap3A_358, %swap3A_359, %swap3A_360], %add3A_356 {strides = array<i32>} : memref<2x32x1024xf32, #tpu.memory_space<vmem>>, vector<16xf32>,
      %get3A_362 = arith.constant 0 : i32
      %get3A_363 = arith.index_cast %get3A_362 : i32 to index
      %get3A_364 = arith.index_cast %scan3A_142 : i32 to index
      %get3A_365 = arith.constant 192 : index
      %get3A_366 = tpu.vector_load %arg6[%get3A_363, %get3A_364, %get3A_365] {strides = array<i32>} : memref<2x32x1024xf32, #tpu.memory_space<vmem>>, vector<16xf32>,
      %mul3A_367 = arith.mulf %get3A_366, %gather3A : vector<16xf32>
      %get3A_368 = arith.constant 1 : i32
      %get3A_369 = arith.index_cast %get3A_368 : i32 to index
      %get3A_370 = arith.index_cast %scan3A_142 : i32 to index
      %get3A_371 = arith.constant 192 : index
      %get3A_372 = tpu.vector_load %arg6[%get3A_369, %get3A_370, %get3A_371] {strides = array<i32>} : memref<2x32x1024xf32, #tpu.memory_space<vmem>>, vector<16xf32>,
      %mul3A_373 = arith.mulf %get3A_372, %gather3A_147 : vector<16xf32>
      %add3A_374 = arith.addf %mul3A_367, %mul3A_373 : vector<16xf32>
      %swap3A_375 = arith.constant 0 : i32
      %swap3A_376 = arith.index_cast %swap3A_375 : i32 to index
      %swap3A_377 = arith.index_cast %scan3A_142 : i32 to index
      %swap3A_378 = arith.constant 192 : index
      %swap3A_379 = tpu.vector_load %arg6[%swap3A_376, %swap3A_377, %swap3A_378] {strides = array<i32>} : memref<2x32x1024xf32, #tpu.memory_space<vmem>>, vector<16xf32>,
      tpu.vector_store %arg6[%swap3A_376, %swap3A_377, %swap3A_378], %add3A_374 {strides = array<i32>} : memref<2x32x1024xf32, #tpu.memory_space<vmem>>, vector<16xf32>,
      %get3A_380 = arith.constant 0 : i32
      %get3A_381 = arith.index_cast %get3A_380 : i32 to index
      %get3A_382 = arith.index_cast %scan3A_142 : i32 to index
      %get3A_383 = arith.constant 208 : index
      %get3A_384 = tpu.vector_load %arg6[%get3A_381, %get3A_382, %get3A_383] {strides = array<i32>} : memref<2x32x1024xf32, #tpu.memory_space<vmem>>, vector<16xf32>,
      %mul3A_385 = arith.mulf %get3A_384, %gather3A : vector<16xf32>
      %get3A_386 = arith.constant 1 : i32
      %get3A_387 = arith.index_cast %get3A_386 : i32 to index
      %get3A_388 = arith.index_cast %scan3A_142 : i32 to index
      %get3A_389 = arith.constant 208 : index
      %get3A_390 = tpu.vector_load %arg6[%get3A_387, %get3A_388, %get3A_389] {strides = array<i32>} : memref<2x32x1024xf32, #tpu.memory_space<vmem>>, vector<16xf32>,
      %mul3A_391 = arith.mulf %get3A_390, %gather3A_147 : vector<16xf32>
      %add3A_392 = arith.addf %mul3A_385, %mul3A_391 : vector<16xf32>
      %swap3A_393 = arith.constant 0 : i32
      %swap3A_394 = arith.index_cast %swap3A_393 : i32 to index
      %swap3A_395 = arith.index_cast %scan3A_142 : i32 to index
      %swap3A_396 = arith.constant 208 : index
      %swap3A_397 = tpu.vector_load %arg6[%swap3A_394, %swap3A_395, %swap3A_396] {strides = array<i32>} : memref<2x32x1024xf32, #tpu.memory_space<vmem>>, vector<16xf32>,
      tpu.vector_store %arg6[%swap3A_394, %swap3A_395, %swap3A_396], %add3A_392 {strides = array<i32>} : memref<2x32x1024xf32, #tpu.memory_space<vmem>>, vector<16xf32>,
      %get3A_398 = arith.constant 0 : i32
      %get3A_399 = arith.index_cast %get3A_398 : i32 to index
      %get3A_400 = arith.index_cast %scan3A_142 : i32 to index
      %get3A_401 = arith.constant 224 : index
      %get3A_402 = tpu.vector_load %arg6[%get3A_399, %get3A_400, %get3A_401] {strides = array<i32>} : memref<2x32x1024xf32, #tpu.memory_space<vmem>>, vector<16xf32>,
      %mul3A_403 = arith.mulf %get3A_402, %gather3A : vector<16xf32>
      %get3A_404 = arith.constant 1 : i32
      %get3A_405 = arith.index_cast %get3A_404 : i32 to index
      %get3A_406 = arith.index_cast %scan3A_142 : i32 to index
      %get3A_407 = arith.constant 224 : index
      %get3A_408 = tpu.vector_load %arg6[%get3A_405, %get3A_406, %get3A_407] {strides = array<i32>} : memref<2x32x1024xf32, #tpu.memory_space<vmem>>, vector<16xf32>,
      %mul3A_409 = arith.mulf %get3A_408, %gather3A_147 : vector<16xf32>
      %add3A_410 = arith.addf %mul3A_403, %mul3A_409 : vector<16xf32>
      %swap3A_411 = arith.constant 0 : i32
      %swap3A_412 = arith.index_cast %swap3A_411 : i32 to index
      %swap3A_413 = arith.index_cast %scan3A_142 : i32 to index
      %swap3A_414 = arith.constant 224 : index
      %swap3A_415 = tpu.vector_load %arg6[%swap3A_412, %swap3A_413, %swap3A_414] {strides = array<i32>} : memref<2x32x1024xf32, #tpu.memory_space<vmem>>, vector<16xf32>,
      tpu.vector_store %arg6[%swap3A_412, %swap3A_413, %swap3A_414], %add3A_410 {strides = array<i32>} : memref<2x32x1024xf32, #tpu.memory_space<vmem>>, vector<16xf32>,
      %get3A_416 = arith.constant 0 : i32
      %get3A_417 = arith.index_cast %get3A_416 : i32 to index
      %get3A_418 = arith.index_cast %scan3A_142 : i32 to index
      %get3A_419 = arith.constant 240 : index
      %get3A_420 = tpu.vector_load %arg6[%get3A_417, %get3A_418, %get3A_419] {strides = array<i32>} : memref<2x32x1024xf32, #tpu.memory_space<vmem>>, vector<16xf32>,
      %mul3A_421 = arith.mulf %get3A_420, %gather3A : vector<16xf32>
      %get3A_422 = arith.constant 1 : i32
      %get3A_423 = arith.index_cast %get3A_422 : i32 to index
      %get3A_424 = arith.index_cast %scan3A_142 : i32 to index
      %get3A_425 = arith.constant 240 : index
      %get3A_426 = tpu.vector_load %arg6[%get3A_423, %get3A_424, %get3A_425] {strides = array<i32>} : memref<2x32x1024xf32, #tpu.memory_space<vmem>>, vector<16xf32>,
      %mul3A_427 = arith.mulf %get3A_426, %gather3A_147 : vector<16xf32>
      %add3A_428 = arith.addf %mul3A_421, %mul3A_427 : vector<16xf32>
      %swap3A_429 = arith.constant 0 : i32
      %swap3A_430 = arith.index_cast %swap3A_429 : i32 to index
      %swap3A_431 = arith.index_cast %scan3A_142 : i32 to index
      %swap3A_432 = arith.constant 240 : index
      %swap3A_433 = tpu.vector_load %arg6[%swap3A_430, %swap3A_431, %swap3A_432] {strides = array<i32>} : memref<2x32x1024xf32, #tpu.memory_space<vmem>>, vector<16xf32>,
      tpu.vector_store %arg6[%swap3A_430, %swap3A_431, %swap3A_432], %add3A_428 {strides = array<i32>} : memref<2x32x1024xf32, #tpu.memory_space<vmem>>, vector<16xf32>,
      %get3A_434 = arith.constant 0 : i32
      %get3A_435 = arith.index_cast %get3A_434 : i32 to index
      %get3A_436 = arith.index_cast %scan3A_142 : i32 to index
      %get3A_437 = arith.constant 256 : index
      %get3A_438 = tpu.vector_load %arg6[%get3A_435, %get3A_436, %get3A_437] {strides = array<i32>} : memref<2x32x1024xf32, #tpu.memory_space<vmem>>, vector<16xf32>,
      %mul3A_439 = arith.mulf %get3A_438, %gather3A : vector<16xf32>
      %get3A_440 = arith.constant 1 : i32
      %get3A_441 = arith.index_cast %get3A_440 : i32 to index
      %get3A_442 = arith.index_cast %scan3A_142 : i32 to index
      %get3A_443 = arith.constant 256 : index
      %get3A_444 = tpu.vector_load %arg6[%get3A_441, %get3A_442, %get3A_443] {strides = array<i32>} : memref<2x32x1024xf32, #tpu.memory_space<vmem>>, vector<16xf32>,
      %mul3A_445 = arith.mulf %get3A_444, %gather3A_147 : vector<16xf32>
      %add3A_446 = arith.addf %mul3A_439, %mul3A_445 : vector<16xf32>
      %swap3A_447 = arith.constant 0 : i32
      %swap3A_448 = arith.index_cast %swap3A_447 : i32 to index
      %swap3A_449 = arith.index_cast %scan3A_142 : i32 to index
      %swap3A_450 = arith.constant 256 : index
      %swap3A_451 = tpu.vector_load %arg6[%swap3A_448, %swap3A_449, %swap3A_450] {strides = array<i32>} : memref<2x32x1024xf32, #tpu.memory_space<vmem>>, vector<16xf32>,
      tpu.vector_store %arg6[%swap3A_448, %swap3A_449, %swap3A_450], %add3A_446 {strides = array<i32>} : memref<2x32x1024xf32, #tpu.memory_space<vmem>>, vector<16xf32>,
      %get3A_452 = arith.constant 0 : i32
      %get3A_453 = arith.index_cast %get3A_452 : i32 to index
      %get3A_454 = arith.index_cast %scan3A_142 : i32 to index
      %get3A_455 = arith.constant 272 : index
      %get3A_456 = tpu.vector_load %arg6[%get3A_453, %get3A_454, %get3A_455] {strides = array<i32>} : memref<2x32x1024xf32, #tpu.memory_space<vmem>>, vector<16xf32>,
      %mul3A_457 = arith.mulf %get3A_456, %gather3A : vector<16xf32>
      %get3A_458 = arith.constant 1 : i32
      %get3A_459 = arith.index_cast %get3A_458 : i32 to index
      %get3A_460 = arith.index_cast %scan3A_142 : i32 to index
      %get3A_461 = arith.constant 272 : index
      %get3A_462 = tpu.vector_load %arg6[%get3A_459, %get3A_460, %get3A_461] {strides = array<i32>} : memref<2x32x1024xf32, #tpu.memory_space<vmem>>, vector<16xf32>,
      %mul3A_463 = arith.mulf %get3A_462, %gather3A_147 : vector<16xf32>
      %add3A_464 = arith.addf %mul3A_457, %mul3A_463 : vector<16xf32>
      %swap3A_465 = arith.constant 0 : i32
      %swap3A_466 = arith.index_cast %swap3A_465 : i32 to index
      %swap3A_467 = arith.index_cast %scan3A_142 : i32 to index
      %swap3A_468 = arith.constant 272 : index
      %swap3A_469 = tpu.vector_load %arg6[%swap3A_466, %swap3A_467, %swap3A_468] {strides = array<i32>} : memref<2x32x1024xf32, #tpu.memory_space<vmem>>, vector<16xf32>,
      tpu.vector_store %arg6[%swap3A_466, %swap3A_467, %swap3A_468], %add3A_464 {strides = array<i32>} : memref<2x32x1024xf32, #tpu.memory_space<vmem>>, vector<16xf32>,
      %get3A_470 = arith.constant 0 : i32
      %get3A_471 = arith.index_cast %get3A_470 : i32 to index
      %get3A_472 = arith.index_cast %scan3A_142 : i32 to index
      %get3A_473 = arith.constant 288 : index
      %get3A_474 = tpu.vector_load %arg6[%get3A_471, %get3A_472, %get3A_473] {strides = array<i32>} : memref<2x32x1024xf32, #tpu.memory_space<vmem>>, vector<16xf32>,
      %mul3A_475 = arith.mulf %get3A_474, %gather3A : vector<16xf32>
      %get3A_476 = arith.constant 1 : i32
      %get3A_477 = arith.index_cast %get3A_476 : i32 to index
      %get3A_478 = arith.index_cast %scan3A_142 : i32 to index
      %get3A_479 = arith.constant 288 : index
      %get3A_480 = tpu.vector_load %arg6[%get3A_477, %get3A_478, %get3A_479] {strides = array<i32>} : memref<2x32x1024xf32, #tpu.memory_space<vmem>>, vector<16xf32>,
      %mul3A_481 = arith.mulf %get3A_480, %gather3A_147 : vector<16xf32>
      %add3A_482 = arith.addf %mul3A_475, %mul3A_481 : vector<16xf32>
      %swap3A_483 = arith.constant 0 : i32
      %swap3A_484 = arith.index_cast %swap3A_483 : i32 to index
      %swap3A_485 = arith.index_cast %scan3A_142 : i32 to index
      %swap3A_486 = arith.constant 288 : index
      %swap3A_487 = tpu.vector_load %arg6[%swap3A_484, %swap3A_485, %swap3A_486] {strides = array<i32>} : memref<2x32x1024xf32, #tpu.memory_space<vmem>>, vector<16xf32>,
      tpu.vector_store %arg6[%swap3A_484, %swap3A_485, %swap3A_486], %add3A_482 {strides = array<i32>} : memref<2x32x1024xf32, #tpu.memory_space<vmem>>, vector<16xf32>,
      %get3A_488 = arith.constant 0 : i32
      %get3A_489 = arith.index_cast %get3A_488 : i32 to index
      %get3A_490 = arith.index_cast %scan3A_142 : i32 to index
      %get3A_491 = arith.constant 304 : index
      %get3A_492 = tpu.vector_load %arg6[%get3A_489, %get3A_490, %get3A_491] {strides = array<i32>} : memref<2x32x1024xf32, #tpu.memory_space<vmem>>, vector<16xf32>,
      %mul3A_493 = arith.mulf %get3A_492, %gather3A : vector<16xf32>
      %get3A_494 = arith.constant 1 : i32
      %get3A_495 = arith.index_cast %get3A_494 : i32 to index
      %get3A_496 = arith.index_cast %scan3A_142 : i32 to index
      %get3A_497 = arith.constant 304 : index
      %get3A_498 = tpu.vector_load %arg6[%get3A_495, %get3A_496, %get3A_497] {strides = array<i32>} : memref<2x32x1024xf32, #tpu.memory_space<vmem>>, vector<16xf32>,
      %mul3A_499 = arith.mulf %get3A_498, %gather3A_147 : vector<16xf32>
      %add3A_500 = arith.addf %mul3A_493, %mul3A_499 : vector<16xf32>
      %swap3A_501 = arith.constant 0 : i32
      %swap3A_502 = arith.index_cast %swap3A_501 : i32 to index
      %swap3A_503 = arith.index_cast %scan3A_142 : i32 to index
      %swap3A_504 = arith.constant 304 : index
      %swap3A_505 = tpu.vector_load %arg6[%swap3A_502, %swap3A_503, %swap3A_504] {strides = array<i32>} : memref<2x32x1024xf32, #tpu.memory_space<vmem>>, vector<16xf32>,
      tpu.vector_store %arg6[%swap3A_502, %swap3A_503, %swap3A_504], %add3A_500 {strides = array<i32>} : memref<2x32x1024xf32, #tpu.memory_space<vmem>>, vector<16xf32>,
      %get3A_506 = arith.constant 0 : i32
      %get3A_507 = arith.index_cast %get3A_506 : i32 to index
      %get3A_508 = arith.index_cast %scan3A_142 : i32 to index
      %get3A_509 = arith.constant 320 : index
      %get3A_510 = tpu.vector_load %arg6[%get3A_507, %get3A_508, %get3A_509] {strides = array<i32>} : memref<2x32x1024xf32, #tpu.memory_space<vmem>>, vector<16xf32>,
      %mul3A_511 = arith.mulf %get3A_510, %gather3A : vector<16xf32>
      %get3A_512 = arith.constant 1 : i32
      %get3A_513 = arith.index_cast %get3A_512 : i32 to index
      %get3A_514 = arith.index_cast %scan3A_142 : i32 to index
      %get3A_515 = arith.constant 320 : index
      %get3A_516 = tpu.vector_load %arg6[%get3A_513, %get3A_514, %get3A_515] {strides = array<i32>} : memref<2x32x1024xf32, #tpu.memory_space<vmem>>, vector<16xf32>,
      %mul3A_517 = arith.mulf %get3A_516, %gather3A_147 : vector<16xf32>
      %add3A_518 = arith.addf %mul3A_511, %mul3A_517 : vector<16xf32>
      %swap3A_519 = arith.constant 0 : i32
      %swap3A_520 = arith.index_cast %swap3A_519 : i32 to index
      %swap3A_521 = arith.index_cast %scan3A_142 : i32 to index
      %swap3A_522 = arith.constant 320 : index
      %swap3A_523 = tpu.vector_load %arg6[%swap3A_520, %swap3A_521, %swap3A_522] {strides = array<i32>} : memref<2x32x1024xf32, #tpu.memory_space<vmem>>, vector<16xf32>,
      tpu.vector_store %arg6[%swap3A_520, %swap3A_521, %swap3A_522], %add3A_518 {strides = array<i32>} : memref<2x32x1024xf32, #tpu.memory_space<vmem>>, vector<16xf32>,
      %get3A_524 = arith.constant 0 : i32
      %get3A_525 = arith.index_cast %get3A_524 : i32 to index
      %get3A_526 = arith.index_cast %scan3A_142 : i32 to index
      %get3A_527 = arith.constant 336 : index
      %get3A_528 = tpu.vector_load %arg6[%get3A_525, %get3A_526, %get3A_527] {strides = array<i32>} : memref<2x32x1024xf32, #tpu.memory_space<vmem>>, vector<16xf32>,
      %mul3A_529 = arith.mulf %get3A_528, %gather3A : vector<16xf32>
      %get3A_530 = arith.constant 1 : i32
      %get3A_531 = arith.index_cast %get3A_530 : i32 to index
      %get3A_532 = arith.index_cast %scan3A_142 : i32 to index
      %get3A_533 = arith.constant 336 : index
      %get3A_534 = tpu.vector_load %arg6[%get3A_531, %get3A_532, %get3A_533] {strides = array<i32>} : memref<2x32x1024xf32, #tpu.memory_space<vmem>>, vector<16xf32>,
      %mul3A_535 = arith.mulf %get3A_534, %gather3A_147 : vector<16xf32>
      %add3A_536 = arith.addf %mul3A_529, %mul3A_535 : vector<16xf32>
      %swap3A_537 = arith.constant 0 : i32
      %swap3A_538 = arith.index_cast %swap3A_537 : i32 to index
      %swap3A_539 = arith.index_cast %scan3A_142 : i32 to index
      %swap3A_540 = arith.constant 336 : index
      %swap3A_541 = tpu.vector_load %arg6[%swap3A_538, %swap3A_539, %swap3A_540] {strides = array<i32>} : memref<2x32x1024xf32, #tpu.memory_space<vmem>>, vector<16xf32>,
      tpu.vector_store %arg6[%swap3A_538, %swap3A_539, %swap3A_540], %add3A_536 {strides = array<i32>} : memref<2x32x1024xf32, #tpu.memory_space<vmem>>, vector<16xf32>,
      %get3A_542 = arith.constant 0 : i32
      %get3A_543 = arith.index_cast %get3A_542 : i32 to index
      %get3A_544 = arith.index_cast %scan3A_142 : i32 to index
      %get3A_545 = arith.constant 352 : index
      %get3A_546 = tpu.vector_load %arg6[%get3A_543, %get3A_544, %get3A_545] {strides = array<i32>} : memref<2x32x1024xf32, #tpu.memory_space<vmem>>, vector<16xf32>,
      %mul3A_547 = arith.mulf %get3A_546, %gather3A : vector<16xf32>
      %get3A_548 = arith.constant 1 : i32
      %get3A_549 = arith.index_cast %get3A_548 : i32 to index
      %get3A_550 = arith.index_cast %scan3A_142 : i32 to index
      %get3A_551 = arith.constant 352 : index
      %get3A_552 = tpu.vector_load %arg6[%get3A_549, %get3A_550, %get3A_551] {strides = array<i32>} : memref<2x32x1024xf32, #tpu.memory_space<vmem>>, vector<16xf32>,
      %mul3A_553 = arith.mulf %get3A_552, %gather3A_147 : vector<16xf32>
      %add3A_554 = arith.addf %mul3A_547, %mul3A_553 : vector<16xf32>
      %swap3A_555 = arith.constant 0 : i32
      %swap3A_556 = arith.index_cast %swap3A_555 : i32 to index
      %swap3A_557 = arith.index_cast %scan3A_142 : i32 to index
      %swap3A_558 = arith.constant 352 : index
      %swap3A_559 = tpu.vector_load %arg6[%swap3A_556, %swap3A_557, %swap3A_558] {strides = array<i32>} : memref<2x32x1024xf32, #tpu.memory_space<vmem>>, vector<16xf32>,
      tpu.vector_store %arg6[%swap3A_556, %swap3A_557, %swap3A_558], %add3A_554 {strides = array<i32>} : memref<2x32x1024xf32, #tpu.memory_space<vmem>>, vector<16xf32>,
      %get3A_560 = arith.constant 0 : i32
      %get3A_561 = arith.index_cast %get3A_560 : i32 to index
      %get3A_562 = arith.index_cast %scan3A_142 : i32 to index
      %get3A_563 = arith.constant 368 : index
      %get3A_564 = tpu.vector_load %arg6[%get3A_561, %get3A_562, %get3A_563] {strides = array<i32>} : memref<2x32x1024xf32, #tpu.memory_space<vmem>>, vector<16xf32>,
      %mul3A_565 = arith.mulf %get3A_564, %gather3A : vector<16xf32>
      %get3A_566 = arith.constant 1 : i32
      %get3A_567 = arith.index_cast %get3A_566 : i32 to index
      %get3A_568 = arith.index_cast %scan3A_142 : i32 to index
      %get3A_569 = arith.constant 368 : index
      %get3A_570 = tpu.vector_load %arg6[%get3A_567, %get3A_568, %get3A_569] {strides = array<i32>} : memref<2x32x1024xf32, #tpu.memory_space<vmem>>, vector<16xf32>,
      %mul3A_571 = arith.mulf %get3A_570, %gather3A_147 : vector<16xf32>
      %add3A_572 = arith.addf %mul3A_565, %mul3A_571 : vector<16xf32>
      %swap3A_573 = arith.constant 0 : i32
      %swap3A_574 = arith.index_cast %swap3A_573 : i32 to index
      %swap3A_575 = arith.index_cast %scan3A_142 : i32 to index
      %swap3A_576 = arith.constant 368 : index
      %swap3A_577 = tpu.vector_load %arg6[%swap3A_574, %swap3A_575, %swap3A_576] {strides = array<i32>} : memref<2x32x1024xf32, #tpu.memory_space<vmem>>, vector<16xf32>,
      tpu.vector_store %arg6[%swap3A_574, %swap3A_575, %swap3A_576], %add3A_572 {strides = array<i32>} : memref<2x32x1024xf32, #tpu.memory_space<vmem>>, vector<16xf32>,
      %get3A_578 = arith.constant 0 : i32
      %get3A_579 = arith.index_cast %get3A_578 : i32 to index
      %get3A_580 = arith.index_cast %scan3A_142 : i32 to index
      %get3A_581 = arith.constant 384 : index
      %get3A_582 = tpu.vector_load %arg6[%get3A_579, %get3A_580, %get3A_581] {strides = array<i32>} : memref<2x32x1024xf32, #tpu.memory_space<vmem>>, vector<16xf32>,
      %mul3A_583 = arith.mulf %get3A_582, %gather3A : vector<16xf32>
      %get3A_584 = arith.constant 1 : i32
      %get3A_585 = arith.index_cast %get3A_584 : i32 to index
      %get3A_586 = arith.index_cast %scan3A_142 : i32 to index
      %get3A_587 = arith.constant 384 : index
      %get3A_588 = tpu.vector_load %arg6[%get3A_585, %get3A_586, %get3A_587] {strides = array<i32>} : memref<2x32x1024xf32, #tpu.memory_space<vmem>>, vector<16xf32>,
      %mul3A_589 = arith.mulf %get3A_588, %gather3A_147 : vector<16xf32>
      %add3A_590 = arith.addf %mul3A_583, %mul3A_589 : vector<16xf32>
      %swap3A_591 = arith.constant 0 : i32
      %swap3A_592 = arith.index_cast %swap3A_591 : i32 to index
      %swap3A_593 = arith.index_cast %scan3A_142 : i32 to index
      %swap3A_594 = arith.constant 384 : index
      %swap3A_595 = tpu.vector_load %arg6[%swap3A_592, %swap3A_593, %swap3A_594] {strides = array<i32>} : memref<2x32x1024xf32, #tpu.memory_space<vmem>>, vector<16xf32>,
      tpu.vector_store %arg6[%swap3A_592, %swap3A_593, %swap3A_594], %add3A_590 {strides = array<i32>} : memref<2x32x1024xf32, #tpu.memory_space<vmem>>, vector<16xf32>,
      %get3A_596 = arith.constant 0 : i32
      %get3A_597 = arith.index_cast %get3A_596 : i32 to index
      %get3A_598 = arith.index_cast %scan3A_142 : i32 to index
      %get3A_599 = arith.constant 400 : index
      %get3A_600 = tpu.vector_load %arg6[%get3A_597, %get3A_598, %get3A_599] {strides = array<i32>} : memref<2x32x1024xf32, #tpu.memory_space<vmem>>, vector<16xf32>,
      %mul3A_601 = arith.mulf %get3A_600, %gather3A : vector<16xf32>
      %get3A_602 = arith.constant 1 : i32
      %get3A_603 = arith.index_cast %get3A_602 : i32 to index
      %get3A_604 = arith.index_cast %scan3A_142 : i32 to index
      %get3A_605 = arith.constant 400 : index
      %get3A_606 = tpu.vector_load %arg6[%get3A_603, %get3A_604, %get3A_605] {strides = array<i32>} : memref<2x32x1024xf32, #tpu.memory_space<vmem>>, vector<16xf32>,
      %mul3A_607 = arith.mulf %get3A_606, %gather3A_147 : vector<16xf32>
      %add3A_608 = arith.addf %mul3A_601, %mul3A_607 : vector<16xf32>
      %swap3A_609 = arith.constant 0 : i32
      %swap3A_610 = arith.index_cast %swap3A_609 : i32 to index
      %swap3A_611 = arith.index_cast %scan3A_142 : i32 to index
      %swap3A_612 = arith.constant 400 : index
      %swap3A_613 = tpu.vector_load %arg6[%swap3A_610, %swap3A_611, %swap3A_612] {strides = array<i32>} : memref<2x32x1024xf32, #tpu.memory_space<vmem>>, vector<16xf32>,
      tpu.vector_store %arg6[%swap3A_610, %swap3A_611, %swap3A_612], %add3A_608 {strides = array<i32>} : memref<2x32x1024xf32, #tpu.memory_space<vmem>>, vector<16xf32>,
      %get3A_614 = arith.constant 0 : i32
      %get3A_615 = arith.index_cast %get3A_614 : i32 to index
      %get3A_616 = arith.index_cast %scan3A_142 : i32 to index
      %get3A_617 = arith.constant 416 : index
      %get3A_618 = tpu.vector_load %arg6[%get3A_615, %get3A_616, %get3A_617] {strides = array<i32>} : memref<2x32x1024xf32, #tpu.memory_space<vmem>>, vector<16xf32>,
      %mul3A_619 = arith.mulf %get3A_618, %gather3A : vector<16xf32>
      %get3A_620 = arith.constant 1 : i32
      %get3A_621 = arith.index_cast %get3A_620 : i32 to index
      %get3A_622 = arith.index_cast %scan3A_142 : i32 to index
      %get3A_623 = arith.constant 416 : index
      %get3A_624 = tpu.vector_load %arg6[%get3A_621, %get3A_622, %get3A_623] {strides = array<i32>} : memref<2x32x1024xf32, #tpu.memory_space<vmem>>, vector<16xf32>,
      %mul3A_625 = arith.mulf %get3A_624, %gather3A_147 : vector<16xf32>
      %add3A_626 = arith.addf %mul3A_619, %mul3A_625 : vector<16xf32>
      %swap3A_627 = arith.constant 0 : i32
      %swap3A_628 = arith.index_cast %swap3A_627 : i32 to index
      %swap3A_629 = arith.index_cast %scan3A_142 : i32 to index
      %swap3A_630 = arith.constant 416 : index
      %swap3A_631 = tpu.vector_load %arg6[%swap3A_628, %swap3A_629, %swap3A_630] {strides = array<i32>} : memref<2x32x1024xf32, #tpu.memory_space<vmem>>, vector<16xf32>,
      tpu.vector_store %arg6[%swap3A_628, %swap3A_629, %swap3A_630], %add3A_626 {strides = array<i32>} : memref<2x32x1024xf32, #tpu.memory_space<vmem>>, vector<16xf32>,
      %get3A_632 = arith.constant 0 : i32
      %get3A_633 = arith.index_cast %get3A_632 : i32 to index
      %get3A_634 = arith.index_cast %scan3A_142 : i32 to index
      %get3A_635 = arith.constant 432 : index
      %get3A_636 = tpu.vector_load %arg6[%get3A_633, %get3A_634, %get3A_635] {strides = array<i32>} : memref<2x32x1024xf32, #tpu.memory_space<vmem>>, vector<16xf32>,
      %mul3A_637 = arith.mulf %get3A_636, %gather3A : vector<16xf32>
      %get3A_638 = arith.constant 1 : i32
      %get3A_639 = arith.index_cast %get3A_638 : i32 to index
      %get3A_640 = arith.index_cast %scan3A_142 : i32 to index
      %get3A_641 = arith.constant 432 : index
      %get3A_642 = tpu.vector_load %arg6[%get3A_639, %get3A_640, %get3A_641] {strides = array<i32>} : memref<2x32x1024xf32, #tpu.memory_space<vmem>>, vector<16xf32>,
      %mul3A_643 = arith.mulf %get3A_642, %gather3A_147 : vector<16xf32>
      %add3A_644 = arith.addf %mul3A_637, %mul3A_643 : vector<16xf32>
      %swap3A_645 = arith.constant 0 : i32
      %swap3A_646 = arith.index_cast %swap3A_645 : i32 to index
      %swap3A_647 = arith.index_cast %scan3A_142 : i32 to index
      %swap3A_648 = arith.constant 432 : index
      %swap3A_649 = tpu.vector_load %arg6[%swap3A_646, %swap3A_647, %swap3A_648] {strides = array<i32>} : memref<2x32x1024xf32, #tpu.memory_space<vmem>>, vector<16xf32>,
      tpu.vector_store %arg6[%swap3A_646, %swap3A_647, %swap3A_648], %add3A_644 {strides = array<i32>} : memref<2x32x1024xf32, #tpu.memory_space<vmem>>, vector<16xf32>,
      %get3A_650 = arith.constant 0 : i32
      %get3A_651 = arith.index_cast %get3A_650 : i32 to index
      %get3A_652 = arith.index_cast %scan3A_142 : i32 to index
      %get3A_653 = arith.constant 448 : index
      %get3A_654 = tpu.vector_load %arg6[%get3A_651, %get3A_652, %get3A_653] {strides = array<i32>} : memref<2x32x1024xf32, #tpu.memory_space<vmem>>, vector<16xf32>,
      %mul3A_655 = arith.mulf %get3A_654, %gather3A : vector<16xf32>
      %get3A_656 = arith.constant 1 : i32
      %get3A_657 = arith.index_cast %get3A_656 : i32 to index
      %get3A_658 = arith.index_cast %scan3A_142 : i32 to index
      %get3A_659 = arith.constant 448 : index
      %get3A_660 = tpu.vector_load %arg6[%get3A_657, %get3A_658, %get3A_659] {strides = array<i32>} : memref<2x32x1024xf32, #tpu.memory_space<vmem>>, vector<16xf32>,
      %mul3A_661 = arith.mulf %get3A_660, %gather3A_147 : vector<16xf32>
      %add3A_662 = arith.addf %mul3A_655, %mul3A_661 : vector<16xf32>
      %swap3A_663 = arith.constant 0 : i32
      %swap3A_664 = arith.index_cast %swap3A_663 : i32 to index
      %swap3A_665 = arith.index_cast %scan3A_142 : i32 to index
      %swap3A_666 = arith.constant 448 : index
      %swap3A_667 = tpu.vector_load %arg6[%swap3A_664, %swap3A_665, %swap3A_666] {strides = array<i32>} : memref<2x32x1024xf32, #tpu.memory_space<vmem>>, vector<16xf32>,
      tpu.vector_store %arg6[%swap3A_664, %swap3A_665, %swap3A_666], %add3A_662 {strides = array<i32>} : memref<2x32x1024xf32, #tpu.memory_space<vmem>>, vector<16xf32>,
      %get3A_668 = arith.constant 0 : i32
      %get3A_669 = arith.index_cast %get3A_668 : i32 to index
      %get3A_670 = arith.index_cast %scan3A_142 : i32 to index
      %get3A_671 = arith.constant 464 : index
      %get3A_672 = tpu.vector_load %arg6[%get3A_669, %get3A_670, %get3A_671] {strides = array<i32>} : memref<2x32x1024xf32, #tpu.memory_space<vmem>>, vector<16xf32>,
      %mul3A_673 = arith.mulf %get3A_672, %gather3A : vector<16xf32>
      %get3A_674 = arith.constant 1 : i32
      %get3A_675 = arith.index_cast %get3A_674 : i32 to index
      %get3A_676 = arith.index_cast %scan3A_142 : i32 to index
      %get3A_677 = arith.constant 464 : index
      %get3A_678 = tpu.vector_load %arg6[%get3A_675, %get3A_676, %get3A_677] {strides = array<i32>} : memref<2x32x1024xf32, #tpu.memory_space<vmem>>, vector<16xf32>,
      %mul3A_679 = arith.mulf %get3A_678, %gather3A_147 : vector<16xf32>
      %add3A_680 = arith.addf %mul3A_673, %mul3A_679 : vector<16xf32>
      %swap3A_681 = arith.constant 0 : i32
      %swap3A_682 = arith.index_cast %swap3A_681 : i32 to index
      %swap3A_683 = arith.index_cast %scan3A_142 : i32 to index
      %swap3A_684 = arith.constant 464 : index
      %swap3A_685 = tpu.vector_load %arg6[%swap3A_682, %swap3A_683, %swap3A_684] {strides = array<i32>} : memref<2x32x1024xf32, #tpu.memory_space<vmem>>, vector<16xf32>,
      tpu.vector_store %arg6[%swap3A_682, %swap3A_683, %swap3A_684], %add3A_680 {strides = array<i32>} : memref<2x32x1024xf32, #tpu.memory_space<vmem>>, vector<16xf32>,
      %get3A_686 = arith.constant 0 : i32
      %get3A_687 = arith.index_cast %get3A_686 : i32 to index
      %get3A_688 = arith.index_cast %scan3A_142 : i32 to index
      %get3A_689 = arith.constant 480 : index
      %get3A_690 = tpu.vector_load %arg6[%get3A_687, %get3A_688, %get3A_689] {strides = array<i32>} : memref<2x32x1024xf32, #tpu.memory_space<vmem>>, vector<16xf32>,
      %mul3A_691 = arith.mulf %get3A_690, %gather3A : vector<16xf32>
      %get3A_692 = arith.constant 1 : i32
      %get3A_693 = arith.index_cast %get3A_692 : i32 to index
      %get3A_694 = arith.index_cast %scan3A_142 : i32 to index
      %get3A_695 = arith.constant 480 : index
      %get3A_696 = tpu.vector_load %arg6[%get3A_693, %get3A_694, %get3A_695] {strides = array<i32>} : memref<2x32x1024xf32, #tpu.memory_space<vmem>>, vector<16xf32>,
      %mul3A_697 = arith.mulf %get3A_696, %gather3A_147 : vector<16xf32>
      %add3A_698 = arith.addf %mul3A_691, %mul3A_697 : vector<16xf32>
      %swap3A_699 = arith.constant 0 : i32
      %swap3A_700 = arith.index_cast %swap3A_699 : i32 to index
      %swap3A_701 = arith.index_cast %scan3A_142 : i32 to index
      %swap3A_702 = arith.constant 480 : index
      %swap3A_703 = tpu.vector_load %arg6[%swap3A_700, %swap3A_701, %swap3A_702] {strides = array<i32>} : memref<2x32x1024xf32, #tpu.memory_space<vmem>>, vector<16xf32>,
      tpu.vector_store %arg6[%swap3A_700, %swap3A_701, %swap3A_702], %add3A_698 {strides = array<i32>} : memref<2x32x1024xf32, #tpu.memory_space<vmem>>, vector<16xf32>,
      %get3A_704 = arith.constant 0 : i32
      %get3A_705 = arith.index_cast %get3A_704 : i32 to index
      %get3A_706 = arith.index_cast %scan3A_142 : i32 to index
      %get3A_707 = arith.constant 496 : index
      %get3A_708 = tpu.vector_load %arg6[%get3A_705, %get3A_706, %get3A_707] {strides = array<i32>} : memref<2x32x1024xf32, #tpu.memory_space<vmem>>, vector<16xf32>,
      %mul3A_709 = arith.mulf %get3A_708, %gather3A : vector<16xf32>
      %get3A_710 = arith.constant 1 : i32
      %get3A_711 = arith.index_cast %get3A_710 : i32 to index
      %get3A_712 = arith.index_cast %scan3A_142 : i32 to index
      %get3A_713 = arith.constant 496 : index
      %get3A_714 = tpu.vector_load %arg6[%get3A_711, %get3A_712, %get3A_713] {strides = array<i32>} : memref<2x32x1024xf32, #tpu.memory_space<vmem>>, vector<16xf32>,
      %mul3A_715 = arith.mulf %get3A_714, %gather3A_147 : vector<16xf32>
      %add3A_716 = arith.addf %mul3A_709, %mul3A_715 : vector<16xf32>
      %swap3A_717 = arith.constant 0 : i32
      %swap3A_718 = arith.index_cast %swap3A_717 : i32 to index
      %swap3A_719 = arith.index_cast %scan3A_142 : i32 to index
      %swap3A_720 = arith.constant 496 : index
      %swap3A_721 = tpu.vector_load %arg6[%swap3A_718, %swap3A_719, %swap3A_720] {strides = array<i32>} : memref<2x32x1024xf32, #tpu.memory_space<vmem>>, vector<16xf32>,
      tpu.vector_store %arg6[%swap3A_718, %swap3A_719, %swap3A_720], %add3A_716 {strides = array<i32>} : memref<2x32x1024xf32, #tpu.memory_space<vmem>>, vector<16xf32>,
      %get3A_722 = arith.constant 0 : i32
      %get3A_723 = arith.index_cast %get3A_722 : i32 to index
      %get3A_724 = arith.index_cast %scan3A_142 : i32 to index
      %get3A_725 = arith.constant 512 : index
      %get3A_726 = tpu.vector_load %arg6[%get3A_723, %get3A_724, %get3A_725] {strides = array<i32>} : memref<2x32x1024xf32, #tpu.memory_space<vmem>>, vector<16xf32>,
      %mul3A_727 = arith.mulf %get3A_726, %gather3A : vector<16xf32>
      %get3A_728 = arith.constant 1 : i32
      %get3A_729 = arith.index_cast %get3A_728 : i32 to index
      %get3A_730 = arith.index_cast %scan3A_142 : i32 to index
      %get3A_731 = arith.constant 512 : index
      %get3A_732 = tpu.vector_load %arg6[%get3A_729, %get3A_730, %get3A_731] {strides = array<i32>} : memref<2x32x1024xf32, #tpu.memory_space<vmem>>, vector<16xf32>,
      %mul3A_733 = arith.mulf %get3A_732, %gather3A_147 : vector<16xf32>
      %add3A_734 = arith.addf %mul3A_727, %mul3A_733 : vector<16xf32>
      %swap3A_735 = arith.constant 0 : i32
      %swap3A_736 = arith.index_cast %swap3A_735 : i32 to index
      %swap3A_737 = arith.index_cast %scan3A_142 : i32 to index
      %swap3A_738 = arith.constant 512 : index
      %swap3A_739 = tpu.vector_load %arg6[%swap3A_736, %swap3A_737, %swap3A_738] {strides = array<i32>} : memref<2x32x1024xf32, #tpu.memory_space<vmem>>, vector<16xf32>,
      tpu.vector_store %arg6[%swap3A_736, %swap3A_737, %swap3A_738], %add3A_734 {strides = array<i32>} : memref<2x32x1024xf32, #tpu.memory_space<vmem>>, vector<16xf32>,
      %get3A_740 = arith.constant 0 : i32
      %get3A_741 = arith.index_cast %get3A_740 : i32 to index
      %get3A_742 = arith.index_cast %scan3A_142 : i32 to index
      %get3A_743 = arith.constant 528 : index
      %get3A_744 = tpu.vector_load %arg6[%get3A_741, %get3A_742, %get3A_743] {strides = array<i32>} : memref<2x32x1024xf32, #tpu.memory_space<vmem>>, vector<16xf32>,
      %mul3A_745 = arith.mulf %get3A_744, %gather3A : vector<16xf32>
      %get3A_746 = arith.constant 1 : i32
      %get3A_747 = arith.index_cast %get3A_746 : i32 to index
      %get3A_748 = arith.index_cast %scan3A_142 : i32 to index
      %get3A_749 = arith.constant 528 : index
      %get3A_750 = tpu.vector_load %arg6[%get3A_747, %get3A_748, %get3A_749] {strides = array<i32>} : memref<2x32x1024xf32, #tpu.memory_space<vmem>>, vector<16xf32>,
      %mul3A_751 = arith.mulf %get3A_750, %gather3A_147 : vector<16xf32>
      %add3A_752 = arith.addf %mul3A_745, %mul3A_751 : vector<16xf32>
      %swap3A_753 = arith.constant 0 : i32
      %swap3A_754 = arith.index_cast %swap3A_753 : i32 to index
      %swap3A_755 = arith.index_cast %scan3A_142 : i32 to index
      %swap3A_756 = arith.constant 528 : index
      %swap3A_757 = tpu.vector_load %arg6[%swap3A_754, %swap3A_755, %swap3A_756] {strides = array<i32>} : memref<2x32x1024xf32, #tpu.memory_space<vmem>>, vector<16xf32>,
      tpu.vector_store %arg6[%swap3A_754, %swap3A_755, %swap3A_756], %add3A_752 {strides = array<i32>} : memref<2x32x1024xf32, #tpu.memory_space<vmem>>, vector<16xf32>,
      %get3A_758 = arith.constant 0 : i32
      %get3A_759 = arith.index_cast %get3A_758 : i32 to index
      %get3A_760 = arith.index_cast %scan3A_142 : i32 to index
      %get3A_761 = arith.constant 544 : index
      %get3A_762 = tpu.vector_load %arg6[%get3A_759, %get3A_760, %get3A_761] {strides = array<i32>} : memref<2x32x1024xf32, #tpu.memory_space<vmem>>, vector<16xf32>,
      %mul3A_763 = arith.mulf %get3A_762, %gather3A : vector<16xf32>
      %get3A_764 = arith.constant 1 : i32
      %get3A_765 = arith.index_cast %get3A_764 : i32 to index
      %get3A_766 = arith.index_cast %scan3A_142 : i32 to index
      %get3A_767 = arith.constant 544 : index
      %get3A_768 = tpu.vector_load %arg6[%get3A_765, %get3A_766, %get3A_767] {strides = array<i32>} : memref<2x32x1024xf32, #tpu.memory_space<vmem>>, vector<16xf32>,
      %mul3A_769 = arith.mulf %get3A_768, %gather3A_147 : vector<16xf32>
      %add3A_770 = arith.addf %mul3A_763, %mul3A_769 : vector<16xf32>
      %swap3A_771 = arith.constant 0 : i32
      %swap3A_772 = arith.index_cast %swap3A_771 : i32 to index
      %swap3A_773 = arith.index_cast %scan3A_142 : i32 to index
      %swap3A_774 = arith.constant 544 : index
      %swap3A_775 = tpu.vector_load %arg6[%swap3A_772, %swap3A_773, %swap3A_774] {strides = array<i32>} : memref<2x32x1024xf32, #tpu.memory_space<vmem>>, vector<16xf32>,
      tpu.vector_store %arg6[%swap3A_772, %swap3A_773, %swap3A_774], %add3A_770 {strides = array<i32>} : memref<2x32x1024xf32, #tpu.memory_space<vmem>>, vector<16xf32>,
      %get3A_776 = arith.constant 0 : i32
      %get3A_777 = arith.index_cast %get3A_776 : i32 to index
      %get3A_778 = arith.index_cast %scan3A_142 : i32 to index
      %get3A_779 = arith.constant 560 : index
      %get3A_780 = tpu.vector_load %arg6[%get3A_777, %get3A_778, %get3A_779] {strides = array<i32>} : memref<2x32x1024xf32, #tpu.memory_space<vmem>>, vector<16xf32>,
      %mul3A_781 = arith.mulf %get3A_780, %gather3A : vector<16xf32>
      %get3A_782 = arith.constant 1 : i32
      %get3A_783 = arith.index_cast %get3A_782 : i32 to index
      %get3A_784 = arith.index_cast %scan3A_142 : i32 to index
      %get3A_785 = arith.constant 560 : index
      %get3A_786 = tpu.vector_load %arg6[%get3A_783, %get3A_784, %get3A_785] {strides = array<i32>} : memref<2x32x1024xf32, #tpu.memory_space<vmem>>, vector<16xf32>,
      %mul3A_787 = arith.mulf %get3A_786, %gather3A_147 : vector<16xf32>
      %add3A_788 = arith.addf %mul3A_781, %mul3A_787 : vector<16xf32>
      %swap3A_789 = arith.constant 0 : i32
      %swap3A_790 = arith.index_cast %swap3A_789 : i32 to index
      %swap3A_791 = arith.index_cast %scan3A_142 : i32 to index
      %swap3A_792 = arith.constant 560 : index
      %swap3A_793 = tpu.vector_load %arg6[%swap3A_790, %swap3A_791, %swap3A_792] {strides = array<i32>} : memref<2x32x1024xf32, #tpu.memory_space<vmem>>, vector<16xf32>,
      tpu.vector_store %arg6[%swap3A_790, %swap3A_791, %swap3A_792], %add3A_788 {strides = array<i32>} : memref<2x32x1024xf32, #tpu.memory_space<vmem>>, vector<16xf32>,
      %get3A_794 = arith.constant 0 : i32
      %get3A_795 = arith.index_cast %get3A_794 : i32 to index
      %get3A_796 = arith.index_cast %scan3A_142 : i32 to index
      %get3A_797 = arith.constant 576 : index
      %get3A_798 = tpu.vector_load %arg6[%get3A_795, %get3A_796, %get3A_797] {strides = array<i32>} : memref<2x32x1024xf32, #tpu.memory_space<vmem>>, vector<16xf32>,
      %mul3A_799 = arith.mulf %get3A_798, %gather3A : vector<16xf32>
      %get3A_800 = arith.constant 1 : i32
      %get3A_801 = arith.index_cast %get3A_800 : i32 to index
      %get3A_802 = arith.index_cast %scan3A_142 : i32 to index
      %get3A_803 = arith.constant 576 : index
      %get3A_804 = tpu.vector_load %arg6[%get3A_801, %get3A_802, %get3A_803] {strides = array<i32>} : memref<2x32x1024xf32, #tpu.memory_space<vmem>>, vector<16xf32>,
      %mul3A_805 = arith.mulf %get3A_804, %gather3A_147 : vector<16xf32>
      %add3A_806 = arith.addf %mul3A_799, %mul3A_805 : vector<16xf32>
      %swap3A_807 = arith.constant 0 : i32
      %swap3A_808 = arith.index_cast %swap3A_807 : i32 to index
      %swap3A_809 = arith.index_cast %scan3A_142 : i32 to index
      %swap3A_810 = arith.constant 576 : index
      %swap3A_811 = tpu.vector_load %arg6[%swap3A_808, %swap3A_809, %swap3A_810] {strides = array<i32>} : memref<2x32x1024xf32, #tpu.memory_space<vmem>>, vector<16xf32>,
      tpu.vector_store %arg6[%swap3A_808, %swap3A_809, %swap3A_810], %add3A_806 {strides = array<i32>} : memref<2x32x1024xf32, #tpu.memory_space<vmem>>, vector<16xf32>,
      %get3A_812 = arith.constant 0 : i32
      %get3A_813 = arith.index_cast %get3A_812 : i32 to index
      %get3A_814 = arith.index_cast %scan3A_142 : i32 to index
      %get3A_815 = arith.constant 592 : index
      %get3A_816 = tpu.vector_load %arg6[%get3A_813, %get3A_814, %get3A_815] {strides = array<i32>} : memref<2x32x1024xf32, #tpu.memory_space<vmem>>, vector<16xf32>,
      %mul3A_817 = arith.mulf %get3A_816, %gather3A : vector<16xf32>
      %get3A_818 = arith.constant 1 : i32
      %get3A_819 = arith.index_cast %get3A_818 : i32 to index
      %get3A_820 = arith.index_cast %scan3A_142 : i32 to index
      %get3A_821 = arith.constant 592 : index
      %get3A_822 = tpu.vector_load %arg6[%get3A_819, %get3A_820, %get3A_821] {strides = array<i32>} : memref<2x32x1024xf32, #tpu.memory_space<vmem>>, vector<16xf32>,
      %mul3A_823 = arith.mulf %get3A_822, %gather3A_147 : vector<16xf32>
      %add3A_824 = arith.addf %mul3A_817, %mul3A_823 : vector<16xf32>
      %swap3A_825 = arith.constant 0 : i32
      %swap3A_826 = arith.index_cast %swap3A_825 : i32 to index
      %swap3A_827 = arith.index_cast %scan3A_142 : i32 to index
      %swap3A_828 = arith.constant 592 : index
      %swap3A_829 = tpu.vector_load %arg6[%swap3A_826, %swap3A_827, %swap3A_828] {strides = array<i32>} : memref<2x32x1024xf32, #tpu.memory_space<vmem>>, vector<16xf32>,
      tpu.vector_store %arg6[%swap3A_826, %swap3A_827, %swap3A_828], %add3A_824 {strides = array<i32>} : memref<2x32x1024xf32, #tpu.memory_space<vmem>>, vector<16xf32>,
      %get3A_830 = arith.constant 0 : i32
      %get3A_831 = arith.index_cast %get3A_830 : i32 to index
      %get3A_832 = arith.index_cast %scan3A_142 : i32 to index
      %get3A_833 = arith.constant 608 : index
      %get3A_834 = tpu.vector_load %arg6[%get3A_831, %get3A_832, %get3A_833] {strides = array<i32>} : memref<2x32x1024xf32, #tpu.memory_space<vmem>>, vector<16xf32>,
      %mul3A_835 = arith.mulf %get3A_834, %gather3A : vector<16xf32>
      %get3A_836 = arith.constant 1 : i32
      %get3A_837 = arith.index_cast %get3A_836 : i32 to index
      %get3A_838 = arith.index_cast %scan3A_142 : i32 to index
      %get3A_839 = arith.constant 608 : index
      %get3A_840 = tpu.vector_load %arg6[%get3A_837, %get3A_838, %get3A_839] {strides = array<i32>} : memref<2x32x1024xf32, #tpu.memory_space<vmem>>, vector<16xf32>,
      %mul3A_841 = arith.mulf %get3A_840, %gather3A_147 : vector<16xf32>
      %add3A_842 = arith.addf %mul3A_835, %mul3A_841 : vector<16xf32>
      %swap3A_843 = arith.constant 0 : i32
      %swap3A_844 = arith.index_cast %swap3A_843 : i32 to index
      %swap3A_845 = arith.index_cast %scan3A_142 : i32 to index
      %swap3A_846 = arith.constant 608 : index
      %swap3A_847 = tpu.vector_load %arg6[%swap3A_844, %swap3A_845, %swap3A_846] {strides = array<i32>} : memref<2x32x1024xf32, #tpu.memory_space<vmem>>, vector<16xf32>,
      tpu.vector_store %arg6[%swap3A_844, %swap3A_845, %swap3A_846], %add3A_842 {strides = array<i32>} : memref<2x32x1024xf32, #tpu.memory_space<vmem>>, vector<16xf32>,
      %get3A_848 = arith.constant 0 : i32
      %get3A_849 = arith.index_cast %get3A_848 : i32 to index
      %get3A_850 = arith.index_cast %scan3A_142 : i32 to index
      %get3A_851 = arith.constant 624 : index
      %get3A_852 = tpu.vector_load %arg6[%get3A_849, %get3A_850, %get3A_851] {strides = array<i32>} : memref<2x32x1024xf32, #tpu.memory_space<vmem>>, vector<16xf32>,
      %mul3A_853 = arith.mulf %get3A_852, %gather3A : vector<16xf32>
      %get3A_854 = arith.constant 1 : i32
      %get3A_855 = arith.index_cast %get3A_854 : i32 to index
      %get3A_856 = arith.index_cast %scan3A_142 : i32 to index
      %get3A_857 = arith.constant 624 : index
      %get3A_858 = tpu.vector_load %arg6[%get3A_855, %get3A_856, %get3A_857] {strides = array<i32>} : memref<2x32x1024xf32, #tpu.memory_space<vmem>>, vector<16xf32>,
      %mul3A_859 = arith.mulf %get3A_858, %gather3A_147 : vector<16xf32>
      %add3A_860 = arith.addf %mul3A_853, %mul3A_859 : vector<16xf32>
      %swap3A_861 = arith.constant 0 : i32
      %swap3A_862 = arith.index_cast %swap3A_861 : i32 to index
      %swap3A_863 = arith.index_cast %scan3A_142 : i32 to index
      %swap3A_864 = arith.constant 624 : index
      %swap3A_865 = tpu.vector_load %arg6[%swap3A_862, %swap3A_863, %swap3A_864] {strides = array<i32>} : memref<2x32x1024xf32, #tpu.memory_space<vmem>>, vector<16xf32>,
      tpu.vector_store %arg6[%swap3A_862, %swap3A_863, %swap3A_864], %add3A_860 {strides = array<i32>} : memref<2x32x1024xf32, #tpu.memory_space<vmem>>, vector<16xf32>,
      %get3A_866 = arith.constant 0 : i32
      %get3A_867 = arith.index_cast %get3A_866 : i32 to index
      %get3A_868 = arith.index_cast %scan3A_142 : i32 to index
      %get3A_869 = arith.constant 640 : index
      %get3A_870 = tpu.vector_load %arg6[%get3A_867, %get3A_868, %get3A_869] {strides = array<i32>} : memref<2x32x1024xf32, #tpu.memory_space<vmem>>, vector<16xf32>,
      %mul3A_871 = arith.mulf %get3A_870, %gather3A : vector<16xf32>
      %get3A_872 = arith.constant 1 : i32
      %get3A_873 = arith.index_cast %get3A_872 : i32 to index
      %get3A_874 = arith.index_cast %scan3A_142 : i32 to index
      %get3A_875 = arith.constant 640 : index
      %get3A_876 = tpu.vector_load %arg6[%get3A_873, %get3A_874, %get3A_875] {strides = array<i32>} : memref<2x32x1024xf32, #tpu.memory_space<vmem>>, vector<16xf32>,
      %mul3A_877 = arith.mulf %get3A_876, %gather3A_147 : vector<16xf32>
      %add3A_878 = arith.addf %mul3A_871, %mul3A_877 : vector<16xf32>
      %swap3A_879 = arith.constant 0 : i32
      %swap3A_880 = arith.index_cast %swap3A_879 : i32 to index
      %swap3A_881 = arith.index_cast %scan3A_142 : i32 to index
      %swap3A_882 = arith.constant 640 : index
      %swap3A_883 = tpu.vector_load %arg6[%swap3A_880, %swap3A_881, %swap3A_882] {strides = array<i32>} : memref<2x32x1024xf32, #tpu.memory_space<vmem>>, vector<16xf32>,
      tpu.vector_store %arg6[%swap3A_880, %swap3A_881, %swap3A_882], %add3A_878 {strides = array<i32>} : memref<2x32x1024xf32, #tpu.memory_space<vmem>>, vector<16xf32>,
      %get3A_884 = arith.constant 0 : i32
      %get3A_885 = arith.index_cast %get3A_884 : i32 to index
      %get3A_886 = arith.index_cast %scan3A_142 : i32 to index
      %get3A_887 = arith.constant 656 : index
      %get3A_888 = tpu.vector_load %arg6[%get3A_885, %get3A_886, %get3A_887] {strides = array<i32>} : memref<2x32x1024xf32, #tpu.memory_space<vmem>>, vector<16xf32>,
      %mul3A_889 = arith.mulf %get3A_888, %gather3A : vector<16xf32>
      %get3A_890 = arith.constant 1 : i32
      %get3A_891 = arith.index_cast %get3A_890 : i32 to index
      %get3A_892 = arith.index_cast %scan3A_142 : i32 to index
      %get3A_893 = arith.constant 656 : index
      %get3A_894 = tpu.vector_load %arg6[%get3A_891, %get3A_892, %get3A_893] {strides = array<i32>} : memref<2x32x1024xf32, #tpu.memory_space<vmem>>, vector<16xf32>,
      %mul3A_895 = arith.mulf %get3A_894, %gather3A_147 : vector<16xf32>
      %add3A_896 = arith.addf %mul3A_889, %mul3A_895 : vector<16xf32>
      %swap3A_897 = arith.constant 0 : i32
      %swap3A_898 = arith.index_cast %swap3A_897 : i32 to index
      %swap3A_899 = arith.index_cast %scan3A_142 : i32 to index
      %swap3A_900 = arith.constant 656 : index
      %swap3A_901 = tpu.vector_load %arg6[%swap3A_898, %swap3A_899, %swap3A_900] {strides = array<i32>} : memref<2x32x1024xf32, #tpu.memory_space<vmem>>, vector<16xf32>,
      tpu.vector_store %arg6[%swap3A_898, %swap3A_899, %swap3A_900], %add3A_896 {strides = array<i32>} : memref<2x32x1024xf32, #tpu.memory_space<vmem>>, vector<16xf32>,
      %get3A_902 = arith.constant 0 : i32
      %get3A_903 = arith.index_cast %get3A_902 : i32 to index
      %get3A_904 = arith.index_cast %scan3A_142 : i32 to index
      %get3A_905 = arith.constant 672 : index
      %get3A_906 = tpu.vector_load %arg6[%get3A_903, %get3A_904, %get3A_905] {strides = array<i32>} : memref<2x32x1024xf32, #tpu.memory_space<vmem>>, vector<16xf32>,
      %mul3A_907 = arith.mulf %get3A_906, %gather3A : vector<16xf32>
      %get3A_908 = arith.constant 1 : i32
      %get3A_909 = arith.index_cast %get3A_908 : i32 to index
      %get3A_910 = arith.index_cast %scan3A_142 : i32 to index
      %get3A_911 = arith.constant 672 : index
      %get3A_912 = tpu.vector_load %arg6[%get3A_909, %get3A_910, %get3A_911] {strides = array<i32>} : memref<2x32x1024xf32, #tpu.memory_space<vmem>>, vector<16xf32>,
      %mul3A_913 = arith.mulf %get3A_912, %gather3A_147 : vector<16xf32>
      %add3A_914 = arith.addf %mul3A_907, %mul3A_913 : vector<16xf32>
      %swap3A_915 = arith.constant 0 : i32
      %swap3A_916 = arith.index_cast %swap3A_915 : i32 to index
      %swap3A_917 = arith.index_cast %scan3A_142 : i32 to index
      %swap3A_918 = arith.constant 672 : index
      %swap3A_919 = tpu.vector_load %arg6[%swap3A_916, %swap3A_917, %swap3A_918] {strides = array<i32>} : memref<2x32x1024xf32, #tpu.memory_space<vmem>>, vector<16xf32>,
      tpu.vector_store %arg6[%swap3A_916, %swap3A_917, %swap3A_918], %add3A_914 {strides = array<i32>} : memref<2x32x1024xf32, #tpu.memory_space<vmem>>, vector<16xf32>,
      %get3A_920 = arith.constant 0 : i32
      %get3A_921 = arith.index_cast %get3A_920 : i32 to index
      %get3A_922 = arith.index_cast %scan3A_142 : i32 to index
      %get3A_923 = arith.constant 688 : index
      %get3A_924 = tpu.vector_load %arg6[%get3A_921, %get3A_922, %get3A_923] {strides = array<i32>} : memref<2x32x1024xf32, #tpu.memory_space<vmem>>, vector<16xf32>,
      %mul3A_925 = arith.mulf %get3A_924, %gather3A : vector<16xf32>
      %get3A_926 = arith.constant 1 : i32
      %get3A_927 = arith.index_cast %get3A_926 : i32 to index
      %get3A_928 = arith.index_cast %scan3A_142 : i32 to index
      %get3A_929 = arith.constant 688 : index
      %get3A_930 = tpu.vector_load %arg6[%get3A_927, %get3A_928, %get3A_929] {strides = array<i32>} : memref<2x32x1024xf32, #tpu.memory_space<vmem>>, vector<16xf32>,
      %mul3A_931 = arith.mulf %get3A_930, %gather3A_147 : vector<16xf32>
      %add3A_932 = arith.addf %mul3A_925, %mul3A_931 : vector<16xf32>
      %swap3A_933 = arith.constant 0 : i32
      %swap3A_934 = arith.index_cast %swap3A_933 : i32 to index
      %swap3A_935 = arith.index_cast %scan3A_142 : i32 to index
      %swap3A_936 = arith.constant 688 : index
      %swap3A_937 = tpu.vector_load %arg6[%swap3A_934, %swap3A_935, %swap3A_936] {strides = array<i32>} : memref<2x32x1024xf32, #tpu.memory_space<vmem>>, vector<16xf32>,
      tpu.vector_store %arg6[%swap3A_934, %swap3A_935, %swap3A_936], %add3A_932 {strides = array<i32>} : memref<2x32x1024xf32, #tpu.memory_space<vmem>>, vector<16xf32>,
      %get3A_938 = arith.constant 0 : i32
      %get3A_939 = arith.index_cast %get3A_938 : i32 to index
      %get3A_940 = arith.index_cast %scan3A_142 : i32 to index
      %get3A_941 = arith.constant 704 : index
      %get3A_942 = tpu.vector_load %arg6[%get3A_939, %get3A_940, %get3A_941] {strides = array<i32>} : memref<2x32x1024xf32, #tpu.memory_space<vmem>>, vector<16xf32>,
      %mul3A_943 = arith.mulf %get3A_942, %gather3A : vector<16xf32>
      %get3A_944 = arith.constant 1 : i32
      %get3A_945 = arith.index_cast %get3A_944 : i32 to index
      %get3A_946 = arith.index_cast %scan3A_142 : i32 to index
      %get3A_947 = arith.constant 704 : index
      %get3A_948 = tpu.vector_load %arg6[%get3A_945, %get3A_946, %get3A_947] {strides = array<i32>} : memref<2x32x1024xf32, #tpu.memory_space<vmem>>, vector<16xf32>,
      %mul3A_949 = arith.mulf %get3A_948, %gather3A_147 : vector<16xf32>
      %add3A_950 = arith.addf %mul3A_943, %mul3A_949 : vector<16xf32>
      %swap3A_951 = arith.constant 0 : i32
      %swap3A_952 = arith.index_cast %swap3A_951 : i32 to index
      %swap3A_953 = arith.index_cast %scan3A_142 : i32 to index
      %swap3A_954 = arith.constant 704 : index
      %swap3A_955 = tpu.vector_load %arg6[%swap3A_952, %swap3A_953, %swap3A_954] {strides = array<i32>} : memref<2x32x1024xf32, #tpu.memory_space<vmem>>, vector<16xf32>,
      tpu.vector_store %arg6[%swap3A_952, %swap3A_953, %swap3A_954], %add3A_950 {strides = array<i32>} : memref<2x32x1024xf32, #tpu.memory_space<vmem>>, vector<16xf32>,
      %get3A_956 = arith.constant 0 : i32
      %get3A_957 = arith.index_cast %get3A_956 : i32 to index
      %get3A_958 = arith.index_cast %scan3A_142 : i32 to index
      %get3A_959 = arith.constant 720 : index
      %get3A_960 = tpu.vector_load %arg6[%get3A_957, %get3A_958, %get3A_959] {strides = array<i32>} : memref<2x32x1024xf32, #tpu.memory_space<vmem>>, vector<16xf32>,
      %mul3A_961 = arith.mulf %get3A_960, %gather3A : vector<16xf32>
      %get3A_962 = arith.constant 1 : i32
      %get3A_963 = arith.index_cast %get3A_962 : i32 to index
      %get3A_964 = arith.index_cast %scan3A_142 : i32 to index
      %get3A_965 = arith.constant 720 : index
      %get3A_966 = tpu.vector_load %arg6[%get3A_963, %get3A_964, %get3A_965] {strides = array<i32>} : memref<2x32x1024xf32, #tpu.memory_space<vmem>>, vector<16xf32>,
      %mul3A_967 = arith.mulf %get3A_966, %gather3A_147 : vector<16xf32>
      %add3A_968 = arith.addf %mul3A_961, %mul3A_967 : vector<16xf32>
      %swap3A_969 = arith.constant 0 : i32
      %swap3A_970 = arith.index_cast %swap3A_969 : i32 to index
      %swap3A_971 = arith.index_cast %scan3A_142 : i32 to index
      %swap3A_972 = arith.constant 720 : index
      %swap3A_973 = tpu.vector_load %arg6[%swap3A_970, %swap3A_971, %swap3A_972] {strides = array<i32>} : memref<2x32x1024xf32, #tpu.memory_space<vmem>>, vector<16xf32>,
      tpu.vector_store %arg6[%swap3A_970, %swap3A_971, %swap3A_972], %add3A_968 {strides = array<i32>} : memref<2x32x1024xf32, #tpu.memory_space<vmem>>, vector<16xf32>,
      %get3A_974 = arith.constant 0 : i32
      %get3A_975 = arith.index_cast %get3A_974 : i32 to index
      %get3A_976 = arith.index_cast %scan3A_142 : i32 to index
      %get3A_977 = arith.constant 736 : index
      %get3A_978 = tpu.vector_load %arg6[%get3A_975, %get3A_976, %get3A_977] {strides = array<i32>} : memref<2x32x1024xf32, #tpu.memory_space<vmem>>, vector<16xf32>,
      %mul3A_979 = arith.mulf %get3A_978, %gather3A : vector<16xf32>
      %get3A_980 = arith.constant 1 : i32
      %get3A_981 = arith.index_cast %get3A_980 : i32 to index
      %get3A_982 = arith.index_cast %scan3A_142 : i32 to index
      %get3A_983 = arith.constant 736 : index
      %get3A_984 = tpu.vector_load %arg6[%get3A_981, %get3A_982, %get3A_983] {strides = array<i32>} : memref<2x32x1024xf32, #tpu.memory_space<vmem>>, vector<16xf32>,
      %mul3A_985 = arith.mulf %get3A_984, %gather3A_147 : vector<16xf32>
      %add3A_986 = arith.addf %mul3A_979, %mul3A_985 : vector<16xf32>
      %swap3A_987 = arith.constant 0 : i32
      %swap3A_988 = arith.index_cast %swap3A_987 : i32 to index
      %swap3A_989 = arith.index_cast %scan3A_142 : i32 to index
      %swap3A_990 = arith.constant 736 : index
      %swap3A_991 = tpu.vector_load %arg6[%swap3A_988, %swap3A_989, %swap3A_990] {strides = array<i32>} : memref<2x32x1024xf32, #tpu.memory_space<vmem>>, vector<16xf32>,
      tpu.vector_store %arg6[%swap3A_988, %swap3A_989, %swap3A_990], %add3A_986 {strides = array<i32>} : memref<2x32x1024xf32, #tpu.memory_space<vmem>>, vector<16xf32>,
      %get3A_992 = arith.constant 0 : i32
      %get3A_993 = arith.index_cast %get3A_992 : i32 to index
      %get3A_994 = arith.index_cast %scan3A_142 : i32 to index
      %get3A_995 = arith.constant 752 : index
      %get3A_996 = tpu.vector_load %arg6[%get3A_993, %get3A_994, %get3A_995] {strides = array<i32>} : memref<2x32x1024xf32, #tpu.memory_space<vmem>>, vector<16xf32>,
      %mul3A_997 = arith.mulf %get3A_996, %gather3A : vector<16xf32>
      %get3A_998 = arith.constant 1 : i32
      %get3A_999 = arith.index_cast %get3A_998 : i32 to index
      %get3A_1000 = arith.index_cast %scan3A_142 : i32 to index
      %get3A_1001 = arith.constant 752 : index
      %get3A_1002 = tpu.vector_load %arg6[%get3A_999, %get3A_1000, %get3A_1001] {strides = array<i32>} : memref<2x32x1024xf32, #tpu.memory_space<vmem>>, vector<16xf32>,
      %mul3A_1003 = arith.mulf %get3A_1002, %gather3A_147 : vector<16xf32>
      %add3A_1004 = arith.addf %mul3A_997, %mul3A_1003 : vector<16xf32>
      %swap3A_1005 = arith.constant 0 : i32
      %swap3A_1006 = arith.index_cast %swap3A_1005 : i32 to index
      %swap3A_1007 = arith.index_cast %scan3A_142 : i32 to index
      %swap3A_1008 = arith.constant 752 : index
      %swap3A_1009 = tpu.vector_load %arg6[%swap3A_1006, %swap3A_1007, %swap3A_1008] {strides = array<i32>} : memref<2x32x1024xf32, #tpu.memory_space<vmem>>, vector<16xf32>,
      tpu.vector_store %arg6[%swap3A_1006, %swap3A_1007, %swap3A_1008], %add3A_1004 {strides = array<i32>} : memref<2x32x1024xf32, #tpu.memory_space<vmem>>, vector<16xf32>,
      %get3A_1010 = arith.constant 0 : i32
      %get3A_1011 = arith.index_cast %get3A_1010 : i32 to index
      %get3A_1012 = arith.index_cast %scan3A_142 : i32 to index
      %get3A_1013 = arith.constant 768 : index
      %get3A_1014 = tpu.vector_load %arg6[%get3A_1011, %get3A_1012, %get3A_1013] {strides = array<i32>} : memref<2x32x1024xf32, #tpu.memory_space<vmem>>, vector<16xf32>,
      %mul3A_1015 = arith.mulf %get3A_1014, %gather3A : vector<16xf32>
      %get3A_1016 = arith.constant 1 : i32
      %get3A_1017 = arith.index_cast %get3A_1016 : i32 to index
      %get3A_1018 = arith.index_cast %scan3A_142 : i32 to index
      %get3A_1019 = arith.constant 768 : index
      %get3A_1020 = tpu.vector_load %arg6[%get3A_1017, %get3A_1018, %get3A_1019] {strides = array<i32>} : memref<2x32x1024xf32, #tpu.memory_space<vmem>>, vector<16xf32>,
      %mul3A_1021 = arith.mulf %get3A_1020, %gather3A_147 : vector<16xf32>
      %add3A_1022 = arith.addf %mul3A_1015, %mul3A_1021 : vector<16xf32>
      %swap3A_1023 = arith.constant 0 : i32
      %swap3A_1024 = arith.index_cast %swap3A_1023 : i32 to index
      %swap3A_1025 = arith.index_cast %scan3A_142 : i32 to index
      %swap3A_1026 = arith.constant 768 : index
      %swap3A_1027 = tpu.vector_load %arg6[%swap3A_1024, %swap3A_1025, %swap3A_1026] {strides = array<i32>} : memref<2x32x1024xf32, #tpu.memory_space<vmem>>, vector<16xf32>,
      tpu.vector_store %arg6[%swap3A_1024, %swap3A_1025, %swap3A_1026], %add3A_1022 {strides = array<i32>} : memref<2x32x1024xf32, #tpu.memory_space<vmem>>, vector<16xf32>,
      %get3A_1028 = arith.constant 0 : i32
      %get3A_1029 = arith.index_cast %get3A_1028 : i32 to index
      %get3A_1030 = arith.index_cast %scan3A_142 : i32 to index
      %get3A_1031 = arith.constant 784 : index
      %get3A_1032 = tpu.vector_load %arg6[%get3A_1029, %get3A_1030, %get3A_1031] {strides = array<i32>} : memref<2x32x1024xf32, #tpu.memory_space<vmem>>, vector<16xf32>,
      %mul3A_1033 = arith.mulf %get3A_1032, %gather3A : vector<16xf32>
      %get3A_1034 = arith.constant 1 : i32
      %get3A_1035 = arith.index_cast %get3A_1034 : i32 to index
      %get3A_1036 = arith.index_cast %scan3A_142 : i32 to index
      %get3A_1037 = arith.constant 784 : index
      %get3A_1038 = tpu.vector_load %arg6[%get3A_1035, %get3A_1036, %get3A_1037] {strides = array<i32>} : memref<2x32x1024xf32, #tpu.memory_space<vmem>>, vector<16xf32>,
      %mul3A_1039 = arith.mulf %get3A_1038, %gather3A_147 : vector<16xf32>
      %add3A_1040 = arith.addf %mul3A_1033, %mul3A_1039 : vector<16xf32>
      %swap3A_1041 = arith.constant 0 : i32
      %swap3A_1042 = arith.index_cast %swap3A_1041 : i32 to index
      %swap3A_1043 = arith.index_cast %scan3A_142 : i32 to index
      %swap3A_1044 = arith.constant 784 : index
      %swap3A_1045 = tpu.vector_load %arg6[%swap3A_1042, %swap3A_1043, %swap3A_1044] {strides = array<i32>} : memref<2x32x1024xf32, #tpu.memory_space<vmem>>, vector<16xf32>,
      tpu.vector_store %arg6[%swap3A_1042, %swap3A_1043, %swap3A_1044], %add3A_1040 {strides = array<i32>} : memref<2x32x1024xf32, #tpu.memory_space<vmem>>, vector<16xf32>,
      %get3A_1046 = arith.constant 0 : i32
      %get3A_1047 = arith.index_cast %get3A_1046 : i32 to index
      %get3A_1048 = arith.index_cast %scan3A_142 : i32 to index
      %get3A_1049 = arith.constant 800 : index
      %get3A_1050 = tpu.vector_load %arg6[%get3A_1047, %get3A_1048, %get3A_1049] {strides = array<i32>} : memref<2x32x1024xf32, #tpu.memory_space<vmem>>, vector<16xf32>,
      %mul3A_1051 = arith.mulf %get3A_1050, %gather3A : vector<16xf32>
      %get3A_1052 = arith.constant 1 : i32
      %get3A_1053 = arith.index_cast %get3A_1052 : i32 to index
      %get3A_1054 = arith.index_cast %scan3A_142 : i32 to index
      %get3A_1055 = arith.constant 800 : index
      %get3A_1056 = tpu.vector_load %arg6[%get3A_1053, %get3A_1054, %get3A_1055] {strides = array<i32>} : memref<2x32x1024xf32, #tpu.memory_space<vmem>>, vector<16xf32>,
      %mul3A_1057 = arith.mulf %get3A_1056, %gather3A_147 : vector<16xf32>
      %add3A_1058 = arith.addf %mul3A_1051, %mul3A_1057 : vector<16xf32>
      %swap3A_1059 = arith.constant 0 : i32
      %swap3A_1060 = arith.index_cast %swap3A_1059 : i32 to index
      %swap3A_1061 = arith.index_cast %scan3A_142 : i32 to index
      %swap3A_1062 = arith.constant 800 : index
      %swap3A_1063 = tpu.vector_load %arg6[%swap3A_1060, %swap3A_1061, %swap3A_1062] {strides = array<i32>} : memref<2x32x1024xf32, #tpu.memory_space<vmem>>, vector<16xf32>,
      tpu.vector_store %arg6[%swap3A_1060, %swap3A_1061, %swap3A_1062], %add3A_1058 {strides = array<i32>} : memref<2x32x1024xf32, #tpu.memory_space<vmem>>, vector<16xf32>,
      %get3A_1064 = arith.constant 0 : i32
      %get3A_1065 = arith.index_cast %get3A_1064 : i32 to index
      %get3A_1066 = arith.index_cast %scan3A_142 : i32 to index
      %get3A_1067 = arith.constant 816 : index
      %get3A_1068 = tpu.vector_load %arg6[%get3A_1065, %get3A_1066, %get3A_1067] {strides = array<i32>} : memref<2x32x1024xf32, #tpu.memory_space<vmem>>, vector<16xf32>,
      %mul3A_1069 = arith.mulf %get3A_1068, %gather3A : vector<16xf32>
      %get3A_1070 = arith.constant 1 : i32
      %get3A_1071 = arith.index_cast %get3A_1070 : i32 to index
      %get3A_1072 = arith.index_cast %scan3A_142 : i32 to index
      %get3A_1073 = arith.constant 816 : index
      %get3A_1074 = tpu.vector_load %arg6[%get3A_1071, %get3A_1072, %get3A_1073] {strides = array<i32>} : memref<2x32x1024xf32, #tpu.memory_space<vmem>>, vector<16xf32>,
      %mul3A_1075 = arith.mulf %get3A_1074, %gather3A_147 : vector<16xf32>
      %add3A_1076 = arith.addf %mul3A_1069, %mul3A_1075 : vector<16xf32>
      %swap3A_1077 = arith.constant 0 : i32
      %swap3A_1078 = arith.index_cast %swap3A_1077 : i32 to index
      %swap3A_1079 = arith.index_cast %scan3A_142 : i32 to index
      %swap3A_1080 = arith.constant 816 : index
      %swap3A_1081 = tpu.vector_load %arg6[%swap3A_1078, %swap3A_1079, %swap3A_1080] {strides = array<i32>} : memref<2x32x1024xf32, #tpu.memory_space<vmem>>, vector<16xf32>,
      tpu.vector_store %arg6[%swap3A_1078, %swap3A_1079, %swap3A_1080], %add3A_1076 {strides = array<i32>} : memref<2x32x1024xf32, #tpu.memory_space<vmem>>, vector<16xf32>,
      %get3A_1082 = arith.constant 0 : i32
      %get3A_1083 = arith.index_cast %get3A_1082 : i32 to index
      %get3A_1084 = arith.index_cast %scan3A_142 : i32 to index
      %get3A_1085 = arith.constant 832 : index
      %get3A_1086 = tpu.vector_load %arg6[%get3A_1083, %get3A_1084, %get3A_1085] {strides = array<i32>} : memref<2x32x1024xf32, #tpu.memory_space<vmem>>, vector<16xf32>,
      %mul3A_1087 = arith.mulf %get3A_1086, %gather3A : vector<16xf32>
      %get3A_1088 = arith.constant 1 : i32
      %get3A_1089 = arith.index_cast %get3A_1088 : i32 to index
      %get3A_1090 = arith.index_cast %scan3A_142 : i32 to index
      %get3A_1091 = arith.constant 832 : index
      %get3A_1092 = tpu.vector_load %arg6[%get3A_1089, %get3A_1090, %get3A_1091] {strides = array<i32>} : memref<2x32x1024xf32, #tpu.memory_space<vmem>>, vector<16xf32>,
      %mul3A_1093 = arith.mulf %get3A_1092, %gather3A_147 : vector<16xf32>
      %add3A_1094 = arith.addf %mul3A_1087, %mul3A_1093 : vector<16xf32>
      %swap3A_1095 = arith.constant 0 : i32
      %swap3A_1096 = arith.index_cast %swap3A_1095 : i32 to index
      %swap3A_1097 = arith.index_cast %scan3A_142 : i32 to index
      %swap3A_1098 = arith.constant 832 : index
      %swap3A_1099 = tpu.vector_load %arg6[%swap3A_1096, %swap3A_1097, %swap3A_1098] {strides = array<i32>} : memref<2x32x1024xf32, #tpu.memory_space<vmem>>, vector<16xf32>,
      tpu.vector_store %arg6[%swap3A_1096, %swap3A_1097, %swap3A_1098], %add3A_1094 {strides = array<i32>} : memref<2x32x1024xf32, #tpu.memory_space<vmem>>, vector<16xf32>,
      %get3A_1100 = arith.constant 0 : i32
      %get3A_1101 = arith.index_cast %get3A_1100 : i32 to index
      %get3A_1102 = arith.index_cast %scan3A_142 : i32 to index
      %get3A_1103 = arith.constant 848 : index
      %get3A_1104 = tpu.vector_load %arg6[%get3A_1101, %get3A_1102, %get3A_1103] {strides = array<i32>} : memref<2x32x1024xf32, #tpu.memory_space<vmem>>, vector<16xf32>,
      %mul3A_1105 = arith.mulf %get3A_1104, %gather3A : vector<16xf32>
      %get3A_1106 = arith.constant 1 : i32
      %get3A_1107 = arith.index_cast %get3A_1106 : i32 to index
      %get3A_1108 = arith.index_cast %scan3A_142 : i32 to index
      %get3A_1109 = arith.constant 848 : index
      %get3A_1110 = tpu.vector_load %arg6[%get3A_1107, %get3A_1108, %get3A_1109] {strides = array<i32>} : memref<2x32x1024xf32, #tpu.memory_space<vmem>>, vector<16xf32>,
      %mul3A_1111 = arith.mulf %get3A_1110, %gather3A_147 : vector<16xf32>
      %add3A_1112 = arith.addf %mul3A_1105, %mul3A_1111 : vector<16xf32>
      %swap3A_1113 = arith.constant 0 : i32
      %swap3A_1114 = arith.index_cast %swap3A_1113 : i32 to index
      %swap3A_1115 = arith.index_cast %scan3A_142 : i32 to index
      %swap3A_1116 = arith.constant 848 : index
      %swap3A_1117 = tpu.vector_load %arg6[%swap3A_1114, %swap3A_1115, %swap3A_1116] {strides = array<i32>} : memref<2x32x1024xf32, #tpu.memory_space<vmem>>, vector<16xf32>,
      tpu.vector_store %arg6[%swap3A_1114, %swap3A_1115, %swap3A_1116], %add3A_1112 {strides = array<i32>} : memref<2x32x1024xf32, #tpu.memory_space<vmem>>, vector<16xf32>,
      %get3A_1118 = arith.constant 0 : i32
      %get3A_1119 = arith.index_cast %get3A_1118 : i32 to index
      %get3A_1120 = arith.index_cast %scan3A_142 : i32 to index
      %get3A_1121 = arith.constant 864 : index
      %get3A_1122 = tpu.vector_load %arg6[%get3A_1119, %get3A_1120, %get3A_1121] {strides = array<i32>} : memref<2x32x1024xf32, #tpu.memory_space<vmem>>, vector<16xf32>,
      %mul3A_1123 = arith.mulf %get3A_1122, %gather3A : vector<16xf32>
      %get3A_1124 = arith.constant 1 : i32
      %get3A_1125 = arith.index_cast %get3A_1124 : i32 to index
      %get3A_1126 = arith.index_cast %scan3A_142 : i32 to index
      %get3A_1127 = arith.constant 864 : index
      %get3A_1128 = tpu.vector_load %arg6[%get3A_1125, %get3A_1126, %get3A_1127] {strides = array<i32>} : memref<2x32x1024xf32, #tpu.memory_space<vmem>>, vector<16xf32>,
      %mul3A_1129 = arith.mulf %get3A_1128, %gather3A_147 : vector<16xf32>
      %add3A_1130 = arith.addf %mul3A_1123, %mul3A_1129 : vector<16xf32>
      %swap3A_1131 = arith.constant 0 : i32
      %swap3A_1132 = arith.index_cast %swap3A_1131 : i32 to index
      %swap3A_1133 = arith.index_cast %scan3A_142 : i32 to index
      %swap3A_1134 = arith.constant 864 : index
      %swap3A_1135 = tpu.vector_load %arg6[%swap3A_1132, %swap3A_1133, %swap3A_1134] {strides = array<i32>} : memref<2x32x1024xf32, #tpu.memory_space<vmem>>, vector<16xf32>,
      tpu.vector_store %arg6[%swap3A_1132, %swap3A_1133, %swap3A_1134], %add3A_1130 {strides = array<i32>} : memref<2x32x1024xf32, #tpu.memory_space<vmem>>, vector<16xf32>,
      %get3A_1136 = arith.constant 0 : i32
      %get3A_1137 = arith.index_cast %get3A_1136 : i32 to index
      %get3A_1138 = arith.index_cast %scan3A_142 : i32 to index
      %get3A_1139 = arith.constant 880 : index
      %get3A_1140 = tpu.vector_load %arg6[%get3A_1137, %get3A_1138, %get3A_1139] {strides = array<i32>} : memref<2x32x1024xf32, #tpu.memory_space<vmem>>, vector<16xf32>,
      %mul3A_1141 = arith.mulf %get3A_1140, %gather3A : vector<16xf32>
      %get3A_1142 = arith.constant 1 : i32
      %get3A_1143 = arith.index_cast %get3A_1142 : i32 to index
      %get3A_1144 = arith.index_cast %scan3A_142 : i32 to index
      %get3A_1145 = arith.constant 880 : index
      %get3A_1146 = tpu.vector_load %arg6[%get3A_1143, %get3A_1144, %get3A_1145] {strides = array<i32>} : memref<2x32x1024xf32, #tpu.memory_space<vmem>>, vector<16xf32>,
      %mul3A_1147 = arith.mulf %get3A_1146, %gather3A_147 : vector<16xf32>
      %add3A_1148 = arith.addf %mul3A_1141, %mul3A_1147 : vector<16xf32>
      %swap3A_1149 = arith.constant 0 : i32
      %swap3A_1150 = arith.index_cast %swap3A_1149 : i32 to index
      %swap3A_1151 = arith.index_cast %scan3A_142 : i32 to index
      %swap3A_1152 = arith.constant 880 : index
      %swap3A_1153 = tpu.vector_load %arg6[%swap3A_1150, %swap3A_1151, %swap3A_1152] {strides = array<i32>} : memref<2x32x1024xf32, #tpu.memory_space<vmem>>, vector<16xf32>,
      tpu.vector_store %arg6[%swap3A_1150, %swap3A_1151, %swap3A_1152], %add3A_1148 {strides = array<i32>} : memref<2x32x1024xf32, #tpu.memory_space<vmem>>, vector<16xf32>,
      %get3A_1154 = arith.constant 0 : i32
      %get3A_1155 = arith.index_cast %get3A_1154 : i32 to index
      %get3A_1156 = arith.index_cast %scan3A_142 : i32 to index
      %get3A_1157 = arith.constant 896 : index
      %get3A_1158 = tpu.vector_load %arg6[%get3A_1155, %get3A_1156, %get3A_1157] {strides = array<i32>} : memref<2x32x1024xf32, #tpu.memory_space<vmem>>, vector<16xf32>,
      %mul3A_1159 = arith.mulf %get3A_1158, %gather3A : vector<16xf32>
      %get3A_1160 = arith.constant 1 : i32
      %get3A_1161 = arith.index_cast %get3A_1160 : i32 to index
      %get3A_1162 = arith.index_cast %scan3A_142 : i32 to index
      %get3A_1163 = arith.constant 896 : index
      %get3A_1164 = tpu.vector_load %arg6[%get3A_1161, %get3A_1162, %get3A_1163] {strides = array<i32>} : memref<2x32x1024xf32, #tpu.memory_space<vmem>>, vector<16xf32>,
      %mul3A_1165 = arith.mulf %get3A_1164, %gather3A_147 : vector<16xf32>
      %add3A_1166 = arith.addf %mul3A_1159, %mul3A_1165 : vector<16xf32>
      %swap3A_1167 = arith.constant 0 : i32
      %swap3A_1168 = arith.index_cast %swap3A_1167 : i32 to index
      %swap3A_1169 = arith.index_cast %scan3A_142 : i32 to index
      %swap3A_1170 = arith.constant 896 : index
      %swap3A_1171 = tpu.vector_load %arg6[%swap3A_1168, %swap3A_1169, %swap3A_1170] {strides = array<i32>} : memref<2x32x1024xf32, #tpu.memory_space<vmem>>, vector<16xf32>,
      tpu.vector_store %arg6[%swap3A_1168, %swap3A_1169, %swap3A_1170], %add3A_1166 {strides = array<i32>} : memref<2x32x1024xf32, #tpu.memory_space<vmem>>, vector<16xf32>,
      %get3A_1172 = arith.constant 0 : i32
      %get3A_1173 = arith.index_cast %get3A_1172 : i32 to index
      %get3A_1174 = arith.index_cast %scan3A_142 : i32 to index
      %get3A_1175 = arith.constant 912 : index
      %get3A_1176 = tpu.vector_load %arg6[%get3A_1173, %get3A_1174, %get3A_1175] {strides = array<i32>} : memref<2x32x1024xf32, #tpu.memory_space<vmem>>, vector<16xf32>,
      %mul3A_1177 = arith.mulf %get3A_1176, %gather3A : vector<16xf32>
      %get3A_1178 = arith.constant 1 : i32
      %get3A_1179 = arith.index_cast %get3A_1178 : i32 to index
      %get3A_1180 = arith.index_cast %scan3A_142 : i32 to index
      %get3A_1181 = arith.constant 912 : index
      %get3A_1182 = tpu.vector_load %arg6[%get3A_1179, %get3A_1180, %get3A_1181] {strides = array<i32>} : memref<2x32x1024xf32, #tpu.memory_space<vmem>>, vector<16xf32>,
      %mul3A_1183 = arith.mulf %get3A_1182, %gather3A_147 : vector<16xf32>
      %add3A_1184 = arith.addf %mul3A_1177, %mul3A_1183 : vector<16xf32>
      %swap3A_1185 = arith.constant 0 : i32
      %swap3A_1186 = arith.index_cast %swap3A_1185 : i32 to index
      %swap3A_1187 = arith.index_cast %scan3A_142 : i32 to index
      %swap3A_1188 = arith.constant 912 : index
      %swap3A_1189 = tpu.vector_load %arg6[%swap3A_1186, %swap3A_1187, %swap3A_1188] {strides = array<i32>} : memref<2x32x1024xf32, #tpu.memory_space<vmem>>, vector<16xf32>,
      tpu.vector_store %arg6[%swap3A_1186, %swap3A_1187, %swap3A_1188], %add3A_1184 {strides = array<i32>} : memref<2x32x1024xf32, #tpu.memory_space<vmem>>, vector<16xf32>,
      %get3A_1190 = arith.constant 0 : i32
      %get3A_1191 = arith.index_cast %get3A_1190 : i32 to index
      %get3A_1192 = arith.index_cast %scan3A_142 : i32 to index
      %get3A_1193 = arith.constant 928 : index
      %get3A_1194 = tpu.vector_load %arg6[%get3A_1191, %get3A_1192, %get3A_1193] {strides = array<i32>} : memref<2x32x1024xf32, #tpu.memory_space<vmem>>, vector<16xf32>,
      %mul3A_1195 = arith.mulf %get3A_1194, %gather3A : vector<16xf32>
      %get3A_1196 = arith.constant 1 : i32
      %get3A_1197 = arith.index_cast %get3A_1196 : i32 to index
      %get3A_1198 = arith.index_cast %scan3A_142 : i32 to index
      %get3A_1199 = arith.constant 928 : index
      %get3A_1200 = tpu.vector_load %arg6[%get3A_1197, %get3A_1198, %get3A_1199] {strides = array<i32>} : memref<2x32x1024xf32, #tpu.memory_space<vmem>>, vector<16xf32>,
      %mul3A_1201 = arith.mulf %get3A_1200, %gather3A_147 : vector<16xf32>
      %add3A_1202 = arith.addf %mul3A_1195, %mul3A_1201 : vector<16xf32>
      %swap3A_1203 = arith.constant 0 : i32
      %swap3A_1204 = arith.index_cast %swap3A_1203 : i32 to index
      %swap3A_1205 = arith.index_cast %scan3A_142 : i32 to index
      %swap3A_1206 = arith.constant 928 : index
      %swap3A_1207 = tpu.vector_load %arg6[%swap3A_1204, %swap3A_1205, %swap3A_1206] {strides = array<i32>} : memref<2x32x1024xf32, #tpu.memory_space<vmem>>, vector<16xf32>,
      tpu.vector_store %arg6[%swap3A_1204, %swap3A_1205, %swap3A_1206], %add3A_1202 {strides = array<i32>} : memref<2x32x1024xf32, #tpu.memory_space<vmem>>, vector<16xf32>,
      %get3A_1208 = arith.constant 0 : i32
      %get3A_1209 = arith.index_cast %get3A_1208 : i32 to index
      %get3A_1210 = arith.index_cast %scan3A_142 : i32 to index
      %get3A_1211 = arith.constant 944 : index
      %get3A_1212 = tpu.vector_load %arg6[%get3A_1209, %get3A_1210, %get3A_1211] {strides = array<i32>} : memref<2x32x1024xf32, #tpu.memory_space<vmem>>, vector<16xf32>,
      %mul3A_1213 = arith.mulf %get3A_1212, %gather3A : vector<16xf32>
      %get3A_1214 = arith.constant 1 : i32
      %get3A_1215 = arith.index_cast %get3A_1214 : i32 to index
      %get3A_1216 = arith.index_cast %scan3A_142 : i32 to index
      %get3A_1217 = arith.constant 944 : index
      %get3A_1218 = tpu.vector_load %arg6[%get3A_1215, %get3A_1216, %get3A_1217] {strides = array<i32>} : memref<2x32x1024xf32, #tpu.memory_space<vmem>>, vector<16xf32>,
      %mul3A_1219 = arith.mulf %get3A_1218, %gather3A_147 : vector<16xf32>
      %add3A_1220 = arith.addf %mul3A_1213, %mul3A_1219 : vector<16xf32>
      %swap3A_1221 = arith.constant 0 : i32
      %swap3A_1222 = arith.index_cast %swap3A_1221 : i32 to index
      %swap3A_1223 = arith.index_cast %scan3A_142 : i32 to index
      %swap3A_1224 = arith.constant 944 : index
      %swap3A_1225 = tpu.vector_load %arg6[%swap3A_1222, %swap3A_1223, %swap3A_1224] {strides = array<i32>} : memref<2x32x1024xf32, #tpu.memory_space<vmem>>, vector<16xf32>,
      tpu.vector_store %arg6[%swap3A_1222, %swap3A_1223, %swap3A_1224], %add3A_1220 {strides = array<i32>} : memref<2x32x1024xf32, #tpu.memory_space<vmem>>, vector<16xf32>,
      %get3A_1226 = arith.constant 0 : i32
      %get3A_1227 = arith.index_cast %get3A_1226 : i32 to index
      %get3A_1228 = arith.index_cast %scan3A_142 : i32 to index
      %get3A_1229 = arith.constant 960 : index
      %get3A_1230 = tpu.vector_load %arg6[%get3A_1227, %get3A_1228, %get3A_1229] {strides = array<i32>} : memref<2x32x1024xf32, #tpu.memory_space<vmem>>, vector<16xf32>,
      %mul3A_1231 = arith.mulf %get3A_1230, %gather3A : vector<16xf32>
      %get3A_1232 = arith.constant 1 : i32
      %get3A_1233 = arith.index_cast %get3A_1232 : i32 to index
      %get3A_1234 = arith.index_cast %scan3A_142 : i32 to index
      %get3A_1235 = arith.constant 960 : index
      %get3A_1236 = tpu.vector_load %arg6[%get3A_1233, %get3A_1234, %get3A_1235] {strides = array<i32>} : memref<2x32x1024xf32, #tpu.memory_space<vmem>>, vector<16xf32>,
      %mul3A_1237 = arith.mulf %get3A_1236, %gather3A_147 : vector<16xf32>
      %add3A_1238 = arith.addf %mul3A_1231, %mul3A_1237 : vector<16xf32>
      %swap3A_1239 = arith.constant 0 : i32
      %swap3A_1240 = arith.index_cast %swap3A_1239 : i32 to index
      %swap3A_1241 = arith.index_cast %scan3A_142 : i32 to index
      %swap3A_1242 = arith.constant 960 : index
      %swap3A_1243 = tpu.vector_load %arg6[%swap3A_1240, %swap3A_1241, %swap3A_1242] {strides = array<i32>} : memref<2x32x1024xf32, #tpu.memory_space<vmem>>, vector<16xf32>,
      tpu.vector_store %arg6[%swap3A_1240, %swap3A_1241, %swap3A_1242], %add3A_1238 {strides = array<i32>} : memref<2x32x1024xf32, #tpu.memory_space<vmem>>, vector<16xf32>,
      %get3A_1244 = arith.constant 0 : i32
      %get3A_1245 = arith.index_cast %get3A_1244 : i32 to index
      %get3A_1246 = arith.index_cast %scan3A_142 : i32 to index
      %get3A_1247 = arith.constant 976 : index
      %get3A_1248 = tpu.vector_load %arg6[%get3A_1245, %get3A_1246, %get3A_1247] {strides = array<i32>} : memref<2x32x1024xf32, #tpu.memory_space<vmem>>, vector<16xf32>,
      %mul3A_1249 = arith.mulf %get3A_1248, %gather3A : vector<16xf32>
      %get3A_1250 = arith.constant 1 : i32
      %get3A_1251 = arith.index_cast %get3A_1250 : i32 to index
      %get3A_1252 = arith.index_cast %scan3A_142 : i32 to index
      %get3A_1253 = arith.constant 976 : index
      %get3A_1254 = tpu.vector_load %arg6[%get3A_1251, %get3A_1252, %get3A_1253] {strides = array<i32>} : memref<2x32x1024xf32, #tpu.memory_space<vmem>>, vector<16xf32>,
      %mul3A_1255 = arith.mulf %get3A_1254, %gather3A_147 : vector<16xf32>
      %add3A_1256 = arith.addf %mul3A_1249, %mul3A_1255 : vector<16xf32>
      %swap3A_1257 = arith.constant 0 : i32
      %swap3A_1258 = arith.index_cast %swap3A_1257 : i32 to index
      %swap3A_1259 = arith.index_cast %scan3A_142 : i32 to index
      %swap3A_1260 = arith.constant 976 : index
      %swap3A_1261 = tpu.vector_load %arg6[%swap3A_1258, %swap3A_1259, %swap3A_1260] {strides = array<i32>} : memref<2x32x1024xf32, #tpu.memory_space<vmem>>, vector<16xf32>,
      tpu.vector_store %arg6[%swap3A_1258, %swap3A_1259, %swap3A_1260], %add3A_1256 {strides = array<i32>} : memref<2x32x1024xf32, #tpu.memory_space<vmem>>, vector<16xf32>,
      %get3A_1262 = arith.constant 0 : i32
      %get3A_1263 = arith.index_cast %get3A_1262 : i32 to index
      %get3A_1264 = arith.index_cast %scan3A_142 : i32 to index
      %get3A_1265 = arith.constant 992 : index
      %get3A_1266 = tpu.vector_load %arg6[%get3A_1263, %get3A_1264, %get3A_1265] {strides = array<i32>} : memref<2x32x1024xf32, #tpu.memory_space<vmem>>, vector<16xf32>,
      %mul3A_1267 = arith.mulf %get3A_1266, %gather3A : vector<16xf32>
      %get3A_1268 = arith.constant 1 : i32
      %get3A_1269 = arith.index_cast %get3A_1268 : i32 to index
      %get3A_1270 = arith.index_cast %scan3A_142 : i32 to index
      %get3A_1271 = arith.constant 992 : index
      %get3A_1272 = tpu.vector_load %arg6[%get3A_1269, %get3A_1270, %get3A_1271] {strides = array<i32>} : memref<2x32x1024xf32, #tpu.memory_space<vmem>>, vector<16xf32>,
      %mul3A_1273 = arith.mulf %get3A_1272, %gather3A_147 : vector<16xf32>
      %add3A_1274 = arith.addf %mul3A_1267, %mul3A_1273 : vector<16xf32>
      %swap3A_1275 = arith.constant 0 : i32
      %swap3A_1276 = arith.index_cast %swap3A_1275 : i32 to index
      %swap3A_1277 = arith.index_cast %scan3A_142 : i32 to index
      %swap3A_1278 = arith.constant 992 : index
      %swap3A_1279 = tpu.vector_load %arg6[%swap3A_1276, %swap3A_1277, %swap3A_1278] {strides = array<i32>} : memref<2x32x1024xf32, #tpu.memory_space<vmem>>, vector<16xf32>,
      tpu.vector_store %arg6[%swap3A_1276, %swap3A_1277, %swap3A_1278], %add3A_1274 {strides = array<i32>} : memref<2x32x1024xf32, #tpu.memory_space<vmem>>, vector<16xf32>,
      %get3A_1280 = arith.constant 0 : i32
      %get3A_1281 = arith.index_cast %get3A_1280 : i32 to index
      %get3A_1282 = arith.index_cast %scan3A_142 : i32 to index
      %get3A_1283 = arith.constant 1008 : index
      %get3A_1284 = tpu.vector_load %arg6[%get3A_1281, %get3A_1282, %get3A_1283] {strides = array<i32>} : memref<2x32x1024xf32, #tpu.memory_space<vmem>>, vector<16xf32>,
      %mul3A_1285 = arith.mulf %get3A_1284, %gather3A : vector<16xf32>
      %get3A_1286 = arith.constant 1 : i32
      %get3A_1287 = arith.index_cast %get3A_1286 : i32 to index
      %get3A_1288 = arith.index_cast %scan3A_142 : i32 to index
      %get3A_1289 = arith.constant 1008 : index
      %get3A_1290 = tpu.vector_load %arg6[%get3A_1287, %get3A_1288, %get3A_1289] {strides = array<i32>} : memref<2x32x1024xf32, #tpu.memory_space<vmem>>, vector<16xf32>,
      %mul3A_1291 = arith.mulf %get3A_1290, %gather3A_147 : vector<16xf32>
      %add3A_1292 = arith.addf %mul3A_1285, %mul3A_1291 : vector<16xf32>
      %swap3A_1293 = arith.constant 0 : i32
      %swap3A_1294 = arith.index_cast %swap3A_1293 : i32 to index
      %swap3A_1295 = arith.index_cast %scan3A_142 : i32 to index
      %swap3A_1296 = arith.constant 1008 : index
      %swap3A_1297 = tpu.vector_load %arg6[%swap3A_1294, %swap3A_1295, %swap3A_1296] {strides = array<i32>} : memref<2x32x1024xf32, #tpu.memory_space<vmem>>, vector<16xf32>,
      tpu.vector_store %arg6[%swap3A_1294, %swap3A_1295, %swap3A_1296], %add3A_1292 {strides = array<i32>} : memref<2x32x1024xf32, #tpu.memory_space<vmem>>, vector<16xf32>,
      %scan3A_1298 = arith.constant 0 : i32
      scf.yield %scan3A_1298 : i32
    }
    %scan3A_69 = arith.constant 32 : i32
    %add3A_70 = arith.constant 0 : i32
    %add3A_71 = arith.addi %mul3A_2, %add3A_70 : i32
    %run_scoped3A = arith.constant 0 : i32
    "tpu.region"() ({
      %run_scoped3A_142 = tpu.sem_alloc : memref<!tpu.dma_semaphore, #tpu.memory_space<semaphore_mem>>
      %dma_start3A_143 = arith.constant 0 : i32
      %dma_start3A_144 = arith.constant 0 : i32
      %dma_start3A_145 = tpu.memref_slice %arg6[%run_scoped3A, %dma_start3A_143, %dma_start3A_144] : memref<2x32x1024xf32, #tpu.memory_space<vmem>> -> memref<1x32x1024xf32, #tpu.memory_space<vmem>>
      %dma_start3A_146 = tpu.memref_squeeze %dma_start3A_145 : memref<1x32x1024xf32, #tpu.memory_space<vmem>> -> memref<32x1024xf32, #tpu.memory_space<vmem>>
      %dma_start3A_147 = arith.constant 0 : i32
      %dma_start3A_148 = tpu.memref_slice %arg5[%add3A_71, %dma_start3A_147] : memref<2048x1024xf32, #tpu.memory_space<hbm>> -> memref<32x1024xf32, #tpu.memory_space<hbm>>
      %dma_start3A_149 = arith.constant 0 : i32
      %dma_start3A_150 = tpu.memref_slice %arg5[%add3A_71, %dma_start3A_149] : memref<2048x1024xf32, #tpu.memory_space<hbm>> -> memref<32x1024xf32, #tpu.memory_space<hbm>>
      %dma_start3A_151 = arith.constant 0 : i32
      %dma_start3A_152 = arith.constant 0 : i32
      %dma_start3A_153 = tpu.memref_slice %arg6[%run_scoped3A, %dma_start3A_151, %dma_start3A_152] : memref<2x32x1024xf32, #tpu.memory_space<vmem>> -> memref<1x32x1024xf32, #tpu.memory_space<vmem>>
      %dma_start3A_154 = tpu.memref_squeeze %dma_start3A_153 : memref<1x32x1024xf32, #tpu.memory_space<vmem>> -> memref<32x1024xf32, #tpu.memory_space<vmem>>
      tpu.enqueue_dma source(%dma_start3A_154 : memref<32x1024xf32, #tpu.memory_space<vmem>>) target(%dma_start3A_150 : memref<32x1024xf32, #tpu.memory_space<hbm>>) target_semaphore(%run_scoped3A_142 : memref<!tpu.dma_semaphore, #tpu.memory_space<semaphore_mem>>)
      %dma_wait3A_155 = arith.constant 0 : i32
      %dma_wait3A_156 = arith.constant 0 : i32
      %dma_wait3A_157 = tpu.memref_slice %arg6[%run_scoped3A, %dma_wait3A_155, %dma_wait3A_156] : memref<2x32x1024xf32, #tpu.memory_space<vmem>> -> memref<1x32x1024xf32, #tpu.memory_space<vmem>>
      %dma_wait3A_158 = tpu.memref_squeeze %dma_wait3A_157 : memref<1x32x1024xf32, #tpu.memory_space<vmem>> -> memref<32x1024xf32, #tpu.memory_space<vmem>>
      %dma_wait3A_159 = arith.constant 0 : i32
      %dma_wait3A_160 = tpu.memref_slice %arg5[%add3A_71, %dma_wait3A_159] : memref<2048x1024xf32, #tpu.memory_space<hbm>> -> memref<32x1024xf32, #tpu.memory_space<hbm>>
      %dma_wait3A_161 = arith.constant 0 : i32
      %dma_wait3A_162 = tpu.memref_slice %arg5[%add3A_71, %dma_wait3A_161] : memref<2048x1024xf32, #tpu.memory_space<hbm>> -> memref<32x1024xf32, #tpu.memory_space<hbm>>
      %dma_wait3A_163 = arith.constant 0 : i32
      %dma_wait3A_164 = arith.constant 0 : i32
      %dma_wait3A_165 = tpu.memref_slice %arg6[%run_scoped3A, %dma_wait3A_163, %dma_wait3A_164] : memref<2x32x1024xf32, #tpu.memory_space<vmem>> -> memref<1x32x1024xf32, #tpu.memory_space<vmem>>
      %dma_wait3A_166 = tpu.memref_squeeze %dma_wait3A_165 : memref<1x32x1024xf32, #tpu.memory_space<vmem>> -> memref<32x1024xf32, #tpu.memory_space<vmem>>
      tpu.wait_dma2 semaphore(%run_scoped3A_142 : memref<!tpu.dma_semaphore, #tpu.memory_space<semaphore_mem>>) src(%dma_wait3A_166 : memref<32x1024xf32, #tpu.memory_space<vmem>>) dst(%dma_wait3A_162 : memref<32x1024xf32, #tpu.memory_space<hbm>>)
      tpu.yield
    }) : () -> ()
    %dma_start3A_72 = arith.constant 0 : i32
    %dma_start3A_73 = arith.constant 0 : i32
    %dma_start3A_74 = arith.constant 0 : i32
    %dma_start3A_75 = arith.constant 0 : i32
    %dma_start3A_76 = arith.constant 0 : i32
    %dma_start3A_77 = tpu.memref_slice %arg6[%dma_start3A_73, %dma_start3A_75, %dma_start3A_76] : memref<2x32x1024xf32, #tpu.memory_space<vmem>> -> memref<1x32x1024xf32, #tpu.memory_space<vmem>>
    %dma_start3A_78 = tpu.memref_squeeze %dma_start3A_77 : memref<1x32x1024xf32, #tpu.memory_space<vmem>> -> memref<32x1024xf32, #tpu.memory_space<vmem>>
    %dma_start3A_79 = arith.constant 32 : i32
    %dma_start3A_80 = tpu.memref_slice %arg7[%dma_start3A_72, %dma_start3A_79] : memref<2x64xi32, #tpu.memory_space<vmem>> -> memref<1x32xi32, #tpu.memory_space<vmem>>
    %dma_start3A_81 = tpu.memref_squeeze %dma_start3A_80 : memref<1x32xi32, #tpu.memory_space<vmem>> -> memref<32xi32, #tpu.memory_space<vmem>>
    %dma_start3A_82 = arith.constant 0 : i32
    %dma_start3A_83 = arith.constant 0 : i32
    %dma_start3A_84 = tpu.memref_slice %arg2[%dma_start3A_82, %dma_start3A_83] : memref<6144x1024xf32, #tpu.memory_space<hbm>> -> memref<6144x1024xf32, #tpu.memory_space<hbm>>
    %dma_start3A_85 = tpu.memref_slice %arg9[%dma_start3A_74] : memref<2x!tpu.dma_semaphore, #tpu.memory_space<semaphore_mem>> -> memref<1x!tpu.dma_semaphore, #tpu.memory_space<semaphore_mem>>
    %dma_start3A_86 = tpu.memref_squeeze %dma_start3A_85 : memref<1x!tpu.dma_semaphore, #tpu.memory_space<semaphore_mem>> -> memref<!tpu.dma_semaphore, #tpu.memory_space<semaphore_mem>>
    tpu.enqueue_indirect_dma source(%dma_start3A_84 : memref<6144x1024xf32, #tpu.memory_space<hbm>>) target(%dma_start3A_78 : memref<32x1024xf32, #tpu.memory_space<vmem>>) offsets(%dma_start3A_81 : memref<32xi32, #tpu.memory_space<vmem>>) semaphore(%dma_start3A_86 : memref<!tpu.dma_semaphore, #tpu.memory_space<semaphore_mem>>)
    %dma_start3A_87 = arith.constant 1 : i32
    %dma_start3A_88 = arith.constant 1 : i32
    %dma_start3A_89 = arith.constant 1 : i32
    %dma_start3A_90 = arith.constant 0 : i32
    %dma_start3A_91 = arith.constant 0 : i32
    %dma_start3A_92 = tpu.memref_slice %arg6[%dma_start3A_88, %dma_start3A_90, %dma_start3A_91] : memref<2x32x1024xf32, #tpu.memory_space<vmem>> -> memref<1x32x1024xf32, #tpu.memory_space<vmem>>
    %dma_start3A_93 = tpu.memref_squeeze %dma_start3A_92 : memref<1x32x1024xf32, #tpu.memory_space<vmem>> -> memref<32x1024xf32, #tpu.memory_space<vmem>>
    %dma_start3A_94 = arith.constant 32 : i32
    %dma_start3A_95 = tpu.memref_slice %arg7[%dma_start3A_87, %dma_start3A_94] : memref<2x64xi32, #tpu.memory_space<vmem>> -> memref<1x32xi32, #tpu.memory_space<vmem>>
    %dma_start3A_96 = tpu.memref_squeeze %dma_start3A_95 : memref<1x32xi32, #tpu.memory_space<vmem>> -> memref<32xi32, #tpu.memory_space<vmem>>
    %dma_start3A_97 = arith.constant 0 : i32
    %dma_start3A_98 = arith.constant 0 : i32
    %dma_start3A_99 = tpu.memref_slice %arg2[%dma_start3A_97, %dma_start3A_98] : memref<6144x1024xf32, #tpu.memory_space<hbm>> -> memref<6144x1024xf32, #tpu.memory_space<hbm>>
    %dma_start3A_100 = tpu.memref_slice %arg9[%dma_start3A_89] : memref<2x!tpu.dma_semaphore, #tpu.memory_space<semaphore_mem>> -> memref<1x!tpu.dma_semaphore, #tpu.memory_space<semaphore_mem>>
    %dma_start3A_101 = tpu.memref_squeeze %dma_start3A_100 : memref<1x!tpu.dma_semaphore, #tpu.memory_space<semaphore_mem>> -> memref<!tpu.dma_semaphore, #tpu.memory_space<semaphore_mem>>
    tpu.enqueue_indirect_dma source(%dma_start3A_99 : memref<6144x1024xf32, #tpu.memory_space<hbm>>) target(%dma_start3A_93 : memref<32x1024xf32, #tpu.memory_space<vmem>>) offsets(%dma_start3A_96 : memref<32xi32, #tpu.memory_space<vmem>>) semaphore(%dma_start3A_101 : memref<!tpu.dma_semaphore, #tpu.memory_space<semaphore_mem>>)
    %dma_wait3A_102 = arith.constant 0 : i32
    %dma_wait3A_103 = arith.constant 0 : i32
    %dma_wait3A_104 = arith.constant 0 : i32
    %dma_wait3A_105 = arith.constant 0 : i32
    %dma_wait3A_106 = arith.constant 0 : i32
    %dma_wait3A_107 = tpu.memref_slice %arg6[%dma_wait3A_103, %dma_wait3A_105, %dma_wait3A_106] : memref<2x32x1024xf32, #tpu.memory_space<vmem>> -> memref<1x32x1024xf32, #tpu.memory_space<vmem>>
    %dma_wait3A_108 = tpu.memref_squeeze %dma_wait3A_107 : memref<1x32x1024xf32, #tpu.memory_space<vmem>> -> memref<32x1024xf32, #tpu.memory_space<vmem>>
    %dma_wait3A_109 = arith.constant 32 : i32
    %dma_wait3A_110 = tpu.memref_slice %arg7[%dma_wait3A_102, %dma_wait3A_109] : memref<2x64xi32, #tpu.memory_space<vmem>> -> memref<1x32xi32, #tpu.memory_space<vmem>>
    %dma_wait3A_111 = tpu.memref_squeeze %dma_wait3A_110 : memref<1x32xi32, #tpu.memory_space<vmem>> -> memref<32xi32, #tpu.memory_space<vmem>>
    %dma_wait3A_112 = arith.constant 0 : i32
    %dma_wait3A_113 = arith.constant 0 : i32
    %dma_wait3A_114 = tpu.memref_slice %arg2[%dma_wait3A_112, %dma_wait3A_113] : memref<6144x1024xf32, #tpu.memory_space<hbm>> -> memref<6144x1024xf32, #tpu.memory_space<hbm>>
    %dma_wait3A_115 = tpu.memref_slice %arg9[%dma_wait3A_104] : memref<2x!tpu.dma_semaphore, #tpu.memory_space<semaphore_mem>> -> memref<1x!tpu.dma_semaphore, #tpu.memory_space<semaphore_mem>>
    %dma_wait3A_116 = tpu.memref_squeeze %dma_wait3A_115 : memref<1x!tpu.dma_semaphore, #tpu.memory_space<semaphore_mem>> -> memref<!tpu.dma_semaphore, #tpu.memory_space<semaphore_mem>>
    tpu.wait_indirect_dma semaphore(%dma_wait3A_116 : memref<!tpu.dma_semaphore, #tpu.memory_space<semaphore_mem>>) src(%dma_wait3A_114 : memref<6144x1024xf32, #tpu.memory_space<hbm>>) dst(%dma_wait3A_108 : memref<32x1024xf32, #tpu.memory_space<vmem>>)
    %dma_wait3A_117 = arith.constant 1 : i32
    %dma_wait3A_118 = arith.constant 1 : i32
    %dma_wait3A_119 = arith.constant 1 : i32
    %dma_wait3A_120 = arith.constant 0 : i32
    %dma_wait3A_121 = arith.constant 0 : i32
    %dma_wait3A_122 = tpu.memref_slice %arg6[%dma_wait3A_118, %dma_wait3A_120, %dma_wait3A_121] : memref<2x32x1024xf32, #tpu.memory_space<vmem>> -> memref<1x32x1024xf32, #tpu.memory_space<vmem>>
    %dma_wait3A_123 = tpu.memref_squeeze %dma_wait3A_122 : memref<1x32x1024xf32, #tpu.memory_space<vmem>> -> memref<32x1024xf32, #tpu.memory_space<vmem>>
    %dma_wait3A_124 = arith.constant 32 : i32
    %dma_wait3A_125 = tpu.memref_slice %arg7[%dma_wait3A_117, %dma_wait3A_124] : memref<2x64xi32, #tpu.memory_space<vmem>> -> memref<1x32xi32, #tpu.memory_space<vmem>>
    %dma_wait3A_126 = tpu.memref_squeeze %dma_wait3A_125 : memref<1x32xi32, #tpu.memory_space<vmem>> -> memref<32xi32, #tpu.memory_space<vmem>>
    %dma_wait3A_127 = arith.constant 0 : i32
    %dma_wait3A_128 = arith.constant 0 : i32
    %dma_wait3A_129 = tpu.memref_slice %arg2[%dma_wait3A_127, %dma_wait3A_128] : memref<6144x1024xf32, #tpu.memory_space<hbm>> -> memref<6144x1024xf32, #tpu.memory_space<hbm>>
    %dma_wait3A_130 = tpu.memref_slice %arg9[%dma_wait3A_119] : memref<2x!tpu.dma_semaphore, #tpu.memory_space<semaphore_mem>> -> memref<1x!tpu.dma_semaphore, #tpu.memory_space<semaphore_mem>>
    %dma_wait3A_131 = tpu.memref_squeeze %dma_wait3A_130 : memref<1x!tpu.dma_semaphore, #tpu.memory_space<semaphore_mem>> -> memref<!tpu.dma_semaphore, #tpu.memory_space<semaphore_mem>>
    tpu.wait_indirect_dma semaphore(%dma_wait3A_131 : memref<!tpu.dma_semaphore, #tpu.memory_space<semaphore_mem>>) src(%dma_wait3A_129 : memref<6144x1024xf32, #tpu.memory_space<hbm>>) dst(%dma_wait3A_123 : memref<32x1024xf32, #tpu.memory_space<vmem>>)
    %scan3A_132 = arith.constant 0 : i32
    %scan3A_133 = arith.constant 0 : i32
    %scan3A_134 = arith.constant 32 : i32
    %scan3A_135 = arith.addi %scan3A_133, %scan3A_134 : i32
    %scan3A_136 = arith.constant 1 : i32
    %scan3A_137 = scf.for %scan3A_142 = %scan3A_133 to %scan3A_135 step %scan3A_136 iter_args(%scan3A_143 = %scan3A_132) -> (i32)  : i32 {
      %add3A_144 = arith.constant 32 : i32
      %add3A_145 = arith.addi %add3A_144, %scan3A_142 : i32
      %broadcast_in_dim3A_146 = vector.broadcast %add3A_145 : i32 to vector<16xi32>
      %gather3A = tpu.vector_load_idx %arg8[%broadcast_in_dim3A_3, %broadcast_in_dim3A_146] : memref<2x64xf32, #tpu.memory_space<vmem>>[vector<16xi32>, vector<16xi32>], vector<16xf32>,
      %gather3A_147 = tpu.vector_load_idx %arg8[%broadcast_in_dim3A_5, %broadcast_in_dim3A_146] : memref<2x64xf32, #tpu.memory_space<vmem>>[vector<16xi32>, vector<16xi32>], vector<16xf32>,
      %get3A = arith.constant 0 : i32
      %get3A_148 = arith.index_cast %get3A : i32 to index
      %get3A_149 = arith.index_cast %scan3A_142 : i32 to index
      %get3A_150 = arith.constant 0 : index
      %get3A_151 = tpu.vector_load %arg6[%get3A_148, %get3A_149, %get3A_150] {strides = array<i32>} : memref<2x32x1024xf32, #tpu.memory_space<vmem>>, vector<16xf32>,
      %mul3A_152 = arith.mulf %get3A_151, %gather3A : vector<16xf32>
      %get3A_153 = arith.constant 1 : i32
      %get3A_154 = arith.index_cast %get3A_153 : i32 to index
      %get3A_155 = arith.index_cast %scan3A_142 : i32 to index
      %get3A_156 = arith.constant 0 : index
      %get3A_157 = tpu.vector_load %arg6[%get3A_154, %get3A_155, %get3A_156] {strides = array<i32>} : memref<2x32x1024xf32, #tpu.memory_space<vmem>>, vector<16xf32>,
      %mul3A_158 = arith.mulf %get3A_157, %gather3A_147 : vector<16xf32>
      %add3A_159 = arith.addf %mul3A_152, %mul3A_158 : vector<16xf32>
      %swap3A = arith.constant 0 : i32
      %swap3A_160 = arith.index_cast %swap3A : i32 to index
      %swap3A_161 = arith.index_cast %scan3A_142 : i32 to index
      %swap3A_162 = arith.constant 0 : index
      %swap3A_163 = tpu.vector_load %arg6[%swap3A_160, %swap3A_161, %swap3A_162] {strides = array<i32>} : memref<2x32x1024xf32, #tpu.memory_space<vmem>>, vector<16xf32>,
      tpu.vector_store %arg6[%swap3A_160, %swap3A_161, %swap3A_162], %add3A_159 {strides = array<i32>} : memref<2x32x1024xf32, #tpu.memory_space<vmem>>, vector<16xf32>,
      %get3A_164 = arith.constant 0 : i32
      %get3A_165 = arith.index_cast %get3A_164 : i32 to index
      %get3A_166 = arith.index_cast %scan3A_142 : i32 to index
      %get3A_167 = arith.constant 16 : index
      %get3A_168 = tpu.vector_load %arg6[%get3A_165, %get3A_166, %get3A_167] {strides = array<i32>} : memref<2x32x1024xf32, #tpu.memory_space<vmem>>, vector<16xf32>,
      %mul3A_169 = arith.mulf %get3A_168, %gather3A : vector<16xf32>
      %get3A_170 = arith.constant 1 : i32
      %get3A_171 = arith.index_cast %get3A_170 : i32 to index
      %get3A_172 = arith.index_cast %scan3A_142 : i32 to index
      %get3A_173 = arith.constant 16 : index
      %get3A_174 = tpu.vector_load %arg6[%get3A_171, %get3A_172, %get3A_173] {strides = array<i32>} : memref<2x32x1024xf32, #tpu.memory_space<vmem>>, vector<16xf32>,
      %mul3A_175 = arith.mulf %get3A_174, %gather3A_147 : vector<16xf32>
      %add3A_176 = arith.addf %mul3A_169, %mul3A_175 : vector<16xf32>
      %swap3A_177 = arith.constant 0 : i32
      %swap3A_178 = arith.index_cast %swap3A_177 : i32 to index
      %swap3A_179 = arith.index_cast %scan3A_142 : i32 to index
      %swap3A_180 = arith.constant 16 : index
      %swap3A_181 = tpu.vector_load %arg6[%swap3A_178, %swap3A_179, %swap3A_180] {strides = array<i32>} : memref<2x32x1024xf32, #tpu.memory_space<vmem>>, vector<16xf32>,
      tpu.vector_store %arg6[%swap3A_178, %swap3A_179, %swap3A_180], %add3A_176 {strides = array<i32>} : memref<2x32x1024xf32, #tpu.memory_space<vmem>>, vector<16xf32>,
      %get3A_182 = arith.constant 0 : i32
      %get3A_183 = arith.index_cast %get3A_182 : i32 to index
      %get3A_184 = arith.index_cast %scan3A_142 : i32 to index
      %get3A_185 = arith.constant 32 : index
      %get3A_186 = tpu.vector_load %arg6[%get3A_183, %get3A_184, %get3A_185] {strides = array<i32>} : memref<2x32x1024xf32, #tpu.memory_space<vmem>>, vector<16xf32>,
      %mul3A_187 = arith.mulf %get3A_186, %gather3A : vector<16xf32>
      %get3A_188 = arith.constant 1 : i32
      %get3A_189 = arith.index_cast %get3A_188 : i32 to index
      %get3A_190 = arith.index_cast %scan3A_142 : i32 to index
      %get3A_191 = arith.constant 32 : index
      %get3A_192 = tpu.vector_load %arg6[%get3A_189, %get3A_190, %get3A_191] {strides = array<i32>} : memref<2x32x1024xf32, #tpu.memory_space<vmem>>, vector<16xf32>,
      %mul3A_193 = arith.mulf %get3A_192, %gather3A_147 : vector<16xf32>
      %add3A_194 = arith.addf %mul3A_187, %mul3A_193 : vector<16xf32>
      %swap3A_195 = arith.constant 0 : i32
      %swap3A_196 = arith.index_cast %swap3A_195 : i32 to index
      %swap3A_197 = arith.index_cast %scan3A_142 : i32 to index
      %swap3A_198 = arith.constant 32 : index
      %swap3A_199 = tpu.vector_load %arg6[%swap3A_196, %swap3A_197, %swap3A_198] {strides = array<i32>} : memref<2x32x1024xf32, #tpu.memory_space<vmem>>, vector<16xf32>,
      tpu.vector_store %arg6[%swap3A_196, %swap3A_197, %swap3A_198], %add3A_194 {strides = array<i32>} : memref<2x32x1024xf32, #tpu.memory_space<vmem>>, vector<16xf32>,
      %get3A_200 = arith.constant 0 : i32
      %get3A_201 = arith.index_cast %get3A_200 : i32 to index
      %get3A_202 = arith.index_cast %scan3A_142 : i32 to index
      %get3A_203 = arith.constant 48 : index
      %get3A_204 = tpu.vector_load %arg6[%get3A_201, %get3A_202, %get3A_203] {strides = array<i32>} : memref<2x32x1024xf32, #tpu.memory_space<vmem>>, vector<16xf32>,
      %mul3A_205 = arith.mulf %get3A_204, %gather3A : vector<16xf32>
      %get3A_206 = arith.constant 1 : i32
      %get3A_207 = arith.index_cast %get3A_206 : i32 to index
      %get3A_208 = arith.index_cast %scan3A_142 : i32 to index
      %get3A_209 = arith.constant 48 : index
      %get3A_210 = tpu.vector_load %arg6[%get3A_207, %get3A_208, %get3A_209] {strides = array<i32>} : memref<2x32x1024xf32, #tpu.memory_space<vmem>>, vector<16xf32>,
      %mul3A_211 = arith.mulf %get3A_210, %gather3A_147 : vector<16xf32>
      %add3A_212 = arith.addf %mul3A_205, %mul3A_211 : vector<16xf32>
      %swap3A_213 = arith.constant 0 : i32
      %swap3A_214 = arith.index_cast %swap3A_213 : i32 to index
      %swap3A_215 = arith.index_cast %scan3A_142 : i32 to index
      %swap3A_216 = arith.constant 48 : index
      %swap3A_217 = tpu.vector_load %arg6[%swap3A_214, %swap3A_215, %swap3A_216] {strides = array<i32>} : memref<2x32x1024xf32, #tpu.memory_space<vmem>>, vector<16xf32>,
      tpu.vector_store %arg6[%swap3A_214, %swap3A_215, %swap3A_216], %add3A_212 {strides = array<i32>} : memref<2x32x1024xf32, #tpu.memory_space<vmem>>, vector<16xf32>,
      %get3A_218 = arith.constant 0 : i32
      %get3A_219 = arith.index_cast %get3A_218 : i32 to index
      %get3A_220 = arith.index_cast %scan3A_142 : i32 to index
      %get3A_221 = arith.constant 64 : index
      %get3A_222 = tpu.vector_load %arg6[%get3A_219, %get3A_220, %get3A_221] {strides = array<i32>} : memref<2x32x1024xf32, #tpu.memory_space<vmem>>, vector<16xf32>,
      %mul3A_223 = arith.mulf %get3A_222, %gather3A : vector<16xf32>
      %get3A_224 = arith.constant 1 : i32
      %get3A_225 = arith.index_cast %get3A_224 : i32 to index
      %get3A_226 = arith.index_cast %scan3A_142 : i32 to index
      %get3A_227 = arith.constant 64 : index
      %get3A_228 = tpu.vector_load %arg6[%get3A_225, %get3A_226, %get3A_227] {strides = array<i32>} : memref<2x32x1024xf32, #tpu.memory_space<vmem>>, vector<16xf32>,
      %mul3A_229 = arith.mulf %get3A_228, %gather3A_147 : vector<16xf32>
      %add3A_230 = arith.addf %mul3A_223, %mul3A_229 : vector<16xf32>
      %swap3A_231 = arith.constant 0 : i32
      %swap3A_232 = arith.index_cast %swap3A_231 : i32 to index
      %swap3A_233 = arith.index_cast %scan3A_142 : i32 to index
      %swap3A_234 = arith.constant 64 : index
      %swap3A_235 = tpu.vector_load %arg6[%swap3A_232, %swap3A_233, %swap3A_234] {strides = array<i32>} : memref<2x32x1024xf32, #tpu.memory_space<vmem>>, vector<16xf32>,
      tpu.vector_store %arg6[%swap3A_232, %swap3A_233, %swap3A_234], %add3A_230 {strides = array<i32>} : memref<2x32x1024xf32, #tpu.memory_space<vmem>>, vector<16xf32>,
      %get3A_236 = arith.constant 0 : i32
      %get3A_237 = arith.index_cast %get3A_236 : i32 to index
      %get3A_238 = arith.index_cast %scan3A_142 : i32 to index
      %get3A_239 = arith.constant 80 : index
      %get3A_240 = tpu.vector_load %arg6[%get3A_237, %get3A_238, %get3A_239] {strides = array<i32>} : memref<2x32x1024xf32, #tpu.memory_space<vmem>>, vector<16xf32>,
      %mul3A_241 = arith.mulf %get3A_240, %gather3A : vector<16xf32>
      %get3A_242 = arith.constant 1 : i32
      %get3A_243 = arith.index_cast %get3A_242 : i32 to index
      %get3A_244 = arith.index_cast %scan3A_142 : i32 to index
      %get3A_245 = arith.constant 80 : index
      %get3A_246 = tpu.vector_load %arg6[%get3A_243, %get3A_244, %get3A_245] {strides = array<i32>} : memref<2x32x1024xf32, #tpu.memory_space<vmem>>, vector<16xf32>,
      %mul3A_247 = arith.mulf %get3A_246, %gather3A_147 : vector<16xf32>
      %add3A_248 = arith.addf %mul3A_241, %mul3A_247 : vector<16xf32>
      %swap3A_249 = arith.constant 0 : i32
      %swap3A_250 = arith.index_cast %swap3A_249 : i32 to index
      %swap3A_251 = arith.index_cast %scan3A_142 : i32 to index
      %swap3A_252 = arith.constant 80 : index
      %swap3A_253 = tpu.vector_load %arg6[%swap3A_250, %swap3A_251, %swap3A_252] {strides = array<i32>} : memref<2x32x1024xf32, #tpu.memory_space<vmem>>, vector<16xf32>,
      tpu.vector_store %arg6[%swap3A_250, %swap3A_251, %swap3A_252], %add3A_248 {strides = array<i32>} : memref<2x32x1024xf32, #tpu.memory_space<vmem>>, vector<16xf32>,
      %get3A_254 = arith.constant 0 : i32
      %get3A_255 = arith.index_cast %get3A_254 : i32 to index
      %get3A_256 = arith.index_cast %scan3A_142 : i32 to index
      %get3A_257 = arith.constant 96 : index
      %get3A_258 = tpu.vector_load %arg6[%get3A_255, %get3A_256, %get3A_257] {strides = array<i32>} : memref<2x32x1024xf32, #tpu.memory_space<vmem>>, vector<16xf32>,
      %mul3A_259 = arith.mulf %get3A_258, %gather3A : vector<16xf32>
      %get3A_260 = arith.constant 1 : i32
      %get3A_261 = arith.index_cast %get3A_260 : i32 to index
      %get3A_262 = arith.index_cast %scan3A_142 : i32 to index
      %get3A_263 = arith.constant 96 : index
      %get3A_264 = tpu.vector_load %arg6[%get3A_261, %get3A_262, %get3A_263] {strides = array<i32>} : memref<2x32x1024xf32, #tpu.memory_space<vmem>>, vector<16xf32>,
      %mul3A_265 = arith.mulf %get3A_264, %gather3A_147 : vector<16xf32>
      %add3A_266 = arith.addf %mul3A_259, %mul3A_265 : vector<16xf32>
      %swap3A_267 = arith.constant 0 : i32
      %swap3A_268 = arith.index_cast %swap3A_267 : i32 to index
      %swap3A_269 = arith.index_cast %scan3A_142 : i32 to index
      %swap3A_270 = arith.constant 96 : index
      %swap3A_271 = tpu.vector_load %arg6[%swap3A_268, %swap3A_269, %swap3A_270] {strides = array<i32>} : memref<2x32x1024xf32, #tpu.memory_space<vmem>>, vector<16xf32>,
      tpu.vector_store %arg6[%swap3A_268, %swap3A_269, %swap3A_270], %add3A_266 {strides = array<i32>} : memref<2x32x1024xf32, #tpu.memory_space<vmem>>, vector<16xf32>,
      %get3A_272 = arith.constant 0 : i32
      %get3A_273 = arith.index_cast %get3A_272 : i32 to index
      %get3A_274 = arith.index_cast %scan3A_142 : i32 to index
      %get3A_275 = arith.constant 112 : index
      %get3A_276 = tpu.vector_load %arg6[%get3A_273, %get3A_274, %get3A_275] {strides = array<i32>} : memref<2x32x1024xf32, #tpu.memory_space<vmem>>, vector<16xf32>,
      %mul3A_277 = arith.mulf %get3A_276, %gather3A : vector<16xf32>
      %get3A_278 = arith.constant 1 : i32
      %get3A_279 = arith.index_cast %get3A_278 : i32 to index
      %get3A_280 = arith.index_cast %scan3A_142 : i32 to index
      %get3A_281 = arith.constant 112 : index
      %get3A_282 = tpu.vector_load %arg6[%get3A_279, %get3A_280, %get3A_281] {strides = array<i32>} : memref<2x32x1024xf32, #tpu.memory_space<vmem>>, vector<16xf32>,
      %mul3A_283 = arith.mulf %get3A_282, %gather3A_147 : vector<16xf32>
      %add3A_284 = arith.addf %mul3A_277, %mul3A_283 : vector<16xf32>
      %swap3A_285 = arith.constant 0 : i32
      %swap3A_286 = arith.index_cast %swap3A_285 : i32 to index
      %swap3A_287 = arith.index_cast %scan3A_142 : i32 to index
      %swap3A_288 = arith.constant 112 : index
      %swap3A_289 = tpu.vector_load %arg6[%swap3A_286, %swap3A_287, %swap3A_288] {strides = array<i32>} : memref<2x32x1024xf32, #tpu.memory_space<vmem>>, vector<16xf32>,
      tpu.vector_store %arg6[%swap3A_286, %swap3A_287, %swap3A_288], %add3A_284 {strides = array<i32>} : memref<2x32x1024xf32, #tpu.memory_space<vmem>>, vector<16xf32>,
      %get3A_290 = arith.constant 0 : i32
      %get3A_291 = arith.index_cast %get3A_290 : i32 to index
      %get3A_292 = arith.index_cast %scan3A_142 : i32 to index
      %get3A_293 = arith.constant 128 : index
      %get3A_294 = tpu.vector_load %arg6[%get3A_291, %get3A_292, %get3A_293] {strides = array<i32>} : memref<2x32x1024xf32, #tpu.memory_space<vmem>>, vector<16xf32>,
      %mul3A_295 = arith.mulf %get3A_294, %gather3A : vector<16xf32>
      %get3A_296 = arith.constant 1 : i32
      %get3A_297 = arith.index_cast %get3A_296 : i32 to index
      %get3A_298 = arith.index_cast %scan3A_142 : i32 to index
      %get3A_299 = arith.constant 128 : index
      %get3A_300 = tpu.vector_load %arg6[%get3A_297, %get3A_298, %get3A_299] {strides = array<i32>} : memref<2x32x1024xf32, #tpu.memory_space<vmem>>, vector<16xf32>,
      %mul3A_301 = arith.mulf %get3A_300, %gather3A_147 : vector<16xf32>
      %add3A_302 = arith.addf %mul3A_295, %mul3A_301 : vector<16xf32>
      %swap3A_303 = arith.constant 0 : i32
      %swap3A_304 = arith.index_cast %swap3A_303 : i32 to index
      %swap3A_305 = arith.index_cast %scan3A_142 : i32 to index
      %swap3A_306 = arith.constant 128 : index
      %swap3A_307 = tpu.vector_load %arg6[%swap3A_304, %swap3A_305, %swap3A_306] {strides = array<i32>} : memref<2x32x1024xf32, #tpu.memory_space<vmem>>, vector<16xf32>,
      tpu.vector_store %arg6[%swap3A_304, %swap3A_305, %swap3A_306], %add3A_302 {strides = array<i32>} : memref<2x32x1024xf32, #tpu.memory_space<vmem>>, vector<16xf32>,
      %get3A_308 = arith.constant 0 : i32
      %get3A_309 = arith.index_cast %get3A_308 : i32 to index
      %get3A_310 = arith.index_cast %scan3A_142 : i32 to index
      %get3A_311 = arith.constant 144 : index
      %get3A_312 = tpu.vector_load %arg6[%get3A_309, %get3A_310, %get3A_311] {strides = array<i32>} : memref<2x32x1024xf32, #tpu.memory_space<vmem>>, vector<16xf32>,
      %mul3A_313 = arith.mulf %get3A_312, %gather3A : vector<16xf32>
      %get3A_314 = arith.constant 1 : i32
      %get3A_315 = arith.index_cast %get3A_314 : i32 to index
      %get3A_316 = arith.index_cast %scan3A_142 : i32 to index
      %get3A_317 = arith.constant 144 : index
      %get3A_318 = tpu.vector_load %arg6[%get3A_315, %get3A_316, %get3A_317] {strides = array<i32>} : memref<2x32x1024xf32, #tpu.memory_space<vmem>>, vector<16xf32>,
      %mul3A_319 = arith.mulf %get3A_318, %gather3A_147 : vector<16xf32>
      %add3A_320 = arith.addf %mul3A_313, %mul3A_319 : vector<16xf32>
      %swap3A_321 = arith.constant 0 : i32
      %swap3A_322 = arith.index_cast %swap3A_321 : i32 to index
      %swap3A_323 = arith.index_cast %scan3A_142 : i32 to index
      %swap3A_324 = arith.constant 144 : index
      %swap3A_325 = tpu.vector_load %arg6[%swap3A_322, %swap3A_323, %swap3A_324] {strides = array<i32>} : memref<2x32x1024xf32, #tpu.memory_space<vmem>>, vector<16xf32>,
      tpu.vector_store %arg6[%swap3A_322, %swap3A_323, %swap3A_324], %add3A_320 {strides = array<i32>} : memref<2x32x1024xf32, #tpu.memory_space<vmem>>, vector<16xf32>,
      %get3A_326 = arith.constant 0 : i32
      %get3A_327 = arith.index_cast %get3A_326 : i32 to index
      %get3A_328 = arith.index_cast %scan3A_142 : i32 to index
      %get3A_329 = arith.constant 160 : index
      %get3A_330 = tpu.vector_load %arg6[%get3A_327, %get3A_328, %get3A_329] {strides = array<i32>} : memref<2x32x1024xf32, #tpu.memory_space<vmem>>, vector<16xf32>,
      %mul3A_331 = arith.mulf %get3A_330, %gather3A : vector<16xf32>
      %get3A_332 = arith.constant 1 : i32
      %get3A_333 = arith.index_cast %get3A_332 : i32 to index
      %get3A_334 = arith.index_cast %scan3A_142 : i32 to index
      %get3A_335 = arith.constant 160 : index
      %get3A_336 = tpu.vector_load %arg6[%get3A_333, %get3A_334, %get3A_335] {strides = array<i32>} : memref<2x32x1024xf32, #tpu.memory_space<vmem>>, vector<16xf32>,
      %mul3A_337 = arith.mulf %get3A_336, %gather3A_147 : vector<16xf32>
      %add3A_338 = arith.addf %mul3A_331, %mul3A_337 : vector<16xf32>
      %swap3A_339 = arith.constant 0 : i32
      %swap3A_340 = arith.index_cast %swap3A_339 : i32 to index
      %swap3A_341 = arith.index_cast %scan3A_142 : i32 to index
      %swap3A_342 = arith.constant 160 : index
      %swap3A_343 = tpu.vector_load %arg6[%swap3A_340, %swap3A_341, %swap3A_342] {strides = array<i32>} : memref<2x32x1024xf32, #tpu.memory_space<vmem>>, vector<16xf32>,
      tpu.vector_store %arg6[%swap3A_340, %swap3A_341, %swap3A_342], %add3A_338 {strides = array<i32>} : memref<2x32x1024xf32, #tpu.memory_space<vmem>>, vector<16xf32>,
      %get3A_344 = arith.constant 0 : i32
      %get3A_345 = arith.index_cast %get3A_344 : i32 to index
      %get3A_346 = arith.index_cast %scan3A_142 : i32 to index
      %get3A_347 = arith.constant 176 : index
      %get3A_348 = tpu.vector_load %arg6[%get3A_345, %get3A_346, %get3A_347] {strides = array<i32>} : memref<2x32x1024xf32, #tpu.memory_space<vmem>>, vector<16xf32>,
      %mul3A_349 = arith.mulf %get3A_348, %gather3A : vector<16xf32>
      %get3A_350 = arith.constant 1 : i32
      %get3A_351 = arith.index_cast %get3A_350 : i32 to index
      %get3A_352 = arith.index_cast %scan3A_142 : i32 to index
      %get3A_353 = arith.constant 176 : index
      %get3A_354 = tpu.vector_load %arg6[%get3A_351, %get3A_352, %get3A_353] {strides = array<i32>} : memref<2x32x1024xf32, #tpu.memory_space<vmem>>, vector<16xf32>,
      %mul3A_355 = arith.mulf %get3A_354, %gather3A_147 : vector<16xf32>
      %add3A_356 = arith.addf %mul3A_349, %mul3A_355 : vector<16xf32>
      %swap3A_357 = arith.constant 0 : i32
      %swap3A_358 = arith.index_cast %swap3A_357 : i32 to index
      %swap3A_359 = arith.index_cast %scan3A_142 : i32 to index
      %swap3A_360 = arith.constant 176 : index
      %swap3A_361 = tpu.vector_load %arg6[%swap3A_358, %swap3A_359, %swap3A_360] {strides = array<i32>} : memref<2x32x1024xf32, #tpu.memory_space<vmem>>, vector<16xf32>,
      tpu.vector_store %arg6[%swap3A_358, %swap3A_359, %swap3A_360], %add3A_356 {strides = array<i32>} : memref<2x32x1024xf32, #tpu.memory_space<vmem>>, vector<16xf32>,
      %get3A_362 = arith.constant 0 : i32
      %get3A_363 = arith.index_cast %get3A_362 : i32 to index
      %get3A_364 = arith.index_cast %scan3A_142 : i32 to index
      %get3A_365 = arith.constant 192 : index
      %get3A_366 = tpu.vector_load %arg6[%get3A_363, %get3A_364, %get3A_365] {strides = array<i32>} : memref<2x32x1024xf32, #tpu.memory_space<vmem>>, vector<16xf32>,
      %mul3A_367 = arith.mulf %get3A_366, %gather3A : vector<16xf32>
      %get3A_368 = arith.constant 1 : i32
      %get3A_369 = arith.index_cast %get3A_368 : i32 to index
      %get3A_370 = arith.index_cast %scan3A_142 : i32 to index
      %get3A_371 = arith.constant 192 : index
      %get3A_372 = tpu.vector_load %arg6[%get3A_369, %get3A_370, %get3A_371] {strides = array<i32>} : memref<2x32x1024xf32, #tpu.memory_space<vmem>>, vector<16xf32>,
      %mul3A_373 = arith.mulf %get3A_372, %gather3A_147 : vector<16xf32>
      %add3A_374 = arith.addf %mul3A_367, %mul3A_373 : vector<16xf32>
      %swap3A_375 = arith.constant 0 : i32
      %swap3A_376 = arith.index_cast %swap3A_375 : i32 to index
      %swap3A_377 = arith.index_cast %scan3A_142 : i32 to index
      %swap3A_378 = arith.constant 192 : index
      %swap3A_379 = tpu.vector_load %arg6[%swap3A_376, %swap3A_377, %swap3A_378] {strides = array<i32>} : memref<2x32x1024xf32, #tpu.memory_space<vmem>>, vector<16xf32>,
      tpu.vector_store %arg6[%swap3A_376, %swap3A_377, %swap3A_378], %add3A_374 {strides = array<i32>} : memref<2x32x1024xf32, #tpu.memory_space<vmem>>, vector<16xf32>,
      %get3A_380 = arith.constant 0 : i32
      %get3A_381 = arith.index_cast %get3A_380 : i32 to index
      %get3A_382 = arith.index_cast %scan3A_142 : i32 to index
      %get3A_383 = arith.constant 208 : index
      %get3A_384 = tpu.vector_load %arg6[%get3A_381, %get3A_382, %get3A_383] {strides = array<i32>} : memref<2x32x1024xf32, #tpu.memory_space<vmem>>, vector<16xf32>,
      %mul3A_385 = arith.mulf %get3A_384, %gather3A : vector<16xf32>
      %get3A_386 = arith.constant 1 : i32
      %get3A_387 = arith.index_cast %get3A_386 : i32 to index
      %get3A_388 = arith.index_cast %scan3A_142 : i32 to index
      %get3A_389 = arith.constant 208 : index
      %get3A_390 = tpu.vector_load %arg6[%get3A_387, %get3A_388, %get3A_389] {strides = array<i32>} : memref<2x32x1024xf32, #tpu.memory_space<vmem>>, vector<16xf32>,
      %mul3A_391 = arith.mulf %get3A_390, %gather3A_147 : vector<16xf32>
      %add3A_392 = arith.addf %mul3A_385, %mul3A_391 : vector<16xf32>
      %swap3A_393 = arith.constant 0 : i32
      %swap3A_394 = arith.index_cast %swap3A_393 : i32 to index
      %swap3A_395 = arith.index_cast %scan3A_142 : i32 to index
      %swap3A_396 = arith.constant 208 : index
      %swap3A_397 = tpu.vector_load %arg6[%swap3A_394, %swap3A_395, %swap3A_396] {strides = array<i32>} : memref<2x32x1024xf32, #tpu.memory_space<vmem>>, vector<16xf32>,
      tpu.vector_store %arg6[%swap3A_394, %swap3A_395, %swap3A_396], %add3A_392 {strides = array<i32>} : memref<2x32x1024xf32, #tpu.memory_space<vmem>>, vector<16xf32>,
      %get3A_398 = arith.constant 0 : i32
      %get3A_399 = arith.index_cast %get3A_398 : i32 to index
      %get3A_400 = arith.index_cast %scan3A_142 : i32 to index
      %get3A_401 = arith.constant 224 : index
      %get3A_402 = tpu.vector_load %arg6[%get3A_399, %get3A_400, %get3A_401] {strides = array<i32>} : memref<2x32x1024xf32, #tpu.memory_space<vmem>>, vector<16xf32>,
      %mul3A_403 = arith.mulf %get3A_402, %gather3A : vector<16xf32>
      %get3A_404 = arith.constant 1 : i32
      %get3A_405 = arith.index_cast %get3A_404 : i32 to index
      %get3A_406 = arith.index_cast %scan3A_142 : i32 to index
      %get3A_407 = arith.constant 224 : index
      %get3A_408 = tpu.vector_load %arg6[%get3A_405, %get3A_406, %get3A_407] {strides = array<i32>} : memref<2x32x1024xf32, #tpu.memory_space<vmem>>, vector<16xf32>,
      %mul3A_409 = arith.mulf %get3A_408, %gather3A_147 : vector<16xf32>
      %add3A_410 = arith.addf %mul3A_403, %mul3A_409 : vector<16xf32>
      %swap3A_411 = arith.constant 0 : i32
      %swap3A_412 = arith.index_cast %swap3A_411 : i32 to index
      %swap3A_413 = arith.index_cast %scan3A_142 : i32 to index
      %swap3A_414 = arith.constant 224 : index
      %swap3A_415 = tpu.vector_load %arg6[%swap3A_412, %swap3A_413, %swap3A_414] {strides = array<i32>} : memref<2x32x1024xf32, #tpu.memory_space<vmem>>, vector<16xf32>,
      tpu.vector_store %arg6[%swap3A_412, %swap3A_413, %swap3A_414], %add3A_410 {strides = array<i32>} : memref<2x32x1024xf32, #tpu.memory_space<vmem>>, vector<16xf32>,
      %get3A_416 = arith.constant 0 : i32
      %get3A_417 = arith.index_cast %get3A_416 : i32 to index
      %get3A_418 = arith.index_cast %scan3A_142 : i32 to index
      %get3A_419 = arith.constant 240 : index
      %get3A_420 = tpu.vector_load %arg6[%get3A_417, %get3A_418, %get3A_419] {strides = array<i32>} : memref<2x32x1024xf32, #tpu.memory_space<vmem>>, vector<16xf32>,
      %mul3A_421 = arith.mulf %get3A_420, %gather3A : vector<16xf32>
      %get3A_422 = arith.constant 1 : i32
      %get3A_423 = arith.index_cast %get3A_422 : i32 to index
      %get3A_424 = arith.index_cast %scan3A_142 : i32 to index
      %get3A_425 = arith.constant 240 : index
      %get3A_426 = tpu.vector_load %arg6[%get3A_423, %get3A_424, %get3A_425] {strides = array<i32>} : memref<2x32x1024xf32, #tpu.memory_space<vmem>>, vector<16xf32>,
      %mul3A_427 = arith.mulf %get3A_426, %gather3A_147 : vector<16xf32>
      %add3A_428 = arith.addf %mul3A_421, %mul3A_427 : vector<16xf32>
      %swap3A_429 = arith.constant 0 : i32
      %swap3A_430 = arith.index_cast %swap3A_429 : i32 to index
      %swap3A_431 = arith.index_cast %scan3A_142 : i32 to index
      %swap3A_432 = arith.constant 240 : index
      %swap3A_433 = tpu.vector_load %arg6[%swap3A_430, %swap3A_431, %swap3A_432] {strides = array<i32>} : memref<2x32x1024xf32, #tpu.memory_space<vmem>>, vector<16xf32>,
      tpu.vector_store %arg6[%swap3A_430, %swap3A_431, %swap3A_432], %add3A_428 {strides = array<i32>} : memref<2x32x1024xf32, #tpu.memory_space<vmem>>, vector<16xf32>,
      %get3A_434 = arith.constant 0 : i32
      %get3A_435 = arith.index_cast %get3A_434 : i32 to index
      %get3A_436 = arith.index_cast %scan3A_142 : i32 to index
      %get3A_437 = arith.constant 256 : index
      %get3A_438 = tpu.vector_load %arg6[%get3A_435, %get3A_436, %get3A_437] {strides = array<i32>} : memref<2x32x1024xf32, #tpu.memory_space<vmem>>, vector<16xf32>,
      %mul3A_439 = arith.mulf %get3A_438, %gather3A : vector<16xf32>
      %get3A_440 = arith.constant 1 : i32
      %get3A_441 = arith.index_cast %get3A_440 : i32 to index
      %get3A_442 = arith.index_cast %scan3A_142 : i32 to index
      %get3A_443 = arith.constant 256 : index
      %get3A_444 = tpu.vector_load %arg6[%get3A_441, %get3A_442, %get3A_443] {strides = array<i32>} : memref<2x32x1024xf32, #tpu.memory_space<vmem>>, vector<16xf32>,
      %mul3A_445 = arith.mulf %get3A_444, %gather3A_147 : vector<16xf32>
      %add3A_446 = arith.addf %mul3A_439, %mul3A_445 : vector<16xf32>
      %swap3A_447 = arith.constant 0 : i32
      %swap3A_448 = arith.index_cast %swap3A_447 : i32 to index
      %swap3A_449 = arith.index_cast %scan3A_142 : i32 to index
      %swap3A_450 = arith.constant 256 : index
      %swap3A_451 = tpu.vector_load %arg6[%swap3A_448, %swap3A_449, %swap3A_450] {strides = array<i32>} : memref<2x32x1024xf32, #tpu.memory_space<vmem>>, vector<16xf32>,
      tpu.vector_store %arg6[%swap3A_448, %swap3A_449, %swap3A_450], %add3A_446 {strides = array<i32>} : memref<2x32x1024xf32, #tpu.memory_space<vmem>>, vector<16xf32>,
      %get3A_452 = arith.constant 0 : i32
      %get3A_453 = arith.index_cast %get3A_452 : i32 to index
      %get3A_454 = arith.index_cast %scan3A_142 : i32 to index
      %get3A_455 = arith.constant 272 : index
      %get3A_456 = tpu.vector_load %arg6[%get3A_453, %get3A_454, %get3A_455] {strides = array<i32>} : memref<2x32x1024xf32, #tpu.memory_space<vmem>>, vector<16xf32>,
      %mul3A_457 = arith.mulf %get3A_456, %gather3A : vector<16xf32>
      %get3A_458 = arith.constant 1 : i32
      %get3A_459 = arith.index_cast %get3A_458 : i32 to index
      %get3A_460 = arith.index_cast %scan3A_142 : i32 to index
      %get3A_461 = arith.constant 272 : index
      %get3A_462 = tpu.vector_load %arg6[%get3A_459, %get3A_460, %get3A_461] {strides = array<i32>} : memref<2x32x1024xf32, #tpu.memory_space<vmem>>, vector<16xf32>,
      %mul3A_463 = arith.mulf %get3A_462, %gather3A_147 : vector<16xf32>
      %add3A_464 = arith.addf %mul3A_457, %mul3A_463 : vector<16xf32>
      %swap3A_465 = arith.constant 0 : i32
      %swap3A_466 = arith.index_cast %swap3A_465 : i32 to index
      %swap3A_467 = arith.index_cast %scan3A_142 : i32 to index
      %swap3A_468 = arith.constant 272 : index
      %swap3A_469 = tpu.vector_load %arg6[%swap3A_466, %swap3A_467, %swap3A_468] {strides = array<i32>} : memref<2x32x1024xf32, #tpu.memory_space<vmem>>, vector<16xf32>,
      tpu.vector_store %arg6[%swap3A_466, %swap3A_467, %swap3A_468], %add3A_464 {strides = array<i32>} : memref<2x32x1024xf32, #tpu.memory_space<vmem>>, vector<16xf32>,
      %get3A_470 = arith.constant 0 : i32
      %get3A_471 = arith.index_cast %get3A_470 : i32 to index
      %get3A_472 = arith.index_cast %scan3A_142 : i32 to index
      %get3A_473 = arith.constant 288 : index
      %get3A_474 = tpu.vector_load %arg6[%get3A_471, %get3A_472, %get3A_473] {strides = array<i32>} : memref<2x32x1024xf32, #tpu.memory_space<vmem>>, vector<16xf32>,
      %mul3A_475 = arith.mulf %get3A_474, %gather3A : vector<16xf32>
      %get3A_476 = arith.constant 1 : i32
      %get3A_477 = arith.index_cast %get3A_476 : i32 to index
      %get3A_478 = arith.index_cast %scan3A_142 : i32 to index
      %get3A_479 = arith.constant 288 : index
      %get3A_480 = tpu.vector_load %arg6[%get3A_477, %get3A_478, %get3A_479] {strides = array<i32>} : memref<2x32x1024xf32, #tpu.memory_space<vmem>>, vector<16xf32>,
      %mul3A_481 = arith.mulf %get3A_480, %gather3A_147 : vector<16xf32>
      %add3A_482 = arith.addf %mul3A_475, %mul3A_481 : vector<16xf32>
      %swap3A_483 = arith.constant 0 : i32
      %swap3A_484 = arith.index_cast %swap3A_483 : i32 to index
      %swap3A_485 = arith.index_cast %scan3A_142 : i32 to index
      %swap3A_486 = arith.constant 288 : index
      %swap3A_487 = tpu.vector_load %arg6[%swap3A_484, %swap3A_485, %swap3A_486] {strides = array<i32>} : memref<2x32x1024xf32, #tpu.memory_space<vmem>>, vector<16xf32>,
      tpu.vector_store %arg6[%swap3A_484, %swap3A_485, %swap3A_486], %add3A_482 {strides = array<i32>} : memref<2x32x1024xf32, #tpu.memory_space<vmem>>, vector<16xf32>,
      %get3A_488 = arith.constant 0 : i32
      %get3A_489 = arith.index_cast %get3A_488 : i32 to index
      %get3A_490 = arith.index_cast %scan3A_142 : i32 to index
      %get3A_491 = arith.constant 304 : index
      %get3A_492 = tpu.vector_load %arg6[%get3A_489, %get3A_490, %get3A_491] {strides = array<i32>} : memref<2x32x1024xf32, #tpu.memory_space<vmem>>, vector<16xf32>,
      %mul3A_493 = arith.mulf %get3A_492, %gather3A : vector<16xf32>
      %get3A_494 = arith.constant 1 : i32
      %get3A_495 = arith.index_cast %get3A_494 : i32 to index
      %get3A_496 = arith.index_cast %scan3A_142 : i32 to index
      %get3A_497 = arith.constant 304 : index
      %get3A_498 = tpu.vector_load %arg6[%get3A_495, %get3A_496, %get3A_497] {strides = array<i32>} : memref<2x32x1024xf32, #tpu.memory_space<vmem>>, vector<16xf32>,
      %mul3A_499 = arith.mulf %get3A_498, %gather3A_147 : vector<16xf32>
      %add3A_500 = arith.addf %mul3A_493, %mul3A_499 : vector<16xf32>
      %swap3A_501 = arith.constant 0 : i32
      %swap3A_502 = arith.index_cast %swap3A_501 : i32 to index
      %swap3A_503 = arith.index_cast %scan3A_142 : i32 to index
      %swap3A_504 = arith.constant 304 : index
      %swap3A_505 = tpu.vector_load %arg6[%swap3A_502, %swap3A_503, %swap3A_504] {strides = array<i32>} : memref<2x32x1024xf32, #tpu.memory_space<vmem>>, vector<16xf32>,
      tpu.vector_store %arg6[%swap3A_502, %swap3A_503, %swap3A_504], %add3A_500 {strides = array<i32>} : memref<2x32x1024xf32, #tpu.memory_space<vmem>>, vector<16xf32>,
      %get3A_506 = arith.constant 0 : i32
      %get3A_507 = arith.index_cast %get3A_506 : i32 to index
      %get3A_508 = arith.index_cast %scan3A_142 : i32 to index
      %get3A_509 = arith.constant 320 : index
      %get3A_510 = tpu.vector_load %arg6[%get3A_507, %get3A_508, %get3A_509] {strides = array<i32>} : memref<2x32x1024xf32, #tpu.memory_space<vmem>>, vector<16xf32>,
      %mul3A_511 = arith.mulf %get3A_510, %gather3A : vector<16xf32>
      %get3A_512 = arith.constant 1 : i32
      %get3A_513 = arith.index_cast %get3A_512 : i32 to index
      %get3A_514 = arith.index_cast %scan3A_142 : i32 to index
      %get3A_515 = arith.constant 320 : index
      %get3A_516 = tpu.vector_load %arg6[%get3A_513, %get3A_514, %get3A_515] {strides = array<i32>} : memref<2x32x1024xf32, #tpu.memory_space<vmem>>, vector<16xf32>,
      %mul3A_517 = arith.mulf %get3A_516, %gather3A_147 : vector<16xf32>
      %add3A_518 = arith.addf %mul3A_511, %mul3A_517 : vector<16xf32>
      %swap3A_519 = arith.constant 0 : i32
      %swap3A_520 = arith.index_cast %swap3A_519 : i32 to index
      %swap3A_521 = arith.index_cast %scan3A_142 : i32 to index
      %swap3A_522 = arith.constant 320 : index
      %swap3A_523 = tpu.vector_load %arg6[%swap3A_520, %swap3A_521, %swap3A_522] {strides = array<i32>} : memref<2x32x1024xf32, #tpu.memory_space<vmem>>, vector<16xf32>,
      tpu.vector_store %arg6[%swap3A_520, %swap3A_521, %swap3A_522], %add3A_518 {strides = array<i32>} : memref<2x32x1024xf32, #tpu.memory_space<vmem>>, vector<16xf32>,
      %get3A_524 = arith.constant 0 : i32
      %get3A_525 = arith.index_cast %get3A_524 : i32 to index
      %get3A_526 = arith.index_cast %scan3A_142 : i32 to index
      %get3A_527 = arith.constant 336 : index
      %get3A_528 = tpu.vector_load %arg6[%get3A_525, %get3A_526, %get3A_527] {strides = array<i32>} : memref<2x32x1024xf32, #tpu.memory_space<vmem>>, vector<16xf32>,
      %mul3A_529 = arith.mulf %get3A_528, %gather3A : vector<16xf32>
      %get3A_530 = arith.constant 1 : i32
      %get3A_531 = arith.index_cast %get3A_530 : i32 to index
      %get3A_532 = arith.index_cast %scan3A_142 : i32 to index
      %get3A_533 = arith.constant 336 : index
      %get3A_534 = tpu.vector_load %arg6[%get3A_531, %get3A_532, %get3A_533] {strides = array<i32>} : memref<2x32x1024xf32, #tpu.memory_space<vmem>>, vector<16xf32>,
      %mul3A_535 = arith.mulf %get3A_534, %gather3A_147 : vector<16xf32>
      %add3A_536 = arith.addf %mul3A_529, %mul3A_535 : vector<16xf32>
      %swap3A_537 = arith.constant 0 : i32
      %swap3A_538 = arith.index_cast %swap3A_537 : i32 to index
      %swap3A_539 = arith.index_cast %scan3A_142 : i32 to index
      %swap3A_540 = arith.constant 336 : index
      %swap3A_541 = tpu.vector_load %arg6[%swap3A_538, %swap3A_539, %swap3A_540] {strides = array<i32>} : memref<2x32x1024xf32, #tpu.memory_space<vmem>>, vector<16xf32>,
      tpu.vector_store %arg6[%swap3A_538, %swap3A_539, %swap3A_540], %add3A_536 {strides = array<i32>} : memref<2x32x1024xf32, #tpu.memory_space<vmem>>, vector<16xf32>,
      %get3A_542 = arith.constant 0 : i32
      %get3A_543 = arith.index_cast %get3A_542 : i32 to index
      %get3A_544 = arith.index_cast %scan3A_142 : i32 to index
      %get3A_545 = arith.constant 352 : index
      %get3A_546 = tpu.vector_load %arg6[%get3A_543, %get3A_544, %get3A_545] {strides = array<i32>} : memref<2x32x1024xf32, #tpu.memory_space<vmem>>, vector<16xf32>,
      %mul3A_547 = arith.mulf %get3A_546, %gather3A : vector<16xf32>
      %get3A_548 = arith.constant 1 : i32
      %get3A_549 = arith.index_cast %get3A_548 : i32 to index
      %get3A_550 = arith.index_cast %scan3A_142 : i32 to index
      %get3A_551 = arith.constant 352 : index
      %get3A_552 = tpu.vector_load %arg6[%get3A_549, %get3A_550, %get3A_551] {strides = array<i32>} : memref<2x32x1024xf32, #tpu.memory_space<vmem>>, vector<16xf32>,
      %mul3A_553 = arith.mulf %get3A_552, %gather3A_147 : vector<16xf32>
      %add3A_554 = arith.addf %mul3A_547, %mul3A_553 : vector<16xf32>
      %swap3A_555 = arith.constant 0 : i32
      %swap3A_556 = arith.index_cast %swap3A_555 : i32 to index
      %swap3A_557 = arith.index_cast %scan3A_142 : i32 to index
      %swap3A_558 = arith.constant 352 : index
      %swap3A_559 = tpu.vector_load %arg6[%swap3A_556, %swap3A_557, %swap3A_558] {strides = array<i32>} : memref<2x32x1024xf32, #tpu.memory_space<vmem>>, vector<16xf32>,
      tpu.vector_store %arg6[%swap3A_556, %swap3A_557, %swap3A_558], %add3A_554 {strides = array<i32>} : memref<2x32x1024xf32, #tpu.memory_space<vmem>>, vector<16xf32>,
      %get3A_560 = arith.constant 0 : i32
      %get3A_561 = arith.index_cast %get3A_560 : i32 to index
      %get3A_562 = arith.index_cast %scan3A_142 : i32 to index
      %get3A_563 = arith.constant 368 : index
      %get3A_564 = tpu.vector_load %arg6[%get3A_561, %get3A_562, %get3A_563] {strides = array<i32>} : memref<2x32x1024xf32, #tpu.memory_space<vmem>>, vector<16xf32>,
      %mul3A_565 = arith.mulf %get3A_564, %gather3A : vector<16xf32>
      %get3A_566 = arith.constant 1 : i32
      %get3A_567 = arith.index_cast %get3A_566 : i32 to index
      %get3A_568 = arith.index_cast %scan3A_142 : i32 to index
      %get3A_569 = arith.constant 368 : index
      %get3A_570 = tpu.vector_load %arg6[%get3A_567, %get3A_568, %get3A_569] {strides = array<i32>} : memref<2x32x1024xf32, #tpu.memory_space<vmem>>, vector<16xf32>,
      %mul3A_571 = arith.mulf %get3A_570, %gather3A_147 : vector<16xf32>
      %add3A_572 = arith.addf %mul3A_565, %mul3A_571 : vector<16xf32>
      %swap3A_573 = arith.constant 0 : i32
      %swap3A_574 = arith.index_cast %swap3A_573 : i32 to index
      %swap3A_575 = arith.index_cast %scan3A_142 : i32 to index
      %swap3A_576 = arith.constant 368 : index
      %swap3A_577 = tpu.vector_load %arg6[%swap3A_574, %swap3A_575, %swap3A_576] {strides = array<i32>} : memref<2x32x1024xf32, #tpu.memory_space<vmem>>, vector<16xf32>,
      tpu.vector_store %arg6[%swap3A_574, %swap3A_575, %swap3A_576], %add3A_572 {strides = array<i32>} : memref<2x32x1024xf32, #tpu.memory_space<vmem>>, vector<16xf32>,
      %get3A_578 = arith.constant 0 : i32
      %get3A_579 = arith.index_cast %get3A_578 : i32 to index
      %get3A_580 = arith.index_cast %scan3A_142 : i32 to index
      %get3A_581 = arith.constant 384 : index
      %get3A_582 = tpu.vector_load %arg6[%get3A_579, %get3A_580, %get3A_581] {strides = array<i32>} : memref<2x32x1024xf32, #tpu.memory_space<vmem>>, vector<16xf32>,
      %mul3A_583 = arith.mulf %get3A_582, %gather3A : vector<16xf32>
      %get3A_584 = arith.constant 1 : i32
      %get3A_585 = arith.index_cast %get3A_584 : i32 to index
      %get3A_586 = arith.index_cast %scan3A_142 : i32 to index
      %get3A_587 = arith.constant 384 : index
      %get3A_588 = tpu.vector_load %arg6[%get3A_585, %get3A_586, %get3A_587] {strides = array<i32>} : memref<2x32x1024xf32, #tpu.memory_space<vmem>>, vector<16xf32>,
      %mul3A_589 = arith.mulf %get3A_588, %gather3A_147 : vector<16xf32>
      %add3A_590 = arith.addf %mul3A_583, %mul3A_589 : vector<16xf32>
      %swap3A_591 = arith.constant 0 : i32
      %swap3A_592 = arith.index_cast %swap3A_591 : i32 to index
      %swap3A_593 = arith.index_cast %scan3A_142 : i32 to index
      %swap3A_594 = arith.constant 384 : index
      %swap3A_595 = tpu.vector_load %arg6[%swap3A_592, %swap3A_593, %swap3A_594] {strides = array<i32>} : memref<2x32x1024xf32, #tpu.memory_space<vmem>>, vector<16xf32>,
      tpu.vector_store %arg6[%swap3A_592, %swap3A_593, %swap3A_594], %add3A_590 {strides = array<i32>} : memref<2x32x1024xf32, #tpu.memory_space<vmem>>, vector<16xf32>,
      %get3A_596 = arith.constant 0 : i32
      %get3A_597 = arith.index_cast %get3A_596 : i32 to index
      %get3A_598 = arith.index_cast %scan3A_142 : i32 to index
      %get3A_599 = arith.constant 400 : index
      %get3A_600 = tpu.vector_load %arg6[%get3A_597, %get3A_598, %get3A_599] {strides = array<i32>} : memref<2x32x1024xf32, #tpu.memory_space<vmem>>, vector<16xf32>,
      %mul3A_601 = arith.mulf %get3A_600, %gather3A : vector<16xf32>
      %get3A_602 = arith.constant 1 : i32
      %get3A_603 = arith.index_cast %get3A_602 : i32 to index
      %get3A_604 = arith.index_cast %scan3A_142 : i32 to index
      %get3A_605 = arith.constant 400 : index
      %get3A_606 = tpu.vector_load %arg6[%get3A_603, %get3A_604, %get3A_605] {strides = array<i32>} : memref<2x32x1024xf32, #tpu.memory_space<vmem>>, vector<16xf32>,
      %mul3A_607 = arith.mulf %get3A_606, %gather3A_147 : vector<16xf32>
      %add3A_608 = arith.addf %mul3A_601, %mul3A_607 : vector<16xf32>
      %swap3A_609 = arith.constant 0 : i32
      %swap3A_610 = arith.index_cast %swap3A_609 : i32 to index
      %swap3A_611 = arith.index_cast %scan3A_142 : i32 to index
      %swap3A_612 = arith.constant 400 : index
      %swap3A_613 = tpu.vector_load %arg6[%swap3A_610, %swap3A_611, %swap3A_612] {strides = array<i32>} : memref<2x32x1024xf32, #tpu.memory_space<vmem>>, vector<16xf32>,
      tpu.vector_store %arg6[%swap3A_610, %swap3A_611, %swap3A_612], %add3A_608 {strides = array<i32>} : memref<2x32x1024xf32, #tpu.memory_space<vmem>>, vector<16xf32>,
      %get3A_614 = arith.constant 0 : i32
      %get3A_615 = arith.index_cast %get3A_614 : i32 to index
      %get3A_616 = arith.index_cast %scan3A_142 : i32 to index
      %get3A_617 = arith.constant 416 : index
      %get3A_618 = tpu.vector_load %arg6[%get3A_615, %get3A_616, %get3A_617] {strides = array<i32>} : memref<2x32x1024xf32, #tpu.memory_space<vmem>>, vector<16xf32>,
      %mul3A_619 = arith.mulf %get3A_618, %gather3A : vector<16xf32>
      %get3A_620 = arith.constant 1 : i32
      %get3A_621 = arith.index_cast %get3A_620 : i32 to index
      %get3A_622 = arith.index_cast %scan3A_142 : i32 to index
      %get3A_623 = arith.constant 416 : index
      %get3A_624 = tpu.vector_load %arg6[%get3A_621, %get3A_622, %get3A_623] {strides = array<i32>} : memref<2x32x1024xf32, #tpu.memory_space<vmem>>, vector<16xf32>,
      %mul3A_625 = arith.mulf %get3A_624, %gather3A_147 : vector<16xf32>
      %add3A_626 = arith.addf %mul3A_619, %mul3A_625 : vector<16xf32>
      %swap3A_627 = arith.constant 0 : i32
      %swap3A_628 = arith.index_cast %swap3A_627 : i32 to index
      %swap3A_629 = arith.index_cast %scan3A_142 : i32 to index
      %swap3A_630 = arith.constant 416 : index
      %swap3A_631 = tpu.vector_load %arg6[%swap3A_628, %swap3A_629, %swap3A_630] {strides = array<i32>} : memref<2x32x1024xf32, #tpu.memory_space<vmem>>, vector<16xf32>,
      tpu.vector_store %arg6[%swap3A_628, %swap3A_629, %swap3A_630], %add3A_626 {strides = array<i32>} : memref<2x32x1024xf32, #tpu.memory_space<vmem>>, vector<16xf32>,
      %get3A_632 = arith.constant 0 : i32
      %get3A_633 = arith.index_cast %get3A_632 : i32 to index
      %get3A_634 = arith.index_cast %scan3A_142 : i32 to index
      %get3A_635 = arith.constant 432 : index
      %get3A_636 = tpu.vector_load %arg6[%get3A_633, %get3A_634, %get3A_635] {strides = array<i32>} : memref<2x32x1024xf32, #tpu.memory_space<vmem>>, vector<16xf32>,
      %mul3A_637 = arith.mulf %get3A_636, %gather3A : vector<16xf32>
      %get3A_638 = arith.constant 1 : i32
      %get3A_639 = arith.index_cast %get3A_638 : i32 to index
      %get3A_640 = arith.index_cast %scan3A_142 : i32 to index
      %get3A_641 = arith.constant 432 : index
      %get3A_642 = tpu.vector_load %arg6[%get3A_639, %get3A_640, %get3A_641] {strides = array<i32>} : memref<2x32x1024xf32, #tpu.memory_space<vmem>>, vector<16xf32>,
      %mul3A_643 = arith.mulf %get3A_642, %gather3A_147 : vector<16xf32>
      %add3A_644 = arith.addf %mul3A_637, %mul3A_643 : vector<16xf32>
      %swap3A_645 = arith.constant 0 : i32
      %swap3A_646 = arith.index_cast %swap3A_645 : i32 to index
      %swap3A_647 = arith.index_cast %scan3A_142 : i32 to index
      %swap3A_648 = arith.constant 432 : index
      %swap3A_649 = tpu.vector_load %arg6[%swap3A_646, %swap3A_647, %swap3A_648] {strides = array<i32>} : memref<2x32x1024xf32, #tpu.memory_space<vmem>>, vector<16xf32>,
      tpu.vector_store %arg6[%swap3A_646, %swap3A_647, %swap3A_648], %add3A_644 {strides = array<i32>} : memref<2x32x1024xf32, #tpu.memory_space<vmem>>, vector<16xf32>,
      %get3A_650 = arith.constant 0 : i32
      %get3A_651 = arith.index_cast %get3A_650 : i32 to index
      %get3A_652 = arith.index_cast %scan3A_142 : i32 to index
      %get3A_653 = arith.constant 448 : index
      %get3A_654 = tpu.vector_load %arg6[%get3A_651, %get3A_652, %get3A_653] {strides = array<i32>} : memref<2x32x1024xf32, #tpu.memory_space<vmem>>, vector<16xf32>,
      %mul3A_655 = arith.mulf %get3A_654, %gather3A : vector<16xf32>
      %get3A_656 = arith.constant 1 : i32
      %get3A_657 = arith.index_cast %get3A_656 : i32 to index
      %get3A_658 = arith.index_cast %scan3A_142 : i32 to index
      %get3A_659 = arith.constant 448 : index
      %get3A_660 = tpu.vector_load %arg6[%get3A_657, %get3A_658, %get3A_659] {strides = array<i32>} : memref<2x32x1024xf32, #tpu.memory_space<vmem>>, vector<16xf32>,
      %mul3A_661 = arith.mulf %get3A_660, %gather3A_147 : vector<16xf32>
      %add3A_662 = arith.addf %mul3A_655, %mul3A_661 : vector<16xf32>
      %swap3A_663 = arith.constant 0 : i32
      %swap3A_664 = arith.index_cast %swap3A_663 : i32 to index
      %swap3A_665 = arith.index_cast %scan3A_142 : i32 to index
      %swap3A_666 = arith.constant 448 : index
      %swap3A_667 = tpu.vector_load %arg6[%swap3A_664, %swap3A_665, %swap3A_666] {strides = array<i32>} : memref<2x32x1024xf32, #tpu.memory_space<vmem>>, vector<16xf32>,
      tpu.vector_store %arg6[%swap3A_664, %swap3A_665, %swap3A_666], %add3A_662 {strides = array<i32>} : memref<2x32x1024xf32, #tpu.memory_space<vmem>>, vector<16xf32>,
      %get3A_668 = arith.constant 0 : i32
      %get3A_669 = arith.index_cast %get3A_668 : i32 to index
      %get3A_670 = arith.index_cast %scan3A_142 : i32 to index
      %get3A_671 = arith.constant 464 : index
      %get3A_672 = tpu.vector_load %arg6[%get3A_669, %get3A_670, %get3A_671] {strides = array<i32>} : memref<2x32x1024xf32, #tpu.memory_space<vmem>>, vector<16xf32>,
      %mul3A_673 = arith.mulf %get3A_672, %gather3A : vector<16xf32>
      %get3A_674 = arith.constant 1 : i32
      %get3A_675 = arith.index_cast %get3A_674 : i32 to index
      %get3A_676 = arith.index_cast %scan3A_142 : i32 to index
      %get3A_677 = arith.constant 464 : index
      %get3A_678 = tpu.vector_load %arg6[%get3A_675, %get3A_676, %get3A_677] {strides = array<i32>} : memref<2x32x1024xf32, #tpu.memory_space<vmem>>, vector<16xf32>,
      %mul3A_679 = arith.mulf %get3A_678, %gather3A_147 : vector<16xf32>
      %add3A_680 = arith.addf %mul3A_673, %mul3A_679 : vector<16xf32>
      %swap3A_681 = arith.constant 0 : i32
      %swap3A_682 = arith.index_cast %swap3A_681 : i32 to index
      %swap3A_683 = arith.index_cast %scan3A_142 : i32 to index
      %swap3A_684 = arith.constant 464 : index
      %swap3A_685 = tpu.vector_load %arg6[%swap3A_682, %swap3A_683, %swap3A_684] {strides = array<i32>} : memref<2x32x1024xf32, #tpu.memory_space<vmem>>, vector<16xf32>,
      tpu.vector_store %arg6[%swap3A_682, %swap3A_683, %swap3A_684], %add3A_680 {strides = array<i32>} : memref<2x32x1024xf32, #tpu.memory_space<vmem>>, vector<16xf32>,
      %get3A_686 = arith.constant 0 : i32
      %get3A_687 = arith.index_cast %get3A_686 : i32 to index
      %get3A_688 = arith.index_cast %scan3A_142 : i32 to index
      %get3A_689 = arith.constant 480 : index
      %get3A_690 = tpu.vector_load %arg6[%get3A_687, %get3A_688, %get3A_689] {strides = array<i32>} : memref<2x32x1024xf32, #tpu.memory_space<vmem>>, vector<16xf32>,
      %mul3A_691 = arith.mulf %get3A_690, %gather3A : vector<16xf32>
      %get3A_692 = arith.constant 1 : i32
      %get3A_693 = arith.index_cast %get3A_692 : i32 to index
      %get3A_694 = arith.index_cast %scan3A_142 : i32 to index
      %get3A_695 = arith.constant 480 : index
      %get3A_696 = tpu.vector_load %arg6[%get3A_693, %get3A_694, %get3A_695] {strides = array<i32>} : memref<2x32x1024xf32, #tpu.memory_space<vmem>>, vector<16xf32>,
      %mul3A_697 = arith.mulf %get3A_696, %gather3A_147 : vector<16xf32>
      %add3A_698 = arith.addf %mul3A_691, %mul3A_697 : vector<16xf32>
      %swap3A_699 = arith.constant 0 : i32
      %swap3A_700 = arith.index_cast %swap3A_699 : i32 to index
      %swap3A_701 = arith.index_cast %scan3A_142 : i32 to index
      %swap3A_702 = arith.constant 480 : index
      %swap3A_703 = tpu.vector_load %arg6[%swap3A_700, %swap3A_701, %swap3A_702] {strides = array<i32>} : memref<2x32x1024xf32, #tpu.memory_space<vmem>>, vector<16xf32>,
      tpu.vector_store %arg6[%swap3A_700, %swap3A_701, %swap3A_702], %add3A_698 {strides = array<i32>} : memref<2x32x1024xf32, #tpu.memory_space<vmem>>, vector<16xf32>,
      %get3A_704 = arith.constant 0 : i32
      %get3A_705 = arith.index_cast %get3A_704 : i32 to index
      %get3A_706 = arith.index_cast %scan3A_142 : i32 to index
      %get3A_707 = arith.constant 496 : index
      %get3A_708 = tpu.vector_load %arg6[%get3A_705, %get3A_706, %get3A_707] {strides = array<i32>} : memref<2x32x1024xf32, #tpu.memory_space<vmem>>, vector<16xf32>,
      %mul3A_709 = arith.mulf %get3A_708, %gather3A : vector<16xf32>
      %get3A_710 = arith.constant 1 : i32
      %get3A_711 = arith.index_cast %get3A_710 : i32 to index
      %get3A_712 = arith.index_cast %scan3A_142 : i32 to index
      %get3A_713 = arith.constant 496 : index
      %get3A_714 = tpu.vector_load %arg6[%get3A_711, %get3A_712, %get3A_713] {strides = array<i32>} : memref<2x32x1024xf32, #tpu.memory_space<vmem>>, vector<16xf32>,
      %mul3A_715 = arith.mulf %get3A_714, %gather3A_147 : vector<16xf32>
      %add3A_716 = arith.addf %mul3A_709, %mul3A_715 : vector<16xf32>
      %swap3A_717 = arith.constant 0 : i32
      %swap3A_718 = arith.index_cast %swap3A_717 : i32 to index
      %swap3A_719 = arith.index_cast %scan3A_142 : i32 to index
      %swap3A_720 = arith.constant 496 : index
      %swap3A_721 = tpu.vector_load %arg6[%swap3A_718, %swap3A_719, %swap3A_720] {strides = array<i32>} : memref<2x32x1024xf32, #tpu.memory_space<vmem>>, vector<16xf32>,
      tpu.vector_store %arg6[%swap3A_718, %swap3A_719, %swap3A_720], %add3A_716 {strides = array<i32>} : memref<2x32x1024xf32, #tpu.memory_space<vmem>>, vector<16xf32>,
      %get3A_722 = arith.constant 0 : i32
      %get3A_723 = arith.index_cast %get3A_722 : i32 to index
      %get3A_724 = arith.index_cast %scan3A_142 : i32 to index
      %get3A_725 = arith.constant 512 : index
      %get3A_726 = tpu.vector_load %arg6[%get3A_723, %get3A_724, %get3A_725] {strides = array<i32>} : memref<2x32x1024xf32, #tpu.memory_space<vmem>>, vector<16xf32>,
      %mul3A_727 = arith.mulf %get3A_726, %gather3A : vector<16xf32>
      %get3A_728 = arith.constant 1 : i32
      %get3A_729 = arith.index_cast %get3A_728 : i32 to index
      %get3A_730 = arith.index_cast %scan3A_142 : i32 to index
      %get3A_731 = arith.constant 512 : index
      %get3A_732 = tpu.vector_load %arg6[%get3A_729, %get3A_730, %get3A_731] {strides = array<i32>} : memref<2x32x1024xf32, #tpu.memory_space<vmem>>, vector<16xf32>,
      %mul3A_733 = arith.mulf %get3A_732, %gather3A_147 : vector<16xf32>
      %add3A_734 = arith.addf %mul3A_727, %mul3A_733 : vector<16xf32>
      %swap3A_735 = arith.constant 0 : i32
      %swap3A_736 = arith.index_cast %swap3A_735 : i32 to index
      %swap3A_737 = arith.index_cast %scan3A_142 : i32 to index
      %swap3A_738 = arith.constant 512 : index
      %swap3A_739 = tpu.vector_load %arg6[%swap3A_736, %swap3A_737, %swap3A_738] {strides = array<i32>} : memref<2x32x1024xf32, #tpu.memory_space<vmem>>, vector<16xf32>,
      tpu.vector_store %arg6[%swap3A_736, %swap3A_737, %swap3A_738], %add3A_734 {strides = array<i32>} : memref<2x32x1024xf32, #tpu.memory_space<vmem>>, vector<16xf32>,
      %get3A_740 = arith.constant 0 : i32
      %get3A_741 = arith.index_cast %get3A_740 : i32 to index
      %get3A_742 = arith.index_cast %scan3A_142 : i32 to index
      %get3A_743 = arith.constant 528 : index
      %get3A_744 = tpu.vector_load %arg6[%get3A_741, %get3A_742, %get3A_743] {strides = array<i32>} : memref<2x32x1024xf32, #tpu.memory_space<vmem>>, vector<16xf32>,
      %mul3A_745 = arith.mulf %get3A_744, %gather3A : vector<16xf32>
      %get3A_746 = arith.constant 1 : i32
      %get3A_747 = arith.index_cast %get3A_746 : i32 to index
      %get3A_748 = arith.index_cast %scan3A_142 : i32 to index
      %get3A_749 = arith.constant 528 : index
      %get3A_750 = tpu.vector_load %arg6[%get3A_747, %get3A_748, %get3A_749] {strides = array<i32>} : memref<2x32x1024xf32, #tpu.memory_space<vmem>>, vector<16xf32>,
      %mul3A_751 = arith.mulf %get3A_750, %gather3A_147 : vector<16xf32>
      %add3A_752 = arith.addf %mul3A_745, %mul3A_751 : vector<16xf32>
      %swap3A_753 = arith.constant 0 : i32
      %swap3A_754 = arith.index_cast %swap3A_753 : i32 to index
      %swap3A_755 = arith.index_cast %scan3A_142 : i32 to index
      %swap3A_756 = arith.constant 528 : index
      %swap3A_757 = tpu.vector_load %arg6[%swap3A_754, %swap3A_755, %swap3A_756] {strides = array<i32>} : memref<2x32x1024xf32, #tpu.memory_space<vmem>>, vector<16xf32>,
      tpu.vector_store %arg6[%swap3A_754, %swap3A_755, %swap3A_756], %add3A_752 {strides = array<i32>} : memref<2x32x1024xf32, #tpu.memory_space<vmem>>, vector<16xf32>,
      %get3A_758 = arith.constant 0 : i32
      %get3A_759 = arith.index_cast %get3A_758 : i32 to index
      %get3A_760 = arith.index_cast %scan3A_142 : i32 to index
      %get3A_761 = arith.constant 544 : index
      %get3A_762 = tpu.vector_load %arg6[%get3A_759, %get3A_760, %get3A_761] {strides = array<i32>} : memref<2x32x1024xf32, #tpu.memory_space<vmem>>, vector<16xf32>,
      %mul3A_763 = arith.mulf %get3A_762, %gather3A : vector<16xf32>
      %get3A_764 = arith.constant 1 : i32
      %get3A_765 = arith.index_cast %get3A_764 : i32 to index
      %get3A_766 = arith.index_cast %scan3A_142 : i32 to index
      %get3A_767 = arith.constant 544 : index
      %get3A_768 = tpu.vector_load %arg6[%get3A_765, %get3A_766, %get3A_767] {strides = array<i32>} : memref<2x32x1024xf32, #tpu.memory_space<vmem>>, vector<16xf32>,
      %mul3A_769 = arith.mulf %get3A_768, %gather3A_147 : vector<16xf32>
      %add3A_770 = arith.addf %mul3A_763, %mul3A_769 : vector<16xf32>
      %swap3A_771 = arith.constant 0 : i32
      %swap3A_772 = arith.index_cast %swap3A_771 : i32 to index
      %swap3A_773 = arith.index_cast %scan3A_142 : i32 to index
      %swap3A_774 = arith.constant 544 : index
      %swap3A_775 = tpu.vector_load %arg6[%swap3A_772, %swap3A_773, %swap3A_774] {strides = array<i32>} : memref<2x32x1024xf32, #tpu.memory_space<vmem>>, vector<16xf32>,
      tpu.vector_store %arg6[%swap3A_772, %swap3A_773, %swap3A_774], %add3A_770 {strides = array<i32>} : memref<2x32x1024xf32, #tpu.memory_space<vmem>>, vector<16xf32>,
      %get3A_776 = arith.constant 0 : i32
      %get3A_777 = arith.index_cast %get3A_776 : i32 to index
      %get3A_778 = arith.index_cast %scan3A_142 : i32 to index
      %get3A_779 = arith.constant 560 : index
      %get3A_780 = tpu.vector_load %arg6[%get3A_777, %get3A_778, %get3A_779] {strides = array<i32>} : memref<2x32x1024xf32, #tpu.memory_space<vmem>>, vector<16xf32>,
      %mul3A_781 = arith.mulf %get3A_780, %gather3A : vector<16xf32>
      %get3A_782 = arith.constant 1 : i32
      %get3A_783 = arith.index_cast %get3A_782 : i32 to index
      %get3A_784 = arith.index_cast %scan3A_142 : i32 to index
      %get3A_785 = arith.constant 560 : index
      %get3A_786 = tpu.vector_load %arg6[%get3A_783, %get3A_784, %get3A_785] {strides = array<i32>} : memref<2x32x1024xf32, #tpu.memory_space<vmem>>, vector<16xf32>,
      %mul3A_787 = arith.mulf %get3A_786, %gather3A_147 : vector<16xf32>
      %add3A_788 = arith.addf %mul3A_781, %mul3A_787 : vector<16xf32>
      %swap3A_789 = arith.constant 0 : i32
      %swap3A_790 = arith.index_cast %swap3A_789 : i32 to index
      %swap3A_791 = arith.index_cast %scan3A_142 : i32 to index
      %swap3A_792 = arith.constant 560 : index
      %swap3A_793 = tpu.vector_load %arg6[%swap3A_790, %swap3A_791, %swap3A_792] {strides = array<i32>} : memref<2x32x1024xf32, #tpu.memory_space<vmem>>, vector<16xf32>,
      tpu.vector_store %arg6[%swap3A_790, %swap3A_791, %swap3A_792], %add3A_788 {strides = array<i32>} : memref<2x32x1024xf32, #tpu.memory_space<vmem>>, vector<16xf32>,
      %get3A_794 = arith.constant 0 : i32
      %get3A_795 = arith.index_cast %get3A_794 : i32 to index
      %get3A_796 = arith.index_cast %scan3A_142 : i32 to index
      %get3A_797 = arith.constant 576 : index
      %get3A_798 = tpu.vector_load %arg6[%get3A_795, %get3A_796, %get3A_797] {strides = array<i32>} : memref<2x32x1024xf32, #tpu.memory_space<vmem>>, vector<16xf32>,
      %mul3A_799 = arith.mulf %get3A_798, %gather3A : vector<16xf32>
      %get3A_800 = arith.constant 1 : i32
      %get3A_801 = arith.index_cast %get3A_800 : i32 to index
      %get3A_802 = arith.index_cast %scan3A_142 : i32 to index
      %get3A_803 = arith.constant 576 : index
      %get3A_804 = tpu.vector_load %arg6[%get3A_801, %get3A_802, %get3A_803] {strides = array<i32>} : memref<2x32x1024xf32, #tpu.memory_space<vmem>>, vector<16xf32>,
      %mul3A_805 = arith.mulf %get3A_804, %gather3A_147 : vector<16xf32>
      %add3A_806 = arith.addf %mul3A_799, %mul3A_805 : vector<16xf32>
      %swap3A_807 = arith.constant 0 : i32
      %swap3A_808 = arith.index_cast %swap3A_807 : i32 to index
      %swap3A_809 = arith.index_cast %scan3A_142 : i32 to index
      %swap3A_810 = arith.constant 576 : index
      %swap3A_811 = tpu.vector_load %arg6[%swap3A_808, %swap3A_809, %swap3A_810] {strides = array<i32>} : memref<2x32x1024xf32, #tpu.memory_space<vmem>>, vector<16xf32>,
      tpu.vector_store %arg6[%swap3A_808, %swap3A_809, %swap3A_810], %add3A_806 {strides = array<i32>} : memref<2x32x1024xf32, #tpu.memory_space<vmem>>, vector<16xf32>,
      %get3A_812 = arith.constant 0 : i32
      %get3A_813 = arith.index_cast %get3A_812 : i32 to index
      %get3A_814 = arith.index_cast %scan3A_142 : i32 to index
      %get3A_815 = arith.constant 592 : index
      %get3A_816 = tpu.vector_load %arg6[%get3A_813, %get3A_814, %get3A_815] {strides = array<i32>} : memref<2x32x1024xf32, #tpu.memory_space<vmem>>, vector<16xf32>,
      %mul3A_817 = arith.mulf %get3A_816, %gather3A : vector<16xf32>
      %get3A_818 = arith.constant 1 : i32
      %get3A_819 = arith.index_cast %get3A_818 : i32 to index
      %get3A_820 = arith.index_cast %scan3A_142 : i32 to index
      %get3A_821 = arith.constant 592 : index
      %get3A_822 = tpu.vector_load %arg6[%get3A_819, %get3A_820, %get3A_821] {strides = array<i32>} : memref<2x32x1024xf32, #tpu.memory_space<vmem>>, vector<16xf32>,
      %mul3A_823 = arith.mulf %get3A_822, %gather3A_147 : vector<16xf32>
      %add3A_824 = arith.addf %mul3A_817, %mul3A_823 : vector<16xf32>
      %swap3A_825 = arith.constant 0 : i32
      %swap3A_826 = arith.index_cast %swap3A_825 : i32 to index
      %swap3A_827 = arith.index_cast %scan3A_142 : i32 to index
      %swap3A_828 = arith.constant 592 : index
      %swap3A_829 = tpu.vector_load %arg6[%swap3A_826, %swap3A_827, %swap3A_828] {strides = array<i32>} : memref<2x32x1024xf32, #tpu.memory_space<vmem>>, vector<16xf32>,
      tpu.vector_store %arg6[%swap3A_826, %swap3A_827, %swap3A_828], %add3A_824 {strides = array<i32>} : memref<2x32x1024xf32, #tpu.memory_space<vmem>>, vector<16xf32>,
      %get3A_830 = arith.constant 0 : i32
      %get3A_831 = arith.index_cast %get3A_830 : i32 to index
      %get3A_832 = arith.index_cast %scan3A_142 : i32 to index
      %get3A_833 = arith.constant 608 : index
      %get3A_834 = tpu.vector_load %arg6[%get3A_831, %get3A_832, %get3A_833] {strides = array<i32>} : memref<2x32x1024xf32, #tpu.memory_space<vmem>>, vector<16xf32>,
      %mul3A_835 = arith.mulf %get3A_834, %gather3A : vector<16xf32>
      %get3A_836 = arith.constant 1 : i32
      %get3A_837 = arith.index_cast %get3A_836 : i32 to index
      %get3A_838 = arith.index_cast %scan3A_142 : i32 to index
      %get3A_839 = arith.constant 608 : index
      %get3A_840 = tpu.vector_load %arg6[%get3A_837, %get3A_838, %get3A_839] {strides = array<i32>} : memref<2x32x1024xf32, #tpu.memory_space<vmem>>, vector<16xf32>,
      %mul3A_841 = arith.mulf %get3A_840, %gather3A_147 : vector<16xf32>
      %add3A_842 = arith.addf %mul3A_835, %mul3A_841 : vector<16xf32>
      %swap3A_843 = arith.constant 0 : i32
      %swap3A_844 = arith.index_cast %swap3A_843 : i32 to index
      %swap3A_845 = arith.index_cast %scan3A_142 : i32 to index
      %swap3A_846 = arith.constant 608 : index
      %swap3A_847 = tpu.vector_load %arg6[%swap3A_844, %swap3A_845, %swap3A_846] {strides = array<i32>} : memref<2x32x1024xf32, #tpu.memory_space<vmem>>, vector<16xf32>,
      tpu.vector_store %arg6[%swap3A_844, %swap3A_845, %swap3A_846], %add3A_842 {strides = array<i32>} : memref<2x32x1024xf32, #tpu.memory_space<vmem>>, vector<16xf32>,
      %get3A_848 = arith.constant 0 : i32
      %get3A_849 = arith.index_cast %get3A_848 : i32 to index
      %get3A_850 = arith.index_cast %scan3A_142 : i32 to index
      %get3A_851 = arith.constant 624 : index
      %get3A_852 = tpu.vector_load %arg6[%get3A_849, %get3A_850, %get3A_851] {strides = array<i32>} : memref<2x32x1024xf32, #tpu.memory_space<vmem>>, vector<16xf32>,
      %mul3A_853 = arith.mulf %get3A_852, %gather3A : vector<16xf32>
      %get3A_854 = arith.constant 1 : i32
      %get3A_855 = arith.index_cast %get3A_854 : i32 to index
      %get3A_856 = arith.index_cast %scan3A_142 : i32 to index
      %get3A_857 = arith.constant 624 : index
      %get3A_858 = tpu.vector_load %arg6[%get3A_855, %get3A_856, %get3A_857] {strides = array<i32>} : memref<2x32x1024xf32, #tpu.memory_space<vmem>>, vector<16xf32>,
      %mul3A_859 = arith.mulf %get3A_858, %gather3A_147 : vector<16xf32>
      %add3A_860 = arith.addf %mul3A_853, %mul3A_859 : vector<16xf32>
      %swap3A_861 = arith.constant 0 : i32
      %swap3A_862 = arith.index_cast %swap3A_861 : i32 to index
      %swap3A_863 = arith.index_cast %scan3A_142 : i32 to index
      %swap3A_864 = arith.constant 624 : index
      %swap3A_865 = tpu.vector_load %arg6[%swap3A_862, %swap3A_863, %swap3A_864] {strides = array<i32>} : memref<2x32x1024xf32, #tpu.memory_space<vmem>>, vector<16xf32>,
      tpu.vector_store %arg6[%swap3A_862, %swap3A_863, %swap3A_864], %add3A_860 {strides = array<i32>} : memref<2x32x1024xf32, #tpu.memory_space<vmem>>, vector<16xf32>,
      %get3A_866 = arith.constant 0 : i32
      %get3A_867 = arith.index_cast %get3A_866 : i32 to index
      %get3A_868 = arith.index_cast %scan3A_142 : i32 to index
      %get3A_869 = arith.constant 640 : index
      %get3A_870 = tpu.vector_load %arg6[%get3A_867, %get3A_868, %get3A_869] {strides = array<i32>} : memref<2x32x1024xf32, #tpu.memory_space<vmem>>, vector<16xf32>,
      %mul3A_871 = arith.mulf %get3A_870, %gather3A : vector<16xf32>
      %get3A_872 = arith.constant 1 : i32
      %get3A_873 = arith.index_cast %get3A_872 : i32 to index
      %get3A_874 = arith.index_cast %scan3A_142 : i32 to index
      %get3A_875 = arith.constant 640 : index
      %get3A_876 = tpu.vector_load %arg6[%get3A_873, %get3A_874, %get3A_875] {strides = array<i32>} : memref<2x32x1024xf32, #tpu.memory_space<vmem>>, vector<16xf32>,
      %mul3A_877 = arith.mulf %get3A_876, %gather3A_147 : vector<16xf32>
      %add3A_878 = arith.addf %mul3A_871, %mul3A_877 : vector<16xf32>
      %swap3A_879 = arith.constant 0 : i32
      %swap3A_880 = arith.index_cast %swap3A_879 : i32 to index
      %swap3A_881 = arith.index_cast %scan3A_142 : i32 to index
      %swap3A_882 = arith.constant 640 : index
      %swap3A_883 = tpu.vector_load %arg6[%swap3A_880, %swap3A_881, %swap3A_882] {strides = array<i32>} : memref<2x32x1024xf32, #tpu.memory_space<vmem>>, vector<16xf32>,
      tpu.vector_store %arg6[%swap3A_880, %swap3A_881, %swap3A_882], %add3A_878 {strides = array<i32>} : memref<2x32x1024xf32, #tpu.memory_space<vmem>>, vector<16xf32>,
      %get3A_884 = arith.constant 0 : i32
      %get3A_885 = arith.index_cast %get3A_884 : i32 to index
      %get3A_886 = arith.index_cast %scan3A_142 : i32 to index
      %get3A_887 = arith.constant 656 : index
      %get3A_888 = tpu.vector_load %arg6[%get3A_885, %get3A_886, %get3A_887] {strides = array<i32>} : memref<2x32x1024xf32, #tpu.memory_space<vmem>>, vector<16xf32>,
      %mul3A_889 = arith.mulf %get3A_888, %gather3A : vector<16xf32>
      %get3A_890 = arith.constant 1 : i32
      %get3A_891 = arith.index_cast %get3A_890 : i32 to index
      %get3A_892 = arith.index_cast %scan3A_142 : i32 to index
      %get3A_893 = arith.constant 656 : index
      %get3A_894 = tpu.vector_load %arg6[%get3A_891, %get3A_892, %get3A_893] {strides = array<i32>} : memref<2x32x1024xf32, #tpu.memory_space<vmem>>, vector<16xf32>,
      %mul3A_895 = arith.mulf %get3A_894, %gather3A_147 : vector<16xf32>
      %add3A_896 = arith.addf %mul3A_889, %mul3A_895 : vector<16xf32>
      %swap3A_897 = arith.constant 0 : i32
      %swap3A_898 = arith.index_cast %swap3A_897 : i32 to index
      %swap3A_899 = arith.index_cast %scan3A_142 : i32 to index
      %swap3A_900 = arith.constant 656 : index
      %swap3A_901 = tpu.vector_load %arg6[%swap3A_898, %swap3A_899, %swap3A_900] {strides = array<i32>} : memref<2x32x1024xf32, #tpu.memory_space<vmem>>, vector<16xf32>,
      tpu.vector_store %arg6[%swap3A_898, %swap3A_899, %swap3A_900], %add3A_896 {strides = array<i32>} : memref<2x32x1024xf32, #tpu.memory_space<vmem>>, vector<16xf32>,
      %get3A_902 = arith.constant 0 : i32
      %get3A_903 = arith.index_cast %get3A_902 : i32 to index
      %get3A_904 = arith.index_cast %scan3A_142 : i32 to index
      %get3A_905 = arith.constant 672 : index
      %get3A_906 = tpu.vector_load %arg6[%get3A_903, %get3A_904, %get3A_905] {strides = array<i32>} : memref<2x32x1024xf32, #tpu.memory_space<vmem>>, vector<16xf32>,
      %mul3A_907 = arith.mulf %get3A_906, %gather3A : vector<16xf32>
      %get3A_908 = arith.constant 1 : i32
      %get3A_909 = arith.index_cast %get3A_908 : i32 to index
      %get3A_910 = arith.index_cast %scan3A_142 : i32 to index
      %get3A_911 = arith.constant 672 : index
      %get3A_912 = tpu.vector_load %arg6[%get3A_909, %get3A_910, %get3A_911] {strides = array<i32>} : memref<2x32x1024xf32, #tpu.memory_space<vmem>>, vector<16xf32>,
      %mul3A_913 = arith.mulf %get3A_912, %gather3A_147 : vector<16xf32>
      %add3A_914 = arith.addf %mul3A_907, %mul3A_913 : vector<16xf32>
      %swap3A_915 = arith.constant 0 : i32
      %swap3A_916 = arith.index_cast %swap3A_915 : i32 to index
      %swap3A_917 = arith.index_cast %scan3A_142 : i32 to index
      %swap3A_918 = arith.constant 672 : index
      %swap3A_919 = tpu.vector_load %arg6[%swap3A_916, %swap3A_917, %swap3A_918] {strides = array<i32>} : memref<2x32x1024xf32, #tpu.memory_space<vmem>>, vector<16xf32>,
      tpu.vector_store %arg6[%swap3A_916, %swap3A_917, %swap3A_918], %add3A_914 {strides = array<i32>} : memref<2x32x1024xf32, #tpu.memory_space<vmem>>, vector<16xf32>,
      %get3A_920 = arith.constant 0 : i32
      %get3A_921 = arith.index_cast %get3A_920 : i32 to index
      %get3A_922 = arith.index_cast %scan3A_142 : i32 to index
      %get3A_923 = arith.constant 688 : index
      %get3A_924 = tpu.vector_load %arg6[%get3A_921, %get3A_922, %get3A_923] {strides = array<i32>} : memref<2x32x1024xf32, #tpu.memory_space<vmem>>, vector<16xf32>,
      %mul3A_925 = arith.mulf %get3A_924, %gather3A : vector<16xf32>
      %get3A_926 = arith.constant 1 : i32
      %get3A_927 = arith.index_cast %get3A_926 : i32 to index
      %get3A_928 = arith.index_cast %scan3A_142 : i32 to index
      %get3A_929 = arith.constant 688 : index
      %get3A_930 = tpu.vector_load %arg6[%get3A_927, %get3A_928, %get3A_929] {strides = array<i32>} : memref<2x32x1024xf32, #tpu.memory_space<vmem>>, vector<16xf32>,
      %mul3A_931 = arith.mulf %get3A_930, %gather3A_147 : vector<16xf32>
      %add3A_932 = arith.addf %mul3A_925, %mul3A_931 : vector<16xf32>
      %swap3A_933 = arith.constant 0 : i32
      %swap3A_934 = arith.index_cast %swap3A_933 : i32 to index
      %swap3A_935 = arith.index_cast %scan3A_142 : i32 to index
      %swap3A_936 = arith.constant 688 : index
      %swap3A_937 = tpu.vector_load %arg6[%swap3A_934, %swap3A_935, %swap3A_936] {strides = array<i32>} : memref<2x32x1024xf32, #tpu.memory_space<vmem>>, vector<16xf32>,
      tpu.vector_store %arg6[%swap3A_934, %swap3A_935, %swap3A_936], %add3A_932 {strides = array<i32>} : memref<2x32x1024xf32, #tpu.memory_space<vmem>>, vector<16xf32>,
      %get3A_938 = arith.constant 0 : i32
      %get3A_939 = arith.index_cast %get3A_938 : i32 to index
      %get3A_940 = arith.index_cast %scan3A_142 : i32 to index
      %get3A_941 = arith.constant 704 : index
      %get3A_942 = tpu.vector_load %arg6[%get3A_939, %get3A_940, %get3A_941] {strides = array<i32>} : memref<2x32x1024xf32, #tpu.memory_space<vmem>>, vector<16xf32>,
      %mul3A_943 = arith.mulf %get3A_942, %gather3A : vector<16xf32>
      %get3A_944 = arith.constant 1 : i32
      %get3A_945 = arith.index_cast %get3A_944 : i32 to index
      %get3A_946 = arith.index_cast %scan3A_142 : i32 to index
      %get3A_947 = arith.constant 704 : index
      %get3A_948 = tpu.vector_load %arg6[%get3A_945, %get3A_946, %get3A_947] {strides = array<i32>} : memref<2x32x1024xf32, #tpu.memory_space<vmem>>, vector<16xf32>,
      %mul3A_949 = arith.mulf %get3A_948, %gather3A_147 : vector<16xf32>
      %add3A_950 = arith.addf %mul3A_943, %mul3A_949 : vector<16xf32>
      %swap3A_951 = arith.constant 0 : i32
      %swap3A_952 = arith.index_cast %swap3A_951 : i32 to index
      %swap3A_953 = arith.index_cast %scan3A_142 : i32 to index
      %swap3A_954 = arith.constant 704 : index
      %swap3A_955 = tpu.vector_load %arg6[%swap3A_952, %swap3A_953, %swap3A_954] {strides = array<i32>} : memref<2x32x1024xf32, #tpu.memory_space<vmem>>, vector<16xf32>,
      tpu.vector_store %arg6[%swap3A_952, %swap3A_953, %swap3A_954], %add3A_950 {strides = array<i32>} : memref<2x32x1024xf32, #tpu.memory_space<vmem>>, vector<16xf32>,
      %get3A_956 = arith.constant 0 : i32
      %get3A_957 = arith.index_cast %get3A_956 : i32 to index
      %get3A_958 = arith.index_cast %scan3A_142 : i32 to index
      %get3A_959 = arith.constant 720 : index
      %get3A_960 = tpu.vector_load %arg6[%get3A_957, %get3A_958, %get3A_959] {strides = array<i32>} : memref<2x32x1024xf32, #tpu.memory_space<vmem>>, vector<16xf32>,
      %mul3A_961 = arith.mulf %get3A_960, %gather3A : vector<16xf32>
      %get3A_962 = arith.constant 1 : i32
      %get3A_963 = arith.index_cast %get3A_962 : i32 to index
      %get3A_964 = arith.index_cast %scan3A_142 : i32 to index
      %get3A_965 = arith.constant 720 : index
      %get3A_966 = tpu.vector_load %arg6[%get3A_963, %get3A_964, %get3A_965] {strides = array<i32>} : memref<2x32x1024xf32, #tpu.memory_space<vmem>>, vector<16xf32>,
      %mul3A_967 = arith.mulf %get3A_966, %gather3A_147 : vector<16xf32>
      %add3A_968 = arith.addf %mul3A_961, %mul3A_967 : vector<16xf32>
      %swap3A_969 = arith.constant 0 : i32
      %swap3A_970 = arith.index_cast %swap3A_969 : i32 to index
      %swap3A_971 = arith.index_cast %scan3A_142 : i32 to index
      %swap3A_972 = arith.constant 720 : index
      %swap3A_973 = tpu.vector_load %arg6[%swap3A_970, %swap3A_971, %swap3A_972] {strides = array<i32>} : memref<2x32x1024xf32, #tpu.memory_space<vmem>>, vector<16xf32>,
      tpu.vector_store %arg6[%swap3A_970, %swap3A_971, %swap3A_972], %add3A_968 {strides = array<i32>} : memref<2x32x1024xf32, #tpu.memory_space<vmem>>, vector<16xf32>,
      %get3A_974 = arith.constant 0 : i32
      %get3A_975 = arith.index_cast %get3A_974 : i32 to index
      %get3A_976 = arith.index_cast %scan3A_142 : i32 to index
      %get3A_977 = arith.constant 736 : index
      %get3A_978 = tpu.vector_load %arg6[%get3A_975, %get3A_976, %get3A_977] {strides = array<i32>} : memref<2x32x1024xf32, #tpu.memory_space<vmem>>, vector<16xf32>,
      %mul3A_979 = arith.mulf %get3A_978, %gather3A : vector<16xf32>
      %get3A_980 = arith.constant 1 : i32
      %get3A_981 = arith.index_cast %get3A_980 : i32 to index
      %get3A_982 = arith.index_cast %scan3A_142 : i32 to index
      %get3A_983 = arith.constant 736 : index
      %get3A_984 = tpu.vector_load %arg6[%get3A_981, %get3A_982, %get3A_983] {strides = array<i32>} : memref<2x32x1024xf32, #tpu.memory_space<vmem>>, vector<16xf32>,
      %mul3A_985 = arith.mulf %get3A_984, %gather3A_147 : vector<16xf32>
      %add3A_986 = arith.addf %mul3A_979, %mul3A_985 : vector<16xf32>
      %swap3A_987 = arith.constant 0 : i32
      %swap3A_988 = arith.index_cast %swap3A_987 : i32 to index
      %swap3A_989 = arith.index_cast %scan3A_142 : i32 to index
      %swap3A_990 = arith.constant 736 : index
      %swap3A_991 = tpu.vector_load %arg6[%swap3A_988, %swap3A_989, %swap3A_990] {strides = array<i32>} : memref<2x32x1024xf32, #tpu.memory_space<vmem>>, vector<16xf32>,
      tpu.vector_store %arg6[%swap3A_988, %swap3A_989, %swap3A_990], %add3A_986 {strides = array<i32>} : memref<2x32x1024xf32, #tpu.memory_space<vmem>>, vector<16xf32>,
      %get3A_992 = arith.constant 0 : i32
      %get3A_993 = arith.index_cast %get3A_992 : i32 to index
      %get3A_994 = arith.index_cast %scan3A_142 : i32 to index
      %get3A_995 = arith.constant 752 : index
      %get3A_996 = tpu.vector_load %arg6[%get3A_993, %get3A_994, %get3A_995] {strides = array<i32>} : memref<2x32x1024xf32, #tpu.memory_space<vmem>>, vector<16xf32>,
      %mul3A_997 = arith.mulf %get3A_996, %gather3A : vector<16xf32>
      %get3A_998 = arith.constant 1 : i32
      %get3A_999 = arith.index_cast %get3A_998 : i32 to index
      %get3A_1000 = arith.index_cast %scan3A_142 : i32 to index
      %get3A_1001 = arith.constant 752 : index
      %get3A_1002 = tpu.vector_load %arg6[%get3A_999, %get3A_1000, %get3A_1001] {strides = array<i32>} : memref<2x32x1024xf32, #tpu.memory_space<vmem>>, vector<16xf32>,
      %mul3A_1003 = arith.mulf %get3A_1002, %gather3A_147 : vector<16xf32>
      %add3A_1004 = arith.addf %mul3A_997, %mul3A_1003 : vector<16xf32>
      %swap3A_1005 = arith.constant 0 : i32
      %swap3A_1006 = arith.index_cast %swap3A_1005 : i32 to index
      %swap3A_1007 = arith.index_cast %scan3A_142 : i32 to index
      %swap3A_1008 = arith.constant 752 : index
      %swap3A_1009 = tpu.vector_load %arg6[%swap3A_1006, %swap3A_1007, %swap3A_1008] {strides = array<i32>} : memref<2x32x1024xf32, #tpu.memory_space<vmem>>, vector<16xf32>,
      tpu.vector_store %arg6[%swap3A_1006, %swap3A_1007, %swap3A_1008], %add3A_1004 {strides = array<i32>} : memref<2x32x1024xf32, #tpu.memory_space<vmem>>, vector<16xf32>,
      %get3A_1010 = arith.constant 0 : i32
      %get3A_1011 = arith.index_cast %get3A_1010 : i32 to index
      %get3A_1012 = arith.index_cast %scan3A_142 : i32 to index
      %get3A_1013 = arith.constant 768 : index
      %get3A_1014 = tpu.vector_load %arg6[%get3A_1011, %get3A_1012, %get3A_1013] {strides = array<i32>} : memref<2x32x1024xf32, #tpu.memory_space<vmem>>, vector<16xf32>,
      %mul3A_1015 = arith.mulf %get3A_1014, %gather3A : vector<16xf32>
      %get3A_1016 = arith.constant 1 : i32
      %get3A_1017 = arith.index_cast %get3A_1016 : i32 to index
      %get3A_1018 = arith.index_cast %scan3A_142 : i32 to index
      %get3A_1019 = arith.constant 768 : index
      %get3A_1020 = tpu.vector_load %arg6[%get3A_1017, %get3A_1018, %get3A_1019] {strides = array<i32>} : memref<2x32x1024xf32, #tpu.memory_space<vmem>>, vector<16xf32>,
      %mul3A_1021 = arith.mulf %get3A_1020, %gather3A_147 : vector<16xf32>
      %add3A_1022 = arith.addf %mul3A_1015, %mul3A_1021 : vector<16xf32>
      %swap3A_1023 = arith.constant 0 : i32
      %swap3A_1024 = arith.index_cast %swap3A_1023 : i32 to index
      %swap3A_1025 = arith.index_cast %scan3A_142 : i32 to index
      %swap3A_1026 = arith.constant 768 : index
      %swap3A_1027 = tpu.vector_load %arg6[%swap3A_1024, %swap3A_1025, %swap3A_1026] {strides = array<i32>} : memref<2x32x1024xf32, #tpu.memory_space<vmem>>, vector<16xf32>,
      tpu.vector_store %arg6[%swap3A_1024, %swap3A_1025, %swap3A_1026], %add3A_1022 {strides = array<i32>} : memref<2x32x1024xf32, #tpu.memory_space<vmem>>, vector<16xf32>,
      %get3A_1028 = arith.constant 0 : i32
      %get3A_1029 = arith.index_cast %get3A_1028 : i32 to index
      %get3A_1030 = arith.index_cast %scan3A_142 : i32 to index
      %get3A_1031 = arith.constant 784 : index
      %get3A_1032 = tpu.vector_load %arg6[%get3A_1029, %get3A_1030, %get3A_1031] {strides = array<i32>} : memref<2x32x1024xf32, #tpu.memory_space<vmem>>, vector<16xf32>,
      %mul3A_1033 = arith.mulf %get3A_1032, %gather3A : vector<16xf32>
      %get3A_1034 = arith.constant 1 : i32
      %get3A_1035 = arith.index_cast %get3A_1034 : i32 to index
      %get3A_1036 = arith.index_cast %scan3A_142 : i32 to index
      %get3A_1037 = arith.constant 784 : index
      %get3A_1038 = tpu.vector_load %arg6[%get3A_1035, %get3A_1036, %get3A_1037] {strides = array<i32>} : memref<2x32x1024xf32, #tpu.memory_space<vmem>>, vector<16xf32>,
      %mul3A_1039 = arith.mulf %get3A_1038, %gather3A_147 : vector<16xf32>
      %add3A_1040 = arith.addf %mul3A_1033, %mul3A_1039 : vector<16xf32>
      %swap3A_1041 = arith.constant 0 : i32
      %swap3A_1042 = arith.index_cast %swap3A_1041 : i32 to index
      %swap3A_1043 = arith.index_cast %scan3A_142 : i32 to index
      %swap3A_1044 = arith.constant 784 : index
      %swap3A_1045 = tpu.vector_load %arg6[%swap3A_1042, %swap3A_1043, %swap3A_1044] {strides = array<i32>} : memref<2x32x1024xf32, #tpu.memory_space<vmem>>, vector<16xf32>,
      tpu.vector_store %arg6[%swap3A_1042, %swap3A_1043, %swap3A_1044], %add3A_1040 {strides = array<i32>} : memref<2x32x1024xf32, #tpu.memory_space<vmem>>, vector<16xf32>,
      %get3A_1046 = arith.constant 0 : i32
      %get3A_1047 = arith.index_cast %get3A_1046 : i32 to index
      %get3A_1048 = arith.index_cast %scan3A_142 : i32 to index
      %get3A_1049 = arith.constant 800 : index
      %get3A_1050 = tpu.vector_load %arg6[%get3A_1047, %get3A_1048, %get3A_1049] {strides = array<i32>} : memref<2x32x1024xf32, #tpu.memory_space<vmem>>, vector<16xf32>,
      %mul3A_1051 = arith.mulf %get3A_1050, %gather3A : vector<16xf32>
      %get3A_1052 = arith.constant 1 : i32
      %get3A_1053 = arith.index_cast %get3A_1052 : i32 to index
      %get3A_1054 = arith.index_cast %scan3A_142 : i32 to index
      %get3A_1055 = arith.constant 800 : index
      %get3A_1056 = tpu.vector_load %arg6[%get3A_1053, %get3A_1054, %get3A_1055] {strides = array<i32>} : memref<2x32x1024xf32, #tpu.memory_space<vmem>>, vector<16xf32>,
      %mul3A_1057 = arith.mulf %get3A_1056, %gather3A_147 : vector<16xf32>
      %add3A_1058 = arith.addf %mul3A_1051, %mul3A_1057 : vector<16xf32>
      %swap3A_1059 = arith.constant 0 : i32
      %swap3A_1060 = arith.index_cast %swap3A_1059 : i32 to index
      %swap3A_1061 = arith.index_cast %scan3A_142 : i32 to index
      %swap3A_1062 = arith.constant 800 : index
      %swap3A_1063 = tpu.vector_load %arg6[%swap3A_1060, %swap3A_1061, %swap3A_1062] {strides = array<i32>} : memref<2x32x1024xf32, #tpu.memory_space<vmem>>, vector<16xf32>,
      tpu.vector_store %arg6[%swap3A_1060, %swap3A_1061, %swap3A_1062], %add3A_1058 {strides = array<i32>} : memref<2x32x1024xf32, #tpu.memory_space<vmem>>, vector<16xf32>,
      %get3A_1064 = arith.constant 0 : i32
      %get3A_1065 = arith.index_cast %get3A_1064 : i32 to index
      %get3A_1066 = arith.index_cast %scan3A_142 : i32 to index
      %get3A_1067 = arith.constant 816 : index
      %get3A_1068 = tpu.vector_load %arg6[%get3A_1065, %get3A_1066, %get3A_1067] {strides = array<i32>} : memref<2x32x1024xf32, #tpu.memory_space<vmem>>, vector<16xf32>,
      %mul3A_1069 = arith.mulf %get3A_1068, %gather3A : vector<16xf32>
      %get3A_1070 = arith.constant 1 : i32
      %get3A_1071 = arith.index_cast %get3A_1070 : i32 to index
      %get3A_1072 = arith.index_cast %scan3A_142 : i32 to index
      %get3A_1073 = arith.constant 816 : index
      %get3A_1074 = tpu.vector_load %arg6[%get3A_1071, %get3A_1072, %get3A_1073] {strides = array<i32>} : memref<2x32x1024xf32, #tpu.memory_space<vmem>>, vector<16xf32>,
      %mul3A_1075 = arith.mulf %get3A_1074, %gather3A_147 : vector<16xf32>
      %add3A_1076 = arith.addf %mul3A_1069, %mul3A_1075 : vector<16xf32>
      %swap3A_1077 = arith.constant 0 : i32
      %swap3A_1078 = arith.index_cast %swap3A_1077 : i32 to index
      %swap3A_1079 = arith.index_cast %scan3A_142 : i32 to index
      %swap3A_1080 = arith.constant 816 : index
      %swap3A_1081 = tpu.vector_load %arg6[%swap3A_1078, %swap3A_1079, %swap3A_1080] {strides = array<i32>} : memref<2x32x1024xf32, #tpu.memory_space<vmem>>, vector<16xf32>,
      tpu.vector_store %arg6[%swap3A_1078, %swap3A_1079, %swap3A_1080], %add3A_1076 {strides = array<i32>} : memref<2x32x1024xf32, #tpu.memory_space<vmem>>, vector<16xf32>,
      %get3A_1082 = arith.constant 0 : i32
      %get3A_1083 = arith.index_cast %get3A_1082 : i32 to index
      %get3A_1084 = arith.index_cast %scan3A_142 : i32 to index
      %get3A_1085 = arith.constant 832 : index
      %get3A_1086 = tpu.vector_load %arg6[%get3A_1083, %get3A_1084, %get3A_1085] {strides = array<i32>} : memref<2x32x1024xf32, #tpu.memory_space<vmem>>, vector<16xf32>,
      %mul3A_1087 = arith.mulf %get3A_1086, %gather3A : vector<16xf32>
      %get3A_1088 = arith.constant 1 : i32
      %get3A_1089 = arith.index_cast %get3A_1088 : i32 to index
      %get3A_1090 = arith.index_cast %scan3A_142 : i32 to index
      %get3A_1091 = arith.constant 832 : index
      %get3A_1092 = tpu.vector_load %arg6[%get3A_1089, %get3A_1090, %get3A_1091] {strides = array<i32>} : memref<2x32x1024xf32, #tpu.memory_space<vmem>>, vector<16xf32>,
      %mul3A_1093 = arith.mulf %get3A_1092, %gather3A_147 : vector<16xf32>
      %add3A_1094 = arith.addf %mul3A_1087, %mul3A_1093 : vector<16xf32>
      %swap3A_1095 = arith.constant 0 : i32
      %swap3A_1096 = arith.index_cast %swap3A_1095 : i32 to index
      %swap3A_1097 = arith.index_cast %scan3A_142 : i32 to index
      %swap3A_1098 = arith.constant 832 : index
      %swap3A_1099 = tpu.vector_load %arg6[%swap3A_1096, %swap3A_1097, %swap3A_1098] {strides = array<i32>} : memref<2x32x1024xf32, #tpu.memory_space<vmem>>, vector<16xf32>,
      tpu.vector_store %arg6[%swap3A_1096, %swap3A_1097, %swap3A_1098], %add3A_1094 {strides = array<i32>} : memref<2x32x1024xf32, #tpu.memory_space<vmem>>, vector<16xf32>,
      %get3A_1100 = arith.constant 0 : i32
      %get3A_1101 = arith.index_cast %get3A_1100 : i32 to index
      %get3A_1102 = arith.index_cast %scan3A_142 : i32 to index
      %get3A_1103 = arith.constant 848 : index
      %get3A_1104 = tpu.vector_load %arg6[%get3A_1101, %get3A_1102, %get3A_1103] {strides = array<i32>} : memref<2x32x1024xf32, #tpu.memory_space<vmem>>, vector<16xf32>,
      %mul3A_1105 = arith.mulf %get3A_1104, %gather3A : vector<16xf32>
      %get3A_1106 = arith.constant 1 : i32
      %get3A_1107 = arith.index_cast %get3A_1106 : i32 to index
      %get3A_1108 = arith.index_cast %scan3A_142 : i32 to index
      %get3A_1109 = arith.constant 848 : index
      %get3A_1110 = tpu.vector_load %arg6[%get3A_1107, %get3A_1108, %get3A_1109] {strides = array<i32>} : memref<2x32x1024xf32, #tpu.memory_space<vmem>>, vector<16xf32>,
      %mul3A_1111 = arith.mulf %get3A_1110, %gather3A_147 : vector<16xf32>
      %add3A_1112 = arith.addf %mul3A_1105, %mul3A_1111 : vector<16xf32>
      %swap3A_1113 = arith.constant 0 : i32
      %swap3A_1114 = arith.index_cast %swap3A_1113 : i32 to index
      %swap3A_1115 = arith.index_cast %scan3A_142 : i32 to index
      %swap3A_1116 = arith.constant 848 : index
      %swap3A_1117 = tpu.vector_load %arg6[%swap3A_1114, %swap3A_1115, %swap3A_1116] {strides = array<i32>} : memref<2x32x1024xf32, #tpu.memory_space<vmem>>, vector<16xf32>,
      tpu.vector_store %arg6[%swap3A_1114, %swap3A_1115, %swap3A_1116], %add3A_1112 {strides = array<i32>} : memref<2x32x1024xf32, #tpu.memory_space<vmem>>, vector<16xf32>,
      %get3A_1118 = arith.constant 0 : i32
      %get3A_1119 = arith.index_cast %get3A_1118 : i32 to index
      %get3A_1120 = arith.index_cast %scan3A_142 : i32 to index
      %get3A_1121 = arith.constant 864 : index
      %get3A_1122 = tpu.vector_load %arg6[%get3A_1119, %get3A_1120, %get3A_1121] {strides = array<i32>} : memref<2x32x1024xf32, #tpu.memory_space<vmem>>, vector<16xf32>,
      %mul3A_1123 = arith.mulf %get3A_1122, %gather3A : vector<16xf32>
      %get3A_1124 = arith.constant 1 : i32
      %get3A_1125 = arith.index_cast %get3A_1124 : i32 to index
      %get3A_1126 = arith.index_cast %scan3A_142 : i32 to index
      %get3A_1127 = arith.constant 864 : index
      %get3A_1128 = tpu.vector_load %arg6[%get3A_1125, %get3A_1126, %get3A_1127] {strides = array<i32>} : memref<2x32x1024xf32, #tpu.memory_space<vmem>>, vector<16xf32>,
      %mul3A_1129 = arith.mulf %get3A_1128, %gather3A_147 : vector<16xf32>
      %add3A_1130 = arith.addf %mul3A_1123, %mul3A_1129 : vector<16xf32>
      %swap3A_1131 = arith.constant 0 : i32
      %swap3A_1132 = arith.index_cast %swap3A_1131 : i32 to index
      %swap3A_1133 = arith.index_cast %scan3A_142 : i32 to index
      %swap3A_1134 = arith.constant 864 : index
      %swap3A_1135 = tpu.vector_load %arg6[%swap3A_1132, %swap3A_1133, %swap3A_1134] {strides = array<i32>} : memref<2x32x1024xf32, #tpu.memory_space<vmem>>, vector<16xf32>,
      tpu.vector_store %arg6[%swap3A_1132, %swap3A_1133, %swap3A_1134], %add3A_1130 {strides = array<i32>} : memref<2x32x1024xf32, #tpu.memory_space<vmem>>, vector<16xf32>,
      %get3A_1136 = arith.constant 0 : i32
      %get3A_1137 = arith.index_cast %get3A_1136 : i32 to index
      %get3A_1138 = arith.index_cast %scan3A_142 : i32 to index
      %get3A_1139 = arith.constant 880 : index
      %get3A_1140 = tpu.vector_load %arg6[%get3A_1137, %get3A_1138, %get3A_1139] {strides = array<i32>} : memref<2x32x1024xf32, #tpu.memory_space<vmem>>, vector<16xf32>,
      %mul3A_1141 = arith.mulf %get3A_1140, %gather3A : vector<16xf32>
      %get3A_1142 = arith.constant 1 : i32
      %get3A_1143 = arith.index_cast %get3A_1142 : i32 to index
      %get3A_1144 = arith.index_cast %scan3A_142 : i32 to index
      %get3A_1145 = arith.constant 880 : index
      %get3A_1146 = tpu.vector_load %arg6[%get3A_1143, %get3A_1144, %get3A_1145] {strides = array<i32>} : memref<2x32x1024xf32, #tpu.memory_space<vmem>>, vector<16xf32>,
      %mul3A_1147 = arith.mulf %get3A_1146, %gather3A_147 : vector<16xf32>
      %add3A_1148 = arith.addf %mul3A_1141, %mul3A_1147 : vector<16xf32>
      %swap3A_1149 = arith.constant 0 : i32
      %swap3A_1150 = arith.index_cast %swap3A_1149 : i32 to index
      %swap3A_1151 = arith.index_cast %scan3A_142 : i32 to index
      %swap3A_1152 = arith.constant 880 : index
      %swap3A_1153 = tpu.vector_load %arg6[%swap3A_1150, %swap3A_1151, %swap3A_1152] {strides = array<i32>} : memref<2x32x1024xf32, #tpu.memory_space<vmem>>, vector<16xf32>,
      tpu.vector_store %arg6[%swap3A_1150, %swap3A_1151, %swap3A_1152], %add3A_1148 {strides = array<i32>} : memref<2x32x1024xf32, #tpu.memory_space<vmem>>, vector<16xf32>,
      %get3A_1154 = arith.constant 0 : i32
      %get3A_1155 = arith.index_cast %get3A_1154 : i32 to index
      %get3A_1156 = arith.index_cast %scan3A_142 : i32 to index
      %get3A_1157 = arith.constant 896 : index
      %get3A_1158 = tpu.vector_load %arg6[%get3A_1155, %get3A_1156, %get3A_1157] {strides = array<i32>} : memref<2x32x1024xf32, #tpu.memory_space<vmem>>, vector<16xf32>,
      %mul3A_1159 = arith.mulf %get3A_1158, %gather3A : vector<16xf32>
      %get3A_1160 = arith.constant 1 : i32
      %get3A_1161 = arith.index_cast %get3A_1160 : i32 to index
      %get3A_1162 = arith.index_cast %scan3A_142 : i32 to index
      %get3A_1163 = arith.constant 896 : index
      %get3A_1164 = tpu.vector_load %arg6[%get3A_1161, %get3A_1162, %get3A_1163] {strides = array<i32>} : memref<2x32x1024xf32, #tpu.memory_space<vmem>>, vector<16xf32>,
      %mul3A_1165 = arith.mulf %get3A_1164, %gather3A_147 : vector<16xf32>
      %add3A_1166 = arith.addf %mul3A_1159, %mul3A_1165 : vector<16xf32>
      %swap3A_1167 = arith.constant 0 : i32
      %swap3A_1168 = arith.index_cast %swap3A_1167 : i32 to index
      %swap3A_1169 = arith.index_cast %scan3A_142 : i32 to index
      %swap3A_1170 = arith.constant 896 : index
      %swap3A_1171 = tpu.vector_load %arg6[%swap3A_1168, %swap3A_1169, %swap3A_1170] {strides = array<i32>} : memref<2x32x1024xf32, #tpu.memory_space<vmem>>, vector<16xf32>,
      tpu.vector_store %arg6[%swap3A_1168, %swap3A_1169, %swap3A_1170], %add3A_1166 {strides = array<i32>} : memref<2x32x1024xf32, #tpu.memory_space<vmem>>, vector<16xf32>,
      %get3A_1172 = arith.constant 0 : i32
      %get3A_1173 = arith.index_cast %get3A_1172 : i32 to index
      %get3A_1174 = arith.index_cast %scan3A_142 : i32 to index
      %get3A_1175 = arith.constant 912 : index
      %get3A_1176 = tpu.vector_load %arg6[%get3A_1173, %get3A_1174, %get3A_1175] {strides = array<i32>} : memref<2x32x1024xf32, #tpu.memory_space<vmem>>, vector<16xf32>,
      %mul3A_1177 = arith.mulf %get3A_1176, %gather3A : vector<16xf32>
      %get3A_1178 = arith.constant 1 : i32
      %get3A_1179 = arith.index_cast %get3A_1178 : i32 to index
      %get3A_1180 = arith.index_cast %scan3A_142 : i32 to index
      %get3A_1181 = arith.constant 912 : index
      %get3A_1182 = tpu.vector_load %arg6[%get3A_1179, %get3A_1180, %get3A_1181] {strides = array<i32>} : memref<2x32x1024xf32, #tpu.memory_space<vmem>>, vector<16xf32>,
      %mul3A_1183 = arith.mulf %get3A_1182, %gather3A_147 : vector<16xf32>
      %add3A_1184 = arith.addf %mul3A_1177, %mul3A_1183 : vector<16xf32>
      %swap3A_1185 = arith.constant 0 : i32
      %swap3A_1186 = arith.index_cast %swap3A_1185 : i32 to index
      %swap3A_1187 = arith.index_cast %scan3A_142 : i32 to index
      %swap3A_1188 = arith.constant 912 : index
      %swap3A_1189 = tpu.vector_load %arg6[%swap3A_1186, %swap3A_1187, %swap3A_1188] {strides = array<i32>} : memref<2x32x1024xf32, #tpu.memory_space<vmem>>, vector<16xf32>,
      tpu.vector_store %arg6[%swap3A_1186, %swap3A_1187, %swap3A_1188], %add3A_1184 {strides = array<i32>} : memref<2x32x1024xf32, #tpu.memory_space<vmem>>, vector<16xf32>,
      %get3A_1190 = arith.constant 0 : i32
      %get3A_1191 = arith.index_cast %get3A_1190 : i32 to index
      %get3A_1192 = arith.index_cast %scan3A_142 : i32 to index
      %get3A_1193 = arith.constant 928 : index
      %get3A_1194 = tpu.vector_load %arg6[%get3A_1191, %get3A_1192, %get3A_1193] {strides = array<i32>} : memref<2x32x1024xf32, #tpu.memory_space<vmem>>, vector<16xf32>,
      %mul3A_1195 = arith.mulf %get3A_1194, %gather3A : vector<16xf32>
      %get3A_1196 = arith.constant 1 : i32
      %get3A_1197 = arith.index_cast %get3A_1196 : i32 to index
      %get3A_1198 = arith.index_cast %scan3A_142 : i32 to index
      %get3A_1199 = arith.constant 928 : index
      %get3A_1200 = tpu.vector_load %arg6[%get3A_1197, %get3A_1198, %get3A_1199] {strides = array<i32>} : memref<2x32x1024xf32, #tpu.memory_space<vmem>>, vector<16xf32>,
      %mul3A_1201 = arith.mulf %get3A_1200, %gather3A_147 : vector<16xf32>
      %add3A_1202 = arith.addf %mul3A_1195, %mul3A_1201 : vector<16xf32>
      %swap3A_1203 = arith.constant 0 : i32
      %swap3A_1204 = arith.index_cast %swap3A_1203 : i32 to index
      %swap3A_1205 = arith.index_cast %scan3A_142 : i32 to index
      %swap3A_1206 = arith.constant 928 : index
      %swap3A_1207 = tpu.vector_load %arg6[%swap3A_1204, %swap3A_1205, %swap3A_1206] {strides = array<i32>} : memref<2x32x1024xf32, #tpu.memory_space<vmem>>, vector<16xf32>,
      tpu.vector_store %arg6[%swap3A_1204, %swap3A_1205, %swap3A_1206], %add3A_1202 {strides = array<i32>} : memref<2x32x1024xf32, #tpu.memory_space<vmem>>, vector<16xf32>,
      %get3A_1208 = arith.constant 0 : i32
      %get3A_1209 = arith.index_cast %get3A_1208 : i32 to index
      %get3A_1210 = arith.index_cast %scan3A_142 : i32 to index
      %get3A_1211 = arith.constant 944 : index
      %get3A_1212 = tpu.vector_load %arg6[%get3A_1209, %get3A_1210, %get3A_1211] {strides = array<i32>} : memref<2x32x1024xf32, #tpu.memory_space<vmem>>, vector<16xf32>,
      %mul3A_1213 = arith.mulf %get3A_1212, %gather3A : vector<16xf32>
      %get3A_1214 = arith.constant 1 : i32
      %get3A_1215 = arith.index_cast %get3A_1214 : i32 to index
      %get3A_1216 = arith.index_cast %scan3A_142 : i32 to index
      %get3A_1217 = arith.constant 944 : index
      %get3A_1218 = tpu.vector_load %arg6[%get3A_1215, %get3A_1216, %get3A_1217] {strides = array<i32>} : memref<2x32x1024xf32, #tpu.memory_space<vmem>>, vector<16xf32>,
      %mul3A_1219 = arith.mulf %get3A_1218, %gather3A_147 : vector<16xf32>
      %add3A_1220 = arith.addf %mul3A_1213, %mul3A_1219 : vector<16xf32>
      %swap3A_1221 = arith.constant 0 : i32
      %swap3A_1222 = arith.index_cast %swap3A_1221 : i32 to index
      %swap3A_1223 = arith.index_cast %scan3A_142 : i32 to index
      %swap3A_1224 = arith.constant 944 : index
      %swap3A_1225 = tpu.vector_load %arg6[%swap3A_1222, %swap3A_1223, %swap3A_1224] {strides = array<i32>} : memref<2x32x1024xf32, #tpu.memory_space<vmem>>, vector<16xf32>,
      tpu.vector_store %arg6[%swap3A_1222, %swap3A_1223, %swap3A_1224], %add3A_1220 {strides = array<i32>} : memref<2x32x1024xf32, #tpu.memory_space<vmem>>, vector<16xf32>,
      %get3A_1226 = arith.constant 0 : i32
      %get3A_1227 = arith.index_cast %get3A_1226 : i32 to index
      %get3A_1228 = arith.index_cast %scan3A_142 : i32 to index
      %get3A_1229 = arith.constant 960 : index
      %get3A_1230 = tpu.vector_load %arg6[%get3A_1227, %get3A_1228, %get3A_1229] {strides = array<i32>} : memref<2x32x1024xf32, #tpu.memory_space<vmem>>, vector<16xf32>,
      %mul3A_1231 = arith.mulf %get3A_1230, %gather3A : vector<16xf32>
      %get3A_1232 = arith.constant 1 : i32
      %get3A_1233 = arith.index_cast %get3A_1232 : i32 to index
      %get3A_1234 = arith.index_cast %scan3A_142 : i32 to index
      %get3A_1235 = arith.constant 960 : index
      %get3A_1236 = tpu.vector_load %arg6[%get3A_1233, %get3A_1234, %get3A_1235] {strides = array<i32>} : memref<2x32x1024xf32, #tpu.memory_space<vmem>>, vector<16xf32>,
      %mul3A_1237 = arith.mulf %get3A_1236, %gather3A_147 : vector<16xf32>
      %add3A_1238 = arith.addf %mul3A_1231, %mul3A_1237 : vector<16xf32>
      %swap3A_1239 = arith.constant 0 : i32
      %swap3A_1240 = arith.index_cast %swap3A_1239 : i32 to index
      %swap3A_1241 = arith.index_cast %scan3A_142 : i32 to index
      %swap3A_1242 = arith.constant 960 : index
      %swap3A_1243 = tpu.vector_load %arg6[%swap3A_1240, %swap3A_1241, %swap3A_1242] {strides = array<i32>} : memref<2x32x1024xf32, #tpu.memory_space<vmem>>, vector<16xf32>,
      tpu.vector_store %arg6[%swap3A_1240, %swap3A_1241, %swap3A_1242], %add3A_1238 {strides = array<i32>} : memref<2x32x1024xf32, #tpu.memory_space<vmem>>, vector<16xf32>,
      %get3A_1244 = arith.constant 0 : i32
      %get3A_1245 = arith.index_cast %get3A_1244 : i32 to index
      %get3A_1246 = arith.index_cast %scan3A_142 : i32 to index
      %get3A_1247 = arith.constant 976 : index
      %get3A_1248 = tpu.vector_load %arg6[%get3A_1245, %get3A_1246, %get3A_1247] {strides = array<i32>} : memref<2x32x1024xf32, #tpu.memory_space<vmem>>, vector<16xf32>,
      %mul3A_1249 = arith.mulf %get3A_1248, %gather3A : vector<16xf32>
      %get3A_1250 = arith.constant 1 : i32
      %get3A_1251 = arith.index_cast %get3A_1250 : i32 to index
      %get3A_1252 = arith.index_cast %scan3A_142 : i32 to index
      %get3A_1253 = arith.constant 976 : index
      %get3A_1254 = tpu.vector_load %arg6[%get3A_1251, %get3A_1252, %get3A_1253] {strides = array<i32>} : memref<2x32x1024xf32, #tpu.memory_space<vmem>>, vector<16xf32>,
      %mul3A_1255 = arith.mulf %get3A_1254, %gather3A_147 : vector<16xf32>
      %add3A_1256 = arith.addf %mul3A_1249, %mul3A_1255 : vector<16xf32>
      %swap3A_1257 = arith.constant 0 : i32
      %swap3A_1258 = arith.index_cast %swap3A_1257 : i32 to index
      %swap3A_1259 = arith.index_cast %scan3A_142 : i32 to index
      %swap3A_1260 = arith.constant 976 : index
      %swap3A_1261 = tpu.vector_load %arg6[%swap3A_1258, %swap3A_1259, %swap3A_1260] {strides = array<i32>} : memref<2x32x1024xf32, #tpu.memory_space<vmem>>, vector<16xf32>,
      tpu.vector_store %arg6[%swap3A_1258, %swap3A_1259, %swap3A_1260], %add3A_1256 {strides = array<i32>} : memref<2x32x1024xf32, #tpu.memory_space<vmem>>, vector<16xf32>,
      %get3A_1262 = arith.constant 0 : i32
      %get3A_1263 = arith.index_cast %get3A_1262 : i32 to index
      %get3A_1264 = arith.index_cast %scan3A_142 : i32 to index
      %get3A_1265 = arith.constant 992 : index
      %get3A_1266 = tpu.vector_load %arg6[%get3A_1263, %get3A_1264, %get3A_1265] {strides = array<i32>} : memref<2x32x1024xf32, #tpu.memory_space<vmem>>, vector<16xf32>,
      %mul3A_1267 = arith.mulf %get3A_1266, %gather3A : vector<16xf32>
      %get3A_1268 = arith.constant 1 : i32
      %get3A_1269 = arith.index_cast %get3A_1268 : i32 to index
      %get3A_1270 = arith.index_cast %scan3A_142 : i32 to index
      %get3A_1271 = arith.constant 992 : index
      %get3A_1272 = tpu.vector_load %arg6[%get3A_1269, %get3A_1270, %get3A_1271] {strides = array<i32>} : memref<2x32x1024xf32, #tpu.memory_space<vmem>>, vector<16xf32>,
      %mul3A_1273 = arith.mulf %get3A_1272, %gather3A_147 : vector<16xf32>
      %add3A_1274 = arith.addf %mul3A_1267, %mul3A_1273 : vector<16xf32>
      %swap3A_1275 = arith.constant 0 : i32
      %swap3A_1276 = arith.index_cast %swap3A_1275 : i32 to index
      %swap3A_1277 = arith.index_cast %scan3A_142 : i32 to index
      %swap3A_1278 = arith.constant 992 : index
      %swap3A_1279 = tpu.vector_load %arg6[%swap3A_1276, %swap3A_1277, %swap3A_1278] {strides = array<i32>} : memref<2x32x1024xf32, #tpu.memory_space<vmem>>, vector<16xf32>,
      tpu.vector_store %arg6[%swap3A_1276, %swap3A_1277, %swap3A_1278], %add3A_1274 {strides = array<i32>} : memref<2x32x1024xf32, #tpu.memory_space<vmem>>, vector<16xf32>,
      %get3A_1280 = arith.constant 0 : i32
      %get3A_1281 = arith.index_cast %get3A_1280 : i32 to index
      %get3A_1282 = arith.index_cast %scan3A_142 : i32 to index
      %get3A_1283 = arith.constant 1008 : index
      %get3A_1284 = tpu.vector_load %arg6[%get3A_1281, %get3A_1282, %get3A_1283] {strides = array<i32>} : memref<2x32x1024xf32, #tpu.memory_space<vmem>>, vector<16xf32>,
      %mul3A_1285 = arith.mulf %get3A_1284, %gather3A : vector<16xf32>
      %get3A_1286 = arith.constant 1 : i32
      %get3A_1287 = arith.index_cast %get3A_1286 : i32 to index
      %get3A_1288 = arith.index_cast %scan3A_142 : i32 to index
      %get3A_1289 = arith.constant 1008 : index
      %get3A_1290 = tpu.vector_load %arg6[%get3A_1287, %get3A_1288, %get3A_1289] {strides = array<i32>} : memref<2x32x1024xf32, #tpu.memory_space<vmem>>, vector<16xf32>,
      %mul3A_1291 = arith.mulf %get3A_1290, %gather3A_147 : vector<16xf32>
      %add3A_1292 = arith.addf %mul3A_1285, %mul3A_1291 : vector<16xf32>
      %swap3A_1293 = arith.constant 0 : i32
      %swap3A_1294 = arith.index_cast %swap3A_1293 : i32 to index
      %swap3A_1295 = arith.index_cast %scan3A_142 : i32 to index
      %swap3A_1296 = arith.constant 1008 : index
      %swap3A_1297 = tpu.vector_load %arg6[%swap3A_1294, %swap3A_1295, %swap3A_1296] {strides = array<i32>} : memref<2x32x1024xf32, #tpu.memory_space<vmem>>, vector<16xf32>,
      tpu.vector_store %arg6[%swap3A_1294, %swap3A_1295, %swap3A_1296], %add3A_1292 {strides = array<i32>} : memref<2x32x1024xf32, #tpu.memory_space<vmem>>, vector<16xf32>,
      %scan3A_1298 = arith.constant 0 : i32
      scf.yield %scan3A_1298 : i32
    }
    %scan3A_138 = arith.constant 32 : i32
    %add3A_139 = arith.constant 32 : i32
    %add3A_140 = arith.addi %mul3A_2, %add3A_139 : i32
    %run_scoped3A_141 = arith.constant 0 : i32
    "tpu.region"() ({
      %run_scoped3A_142 = tpu.sem_alloc : memref<!tpu.dma_semaphore, #tpu.memory_space<semaphore_mem>>
      %dma_start3A_143 = arith.constant 0 : i32
      %dma_start3A_144 = arith.constant 0 : i32
      %dma_start3A_145 = tpu.memref_slice %arg6[%run_scoped3A_141, %dma_start3A_143, %dma_start3A_144] : memref<2x32x1024xf32, #tpu.memory_space<vmem>> -> memref<1x32x1024xf32, #tpu.memory_space<vmem>>
      %dma_start3A_146 = tpu.memref_squeeze %dma_start3A_145 : memref<1x32x1024xf32, #tpu.memory_space<vmem>> -> memref<32x1024xf32, #tpu.memory_space<vmem>>
      %dma_start3A_147 = arith.constant 0 : i32
      %dma_start3A_148 = tpu.memref_slice %arg5[%add3A_140, %dma_start3A_147] : memref<2048x1024xf32, #tpu.memory_space<hbm>> -> memref<32x1024xf32, #tpu.memory_space<hbm>>
      %dma_start3A_149 = arith.constant 0 : i32
      %dma_start3A_150 = tpu.memref_slice %arg5[%add3A_140, %dma_start3A_149] : memref<2048x1024xf32, #tpu.memory_space<hbm>> -> memref<32x1024xf32, #tpu.memory_space<hbm>>
      %dma_start3A_151 = arith.constant 0 : i32
      %dma_start3A_152 = arith.constant 0 : i32
      %dma_start3A_153 = tpu.memref_slice %arg6[%run_scoped3A_141, %dma_start3A_151, %dma_start3A_152] : memref<2x32x1024xf32, #tpu.memory_space<vmem>> -> memref<1x32x1024xf32, #tpu.memory_space<vmem>>
      %dma_start3A_154 = tpu.memref_squeeze %dma_start3A_153 : memref<1x32x1024xf32, #tpu.memory_space<vmem>> -> memref<32x1024xf32, #tpu.memory_space<vmem>>
      tpu.enqueue_dma source(%dma_start3A_154 : memref<32x1024xf32, #tpu.memory_space<vmem>>) target(%dma_start3A_150 : memref<32x1024xf32, #tpu.memory_space<hbm>>) target_semaphore(%run_scoped3A_142 : memref<!tpu.dma_semaphore, #tpu.memory_space<semaphore_mem>>)
      %dma_wait3A_155 = arith.constant 0 : i32
      %dma_wait3A_156 = arith.constant 0 : i32
      %dma_wait3A_157 = tpu.memref_slice %arg6[%run_scoped3A_141, %dma_wait3A_155, %dma_wait3A_156] : memref<2x32x1024xf32, #tpu.memory_space<vmem>> -> memref<1x32x1024xf32, #tpu.memory_space<vmem>>
      %dma_wait3A_158 = tpu.memref_squeeze %dma_wait3A_157 : memref<1x32x1024xf32, #tpu.memory_space<vmem>> -> memref<32x1024xf32, #tpu.memory_space<vmem>>
      %dma_wait3A_159 = arith.constant 0 : i32
      %dma_wait3A_160 = tpu.memref_slice %arg5[%add3A_140, %dma_wait3A_159] : memref<2048x1024xf32, #tpu.memory_space<hbm>> -> memref<32x1024xf32, #tpu.memory_space<hbm>>
      %dma_wait3A_161 = arith.constant 0 : i32
      %dma_wait3A_162 = tpu.memref_slice %arg5[%add3A_140, %dma_wait3A_161] : memref<2048x1024xf32, #tpu.memory_space<hbm>> -> memref<32x1024xf32, #tpu.memory_space<hbm>>
      %dma_wait3A_163 = arith.constant 0 : i32
      %dma_wait3A_164 = arith.constant 0 : i32
      %dma_wait3A_165 = tpu.memref_slice %arg6[%run_scoped3A_141, %dma_wait3A_163, %dma_wait3A_164] : memref<2x32x1024xf32, #tpu.memory_space<vmem>> -> memref<1x32x1024xf32, #tpu.memory_space<vmem>>
      %dma_wait3A_166 = tpu.memref_squeeze %dma_wait3A_165 : memref<1x32x1024xf32, #tpu.memory_space<vmem>> -> memref<32x1024xf32, #tpu.memory_space<vmem>>
      tpu.wait_dma2 semaphore(%run_scoped3A_142 : memref<!tpu.dma_semaphore, #tpu.memory_space<semaphore_mem>>) src(%dma_wait3A_166 : memref<32x1024xf32, #tpu.memory_space<vmem>>) dst(%dma_wait3A_162 : memref<32x1024xf32, #tpu.memory_space<hbm>>)
      tpu.yield
    }) : () -> ()
    return
  }
}

#map = affine_map<(d0, d1) -> (0, 0)>
#map1 = affine_map<(d0, d1) -> (0, 0, 0)>
module attributes {stable_mosaic.version = 14 : i64} {
  func.func @_scatter_body(%arg0: i32, %arg1: i32, %arg2: memref<2048x1024xf32, #tpu.memory_space<hbm>>, %arg3: memref<32x2x64xi32, #tpu.memory_space<hbm>>, %arg4: memref<6144x1024xf32, #tpu.memory_space<hbm>>, %arg5: memref<64x1024xf32, #tpu.memory_space<vmem>>, %arg6: memref<2x64xi32, #tpu.memory_space<vmem>>, %arg7: memref<!tpu.dma_semaphore, #tpu.memory_space<semaphore_mem>>) attributes {dimension_semantics = [#tpu.dimension_semantics<core_parallel>, #tpu.dimension_semantics<subcore_parallel>], iteration_bounds = array<i64: 2, 16>, scalar_prefetch = 0 : i64, scratch_operands = 3 : i64, tpu.core_type = #tpu.core_type<sc_vector_subcore>, window_params = [{transform_indices = #map}, {transform_indices = #map1}, {transform_indices = #map}]} {
    %mul3A = arith.constant 16 : i32
    %mul3A_0 = arith.muli %arg0, %mul3A : i32
    %add3A = arith.addi %mul3A_0, %arg1 : i32
    %mul3A_1 = arith.constant 64 : i32
    %mul3A_2 = arith.muli %add3A, %mul3A_1 : i32
    "tpu.region"() ({
      %run_scoped3A = tpu.sem_alloc : memref<!tpu.dma_semaphore, #tpu.memory_space<semaphore_mem>>
      %dma_start3A_29 = arith.constant 0 : i32
      %dma_start3A_30 = tpu.memref_slice %arg2[%mul3A_2, %dma_start3A_29] : memref<2048x1024xf32, #tpu.memory_space<hbm>> -> memref<64x1024xf32, #tpu.memory_space<hbm>>
      %dma_start3A_31 = arith.constant 0 : i32
      %dma_start3A_32 = tpu.memref_slice %arg2[%mul3A_2, %dma_start3A_31] : memref<2048x1024xf32, #tpu.memory_space<hbm>> -> memref<64x1024xf32, #tpu.memory_space<hbm>>
      tpu.enqueue_dma source(%dma_start3A_32 : memref<64x1024xf32, #tpu.memory_space<hbm>>) target(%arg5 : memref<64x1024xf32, #tpu.memory_space<vmem>>) target_semaphore(%run_scoped3A : memref<!tpu.dma_semaphore, #tpu.memory_space<semaphore_mem>>)
      %dma_wait3A_33 = arith.constant 0 : i32
      %dma_wait3A_34 = tpu.memref_slice %arg2[%mul3A_2, %dma_wait3A_33] : memref<2048x1024xf32, #tpu.memory_space<hbm>> -> memref<64x1024xf32, #tpu.memory_space<hbm>>
      %dma_wait3A_35 = arith.constant 0 : i32
      %dma_wait3A_36 = tpu.memref_slice %arg2[%mul3A_2, %dma_wait3A_35] : memref<2048x1024xf32, #tpu.memory_space<hbm>> -> memref<64x1024xf32, #tpu.memory_space<hbm>>
      tpu.wait_dma2 semaphore(%run_scoped3A : memref<!tpu.dma_semaphore, #tpu.memory_space<semaphore_mem>>) src(%dma_wait3A_36 : memref<64x1024xf32, #tpu.memory_space<hbm>>) dst(%arg5 : memref<64x1024xf32, #tpu.memory_space<vmem>>)
      tpu.yield
    }) : () -> ()
    "tpu.region"() ({
      %run_scoped3A = tpu.sem_alloc : memref<!tpu.dma_semaphore, #tpu.memory_space<semaphore_mem>>
      %dma_start3A_29 = arith.constant 0 : i32
      %dma_start3A_30 = arith.constant 0 : i32
      %dma_start3A_31 = tpu.memref_slice %arg3[%add3A, %dma_start3A_29, %dma_start3A_30] : memref<32x2x64xi32, #tpu.memory_space<hbm>> -> memref<1x2x64xi32, #tpu.memory_space<hbm>>
      %dma_start3A_32 = tpu.memref_squeeze %dma_start3A_31 : memref<1x2x64xi32, #tpu.memory_space<hbm>> -> memref<2x64xi32, #tpu.memory_space<hbm>>
      %dma_start3A_33 = arith.constant 0 : i32
      %dma_start3A_34 = arith.constant 0 : i32
      %dma_start3A_35 = tpu.memref_slice %arg3[%add3A, %dma_start3A_33, %dma_start3A_34] : memref<32x2x64xi32, #tpu.memory_space<hbm>> -> memref<1x2x64xi32, #tpu.memory_space<hbm>>
      %dma_start3A_36 = tpu.memref_squeeze %dma_start3A_35 : memref<1x2x64xi32, #tpu.memory_space<hbm>> -> memref<2x64xi32, #tpu.memory_space<hbm>>
      tpu.enqueue_dma source(%dma_start3A_36 : memref<2x64xi32, #tpu.memory_space<hbm>>) target(%arg6 : memref<2x64xi32, #tpu.memory_space<vmem>>) target_semaphore(%run_scoped3A : memref<!tpu.dma_semaphore, #tpu.memory_space<semaphore_mem>>)
      %dma_wait3A_37 = arith.constant 0 : i32
      %dma_wait3A_38 = arith.constant 0 : i32
      %dma_wait3A_39 = tpu.memref_slice %arg3[%add3A, %dma_wait3A_37, %dma_wait3A_38] : memref<32x2x64xi32, #tpu.memory_space<hbm>> -> memref<1x2x64xi32, #tpu.memory_space<hbm>>
      %dma_wait3A_40 = tpu.memref_squeeze %dma_wait3A_39 : memref<1x2x64xi32, #tpu.memory_space<hbm>> -> memref<2x64xi32, #tpu.memory_space<hbm>>
      %dma_wait3A_41 = arith.constant 0 : i32
      %dma_wait3A_42 = arith.constant 0 : i32
      %dma_wait3A_43 = tpu.memref_slice %arg3[%add3A, %dma_wait3A_41, %dma_wait3A_42] : memref<32x2x64xi32, #tpu.memory_space<hbm>> -> memref<1x2x64xi32, #tpu.memory_space<hbm>>
      %dma_wait3A_44 = tpu.memref_squeeze %dma_wait3A_43 : memref<1x2x64xi32, #tpu.memory_space<hbm>> -> memref<2x64xi32, #tpu.memory_space<hbm>>
      tpu.wait_dma2 semaphore(%run_scoped3A : memref<!tpu.dma_semaphore, #tpu.memory_space<semaphore_mem>>) src(%dma_wait3A_44 : memref<2x64xi32, #tpu.memory_space<hbm>>) dst(%arg6 : memref<2x64xi32, #tpu.memory_space<vmem>>)
      tpu.yield
    }) : () -> ()
    %dma_start3A = arith.constant 0 : i32
    %dma_start3A_3 = arith.constant 0 : i32
    %dma_start3A_4 = tpu.memref_slice %arg6[%dma_start3A, %dma_start3A_3] : memref<2x64xi32, #tpu.memory_space<vmem>> -> memref<1x64xi32, #tpu.memory_space<vmem>>
    %dma_start3A_5 = tpu.memref_squeeze %dma_start3A_4 : memref<1x64xi32, #tpu.memory_space<vmem>> -> memref<64xi32, #tpu.memory_space<vmem>>
    %dma_start3A_6 = arith.constant 0 : i32
    %dma_start3A_7 = arith.constant 0 : i32
    %dma_start3A_8 = tpu.memref_slice %arg4[%dma_start3A_6, %dma_start3A_7] : memref<6144x1024xf32, #tpu.memory_space<hbm>> -> memref<6144x1024xf32, #tpu.memory_space<hbm>>
    tpu.enqueue_indirect_dma source(%arg5 : memref<64x1024xf32, #tpu.memory_space<vmem>>) target(%dma_start3A_8 : memref<6144x1024xf32, #tpu.memory_space<hbm>>) offsets(%dma_start3A_5 : memref<64xi32, #tpu.memory_space<vmem>>) semaphore(%arg7 : memref<!tpu.dma_semaphore, #tpu.memory_space<semaphore_mem>>)
    %dma_start3A_9 = arith.constant 1 : i32
    %dma_start3A_10 = arith.constant 0 : i32
    %dma_start3A_11 = tpu.memref_slice %arg6[%dma_start3A_9, %dma_start3A_10] : memref<2x64xi32, #tpu.memory_space<vmem>> -> memref<1x64xi32, #tpu.memory_space<vmem>>
    %dma_start3A_12 = tpu.memref_squeeze %dma_start3A_11 : memref<1x64xi32, #tpu.memory_space<vmem>> -> memref<64xi32, #tpu.memory_space<vmem>>
    %dma_start3A_13 = arith.constant 0 : i32
    %dma_start3A_14 = arith.constant 0 : i32
    %dma_start3A_15 = tpu.memref_slice %arg4[%dma_start3A_13, %dma_start3A_14] : memref<6144x1024xf32, #tpu.memory_space<hbm>> -> memref<6144x1024xf32, #tpu.memory_space<hbm>>
    tpu.enqueue_indirect_dma source(%arg5 : memref<64x1024xf32, #tpu.memory_space<vmem>>) target(%dma_start3A_15 : memref<6144x1024xf32, #tpu.memory_space<hbm>>) offsets(%dma_start3A_12 : memref<64xi32, #tpu.memory_space<vmem>>) semaphore(%arg7 : memref<!tpu.dma_semaphore, #tpu.memory_space<semaphore_mem>>)
    %dma_wait3A = arith.constant 0 : i32
    %dma_wait3A_16 = arith.constant 0 : i32
    %dma_wait3A_17 = tpu.memref_slice %arg6[%dma_wait3A, %dma_wait3A_16] : memref<2x64xi32, #tpu.memory_space<vmem>> -> memref<1x64xi32, #tpu.memory_space<vmem>>
    %dma_wait3A_18 = tpu.memref_squeeze %dma_wait3A_17 : memref<1x64xi32, #tpu.memory_space<vmem>> -> memref<64xi32, #tpu.memory_space<vmem>>
    %dma_wait3A_19 = arith.constant 0 : i32
    %dma_wait3A_20 = arith.constant 0 : i32
    %dma_wait3A_21 = tpu.memref_slice %arg4[%dma_wait3A_19, %dma_wait3A_20] : memref<6144x1024xf32, #tpu.memory_space<hbm>> -> memref<6144x1024xf32, #tpu.memory_space<hbm>>
    tpu.wait_indirect_dma semaphore(%arg7 : memref<!tpu.dma_semaphore, #tpu.memory_space<semaphore_mem>>) src(%arg5 : memref<64x1024xf32, #tpu.memory_space<vmem>>) dst(%dma_wait3A_21 : memref<6144x1024xf32, #tpu.memory_space<hbm>>)
    %dma_wait3A_22 = arith.constant 1 : i32
    %dma_wait3A_23 = arith.constant 0 : i32
    %dma_wait3A_24 = tpu.memref_slice %arg6[%dma_wait3A_22, %dma_wait3A_23] : memref<2x64xi32, #tpu.memory_space<vmem>> -> memref<1x64xi32, #tpu.memory_space<vmem>>
    %dma_wait3A_25 = tpu.memref_squeeze %dma_wait3A_24 : memref<1x64xi32, #tpu.memory_space<vmem>> -> memref<64xi32, #tpu.memory_space<vmem>>
    %dma_wait3A_26 = arith.constant 0 : i32
    %dma_wait3A_27 = arith.constant 0 : i32
    %dma_wait3A_28 = tpu.memref_slice %arg4[%dma_wait3A_26, %dma_wait3A_27] : memref<6144x1024xf32, #tpu.memory_space<hbm>> -> memref<6144x1024xf32, #tpu.memory_space<hbm>>
    tpu.wait_indirect_dma semaphore(%arg7 : memref<!tpu.dma_semaphore, #tpu.memory_space<semaphore_mem>>) src(%arg5 : memref<64x1024xf32, #tpu.memory_space<vmem>>) dst(%dma_wait3A_28 : memref<6144x1024xf32, #tpu.memory_space<hbm>>)
    return
  }
}

module attributes {stable_mosaic.version = 14 : i64} {
  func.func @_meta_kernel(%arg0: memref<2048x8xf32, #tpu.memory_space<vmem>>, %arg1: memref<2048x2xi32, #tpu.memory_space<vmem>>, %arg2: memref<2048x2xf32, #tpu.memory_space<vmem>>, %arg3: memref<8x128xi32, #tpu.memory_space<vmem>>) attributes {dimension_semantics = [], scalar_prefetch = 0 : i64, scratch_operands = 0 : i64, tpu.core_type = #tpu.core_type<tc>} {
    %get3A = arith.constant 0 : index
    %get3A_0 = arith.constant 0 : index
    %get3A_1 = vector.load %arg0[%get3A, %get3A_0] : memref<2048x8xf32, #tpu.memory_space<vmem>>, vector<2048x8xf32>
    %reduce_max3A = arith.constant dense<0xFF800000> : vector<2048xf32>
    %reduce_max3A_2 = vector.multi_reduction <maximumf>, %get3A_1, %reduce_max3A [1] : vector<2048x8xf32> to vector<2048xf32>
    %broadcast_in_dim3A = vector.shape_cast %reduce_max3A_2 : vector<2048xf32> to vector<2048x1xf32>
    %sub3A = vector.broadcast %broadcast_in_dim3A : vector<2048x1xf32> to vector<2048x8xf32>
    %sub3A_3 = arith.subf %get3A_1, %sub3A : vector<2048x8xf32>
    %exp3A = math.exp %sub3A_3 : vector<2048x8xf32>
    %reduce_sum3A = arith.constant dense<0.000000e+00> : vector<2048xf32>
    %reduce_sum3A_4 = vector.multi_reduction <add>, %exp3A, %reduce_sum3A [1] : vector<2048x8xf32> to vector<2048xf32>
    %broadcast_in_dim3A_5 = vector.shape_cast %reduce_sum3A_4 : vector<2048xf32> to vector<2048x1xf32>
    %div3A = vector.broadcast %broadcast_in_dim3A_5 : vector<2048x1xf32> to vector<2048x8xf32>
    %div3A_6 = arith.divf %exp3A, %div3A : vector<2048x8xf32>
    %iota3A = tpu.iota {dimensions = array<i32: 1>} : vector<2048x8xi32>
    %reduce_max3A_7 = arith.constant dense<0xFF800000> : vector<2048xf32>
    %reduce_max3A_8 = vector.multi_reduction <maximumf>, %div3A_6, %reduce_max3A_7 [1] : vector<2048x8xf32> to vector<2048xf32>
    %broadcast_in_dim3A_9 = vector.shape_cast %reduce_max3A_8 : vector<2048xf32> to vector<2048x1xf32>
    %eq3A = vector.broadcast %broadcast_in_dim3A_9 : vector<2048x1xf32> to vector<2048x8xf32>
    %eq3A_10 = arith.cmpf oeq, %div3A_6, %eq3A : vector<2048x8xf32>
    %jit3A = arith.constant 8 : i32
    %broadcast_in_dim3A_11 = vector.broadcast %jit3A : i32 to vector<2048x8xi32>
    %select_n3A = arith.select %eq3A_10, %iota3A, %broadcast_in_dim3A_11 : vector<2048x8xi1>, vector<2048x8xi32>
    %reduce_min3A = arith.constant dense<2147483647> : vector<2048xi32>
    %reduce_min3A_12 = vector.multi_reduction <minsi>, %select_n3A, %reduce_min3A [1] : vector<2048x8xi32> to vector<2048xi32>
    %broadcast_in_dim3A_13 = vector.shape_cast %reduce_min3A_12 : vector<2048xi32> to vector<2048x1xi32>
    %eq3A_14 = vector.broadcast %broadcast_in_dim3A_13 : vector<2048x1xi32> to vector<2048x8xi32>
    %eq3A_15 = arith.cmpi eq, %iota3A, %eq3A_14 : vector<2048x8xi32>
    %jit3A_16 = arith.constant -1.000000e+00 : f32
    %broadcast_in_dim3A_17 = vector.broadcast %jit3A_16 : f32 to vector<2048x8xf32>
    %select_n3A_18 = arith.select %eq3A_15, %broadcast_in_dim3A_17, %div3A_6 : vector<2048x8xi1>, vector<2048x8xf32>
    %reduce_max3A_19 = arith.constant dense<0xFF800000> : vector<2048xf32>
    %reduce_max3A_20 = vector.multi_reduction <maximumf>, %select_n3A_18, %reduce_max3A_19 [1] : vector<2048x8xf32> to vector<2048xf32>
    %broadcast_in_dim3A_21 = vector.shape_cast %reduce_max3A_20 : vector<2048xf32> to vector<2048x1xf32>
    %eq3A_22 = vector.broadcast %broadcast_in_dim3A_21 : vector<2048x1xf32> to vector<2048x8xf32>
    %eq3A_23 = arith.cmpf oeq, %select_n3A_18, %eq3A_22 : vector<2048x8xf32>
    %jit3A_24 = arith.constant 8 : i32
    %broadcast_in_dim3A_25 = vector.broadcast %jit3A_24 : i32 to vector<2048x8xi32>
    %select_n3A_26 = arith.select %eq3A_23, %iota3A, %broadcast_in_dim3A_25 : vector<2048x8xi1>, vector<2048x8xi32>
    %reduce_min3A_27 = arith.constant dense<2147483647> : vector<2048xi32>
    %reduce_min3A_28 = vector.multi_reduction <minsi>, %select_n3A_26, %reduce_min3A_27 [1] : vector<2048x8xi32> to vector<2048xi32>
    %broadcast_in_dim3A_29 = vector.shape_cast %reduce_min3A_28 : vector<2048xi32> to vector<2048x1xi32>
    %add3A = arith.addf %broadcast_in_dim3A_9, %broadcast_in_dim3A_21 : vector<2048x1xf32>
    %div3A_30 = arith.divf %broadcast_in_dim3A_9, %add3A : vector<2048x1xf32>
    %div3A_31 = arith.divf %broadcast_in_dim3A_21, %add3A : vector<2048x1xf32>
    %eq3A_32 = vector.broadcast %broadcast_in_dim3A_13 : vector<2048x1xi32> to vector<2048x8xi32>
    %eq3A_33 = arith.cmpi eq, %iota3A, %eq3A_32 : vector<2048x8xi32>
    %convert_element_type3A = arith.extui %eq3A_33 : vector<2048x8xi1> to vector<2048x8xi32>
    %convert_element_type3A_34 = arith.sitofp %convert_element_type3A : vector<2048x8xi32> to vector<2048x8xf32>
    %eq3A_35 = vector.broadcast %broadcast_in_dim3A_29 : vector<2048x1xi32> to vector<2048x8xi32>
    %eq3A_36 = arith.cmpi eq, %iota3A, %eq3A_35 : vector<2048x8xi32>
    %convert_element_type3A_37 = arith.extui %eq3A_36 : vector<2048x8xi1> to vector<2048x8xi32>
    %convert_element_type3A_38 = arith.sitofp %convert_element_type3A_37 : vector<2048x8xi32> to vector<2048x8xf32>
    %add3A_39 = arith.addf %convert_element_type3A_34, %convert_element_type3A_38 : vector<2048x8xf32>
    %iota3A_40 = tpu.iota {dimensions = array<i32: 0>} : vector<256x256xi32>
    %iota3A_41 = tpu.iota {dimensions = array<i32: 1>} : vector<256x256xi32>
    %lt3A = arith.cmpi slt, %iota3A_41, %iota3A_40 : vector<256x256xi32>
    %convert_element_type3A_42 = arith.extui %lt3A : vector<256x256xi1> to vector<256x256xi32>
    %convert_element_type3A_43 = arith.sitofp %convert_element_type3A_42 : vector<256x256xi32> to vector<256x256xf32>
    %convert_element_type3A_44 = arith.truncf %convert_element_type3A_43 : vector<256x256xf32> to vector<256x256xbf16>
    %broadcast_in_dim3A_45 = arith.constant 0.000000e+00 : f32
    %broadcast_in_dim3A_46 = vector.broadcast %broadcast_in_dim3A_45 : f32 to vector<1x8xf32>
    %slice3A = vector.extract_strided_slice %add3A_39 {offsets = [0, 0], sizes = [256, 8], strides = [1, 1]} : vector<2048x8xf32> to vector<256x8xf32>
    %convert_element_type3A_47 = arith.truncf %slice3A : vector<256x8xf32> to vector<256x8xbf16>
    %dot_general3A = arith.constant dense<0.000000e+00> : vector<256x8xf32>
    %dot_general3A_48 = tpu.matmul %convert_element_type3A_44, %convert_element_type3A_47, %dot_general3A {dimension_numbers = #tpu.dot_dimension_numbers<[1], [0], [0], [1], [0, 0, 1, 1], [], []>, transpose_lhs_hint = false} : vector<256x256xbf16>, vector<256x8xbf16>, vector<256x8xf32> -> vector<256x8xf32>
    %add3A_49 = vector.broadcast %broadcast_in_dim3A_46 : vector<1x8xf32> to vector<256x8xf32>
    %add3A_50 = arith.addf %dot_general3A_48, %add3A_49 : vector<256x8xf32>
    %reduce_sum3A_51 = arith.constant dense<0.000000e+00> : vector<8xf32>
    %reduce_sum3A_52 = vector.multi_reduction <add>, %slice3A, %reduce_sum3A_51 [0] : vector<256x8xf32> to vector<8xf32>
    %broadcast_in_dim3A_53 = vector.shape_cast %reduce_sum3A_52 : vector<8xf32> to vector<1x8xf32>
    %add3A_54 = arith.addf %broadcast_in_dim3A_46, %broadcast_in_dim3A_53 : vector<1x8xf32>
    %slice3A_55 = vector.extract_strided_slice %add3A_39 {offsets = [256, 0], sizes = [256, 8], strides = [1, 1]} : vector<2048x8xf32> to vector<256x8xf32>
    %convert_element_type3A_56 = arith.truncf %slice3A_55 : vector<256x8xf32> to vector<256x8xbf16>
    %dot_general3A_57 = arith.constant dense<0.000000e+00> : vector<256x8xf32>
    %dot_general3A_58 = tpu.matmul %convert_element_type3A_44, %convert_element_type3A_56, %dot_general3A_57 {dimension_numbers = #tpu.dot_dimension_numbers<[1], [0], [0], [1], [0, 0, 1, 1], [], []>, transpose_lhs_hint = false} : vector<256x256xbf16>, vector<256x8xbf16>, vector<256x8xf32> -> vector<256x8xf32>
    %add3A_59 = vector.broadcast %add3A_54 : vector<1x8xf32> to vector<256x8xf32>
    %add3A_60 = arith.addf %dot_general3A_58, %add3A_59 : vector<256x8xf32>
    %reduce_sum3A_61 = arith.constant dense<0.000000e+00> : vector<8xf32>
    %reduce_sum3A_62 = vector.multi_reduction <add>, %slice3A_55, %reduce_sum3A_61 [0] : vector<256x8xf32> to vector<8xf32>
    %broadcast_in_dim3A_63 = vector.shape_cast %reduce_sum3A_62 : vector<8xf32> to vector<1x8xf32>
    %add3A_64 = arith.addf %add3A_54, %broadcast_in_dim3A_63 : vector<1x8xf32>
    %slice3A_65 = vector.extract_strided_slice %add3A_39 {offsets = [512, 0], sizes = [256, 8], strides = [1, 1]} : vector<2048x8xf32> to vector<256x8xf32>
    %convert_element_type3A_66 = arith.truncf %slice3A_65 : vector<256x8xf32> to vector<256x8xbf16>
    %dot_general3A_67 = arith.constant dense<0.000000e+00> : vector<256x8xf32>
    %dot_general3A_68 = tpu.matmul %convert_element_type3A_44, %convert_element_type3A_66, %dot_general3A_67 {dimension_numbers = #tpu.dot_dimension_numbers<[1], [0], [0], [1], [0, 0, 1, 1], [], []>, transpose_lhs_hint = false} : vector<256x256xbf16>, vector<256x8xbf16>, vector<256x8xf32> -> vector<256x8xf32>
    %add3A_69 = vector.broadcast %add3A_64 : vector<1x8xf32> to vector<256x8xf32>
    %add3A_70 = arith.addf %dot_general3A_68, %add3A_69 : vector<256x8xf32>
    %reduce_sum3A_71 = arith.constant dense<0.000000e+00> : vector<8xf32>
    %reduce_sum3A_72 = vector.multi_reduction <add>, %slice3A_65, %reduce_sum3A_71 [0] : vector<256x8xf32> to vector<8xf32>
    %broadcast_in_dim3A_73 = vector.shape_cast %reduce_sum3A_72 : vector<8xf32> to vector<1x8xf32>
    %add3A_74 = arith.addf %add3A_64, %broadcast_in_dim3A_73 : vector<1x8xf32>
    %slice3A_75 = vector.extract_strided_slice %add3A_39 {offsets = [768, 0], sizes = [256, 8], strides = [1, 1]} : vector<2048x8xf32> to vector<256x8xf32>
    %convert_element_type3A_76 = arith.truncf %slice3A_75 : vector<256x8xf32> to vector<256x8xbf16>
    %dot_general3A_77 = arith.constant dense<0.000000e+00> : vector<256x8xf32>
    %dot_general3A_78 = tpu.matmul %convert_element_type3A_44, %convert_element_type3A_76, %dot_general3A_77 {dimension_numbers = #tpu.dot_dimension_numbers<[1], [0], [0], [1], [0, 0, 1, 1], [], []>, transpose_lhs_hint = false} : vector<256x256xbf16>, vector<256x8xbf16>, vector<256x8xf32> -> vector<256x8xf32>
    %add3A_79 = vector.broadcast %add3A_74 : vector<1x8xf32> to vector<256x8xf32>
    %add3A_80 = arith.addf %dot_general3A_78, %add3A_79 : vector<256x8xf32>
    %reduce_sum3A_81 = arith.constant dense<0.000000e+00> : vector<8xf32>
    %reduce_sum3A_82 = vector.multi_reduction <add>, %slice3A_75, %reduce_sum3A_81 [0] : vector<256x8xf32> to vector<8xf32>
    %broadcast_in_dim3A_83 = vector.shape_cast %reduce_sum3A_82 : vector<8xf32> to vector<1x8xf32>
    %add3A_84 = arith.addf %add3A_74, %broadcast_in_dim3A_83 : vector<1x8xf32>
    %slice3A_85 = vector.extract_strided_slice %add3A_39 {offsets = [1024, 0], sizes = [256, 8], strides = [1, 1]} : vector<2048x8xf32> to vector<256x8xf32>
    %convert_element_type3A_86 = arith.truncf %slice3A_85 : vector<256x8xf32> to vector<256x8xbf16>
    %dot_general3A_87 = arith.constant dense<0.000000e+00> : vector<256x8xf32>
    %dot_general3A_88 = tpu.matmul %convert_element_type3A_44, %convert_element_type3A_86, %dot_general3A_87 {dimension_numbers = #tpu.dot_dimension_numbers<[1], [0], [0], [1], [0, 0, 1, 1], [], []>, transpose_lhs_hint = false} : vector<256x256xbf16>, vector<256x8xbf16>, vector<256x8xf32> -> vector<256x8xf32>
    %add3A_89 = vector.broadcast %add3A_84 : vector<1x8xf32> to vector<256x8xf32>
    %add3A_90 = arith.addf %dot_general3A_88, %add3A_89 : vector<256x8xf32>
    %reduce_sum3A_91 = arith.constant dense<0.000000e+00> : vector<8xf32>
    %reduce_sum3A_92 = vector.multi_reduction <add>, %slice3A_85, %reduce_sum3A_91 [0] : vector<256x8xf32> to vector<8xf32>
    %broadcast_in_dim3A_93 = vector.shape_cast %reduce_sum3A_92 : vector<8xf32> to vector<1x8xf32>
    %add3A_94 = arith.addf %add3A_84, %broadcast_in_dim3A_93 : vector<1x8xf32>
    %slice3A_95 = vector.extract_strided_slice %add3A_39 {offsets = [1280, 0], sizes = [256, 8], strides = [1, 1]} : vector<2048x8xf32> to vector<256x8xf32>
    %convert_element_type3A_96 = arith.truncf %slice3A_95 : vector<256x8xf32> to vector<256x8xbf16>
    %dot_general3A_97 = arith.constant dense<0.000000e+00> : vector<256x8xf32>
    %dot_general3A_98 = tpu.matmul %convert_element_type3A_44, %convert_element_type3A_96, %dot_general3A_97 {dimension_numbers = #tpu.dot_dimension_numbers<[1], [0], [0], [1], [0, 0, 1, 1], [], []>, transpose_lhs_hint = false} : vector<256x256xbf16>, vector<256x8xbf16>, vector<256x8xf32> -> vector<256x8xf32>
    %add3A_99 = vector.broadcast %add3A_94 : vector<1x8xf32> to vector<256x8xf32>
    %add3A_100 = arith.addf %dot_general3A_98, %add3A_99 : vector<256x8xf32>
    %reduce_sum3A_101 = arith.constant dense<0.000000e+00> : vector<8xf32>
    %reduce_sum3A_102 = vector.multi_reduction <add>, %slice3A_95, %reduce_sum3A_101 [0] : vector<256x8xf32> to vector<8xf32>
    %broadcast_in_dim3A_103 = vector.shape_cast %reduce_sum3A_102 : vector<8xf32> to vector<1x8xf32>
    %add3A_104 = arith.addf %add3A_94, %broadcast_in_dim3A_103 : vector<1x8xf32>
    %slice3A_105 = vector.extract_strided_slice %add3A_39 {offsets = [1536, 0], sizes = [256, 8], strides = [1, 1]} : vector<2048x8xf32> to vector<256x8xf32>
    %convert_element_type3A_106 = arith.truncf %slice3A_105 : vector<256x8xf32> to vector<256x8xbf16>
    %dot_general3A_107 = arith.constant dense<0.000000e+00> : vector<256x8xf32>
    %dot_general3A_108 = tpu.matmul %convert_element_type3A_44, %convert_element_type3A_106, %dot_general3A_107 {dimension_numbers = #tpu.dot_dimension_numbers<[1], [0], [0], [1], [0, 0, 1, 1], [], []>, transpose_lhs_hint = false} : vector<256x256xbf16>, vector<256x8xbf16>, vector<256x8xf32> -> vector<256x8xf32>
    %add3A_109 = vector.broadcast %add3A_104 : vector<1x8xf32> to vector<256x8xf32>
    %add3A_110 = arith.addf %dot_general3A_108, %add3A_109 : vector<256x8xf32>
    %reduce_sum3A_111 = arith.constant dense<0.000000e+00> : vector<8xf32>
    %reduce_sum3A_112 = vector.multi_reduction <add>, %slice3A_105, %reduce_sum3A_111 [0] : vector<256x8xf32> to vector<8xf32>
    %broadcast_in_dim3A_113 = vector.shape_cast %reduce_sum3A_112 : vector<8xf32> to vector<1x8xf32>
    %add3A_114 = arith.addf %add3A_104, %broadcast_in_dim3A_113 : vector<1x8xf32>
    %slice3A_115 = vector.extract_strided_slice %add3A_39 {offsets = [1792, 0], sizes = [256, 8], strides = [1, 1]} : vector<2048x8xf32> to vector<256x8xf32>
    %convert_element_type3A_116 = arith.truncf %slice3A_115 : vector<256x8xf32> to vector<256x8xbf16>
    %dot_general3A_117 = arith.constant dense<0.000000e+00> : vector<256x8xf32>
    %dot_general3A_118 = tpu.matmul %convert_element_type3A_44, %convert_element_type3A_116, %dot_general3A_117 {dimension_numbers = #tpu.dot_dimension_numbers<[1], [0], [0], [1], [0, 0, 1, 1], [], []>, transpose_lhs_hint = false} : vector<256x256xbf16>, vector<256x8xbf16>, vector<256x8xf32> -> vector<256x8xf32>
    %add3A_119 = vector.broadcast %add3A_114 : vector<1x8xf32> to vector<256x8xf32>
    %add3A_120 = arith.addf %dot_general3A_118, %add3A_119 : vector<256x8xf32>
    %reduce_sum3A_121 = arith.constant dense<0.000000e+00> : vector<8xf32>
    %reduce_sum3A_122 = vector.multi_reduction <add>, %slice3A_115, %reduce_sum3A_121 [0] : vector<256x8xf32> to vector<8xf32>
    %broadcast_in_dim3A_123 = vector.shape_cast %reduce_sum3A_122 : vector<8xf32> to vector<1x8xf32>
    %add3A_124 = arith.addf %add3A_114, %broadcast_in_dim3A_123 : vector<1x8xf32>
    %add3A_125 = arith.constant 2.550000e+02 : f32
    %add3A_126 = vector.broadcast %add3A_125 : f32 to vector<1x8xf32>
    %add3A_127 = arith.addf %add3A_124, %add3A_126 : vector<1x8xf32>
    %mul3A = arith.constant 3.906250e-03 : f32
    %mul3A_128 = vector.broadcast %mul3A : f32 to vector<1x8xf32>
    %mul3A_129 = arith.mulf %add3A_127, %mul3A_128 : vector<1x8xf32>
    %floor3A = math.floor %mul3A_129 : vector<1x8xf32>
    %mul3A_130 = arith.constant 2.560000e+02 : f32
    %mul3A_131 = vector.broadcast %mul3A_130 : f32 to vector<1x8xf32>
    %mul3A_132 = arith.mulf %floor3A, %mul3A_131 : vector<1x8xf32>
    %iota3A_133 = tpu.iota {dimensions = array<i32: 1>} : vector<1x8xi32>
    %ge3A = arith.constant 1 : i32
    %ge3A_134 = vector.broadcast %ge3A : i32 to vector<1x8xi32>
    %ge3A_135 = arith.cmpi sge, %iota3A_133, %ge3A_134 : vector<1x8xi32>
    %roll3A = arith.constant 1 : i32
    %roll3A_136 = tpu.dynamic_rotate %mul3A_132 by %roll3A dim 1 : vector<1x8xf32>, i32 -> vector<1x8xf32>
    %jit3A_137 = arith.constant 0.000000e+00 : f32
    %broadcast_in_dim3A_138 = vector.broadcast %jit3A_137 : f32 to vector<1x8xf32>
    %select_n3A_139 = arith.select %ge3A_135, %roll3A_136, %broadcast_in_dim3A_138 : vector<1x8xi1>, vector<1x8xf32>
    %add3A_140 = arith.addf %mul3A_132, %select_n3A_139 : vector<1x8xf32>
    %ge3A_141 = arith.constant 2 : i32
    %ge3A_142 = vector.broadcast %ge3A_141 : i32 to vector<1x8xi32>
    %ge3A_143 = arith.cmpi sge, %iota3A_133, %ge3A_142 : vector<1x8xi32>
    %roll3A_144 = arith.constant 2 : i32
    %roll3A_145 = tpu.dynamic_rotate %add3A_140 by %roll3A_144 dim 1 : vector<1x8xf32>, i32 -> vector<1x8xf32>
    %jit3A_146 = arith.constant 0.000000e+00 : f32
    %broadcast_in_dim3A_147 = vector.broadcast %jit3A_146 : f32 to vector<1x8xf32>
    %select_n3A_148 = arith.select %ge3A_143, %roll3A_145, %broadcast_in_dim3A_147 : vector<1x8xi1>, vector<1x8xf32>
    %add3A_149 = arith.addf %add3A_140, %select_n3A_148 : vector<1x8xf32>
    %ge3A_150 = arith.constant 4 : i32
    %ge3A_151 = vector.broadcast %ge3A_150 : i32 to vector<1x8xi32>
    %ge3A_152 = arith.cmpi sge, %iota3A_133, %ge3A_151 : vector<1x8xi32>
    %roll3A_153 = arith.constant 4 : i32
    %roll3A_154 = tpu.dynamic_rotate %add3A_149 by %roll3A_153 dim 1 : vector<1x8xf32>, i32 -> vector<1x8xf32>
    %jit3A_155 = arith.constant 0.000000e+00 : f32
    %broadcast_in_dim3A_156 = vector.broadcast %jit3A_155 : f32 to vector<1x8xf32>
    %select_n3A_157 = arith.select %ge3A_152, %roll3A_154, %broadcast_in_dim3A_156 : vector<1x8xi1>, vector<1x8xf32>
    %add3A_158 = arith.addf %add3A_149, %select_n3A_157 : vector<1x8xf32>
    %sub3A_159 = arith.subf %add3A_158, %mul3A_132 : vector<1x8xf32>
    %concatenate3A = tpu.concatenate %add3A_50, %add3A_60, %add3A_70, %add3A_80, %add3A_90, %add3A_100, %add3A_110, %add3A_120 in 0 : vector<256x8xf32>, vector<256x8xf32>, vector<256x8xf32>, vector<256x8xf32>, vector<256x8xf32>, vector<256x8xf32>, vector<256x8xf32>, vector<256x8xf32> -> vector<2048x8xf32>
    %add3A_160 = vector.broadcast %sub3A_159 : vector<1x8xf32> to vector<2048x8xf32>
    %add3A_161 = arith.addf %add3A_160, %concatenate3A : vector<2048x8xf32>
    %mul3A_162 = arith.mulf %convert_element_type3A_34, %add3A_161 : vector<2048x8xf32>
    %reduce_sum3A_163 = arith.constant dense<0.000000e+00> : vector<2048xf32>
    %reduce_sum3A_164 = vector.multi_reduction <add>, %mul3A_162, %reduce_sum3A_163 [1] : vector<2048x8xf32> to vector<2048xf32>
    %broadcast_in_dim3A_165 = vector.shape_cast %reduce_sum3A_164 : vector<2048xf32> to vector<2048x1xf32>
    %add3A_166 = vector.broadcast %sub3A_159 : vector<1x8xf32> to vector<2048x8xf32>
    %add3A_167 = arith.addf %add3A_166, %concatenate3A : vector<2048x8xf32>
    %add3A_168 = arith.addf %add3A_167, %convert_element_type3A_34 : vector<2048x8xf32>
    %mul3A_169 = arith.mulf %convert_element_type3A_38, %add3A_168 : vector<2048x8xf32>
    %reduce_sum3A_170 = arith.constant dense<0.000000e+00> : vector<2048xf32>
    %reduce_sum3A_171 = vector.multi_reduction <add>, %mul3A_169, %reduce_sum3A_170 [1] : vector<2048x8xf32> to vector<2048xf32>
    %broadcast_in_dim3A_172 = vector.shape_cast %reduce_sum3A_171 : vector<2048xf32> to vector<2048x1xf32>
    %concatenate3A_173 = tpu.concatenate %broadcast_in_dim3A_165, %broadcast_in_dim3A_172 in 1 : vector<2048x1xf32>, vector<2048x1xf32> -> vector<2048x2xf32>
    %convert_element_type3A_174 = arith.fptosi %concatenate3A_173 : vector<2048x2xf32> to vector<2048x2xi32>
    %swap3A = arith.constant 0 : index
    %swap3A_175 = arith.constant 0 : index
    %swap3A_176 = vector.load %arg1[%swap3A, %swap3A_175] : memref<2048x2xi32, #tpu.memory_space<vmem>>, vector<2048x2xi32>
    tpu.vector_store %arg1[%swap3A, %swap3A_175], %convert_element_type3A_174 {strides = array<i32>} : memref<2048x2xi32, #tpu.memory_space<vmem>>, vector<2048x2xi32>,
    %concatenate3A_177 = tpu.concatenate %div3A_30, %div3A_31 in 1 : vector<2048x1xf32>, vector<2048x1xf32> -> vector<2048x2xf32>
    %swap3A_178 = arith.constant 0 : index
    %swap3A_179 = arith.constant 0 : index
    %swap3A_180 = vector.load %arg2[%swap3A_178, %swap3A_179] : memref<2048x2xf32, #tpu.memory_space<vmem>>, vector<2048x2xf32>
    tpu.vector_store %arg2[%swap3A_178, %swap3A_179], %concatenate3A_177 {strides = array<i32>} : memref<2048x2xf32, #tpu.memory_space<vmem>>, vector<2048x2xf32>,
    %iota3A_181 = tpu.iota {dimensions = array<i32: 0>} : vector<8x8xi32>
    %iota3A_182 = tpu.iota {dimensions = array<i32: 1>} : vector<8x8xi32>
    %eq3A_183 = arith.cmpi eq, %iota3A_181, %iota3A_182 : vector<8x8xi32>
    %jit3A_184 = arith.constant 0.000000e+00 : f32
    %broadcast_in_dim3A_185 = vector.shape_cast %add3A_158 : vector<1x8xf32> to vector<1x8xf32>
    %broadcast_in_dim3A_186 = vector.broadcast %broadcast_in_dim3A_185 : vector<1x8xf32> to vector<8x8xf32>
    %broadcast_in_dim3A_187 = vector.broadcast %jit3A_184 : f32 to vector<8x8xf32>
    %select_n3A_188 = arith.select %eq3A_183, %broadcast_in_dim3A_186, %broadcast_in_dim3A_187 : vector<8x8xi1>, vector<8x8xf32>
    %reduce_sum3A_189 = arith.constant dense<0.000000e+00> : vector<8xf32>
    %reduce_sum3A_190 = vector.multi_reduction <add>, %select_n3A_188, %reduce_sum3A_189 [1] : vector<8x8xf32> to vector<8xf32>
    %broadcast_in_dim3A_191 = vector.shape_cast %reduce_sum3A_190 : vector<8xf32> to vector<8x1xf32>
    %iota3A_192 = tpu.iota {dimensions = array<i32: 1>} : vector<1x128xi32>
    %mul3A_193 = arith.constant 256 : i32
    %mul3A_194 = vector.broadcast %mul3A_193 : i32 to vector<1x128xi32>
    %mul3A_195 = arith.muli %iota3A_192, %mul3A_194 : vector<1x128xi32>
    %convert_element_type3A_196 = arith.sitofp %mul3A_195 : vector<1x128xi32> to vector<1x128xf32>
    %ge3A_197 = vector.broadcast %convert_element_type3A_196 : vector<1x128xf32> to vector<8x128xf32>
    %ge3A_198 = vector.broadcast %broadcast_in_dim3A_191 : vector<8x1xf32> to vector<8x128xf32>
    %ge3A_199 = arith.cmpf oge, %ge3A_197, %ge3A_198 : vector<8x128xf32>
    %convert_element_type3A_200 = arith.extui %ge3A_199 : vector<8x128xi1> to vector<8x128xi32>
    %reduce_sum3A_201 = arith.constant dense<0> : vector<128xi32>
    %reduce_sum3A_202 = vector.multi_reduction <add>, %convert_element_type3A_200, %reduce_sum3A_201 [0] : vector<8x128xi32> to vector<128xi32>
    %broadcast_in_dim3A_203 = vector.shape_cast %reduce_sum3A_202 : vector<128xi32> to vector<1x128xi32>
    %min3A = arith.constant 7 : i32
    %min3A_204 = vector.broadcast %min3A : i32 to vector<1x128xi32>
    %min3A_205 = arith.minsi %broadcast_in_dim3A_203, %min3A_204 : vector<1x128xi32>
    %reduce_sum3A_206 = arith.constant dense<0.000000e+00> : vector<1xf32>
    %reduce_sum3A_207 = vector.multi_reduction <add>, %mul3A_132, %reduce_sum3A_206 [1] : vector<1x8xf32> to vector<1xf32>
    %broadcast_in_dim3A_208 = vector.shape_cast %reduce_sum3A_207 : vector<1xf32> to vector<1x1xf32>
    %mul3A_209 = arith.constant 3.906250e-03 : f32
    %mul3A_210 = vector.broadcast %mul3A_209 : f32 to vector<1x1xf32>
    %mul3A_211 = arith.mulf %broadcast_in_dim3A_208, %mul3A_210 : vector<1x1xf32>
    %convert_element_type3A_212 = arith.fptosi %mul3A_211 : vector<1x1xf32> to vector<1x1xi32>
    %iota3A_213 = tpu.iota {dimensions = array<i32: 0>} : vector<8x128xi32>
    %eq3A_214 = arith.constant 0 : i32
    %eq3A_215 = vector.broadcast %eq3A_214 : i32 to vector<8x128xi32>
    %eq3A_216 = arith.cmpi eq, %iota3A_213, %eq3A_215 : vector<8x128xi32>
    %broadcast_in_dim3A_217 = vector.shape_cast %min3A_205 : vector<1x128xi32> to vector<1x128xi32>
    %broadcast_in_dim3A_218 = vector.broadcast %broadcast_in_dim3A_217 : vector<1x128xi32> to vector<8x128xi32>
    %broadcast_in_dim3A_219 = vector.shape_cast %convert_element_type3A_212 : vector<1x1xi32> to vector<1x1xi32>
    %broadcast_in_dim3A_220 = vector.broadcast %broadcast_in_dim3A_219 : vector<1x1xi32> to vector<8x128xi32>
    %select_n3A_221 = arith.select %eq3A_216, %broadcast_in_dim3A_218, %broadcast_in_dim3A_220 : vector<8x128xi1>, vector<8x128xi32>
    %swap3A_222 = arith.constant 0 : index
    %swap3A_223 = arith.constant 0 : index
    %swap3A_224 = vector.load %arg3[%swap3A_222, %swap3A_223] : memref<8x128xi32, #tpu.memory_space<vmem>>, vector<8x128xi32>
    tpu.vector_store %arg3[%swap3A_222, %swap3A_223], %select_n3A_221 {strides = array<i32>} : memref<8x128xi32, #tpu.memory_space<vmem>>, vector<8x128xi32>,
    return
  }
}

module attributes {stable_mosaic.version = 14 : i64} {
  func.func @_ffn_block_kernel(%arg0: i32, %arg1: memref<8x24xi32, #tpu.memory_space<smem>>, %arg2: memref<256x1024xf32, #tpu.memory_space<vmem>>, %arg3: memref<8x768x1024xf32, #tpu.memory_space<hbm>>, %arg4: memref<8x768x1024xf32, #tpu.memory_space<hbm>>, %arg5: memref<8x1024x768xf32, #tpu.memory_space<hbm>>, %arg6: memref<256x1024xf32, #tpu.memory_space<vmem>>, %arg7: memref<3x768x1024xf32, #tpu.memory_space<vmem>>, %arg8: memref<3x768x1024xf32, #tpu.memory_space<vmem>>, %arg9: memref<3x1024x768xf32, #tpu.memory_space<vmem>>, %arg10: memref<3x3x!tpu.dma_semaphore, #tpu.memory_space<semaphore_mem>>) attributes {dimension_semantics = [#tpu.dimension_semantics<arbitrary>], iteration_bounds = array<i64: 24>, scalar_prefetch = 1 : i64, scratch_operands = 4 : i64, tpu.core_type = #tpu.core_type<tc>, window_params = [{transform_indices = @transform_0, window_bounds = array<i64: 256, 1024>}, {}, {}, {}, {transform_indices = @transform_4, window_bounds = array<i64: 256, 1024>}]} {
    %get3A = arith.constant 2 : index
    %get3A_0 = arith.index_cast %arg0 : i32 to index
    %get3A_1 = memref.load %arg1[%get3A, %get3A_0] : memref<8x24xi32, #tpu.memory_space<smem>>
    %get3A_2 = arith.constant 1 : index
    %get3A_3 = arith.index_cast %arg0 : i32 to index
    %get3A_4 = memref.load %arg1[%get3A_2, %get3A_3] : memref<8x24xi32, #tpu.memory_space<smem>>
    %eq3A = arith.constant 0 : i32
    %eq3A_5 = arith.cmpi eq, %arg0, %eq3A : i32
    %convert_element_type3A = arith.extui %eq3A_5 : i1 to i32
    %cond3A = arith.constant 0 : i32
    %cond3A_6 = arith.cmpi ne, %convert_element_type3A, %cond3A : i32
    scf.if %cond3A_6 {
      %get3A_13 = arith.constant 0 : index
      %get3A_14 = arith.constant 0 : index
      %get3A_15 = memref.load %arg1[%get3A_13, %get3A_14] : memref<8x24xi32, #tpu.memory_space<smem>>
      %dma_start3A = arith.constant 0 : i32
      %dma_start3A_16 = arith.constant 0 : i32
      %dma_start3A_17 = arith.constant 0 : i32
      %dma_start3A_18 = tpu.memref_slice %arg10[%dma_start3A_16, %dma_start3A_17] : memref<3x3x!tpu.dma_semaphore, #tpu.memory_space<semaphore_mem>> -> memref<1x1x!tpu.dma_semaphore, #tpu.memory_space<semaphore_mem>>
      %dma_start3A_19 = tpu.memref_squeeze %dma_start3A_18 : memref<1x1x!tpu.dma_semaphore, #tpu.memory_space<semaphore_mem>> -> memref<!tpu.dma_semaphore, #tpu.memory_space<semaphore_mem>>
      %dma_start3A_20 = arith.constant 0 : i32
      %dma_start3A_21 = arith.constant 0 : i32
      %dma_start3A_22 = tpu.memref_slice %arg7[%dma_start3A, %dma_start3A_20, %dma_start3A_21] : memref<3x768x1024xf32, #tpu.memory_space<vmem>> -> memref<1x768x1024xf32, #tpu.memory_space<vmem>>
      %dma_start3A_23 = tpu.memref_squeeze %dma_start3A_22 : memref<1x768x1024xf32, #tpu.memory_space<vmem>> -> memref<768x1024xf32, #tpu.memory_space<vmem>>
      %dma_start3A_24 = arith.constant 0 : i32
      %dma_start3A_25 = arith.constant 0 : i32
      %dma_start3A_26 = tpu.memref_slice %arg3[%get3A_15, %dma_start3A_24, %dma_start3A_25] : memref<8x768x1024xf32, #tpu.memory_space<hbm>> -> memref<1x768x1024xf32, #tpu.memory_space<hbm>>
      %dma_start3A_27 = tpu.memref_squeeze %dma_start3A_26 : memref<1x768x1024xf32, #tpu.memory_space<hbm>> -> memref<768x1024xf32, #tpu.memory_space<hbm>>
      tpu.enqueue_dma source(%dma_start3A_27 : memref<768x1024xf32, #tpu.memory_space<hbm>>) target(%dma_start3A_23 : memref<768x1024xf32, #tpu.memory_space<vmem>>) target_semaphore(%dma_start3A_19 : memref<!tpu.dma_semaphore, #tpu.memory_space<semaphore_mem>>)
      %dma_start3A_28 = arith.constant 0 : i32
      %dma_start3A_29 = arith.constant 0 : i32
      %dma_start3A_30 = arith.constant 1 : i32
      %dma_start3A_31 = tpu.memref_slice %arg10[%dma_start3A_29, %dma_start3A_30] : memref<3x3x!tpu.dma_semaphore, #tpu.memory_space<semaphore_mem>> -> memref<1x1x!tpu.dma_semaphore, #tpu.memory_space<semaphore_mem>>
      %dma_start3A_32 = tpu.memref_squeeze %dma_start3A_31 : memref<1x1x!tpu.dma_semaphore, #tpu.memory_space<semaphore_mem>> -> memref<!tpu.dma_semaphore, #tpu.memory_space<semaphore_mem>>
      %dma_start3A_33 = arith.constant 0 : i32
      %dma_start3A_34 = arith.constant 0 : i32
      %dma_start3A_35 = tpu.memref_slice %arg8[%dma_start3A_28, %dma_start3A_33, %dma_start3A_34] : memref<3x768x1024xf32, #tpu.memory_space<vmem>> -> memref<1x768x1024xf32, #tpu.memory_space<vmem>>
      %dma_start3A_36 = tpu.memref_squeeze %dma_start3A_35 : memref<1x768x1024xf32, #tpu.memory_space<vmem>> -> memref<768x1024xf32, #tpu.memory_space<vmem>>
      %dma_start3A_37 = arith.constant 0 : i32
      %dma_start3A_38 = arith.constant 0 : i32
      %dma_start3A_39 = tpu.memref_slice %arg4[%get3A_15, %dma_start3A_37, %dma_start3A_38] : memref<8x768x1024xf32, #tpu.memory_space<hbm>> -> memref<1x768x1024xf32, #tpu.memory_space<hbm>>
      %dma_start3A_40 = tpu.memref_squeeze %dma_start3A_39 : memref<1x768x1024xf32, #tpu.memory_space<hbm>> -> memref<768x1024xf32, #tpu.memory_space<hbm>>
      tpu.enqueue_dma source(%dma_start3A_40 : memref<768x1024xf32, #tpu.memory_space<hbm>>) target(%dma_start3A_36 : memref<768x1024xf32, #tpu.memory_space<vmem>>) target_semaphore(%dma_start3A_32 : memref<!tpu.dma_semaphore, #tpu.memory_space<semaphore_mem>>)
      %dma_start3A_41 = arith.constant 0 : i32
      %dma_start3A_42 = arith.constant 0 : i32
      %dma_start3A_43 = arith.constant 2 : i32
      %dma_start3A_44 = tpu.memref_slice %arg10[%dma_start3A_42, %dma_start3A_43] : memref<3x3x!tpu.dma_semaphore, #tpu.memory_space<semaphore_mem>> -> memref<1x1x!tpu.dma_semaphore, #tpu.memory_space<semaphore_mem>>
      %dma_start3A_45 = tpu.memref_squeeze %dma_start3A_44 : memref<1x1x!tpu.dma_semaphore, #tpu.memory_space<semaphore_mem>> -> memref<!tpu.dma_semaphore, #tpu.memory_space<semaphore_mem>>
      %dma_start3A_46 = arith.constant 0 : i32
      %dma_start3A_47 = arith.constant 0 : i32
      %dma_start3A_48 = tpu.memref_slice %arg9[%dma_start3A_41, %dma_start3A_46, %dma_start3A_47] : memref<3x1024x768xf32, #tpu.memory_space<vmem>> -> memref<1x1024x768xf32, #tpu.memory_space<vmem>>
      %dma_start3A_49 = tpu.memref_squeeze %dma_start3A_48 : memref<1x1024x768xf32, #tpu.memory_space<vmem>> -> memref<1024x768xf32, #tpu.memory_space<vmem>>
      %dma_start3A_50 = arith.constant 0 : i32
      %dma_start3A_51 = arith.constant 0 : i32
      %dma_start3A_52 = tpu.memref_slice %arg5[%get3A_15, %dma_start3A_50, %dma_start3A_51] : memref<8x1024x768xf32, #tpu.memory_space<hbm>> -> memref<1x1024x768xf32, #tpu.memory_space<hbm>>
      %dma_start3A_53 = tpu.memref_squeeze %dma_start3A_52 : memref<1x1024x768xf32, #tpu.memory_space<hbm>> -> memref<1024x768xf32, #tpu.memory_space<hbm>>
      tpu.enqueue_dma source(%dma_start3A_53 : memref<1024x768xf32, #tpu.memory_space<hbm>>) target(%dma_start3A_49 : memref<1024x768xf32, #tpu.memory_space<vmem>>) target_semaphore(%dma_start3A_45 : memref<!tpu.dma_semaphore, #tpu.memory_space<semaphore_mem>>)
      %get3A_54 = arith.constant 7 : index
      %get3A_55 = arith.constant 0 : index
      %get3A_56 = memref.load %arg1[%get3A_54, %get3A_55] : memref<8x24xi32, #tpu.memory_space<smem>>
      %ge3A = arith.constant 1 : i32
      %ge3A_57 = arith.cmpi sge, %get3A_56, %ge3A : i32
      %convert_element_type3A_58 = arith.extui %ge3A_57 : i1 to i32
      %cond3A_59 = arith.constant 0 : i32
      %cond3A_60 = arith.cmpi ne, %convert_element_type3A_58, %cond3A_59 : i32
      scf.if %cond3A_60 {
        %get3A_61 = arith.constant 6 : index
        %get3A_62 = arith.constant 0 : index
        %get3A_63 = memref.load %arg1[%get3A_61, %get3A_62] : memref<8x24xi32, #tpu.memory_space<smem>>
        %dma_start3A_64 = arith.constant 1 : i32
        %dma_start3A_65 = arith.constant 1 : i32
        %dma_start3A_66 = arith.constant 0 : i32
        %dma_start3A_67 = tpu.memref_slice %arg10[%dma_start3A_65, %dma_start3A_66] : memref<3x3x!tpu.dma_semaphore, #tpu.memory_space<semaphore_mem>> -> memref<1x1x!tpu.dma_semaphore, #tpu.memory_space<semaphore_mem>>
        %dma_start3A_68 = tpu.memref_squeeze %dma_start3A_67 : memref<1x1x!tpu.dma_semaphore, #tpu.memory_space<semaphore_mem>> -> memref<!tpu.dma_semaphore, #tpu.memory_space<semaphore_mem>>
        %dma_start3A_69 = arith.constant 0 : i32
        %dma_start3A_70 = arith.constant 0 : i32
        %dma_start3A_71 = tpu.memref_slice %arg7[%dma_start3A_64, %dma_start3A_69, %dma_start3A_70] : memref<3x768x1024xf32, #tpu.memory_space<vmem>> -> memref<1x768x1024xf32, #tpu.memory_space<vmem>>
        %dma_start3A_72 = tpu.memref_squeeze %dma_start3A_71 : memref<1x768x1024xf32, #tpu.memory_space<vmem>> -> memref<768x1024xf32, #tpu.memory_space<vmem>>
        %dma_start3A_73 = arith.constant 0 : i32
        %dma_start3A_74 = arith.constant 0 : i32
        %dma_start3A_75 = tpu.memref_slice %arg3[%get3A_63, %dma_start3A_73, %dma_start3A_74] : memref<8x768x1024xf32, #tpu.memory_space<hbm>> -> memref<1x768x1024xf32, #tpu.memory_space<hbm>>
        %dma_start3A_76 = tpu.memref_squeeze %dma_start3A_75 : memref<1x768x1024xf32, #tpu.memory_space<hbm>> -> memref<768x1024xf32, #tpu.memory_space<hbm>>
        tpu.enqueue_dma source(%dma_start3A_76 : memref<768x1024xf32, #tpu.memory_space<hbm>>) target(%dma_start3A_72 : memref<768x1024xf32, #tpu.memory_space<vmem>>) target_semaphore(%dma_start3A_68 : memref<!tpu.dma_semaphore, #tpu.memory_space<semaphore_mem>>)
        %dma_start3A_77 = arith.constant 1 : i32
        %dma_start3A_78 = arith.constant 1 : i32
        %dma_start3A_79 = arith.constant 1 : i32
        %dma_start3A_80 = tpu.memref_slice %arg10[%dma_start3A_78, %dma_start3A_79] : memref<3x3x!tpu.dma_semaphore, #tpu.memory_space<semaphore_mem>> -> memref<1x1x!tpu.dma_semaphore, #tpu.memory_space<semaphore_mem>>
        %dma_start3A_81 = tpu.memref_squeeze %dma_start3A_80 : memref<1x1x!tpu.dma_semaphore, #tpu.memory_space<semaphore_mem>> -> memref<!tpu.dma_semaphore, #tpu.memory_space<semaphore_mem>>
        %dma_start3A_82 = arith.constant 0 : i32
        %dma_start3A_83 = arith.constant 0 : i32
        %dma_start3A_84 = tpu.memref_slice %arg8[%dma_start3A_77, %dma_start3A_82, %dma_start3A_83] : memref<3x768x1024xf32, #tpu.memory_space<vmem>> -> memref<1x768x1024xf32, #tpu.memory_space<vmem>>
        %dma_start3A_85 = tpu.memref_squeeze %dma_start3A_84 : memref<1x768x1024xf32, #tpu.memory_space<vmem>> -> memref<768x1024xf32, #tpu.memory_space<vmem>>
        %dma_start3A_86 = arith.constant 0 : i32
        %dma_start3A_87 = arith.constant 0 : i32
        %dma_start3A_88 = tpu.memref_slice %arg4[%get3A_63, %dma_start3A_86, %dma_start3A_87] : memref<8x768x1024xf32, #tpu.memory_space<hbm>> -> memref<1x768x1024xf32, #tpu.memory_space<hbm>>
        %dma_start3A_89 = tpu.memref_squeeze %dma_start3A_88 : memref<1x768x1024xf32, #tpu.memory_space<hbm>> -> memref<768x1024xf32, #tpu.memory_space<hbm>>
        tpu.enqueue_dma source(%dma_start3A_89 : memref<768x1024xf32, #tpu.memory_space<hbm>>) target(%dma_start3A_85 : memref<768x1024xf32, #tpu.memory_space<vmem>>) target_semaphore(%dma_start3A_81 : memref<!tpu.dma_semaphore, #tpu.memory_space<semaphore_mem>>)
        %dma_start3A_90 = arith.constant 1 : i32
        %dma_start3A_91 = arith.constant 1 : i32
        %dma_start3A_92 = arith.constant 2 : i32
        %dma_start3A_93 = tpu.memref_slice %arg10[%dma_start3A_91, %dma_start3A_92] : memref<3x3x!tpu.dma_semaphore, #tpu.memory_space<semaphore_mem>> -> memref<1x1x!tpu.dma_semaphore, #tpu.memory_space<semaphore_mem>>
        %dma_start3A_94 = tpu.memref_squeeze %dma_start3A_93 : memref<1x1x!tpu.dma_semaphore, #tpu.memory_space<semaphore_mem>> -> memref<!tpu.dma_semaphore, #tpu.memory_space<semaphore_mem>>
        %dma_start3A_95 = arith.constant 0 : i32
        %dma_start3A_96 = arith.constant 0 : i32
        %dma_start3A_97 = tpu.memref_slice %arg9[%dma_start3A_90, %dma_start3A_95, %dma_start3A_96] : memref<3x1024x768xf32, #tpu.memory_space<vmem>> -> memref<1x1024x768xf32, #tpu.memory_space<vmem>>
        %dma_start3A_98 = tpu.memref_squeeze %dma_start3A_97 : memref<1x1024x768xf32, #tpu.memory_space<vmem>> -> memref<1024x768xf32, #tpu.memory_space<vmem>>
        %dma_start3A_99 = arith.constant 0 : i32
        %dma_start3A_100 = arith.constant 0 : i32
        %dma_start3A_101 = tpu.memref_slice %arg5[%get3A_63, %dma_start3A_99, %dma_start3A_100] : memref<8x1024x768xf32, #tpu.memory_space<hbm>> -> memref<1x1024x768xf32, #tpu.memory_space<hbm>>
        %dma_start3A_102 = tpu.memref_squeeze %dma_start3A_101 : memref<1x1024x768xf32, #tpu.memory_space<hbm>> -> memref<1024x768xf32, #tpu.memory_space<hbm>>
        tpu.enqueue_dma source(%dma_start3A_102 : memref<1024x768xf32, #tpu.memory_space<hbm>>) target(%dma_start3A_98 : memref<1024x768xf32, #tpu.memory_space<vmem>>) target_semaphore(%dma_start3A_94 : memref<!tpu.dma_semaphore, #tpu.memory_space<semaphore_mem>>)
      } else {
      }
    } else {
    }
    %get3A_7 = arith.constant 5 : index
    %get3A_8 = arith.constant 0 : index
    %get3A_9 = memref.load %arg1[%get3A_7, %get3A_8] : memref<8x24xi32, #tpu.memory_space<smem>>
    %lt3A = arith.cmpi slt, %arg0, %get3A_9 : i32
    %convert_element_type3A_10 = arith.extui %lt3A : i1 to i32
    %cond3A_11 = arith.constant 0 : i32
    %cond3A_12 = arith.cmpi ne, %convert_element_type3A_10, %cond3A_11 : i32
    scf.if %cond3A_12 {
      %get3A_13 = arith.constant 0 : index
      %get3A_14 = arith.index_cast %arg0 : i32 to index
      %get3A_15 = memref.load %arg1[%get3A_13, %get3A_14] : memref<8x24xi32, #tpu.memory_space<smem>>
      %eq3A_16 = arith.constant 1 : i32
      %eq3A_17 = arith.cmpi eq, %get3A_4, %eq3A_16 : i32
      %convert_element_type3A_18 = arith.extui %eq3A_17 : i1 to i32
      %cond3A_19 = arith.constant 0 : i32
      %cond3A_20 = arith.cmpi ne, %convert_element_type3A_18, %cond3A_19 : i32
      scf.if %cond3A_20 {
        %dma_wait3A = arith.constant 0 : i32
        %dma_wait3A_57 = tpu.memref_slice %arg10[%get3A_1, %dma_wait3A] : memref<3x3x!tpu.dma_semaphore, #tpu.memory_space<semaphore_mem>> -> memref<1x1x!tpu.dma_semaphore, #tpu.memory_space<semaphore_mem>>
        %dma_wait3A_58 = tpu.memref_squeeze %dma_wait3A_57 : memref<1x1x!tpu.dma_semaphore, #tpu.memory_space<semaphore_mem>> -> memref<!tpu.dma_semaphore, #tpu.memory_space<semaphore_mem>>
        %dma_wait3A_59 = arith.constant 0 : i32
        %dma_wait3A_60 = arith.constant 0 : i32
        %dma_wait3A_61 = tpu.memref_slice %arg7[%get3A_1, %dma_wait3A_59, %dma_wait3A_60] : memref<3x768x1024xf32, #tpu.memory_space<vmem>> -> memref<1x768x1024xf32, #tpu.memory_space<vmem>>
        %dma_wait3A_62 = tpu.memref_squeeze %dma_wait3A_61 : memref<1x768x1024xf32, #tpu.memory_space<vmem>> -> memref<768x1024xf32, #tpu.memory_space<vmem>>
        %dma_wait3A_63 = arith.constant 0 : i32
        %dma_wait3A_64 = arith.constant 0 : i32
        %dma_wait3A_65 = tpu.memref_slice %arg3[%get3A_15, %dma_wait3A_63, %dma_wait3A_64] : memref<8x768x1024xf32, #tpu.memory_space<hbm>> -> memref<1x768x1024xf32, #tpu.memory_space<hbm>>
        %dma_wait3A_66 = tpu.memref_squeeze %dma_wait3A_65 : memref<1x768x1024xf32, #tpu.memory_space<hbm>> -> memref<768x1024xf32, #tpu.memory_space<hbm>>
        tpu.wait_dma2 semaphore(%dma_wait3A_58 : memref<!tpu.dma_semaphore, #tpu.memory_space<semaphore_mem>>) src(%dma_wait3A_66 : memref<768x1024xf32, #tpu.memory_space<hbm>>) dst(%dma_wait3A_62 : memref<768x1024xf32, #tpu.memory_space<vmem>>)
        %dma_wait3A_67 = arith.constant 1 : i32
        %dma_wait3A_68 = tpu.memref_slice %arg10[%get3A_1, %dma_wait3A_67] : memref<3x3x!tpu.dma_semaphore, #tpu.memory_space<semaphore_mem>> -> memref<1x1x!tpu.dma_semaphore, #tpu.memory_space<semaphore_mem>>
        %dma_wait3A_69 = tpu.memref_squeeze %dma_wait3A_68 : memref<1x1x!tpu.dma_semaphore, #tpu.memory_space<semaphore_mem>> -> memref<!tpu.dma_semaphore, #tpu.memory_space<semaphore_mem>>
        %dma_wait3A_70 = arith.constant 0 : i32
        %dma_wait3A_71 = arith.constant 0 : i32
        %dma_wait3A_72 = tpu.memref_slice %arg8[%get3A_1, %dma_wait3A_70, %dma_wait3A_71] : memref<3x768x1024xf32, #tpu.memory_space<vmem>> -> memref<1x768x1024xf32, #tpu.memory_space<vmem>>
        %dma_wait3A_73 = tpu.memref_squeeze %dma_wait3A_72 : memref<1x768x1024xf32, #tpu.memory_space<vmem>> -> memref<768x1024xf32, #tpu.memory_space<vmem>>
        %dma_wait3A_74 = arith.constant 0 : i32
        %dma_wait3A_75 = arith.constant 0 : i32
        %dma_wait3A_76 = tpu.memref_slice %arg4[%get3A_15, %dma_wait3A_74, %dma_wait3A_75] : memref<8x768x1024xf32, #tpu.memory_space<hbm>> -> memref<1x768x1024xf32, #tpu.memory_space<hbm>>
        %dma_wait3A_77 = tpu.memref_squeeze %dma_wait3A_76 : memref<1x768x1024xf32, #tpu.memory_space<hbm>> -> memref<768x1024xf32, #tpu.memory_space<hbm>>
        tpu.wait_dma2 semaphore(%dma_wait3A_69 : memref<!tpu.dma_semaphore, #tpu.memory_space<semaphore_mem>>) src(%dma_wait3A_77 : memref<768x1024xf32, #tpu.memory_space<hbm>>) dst(%dma_wait3A_73 : memref<768x1024xf32, #tpu.memory_space<vmem>>)
        %dma_wait3A_78 = arith.constant 2 : i32
        %dma_wait3A_79 = tpu.memref_slice %arg10[%get3A_1, %dma_wait3A_78] : memref<3x3x!tpu.dma_semaphore, #tpu.memory_space<semaphore_mem>> -> memref<1x1x!tpu.dma_semaphore, #tpu.memory_space<semaphore_mem>>
        %dma_wait3A_80 = tpu.memref_squeeze %dma_wait3A_79 : memref<1x1x!tpu.dma_semaphore, #tpu.memory_space<semaphore_mem>> -> memref<!tpu.dma_semaphore, #tpu.memory_space<semaphore_mem>>
        %dma_wait3A_81 = arith.constant 0 : i32
        %dma_wait3A_82 = arith.constant 0 : i32
        %dma_wait3A_83 = tpu.memref_slice %arg9[%get3A_1, %dma_wait3A_81, %dma_wait3A_82] : memref<3x1024x768xf32, #tpu.memory_space<vmem>> -> memref<1x1024x768xf32, #tpu.memory_space<vmem>>
        %dma_wait3A_84 = tpu.memref_squeeze %dma_wait3A_83 : memref<1x1024x768xf32, #tpu.memory_space<vmem>> -> memref<1024x768xf32, #tpu.memory_space<vmem>>
        %dma_wait3A_85 = arith.constant 0 : i32
        %dma_wait3A_86 = arith.constant 0 : i32
        %dma_wait3A_87 = tpu.memref_slice %arg5[%get3A_15, %dma_wait3A_85, %dma_wait3A_86] : memref<8x1024x768xf32, #tpu.memory_space<hbm>> -> memref<1x1024x768xf32, #tpu.memory_space<hbm>>
        %dma_wait3A_88 = tpu.memref_squeeze %dma_wait3A_87 : memref<1x1024x768xf32, #tpu.memory_space<hbm>> -> memref<1024x768xf32, #tpu.memory_space<hbm>>
        tpu.wait_dma2 semaphore(%dma_wait3A_80 : memref<!tpu.dma_semaphore, #tpu.memory_space<semaphore_mem>>) src(%dma_wait3A_88 : memref<1024x768xf32, #tpu.memory_space<hbm>>) dst(%dma_wait3A_84 : memref<1024x768xf32, #tpu.memory_space<vmem>>)
        %get3A_89 = arith.constant 4 : index
        %get3A_90 = arith.index_cast %arg0 : i32 to index
        %get3A_91 = memref.load %arg1[%get3A_89, %get3A_90] : memref<8x24xi32, #tpu.memory_space<smem>>
        %eq3A_92 = arith.constant 1 : i32
        %eq3A_93 = arith.cmpi eq, %get3A_91, %eq3A_92 : i32
        %convert_element_type3A_94 = arith.extui %eq3A_93 : i1 to i32
        %cond3A_95 = arith.constant 0 : i32
        %cond3A_96 = arith.cmpi ne, %convert_element_type3A_94, %cond3A_95 : i32
        scf.if %cond3A_96 {
          %add3A = arith.constant 2 : i32
          %add3A_97 = arith.addi %get3A_1, %add3A : i32
          %add3A_98 = arith.constant 2 : i32
          %add3A_99 = arith.addi %get3A_1, %add3A_98 : i32
          %jit3A = arith.constant 3 : i32
          %div3A = arith.divsi %add3A_99, %jit3A : i32
          %sign3A = arith.constant 0 : i32
          %sign3A_100 = arith.cmpi sgt, %add3A_99, %sign3A : i32
          %sign3A_101 = arith.extui %sign3A_100 : i1 to i32
          %sign3A_102 = arith.constant 0 : i32
          %sign3A_103 = arith.cmpi slt, %add3A_99, %sign3A_102 : i32
          %sign3A_104 = arith.extui %sign3A_103 : i1 to i32
          %sign3A_105 = arith.subi %sign3A_101, %sign3A_104 : i32
          %sign3A_106 = arith.constant 0 : i32
          %sign3A_107 = arith.cmpi sgt, %jit3A, %sign3A_106 : i32
          %sign3A_108 = arith.extui %sign3A_107 : i1 to i32
          %sign3A_109 = arith.constant 0 : i32
          %sign3A_110 = arith.cmpi slt, %jit3A, %sign3A_109 : i32
          %sign3A_111 = arith.extui %sign3A_110 : i1 to i32
          %sign3A_112 = arith.subi %sign3A_108, %sign3A_111 : i32
          %ne3A = arith.cmpi ne, %sign3A_105, %sign3A_112 : i32
          %rem3A = arith.remsi %add3A_99, %jit3A : i32
          %ne3A_113 = arith.constant 0 : i32
          %ne3A_114 = arith.cmpi ne, %rem3A, %ne3A_113 : i32
          %and3A = arith.andi %ne3A, %ne3A_114 : i1
          %sub3A = arith.constant 1 : i32
          %sub3A_115 = arith.subi %div3A, %sub3A : i32
          %select_n3A = arith.select %and3A, %sub3A_115, %div3A : i32
          %mul3A_116 = arith.constant 3 : i32
          %mul3A_117 = arith.muli %mul3A_116, %select_n3A : i32
          %sub3A_118 = arith.subi %add3A_97, %mul3A_117 : i32
          %get3A_119 = arith.constant 3 : index
          %get3A_120 = arith.index_cast %arg0 : i32 to index
          %get3A_121 = memref.load %arg1[%get3A_119, %get3A_120] : memref<8x24xi32, #tpu.memory_space<smem>>
          %dma_start3A = arith.constant 0 : i32
          %dma_start3A_122 = tpu.memref_slice %arg10[%sub3A_118, %dma_start3A] : memref<3x3x!tpu.dma_semaphore, #tpu.memory_space<semaphore_mem>> -> memref<1x1x!tpu.dma_semaphore, #tpu.memory_space<semaphore_mem>>
          %dma_start3A_123 = tpu.memref_squeeze %dma_start3A_122 : memref<1x1x!tpu.dma_semaphore, #tpu.memory_space<semaphore_mem>> -> memref<!tpu.dma_semaphore, #tpu.memory_space<semaphore_mem>>
          %dma_start3A_124 = arith.constant 0 : i32
          %dma_start3A_125 = arith.constant 0 : i32
          %dma_start3A_126 = tpu.memref_slice %arg7[%sub3A_118, %dma_start3A_124, %dma_start3A_125] : memref<3x768x1024xf32, #tpu.memory_space<vmem>> -> memref<1x768x1024xf32, #tpu.memory_space<vmem>>
          %dma_start3A_127 = tpu.memref_squeeze %dma_start3A_126 : memref<1x768x1024xf32, #tpu.memory_space<vmem>> -> memref<768x1024xf32, #tpu.memory_space<vmem>>
          %dma_start3A_128 = arith.constant 0 : i32
          %dma_start3A_129 = arith.constant 0 : i32
          %dma_start3A_130 = tpu.memref_slice %arg3[%get3A_121, %dma_start3A_128, %dma_start3A_129] : memref<8x768x1024xf32, #tpu.memory_space<hbm>> -> memref<1x768x1024xf32, #tpu.memory_space<hbm>>
          %dma_start3A_131 = tpu.memref_squeeze %dma_start3A_130 : memref<1x768x1024xf32, #tpu.memory_space<hbm>> -> memref<768x1024xf32, #tpu.memory_space<hbm>>
          tpu.enqueue_dma source(%dma_start3A_131 : memref<768x1024xf32, #tpu.memory_space<hbm>>) target(%dma_start3A_127 : memref<768x1024xf32, #tpu.memory_space<vmem>>) target_semaphore(%dma_start3A_123 : memref<!tpu.dma_semaphore, #tpu.memory_space<semaphore_mem>>)
          %dma_start3A_132 = arith.constant 1 : i32
          %dma_start3A_133 = tpu.memref_slice %arg10[%sub3A_118, %dma_start3A_132] : memref<3x3x!tpu.dma_semaphore, #tpu.memory_space<semaphore_mem>> -> memref<1x1x!tpu.dma_semaphore, #tpu.memory_space<semaphore_mem>>
          %dma_start3A_134 = tpu.memref_squeeze %dma_start3A_133 : memref<1x1x!tpu.dma_semaphore, #tpu.memory_space<semaphore_mem>> -> memref<!tpu.dma_semaphore, #tpu.memory_space<semaphore_mem>>
          %dma_start3A_135 = arith.constant 0 : i32
          %dma_start3A_136 = arith.constant 0 : i32
          %dma_start3A_137 = tpu.memref_slice %arg8[%sub3A_118, %dma_start3A_135, %dma_start3A_136] : memref<3x768x1024xf32, #tpu.memory_space<vmem>> -> memref<1x768x1024xf32, #tpu.memory_space<vmem>>
          %dma_start3A_138 = tpu.memref_squeeze %dma_start3A_137 : memref<1x768x1024xf32, #tpu.memory_space<vmem>> -> memref<768x1024xf32, #tpu.memory_space<vmem>>
          %dma_start3A_139 = arith.constant 0 : i32
          %dma_start3A_140 = arith.constant 0 : i32
          %dma_start3A_141 = tpu.memref_slice %arg4[%get3A_121, %dma_start3A_139, %dma_start3A_140] : memref<8x768x1024xf32, #tpu.memory_space<hbm>> -> memref<1x768x1024xf32, #tpu.memory_space<hbm>>
          %dma_start3A_142 = tpu.memref_squeeze %dma_start3A_141 : memref<1x768x1024xf32, #tpu.memory_space<hbm>> -> memref<768x1024xf32, #tpu.memory_space<hbm>>
          tpu.enqueue_dma source(%dma_start3A_142 : memref<768x1024xf32, #tpu.memory_space<hbm>>) target(%dma_start3A_138 : memref<768x1024xf32, #tpu.memory_space<vmem>>) target_semaphore(%dma_start3A_134 : memref<!tpu.dma_semaphore, #tpu.memory_space<semaphore_mem>>)
          %dma_start3A_143 = arith.constant 2 : i32
          %dma_start3A_144 = tpu.memref_slice %arg10[%sub3A_118, %dma_start3A_143] : memref<3x3x!tpu.dma_semaphore, #tpu.memory_space<semaphore_mem>> -> memref<1x1x!tpu.dma_semaphore, #tpu.memory_space<semaphore_mem>>
          %dma_start3A_145 = tpu.memref_squeeze %dma_start3A_144 : memref<1x1x!tpu.dma_semaphore, #tpu.memory_space<semaphore_mem>> -> memref<!tpu.dma_semaphore, #tpu.memory_space<semaphore_mem>>
          %dma_start3A_146 = arith.constant 0 : i32
          %dma_start3A_147 = arith.constant 0 : i32
          %dma_start3A_148 = tpu.memref_slice %arg9[%sub3A_118, %dma_start3A_146, %dma_start3A_147] : memref<3x1024x768xf32, #tpu.memory_space<vmem>> -> memref<1x1024x768xf32, #tpu.memory_space<vmem>>
          %dma_start3A_149 = tpu.memref_squeeze %dma_start3A_148 : memref<1x1024x768xf32, #tpu.memory_space<vmem>> -> memref<1024x768xf32, #tpu.memory_space<vmem>>
          %dma_start3A_150 = arith.constant 0 : i32
          %dma_start3A_151 = arith.constant 0 : i32
          %dma_start3A_152 = tpu.memref_slice %arg5[%get3A_121, %dma_start3A_150, %dma_start3A_151] : memref<8x1024x768xf32, #tpu.memory_space<hbm>> -> memref<1x1024x768xf32, #tpu.memory_space<hbm>>
          %dma_start3A_153 = tpu.memref_squeeze %dma_start3A_152 : memref<1x1024x768xf32, #tpu.memory_space<hbm>> -> memref<1024x768xf32, #tpu.memory_space<hbm>>
          tpu.enqueue_dma source(%dma_start3A_153 : memref<1024x768xf32, #tpu.memory_space<hbm>>) target(%dma_start3A_149 : memref<1024x768xf32, #tpu.memory_space<vmem>>) target_semaphore(%dma_start3A_145 : memref<!tpu.dma_semaphore, #tpu.memory_space<semaphore_mem>>)
        } else {
        }
      } else {
      }
      %get3A_21 = arith.constant 0 : index
      %get3A_22 = arith.constant 0 : index
      %get3A_23 = vector.load %arg2[%get3A_21, %get3A_22] : memref<256x1024xf32, #tpu.memory_space<vmem>>, vector<256x1024xf32>
      %convert_element_type3A_24 = arith.truncf %get3A_23 : vector<256x1024xf32> to vector<256x1024xbf16>
      %get3A_25 = arith.index_cast %get3A_1 : i32 to index
      %get3A_26 = arith.constant 0 : index
      %get3A_27 = arith.constant 0 : index
      %get3A_28 = vector.load %arg7[%get3A_25, %get3A_26, %get3A_27] : memref<3x768x1024xf32, #tpu.memory_space<vmem>>, vector<1x768x1024xf32>
      %get3A_29 = vector.shape_cast %get3A_28 : vector<1x768x1024xf32> to vector<768x1024xf32>
      %convert_element_type3A_30 = arith.truncf %get3A_29 : vector<768x1024xf32> to vector<768x1024xbf16>
      %dot_general3A = arith.constant dense<0.000000e+00> : vector<256x768xf32>
      %dot_general3A_31 = tpu.matmul %convert_element_type3A_24, %convert_element_type3A_30, %dot_general3A {dimension_numbers = #tpu.dot_dimension_numbers<[1], [1], [0], [0], [0, 0, 1, 0], [], []>, transpose_lhs_hint = false} : vector<256x1024xbf16>, vector<768x1024xbf16>, vector<256x768xf32> -> vector<256x768xf32>
      %get3A_32 = arith.index_cast %get3A_1 : i32 to index
      %get3A_33 = arith.constant 0 : index
      %get3A_34 = arith.constant 0 : index
      %get3A_35 = vector.load %arg8[%get3A_32, %get3A_33, %get3A_34] : memref<3x768x1024xf32, #tpu.memory_space<vmem>>, vector<1x768x1024xf32>
      %get3A_36 = vector.shape_cast %get3A_35 : vector<1x768x1024xf32> to vector<768x1024xf32>
      %convert_element_type3A_37 = arith.truncf %get3A_36 : vector<768x1024xf32> to vector<768x1024xbf16>
      %dot_general3A_38 = arith.constant dense<0.000000e+00> : vector<256x768xf32>
      %dot_general3A_39 = tpu.matmul %convert_element_type3A_24, %convert_element_type3A_37, %dot_general3A_38 {dimension_numbers = #tpu.dot_dimension_numbers<[1], [1], [0], [0], [0, 0, 1, 0], [], []>, transpose_lhs_hint = false} : vector<256x1024xbf16>, vector<768x1024xbf16>, vector<256x768xf32> -> vector<256x768xf32>
      %logistic3A = arith.negf %dot_general3A_31 : vector<256x768xf32>
      %logistic3A_40 = math.exp %logistic3A : vector<256x768xf32>
      %logistic3A_41 = arith.constant 1.000000e+00 : f32
      %logistic3A_42 = vector.broadcast %logistic3A_41 : f32 to vector<256x768xf32>
      %logistic3A_43 = arith.addf %logistic3A_42, %logistic3A_40 : vector<256x768xf32>
      %logistic3A_44 = arith.divf %logistic3A_42, %logistic3A_43 : vector<256x768xf32>
      %mul3A = arith.mulf %dot_general3A_31, %logistic3A_44 : vector<256x768xf32>
      %mul3A_45 = arith.mulf %mul3A, %dot_general3A_39 : vector<256x768xf32>
      %convert_element_type3A_46 = arith.truncf %mul3A_45 : vector<256x768xf32> to vector<256x768xbf16>
      %get3A_47 = arith.index_cast %get3A_1 : i32 to index
      %get3A_48 = arith.constant 0 : index
      %get3A_49 = arith.constant 0 : index
      %get3A_50 = vector.load %arg9[%get3A_47, %get3A_48, %get3A_49] : memref<3x1024x768xf32, #tpu.memory_space<vmem>>, vector<1x1024x768xf32>
      %get3A_51 = vector.shape_cast %get3A_50 : vector<1x1024x768xf32> to vector<1024x768xf32>
      %convert_element_type3A_52 = arith.truncf %get3A_51 : vector<1024x768xf32> to vector<1024x768xbf16>
      %dot_general3A_53 = arith.constant dense<0.000000e+00> : vector<256x1024xf32>
      %dot_general3A_54 = tpu.matmul %convert_element_type3A_46, %convert_element_type3A_52, %dot_general3A_53 {dimension_numbers = #tpu.dot_dimension_numbers<[1], [1], [0], [0], [0, 0, 1, 0], [], []>, transpose_lhs_hint = false} : vector<256x768xbf16>, vector<1024x768xbf16>, vector<256x1024xf32> -> vector<256x1024xf32>
      %swap3A = arith.constant 0 : index
      %swap3A_55 = arith.constant 0 : index
      %swap3A_56 = vector.load %arg6[%swap3A, %swap3A_55] : memref<256x1024xf32, #tpu.memory_space<vmem>>, vector<256x1024xf32>
      tpu.vector_store %arg6[%swap3A, %swap3A_55], %dot_general3A_54 {strides = array<i32>} : memref<256x1024xf32, #tpu.memory_space<vmem>>, vector<256x1024xf32>,
    } else {
    }
    return
  }
  func.func @transform_0(%arg0: i32, %arg1: memref<8x24xi32, #tpu.memory_space<smem>>) -> (i32, i32) {
    %get3A = arith.constant 5 : index
    %get3A_0 = arith.constant 0 : index
    %get3A_1 = memref.load %arg1[%get3A, %get3A_0] : memref<8x24xi32, #tpu.memory_space<smem>>
    %sub3A = arith.constant 1 : i32
    %sub3A_2 = arith.subi %get3A_1, %sub3A : i32
    %min3A = arith.minsi %arg0, %sub3A_2 : i32
    %c0_i32 = arith.constant 0 : i32
    %c0_i32_3 = arith.constant 0 : i32
    return %min3A, %c0_i32 : i32, i32
  }
  func.func @transform_4(%arg0: i32, %arg1: memref<8x24xi32, #tpu.memory_space<smem>>) -> (i32, i32) {
    %get3A = arith.constant 5 : index
    %get3A_0 = arith.constant 0 : index
    %get3A_1 = memref.load %arg1[%get3A, %get3A_0] : memref<8x24xi32, #tpu.memory_space<smem>>
    %sub3A = arith.constant 1 : i32
    %sub3A_2 = arith.subi %get3A_1, %sub3A : i32
    %min3A = arith.minsi %arg0, %sub3A_2 : i32
    %c0_i32 = arith.constant 0 : i32
    %c0_i32_3 = arith.constant 0 : i32
    return %min3A, %c0_i32 : i32, i32
  }
}

</mosaic_0001>

<sc_bundles>
// kernel: kernel.6.cloned.1.call-start
scs
__scs_entry_jumppad:
0x0: {  	(pc) =	sbr.rel $0x88, $3  }
0x1: {  	(tag) =	ssettag $0x0;
	lr =	simm.s32 $0x1  }
0x2: {  	[smem:$0x3F9C] =	sst lr;
	_ =	strace $0xD0000000  }
0x3: {  	_ = 	snop  }
0x4: {  	_ = 	snop  }
0x5: {  	_ = 	snop  }
0x6: {  	_ = 	snop  }
0x7: {  	_ = 	snop  }
__scs_overlays_trampoline_lowered:
0x8: {  	[smem:$0x3FAB] =	sst s0  }
0x9: {  	[smem:$0x3FAC] =	sst s1  }
0xa: {  	[smem:$0x3FAD] =	sst s2  }
0xb: {  	[smem:$0x3FAE] =	sst s3  }
0xc: {  	[smem:$0x3FAF] =	sst s4  }
0xd: {  	[smem:$0x3FB0] =	sst s5  }
0xe: {  	[smem:$0x3FB1] =	sst s6  }
0xf: {  	[smem:$0x3FB2] =	sst s7  }
0x10: {  	[smem:$0x3FB3] =	sst s8  }
0x11: {  	[smem:$0x3FB4] =	sst s9;
	s0 =	simm.s32 @!p0 $0x0  }
0x12: {  	s1 =	sld [smem:$0x3F9A];
	s0 =	simm.s32 @p0 $0x1  }
0x13: {  	[smem:$0x3FB5] =	sst s0;
	s0 =	simm.s32 @!p1 $0x0  }
0x14: {  	s2 =	sld [smem:$0x3F99];
	s0 =	simm.s32 @p1 $0x1  }
0x15: {  	[smem:$0x3FB6] =	sst s0;
	s0 =	simm.s32 @!p2 $0x0  }
0x16: {  	s3 =	sld [smem:$0x3FDB];
	s0 =	simm.s32 @p2 $0x1  }
0x17: {  	s4 =	simm.s32 $0x1BF5;
	[smem:$0x3FB8] =	sst s0  }
0x18: {  	s0 =	sld [smem:$0x3F9B];
	_ =	swait.ge [sflag:s4], $0x0  }
0x19: {  	s7 =	sld [smem:$0x3F9C]  }
0x1a: {  	s8 =	sadd.s32 $0xFFFFE003, lr  }
0x1b: {  	s9 =	sadd.s32 $0xFFFFFEF7, lr;
	s5 =	simm.s32 $0xFFFFFFFF;
	p2 =	slt.u32 s8, $0xFFFFF086  }
0x1c: {  	p1 =	slt.u32 s9, $0xF7A;
	s5 =	simm.s32 @!p2 $0x0  }
0x1d: {  	s5 =	simm.s32 @p1 $0x1;
	p0 =	seq.s32 s7, s2  }
0x1e: {  	s7 =	smul.u32 @!p0 $0xF7A, s2;
	p2 =	seq.s32 @!p0 s5, $0x0  }
0x1f: {  	s9 =	smul.u32 $0xF7A, s1;
	s8 =	simm.s32 @!p0 $0x1BF5;
	p2 =	por !p2, p0  }
0x20: {  	[sflag:s8] =	ssyncset.s32 @!p0 $0xFFFFF086;
	s6 =	sadd.s32 @!p0 s3, s7;
	s7 =	simm.s32 @!p0 $0x108  }
0x21: {  	s3 =	sadd.s32 s3, s9;
	s6 =	sadd.s32 @!p0 $0x88, s6;
	s7 =	simm.s32 @p2 $0x1082  }
0x22: {  	[simem:s7], [sflag:s8] =	dma.local @!p0 [hbm:s6], $0xF7A  }
0x23: {  	s9 =	sor.u32 $0xD0000000, s2;
	s6 =	simm.s32 $0x108;
	_ =	swait.ge @!p0 [sflag:s8], $0x0  }
0x24: {  	s3 =	sadd.s32 $0x88, s3;
	s6 =	simm.s32 @!p1 $0x1082;
	[sflag:s4] =	ssyncset.s32 $0xFFFFF086  }
0x25: {  	[simem:s6], [sflag:s4] =	dma.local [hbm:s3], $0xF7A  }
0x26: {  	[smem:$0x3F9C] =	sst s1;
	(tag) =	ssettag s2;
	_ =	strace s9  }
0x27: {  	s1 =	sld [smem:$0x3FAC]  }
0x28: {  	s2 =	sld [smem:$0x3FAD]  }
0x29: {  	s4 =	sld [smem:$0x3FAF]  }
0x2a: {  	p0 =	seq.s32 s5, $0x0;
	s5 =	sld [smem:$0x3FB0]  }
0x2b: {  	s6 =	sld [smem:$0x3FB1]  }
0x2c: {  	s7 =	sld [smem:$0x3FB2]  }
0x2d: {  	s3 =	simm.s32 $0x108;
	s8 =	sld [smem:$0x3FB3]  }
0x2e: {  	s3 =	simm.s32 @!p0 $0x1082;
	s9 =	sld [smem:$0x3FB4]  }
0x2f: {  	lr =	sadd.s32 s0, s3;
	s0 =	sld [smem:$0x3FAB]  }
0x30: {  	s3 =	sld [smem:$0x3FAE]  }
0x31: {  	[smem:$0x3FB7] =	sst s10  }
0x32: {  	s10 =	sld [smem:$0x3FB5];
	_ =	sdelay $0x3  }
0x33: {  	p0 =	seq.s32 s10, $0x1;
	s10 =	sld [smem:$0x3FB7];
	_ =	sdelay $0x3  }
0x34: {  	[smem:$0x3FB7] =	sst s10  }
0x35: {  	s10 =	sld [smem:$0x3FB6];
	_ =	sdelay $0x3  }
0x36: {  	p1 =	seq.s32 s10, $0x1;
	s10 =	sld [smem:$0x3FB7];
	_ =	sdelay $0x3  }
0x37: {  	[smem:$0x3FB7] =	sst s10  }
0x38: {  	s10 =	sld [smem:$0x3FB8]  }
0x39: {  	_ = 	snop;
	(pc) =	sbr.ind lr, $3  }
0x3a: {  	_ = 	snop  }
0x3b: {  	_ = 	snop  }
0x3c: {  	p2 =	seq.s32 s10, $0x1;
	s10 =	sld [smem:$0x3FB7]  }
0x3d: {  	_ =	shalt  }
0x3e: {  	_ =	shalt  }
0x3f: {  	_ =	shalt  }
0x40: {  	_ =	shalt  }
0x41: {  	_ =	shalt  }
0x42: {  	_ =	shalt  }
0x43: {  	_ =	shalt  }
0x44: {  	_ =	shalt  }
0x45: {  	_ =	shalt  }
0x46: {  	_ =	shalt  }
0x47: {  	_ =	shalt  }
0x48: {  	_ =	shalt  }
0x49: {  	_ =	shalt  }
0x4a: {  	_ =	shalt  }
0x4b: {  	_ =	shalt  }
0x4c: {  	_ =	shalt  }
0x4d: {  	_ =	shalt  }
0x4e: {  	_ =	shalt  }
0x4f: {  	_ =	shalt  }
0x50: {  	_ =	shalt  }
0x51: {  	_ =	shalt  }
0x52: {  	_ =	shalt  }
0x53: {  	_ =	shalt  }
0x54: {  	_ =	shalt  }
0x55: {  	_ =	shalt  }
0x56: {  	_ =	shalt  }
0x57: {  	_ =	shalt  }
0x58: {  	_ =	shalt  }
0x59: {  	_ =	shalt  }
0x5a: {  	_ =	shalt  }
0x5b: {  	_ =	shalt  }
0x5c: {  	_ =	shalt  }
0x5d: {  	_ =	shalt  }
0x5e: {  	_ =	shalt  }
0x5f: {  	_ =	shalt  }
0x60: {  	_ =	shalt  }
0x61: {  	_ =	shalt  }
0x62: {  	_ =	shalt  }
0x63: {  	_ =	shalt  }
0x64: {  	_ =	shalt  }
0x65: {  	_ =	shalt  }
0x66: {  	_ =	shalt  }
0x67: {  	_ =	shalt  }
0x68: {  	_ =	shalt  }
0x69: {  	_ =	shalt  }
0x6a: {  	_ =	shalt  }
0x6b: {  	_ =	shalt  }
0x6c: {  	_ =	shalt  }
0x6d: {  	_ =	shalt  }
0x6e: {  	_ =	shalt  }
0x6f: {  	_ =	shalt  }
0x70: {  	_ =	shalt  }
0x71: {  	_ =	shalt  }
0x72: {  	_ =	shalt  }
0x73: {  	_ =	shalt  }
0x74: {  	_ =	shalt  }
0x75: {  	_ =	shalt  }
0x76: {  	_ =	shalt  }
0x77: {  	_ =	shalt  }
0x78: {  	_ =	shalt  }
0x79: {  	_ =	shalt  }
0x7a: {  	_ =	shalt  }
0x7b: {  	_ =	shalt  }
0x7c: {  	_ =	shalt  }
0x7d: {  	_ =	shalt  }
0x7e: {  	_ =	shalt  }
0x7f: {  	_ =	shalt  }
0x80: {  	_ =	shalt  }
0x81: {  	_ =	shalt  }
0x82: {  	_ =	shalt  }
0x83: {  	_ =	shalt  }
0x84: {  	_ =	shalt  }
0x85: {  	_ =	shalt  }
0x86: {  	_ =	shalt  }
0x87: {  	_ =	shalt  }
.Lfunc_end0:
.L_simem_size_0:
called_computation_lowered:
.L_overlay_start_0:
0x88: {  	s2 =	sld [smem:$0x3FD9]  }
0x89: {  	s3 =	sld [smem:$0x3FFE];
	_ =	sdelay $0x1  }
0x8a: {  	s1 =	srdreg.scid  }
0x8b: {  	s0 =	sand.u32 $0x1, s1  }
0x8c: {  	s17 =	sshll.u32 s0, $0xA;
	s2 =	sadd.s32 s3, s2  }
0x8d: {  	s2 =	sadd.s32 s2, s17  }
0x8e: {  	[smem:$0x3FC3] =	sst s2  }
0x8f: {  	_ = 	snop  }
0x90: {  	s2 =	sld [smem:$0x3FC9];
	(tm) =	ssettm $0x1  }
0x91: {  	s18 =	sld [smem:$0x3FFB];
	_ =	sdelay $0x3  }
0x92: {  	_ =	strace s18  }
0x93: {  	s3 =	sld [smem:$0x3FFC];
	_ =	sdelay $0x3  }
0x94: {  	_ =	strace s3  }
0x95: {  	s3 =	sld [smem:$0x3FFD];
	_ =	sdelay $0x3  }
0x96: {  	_ =	strace s3  }
0x97: {  	_ =	strace $0x8FFFFFFF  }
0x98: {  	s19 =	sld [smem:$0x3FDB];
	_ =	sdelay $0x1  }
0x99: {  	s4 =	simm.s32 $_scs_section_size  }
0x9a: {  	s5 =	simm.s32 $_size__tile_overlayer_lowered;
	s6 =	simm.s32 $_tile_overlayer_lowered  }
0x9b: {  	s22 =	simm.s32 $0x1BFF;
	s21 =	sshll.u32 s6, $0x1;
	s3 =	sadd.s32 s4, s19  }
0x9c: {  	s7 =	simm.s32 $0x0;
	s20 =	sshll.u32 s5, $0x1;
	s5 =	sadd.s32 s21, s3  }
0x9d: {  	[timem:s7], [sflag:s22] =	dma.local [hbm:s5], s20  }
0x9e: {  	_ =	swait.ge [sflag:s22], s20  }
0x9f: {  	s4 =	ssub.s32 $0x0, s20;
	[sflag:s22] =	ssyncset.done $0x0  }
0xa0: {  	[sflag:s22] =	ssyncadd.s32 s4;
	_ =	sdelay $0x1  }
0xa1: {  	s23 =	simm.s32 $0x1B8B  }
0xa2: {  	_ =	swait.ge [sflag:s23], $0x1  }
0xa3: {  	[sflag:s23] =	ssyncset.done $0x0  }
0xa4: {  	s25 =	simm.s32 $0x1B8E;
	s24 =	sld [smem:$0x3FFE];
	[sflag:s23] =	ssyncadd.s32 $0xFFFFFFFF  }
0xa5: {  	s26 =	simm.s32 $execute0_lowered;
	[smem:$0x3FD2] =	sst s25  }
0xa6: {  	s5 =	sshll.u32 s26, $0x1;
	_ =	strace $0x80000046;
	[dreg:$0x1] =	wrdreg $0xFFFFFFFF  }
0xa7: {  	s28 =	simm.s32 $_size_execute0_lowered;
	s3 =	sadd.s32 s3, s5;
	[dreg:$0x0] =	wrdreg $0x0  }
0xa8: {  	s5 =	sshll.u32 s28, $0x1;
	[dreg:$0x2] =	wrdreg s3  }
0xa9: {  	[dreg:$0x3] =	wrdreg s5  }
0xaa: {  	[dreg:$0x4] =	wrdreg $0xC0  }
0xab: {  	_ =	task [dreg:s7], $0x5FFFF  }
0xac: {  	[dreg:$0x1] =	wrdreg $0xFFFFFFFF  }
0xad: {  	[dreg:$0x0] =	wrdreg $0x60  }
0xae: {  	[dreg:$0x2] =	wrdreg s2  }
0xaf: {  	[dreg:$0x3] =	wrdreg s24  }
0xb0: {  	[dreg:$0x4] =	wrdreg $0x9  }
0xb1: {  	_ =	task.clear_ibuf [dreg:s7], $0x5FFFF;
	_ =	strace $0x90000046  }
0xb2: {  	s29 =	simm.s32 $0x9;
	_ =	strace $0x80000048  }
0xb3: {  	_ =	swait.ge [sflag:s29], $0x1  }
0xb4: {  	[sflag:s29] =	ssyncadd.s32 $0xFFFFFFFF  }
0xb5: {  	_ =	strace $0x90000048  }
0xb6: {  	_ =	sfence  }
0xb7: {  	s30 =	sld [smem:$0x0];
	_ =	sdelay $0x2  }
0xb8: {  	s31 =	sshll.u32 s1, $0xD;
	s1 =	sshrl.u32 s1, $0x2  }
0xb9: {  	s3 =	sand.u32 $0x4000, s31;
	s1 =	sadd.s32 s1, s30  }
0xba: {  	s0 =	sor.u32 s3, s0;
	s1 =	sshll.u32 s1, $0x11  }
0xbb: {  	s0 =	sor.u32 s1, s0  }
0xbc: {  	s0 =	sadd.s32 $0x8F2B, s0  }
0xbd: {  	[sflag:s0] =	ssyncadd.remote.s32 $0x1  }
0xbe: {  	_ =	sfence.sel $0xFFFF  }
0xbf: {  	[dreg:$0x0] =	wrdreg $0xFFFFFFFF;
	(pc) =	sbr.abs _section_cstart, $3  }
0xc0: {  	[dreg:$0x1] =	wrdreg $0xFFFFFFFF  }
0xc1: {  	_ =	task.clear_ibuf [dreg:s7], $0x2FFFF;
	_ =	strace $0x9FFFFFFF  }
0xc2: {  	(tm) =	ssettm $0x7FFFFFFF  }
0xc3: {  	_ =	shalt  }
tec
execute0_lowered:
.L_overlay_start_1:
0x0: {  	(tag) =	ssettag $0x1  }
0x1: {  	s0 =	rddreg [dreg:$0x0]  }
0x2: {  	s1 =	rddreg [dreg:$0x1];
	s2 =	srdreg.scid  }
0x3: {  	s5 =	stileid.u32;
	s26 =	simm.s32 $0x10000;
	s16 =	simm.s32 $0x1  }
0x4: {  	s19 =	simm.s32 $0x1800;
	s20 =	simm.s32 $0x2000;
	s21 =	simm.s32 $0x2800  }
0x5: {  	s22 =	simm.s32 $0x3000;
	s28 =	simm.s32 $0x5800;
	s29 =	simm.s32 $0x6000  }
0x6: {  	s30 =	simm.s32 $0x6800;
	s31 =	simm.s32 $0x7000;
	s9 =	simm.s32 $0x8800  }
0x7: {  	s10 =	simm.s32 $0x9000;
	s11 =	simm.s32 $0x9800;
	s12 =	simm.s32 $0xA000  }
0x8: {  	s13 =	simm.s32 $0xA800;
	s14 =	simm.s32 $0xB000;
	s15 =	simm.s32 $0xB800  }
0x9: {  	s8 =	simm.s32 $0xC000;
	s3 =	sand.u32 $0x1, s2;
	s2 =	simm.s32 $0x0  }
0xa: {  	s4 =	sshll.u32 s3, $0x4;
	[smem:$0x7FF] =	sst s2;
	s6 =	ssub.s32 $0x2, s3  }
0xb: {  	s3 =	sadd.s32 $0x400, s1;
	s4 =	sor.u32 s5, s4;
	_ =	strace $0x80000047  }
0xc: {  	s24 =	sshrl.u32 s6, $0x1;
	[dreg:$0x5] =	wrdreg s26;
	s26 =	simm.s32 $0x5000  }
0xd: {  	s5 =	sshll.u32 s4, $0xD;
	s23 =	sshll.u32 s4, $0x5;
	s7 =	ssub.s32 s6, s24  }
0xe: {  	s4 =	sadd.s32 $0x500, s1;
	s6 =	sadd.s32 $0x700, s1;
	s24 =	simm.s32 $0x4000  }
0xf: {  	v2 =	vlaneseq.u32;
	s0 =	sadd.s32 s0, s5;
	s25 =	sadd.s32 s1, s23;
	s5 =	sadd.s32 $0x600, s1  }
0x10: {  	vm0 =	vmmov $0xffff;
	v1 =	vshrl.u32 v2, $0x3;
	s7 =	smax.u32 s7, $0x1;
	s23 =	simm.s32 $0x3800;
	[dreg:$0x3] =	wrdreg s0  }
0x11: {  	v0 =	vand.u32 $0x7, v2;
	v2 =	vor.u32 $0x8, v2;
	v1 =	vmul.u32 $0x8, v1;
	s1 =	simm.s32 $0x8000;
	[dreg:$0x4] =	wrdreg s25;
	s25 =	simm.s32 $0x4800  }
.LBB2_1:
0x12: {  	s17 =	rddreg [dreg:$0x3];
	s0 =	simm.s32 $0x2  }
0x13: {  	[tilespmem:s2], [sflag:$0x2] =	stream.linear.gather [hbm4b:s17+s2], $0x10000, $0x38;
	[tilespmem:$0x10100] =	vst v63  }
0x14: {  	_ =	swait.ge [sflag:s0], $0x10000  }
0x15: {  	s17 =	rddreg [dreg:$0x4];
	[sflag:s0] =	ssyncset.done $0x0  }
0x16: {  	s18 =	rddreg [dreg:$0x5];
	[sflag:s0] =	ssyncadd.s32 $0xFFFF0000  }
0x17: {  	[tilespmem:s18], [sflag:$0x2] =	stream.linear.gather [hbm4b:s17+s2], $0x100, $0x38;
	[tilespmem:$0x10100] =	vst v63  }
0x18: {  	_ =	swait.ge [sflag:s0], $0x100  }
0x19: {  	[sflag:s0] =	ssyncset.done $0x0  }
0x1a: {  	[sflag:s0] =	ssyncadd.s32 $0xFFFFFF00  }
0x1b: {  	v3 =	vld [tilespmem:$0x10000];
	_ =	sdelay $0x4  }
0x1c: {  	v4 =	vshll.u32 v3, $0x3  }
0x1d: {  	v3 =	vand.u32 $0x7, v3;
	v4 =	vand.u32 $0xFFFFFFC0, v4  }
0x1e: {  	v3 =	vor.u32 v3, v4  }
0x1f: {  	v4 =	vperm.xlane v3, v0;
	_ =	sdelay $0x1  }
0x20: {  	v4 =	vadd.s32 v1, v4;
	_ =	sdelay $0x4  }
0x21: {  	[hbm4b:s3+s2] =	stream.indirect_vreg.scatter [tilespmem:s2], [sflag:$0x1], $0x80, v4, vm0, $0xb8;
	[tilespmem:$0x10100] =	vst v63  }
0x22: {  	s17 =	simm.s32 $0x800;
	v3 =	vperm.xlane v3, v2  }
0x23: {  	[hbm4b:s4+s2] =	stream.indirect_vreg.scatter [tilespmem:s17], [sflag:$0x1], $0x80, v4, vm0, $0xb8;
	[tilespmem:$0x10100] =	vst v63  }
0x24: {  	s18 =	simm.s32 $0x1000;
	v3 =	vadd.s32 v1, v3  }
0x25: {  	[hbm4b:s5+s2] =	stream.indirect_vreg.scatter [tilespmem:s18], [sflag:$0x1], $0x80, v4, vm0, $0xb8;
	[tilespmem:$0x10100] =	vst v63  }
0x26: {  	_ = 	snop  }
0x27: {  	[hbm4b:s6+s2] =	stream.indirect_vreg.scatter [tilespmem:s19], [sflag:$0x1], $0x80, v4, vm0, $0xb8;
	[tilespmem:$0x10100] =	vst v63  }
0x28: {  	_ = 	snop  }
0x29: {  	[hbm4b:s3+s2] =	stream.indirect_vreg.scatter [tilespmem:s20], [sflag:$0x1], $0x80, v3, vm0, $0xb8;
	[tilespmem:$0x10100] =	vst v63  }
0x2a: {  	_ = 	snop  }
0x2b: {  	[hbm4b:s4+s2] =	stream.indirect_vreg.scatter [tilespmem:s21], [sflag:$0x1], $0x80, v3, vm0, $0xb8;
	[tilespmem:$0x10100] =	vst v63  }
0x2c: {  	_ = 	snop  }
0x2d: {  	[hbm4b:s5+s2] =	stream.indirect_vreg.scatter [tilespmem:s22], [sflag:$0x1], $0x80, v3, vm0, $0xb8;
	[tilespmem:$0x10100] =	vst v63  }
0x2e: {  	_ = 	snop  }
0x2f: {  	[hbm4b:s6+s2] =	stream.indirect_vreg.scatter [tilespmem:s23], [sflag:$0x1], $0x80, v3, vm0, $0xb8;
	[tilespmem:$0x10100] =	vst v63  }
0x30: {  	v3 =	vld [tilespmem:$0x10010];
	_ =	sdelay $0x4  }
0x31: {  	v57 =	vshll.u32 v3, $0x3  }
0x32: {  	v3 =	vand.u32 $0x7, v3;
	v4 =	vand.u32 $0xFFFFFFC0, v57  }
0x33: {  	v3 =	vor.u32 v3, v4  }
0x34: {  	v4 =	vperm.xlane v3, v0;
	_ =	sdelay $0x1  }
0x35: {  	v4 =	vadd.s32 v1, v4;
	_ =	sdelay $0x4  }
0x36: {  	[hbm4b:s3+s2] =	stream.indirect_vreg.scatter [tilespmem:s24], [sflag:$0x1], $0x80, v4, vm0, $0xb8;
	[tilespmem:$0x10100] =	vst v63  }
0x37: {  	v3 =	vperm.xlane v3, v2  }
0x38: {  	[hbm4b:s4+s2] =	stream.indirect_vreg.scatter [tilespmem:s25], [sflag:$0x1], $0x80, v4, vm0, $0xb8;
	[tilespmem:$0x10100] =	vst v63  }
0x39: {  	v3 =	vadd.s32 v1, v3  }
0x3a: {  	[hbm4b:s5+s2] =	stream.indirect_vreg.scatter [tilespmem:s26], [sflag:$0x1], $0x80, v4, vm0, $0xb8;
	[tilespmem:$0x10100] =	vst v63  }
0x3b: {  	_ = 	snop  }
0x3c: {  	[hbm4b:s6+s2] =	stream.indirect_vreg.scatter [tilespmem:s28], [sflag:$0x1], $0x80, v4, vm0, $0xb8;
	[tilespmem:$0x10100] =	vst v63  }
0x3d: {  	_ = 	snop  }
0x3e: {  	[hbm4b:s3+s2] =	stream.indirect_vreg.scatter [tilespmem:s29], [sflag:$0x1], $0x80, v3, vm0, $0xb8;
	[tilespmem:$0x10100] =	vst v63  }
0x3f: {  	_ = 	snop  }
0x40: {  	[hbm4b:s4+s2] =	stream.indirect_vreg.scatter [tilespmem:s30], [sflag:$0x1], $0x80, v3, vm0, $0xb8;
	[tilespmem:$0x10100] =	vst v63  }
0x41: {  	_ = 	snop  }
0x42: {  	[hbm4b:s5+s2] =	stream.indirect_vreg.scatter [tilespmem:s31], [sflag:$0x1], $0x80, v3, vm0, $0xb8;
	[tilespmem:$0x10100] =	vst v63  }
0x43: {  	s0 =	simm.s32 $0x7800  }
0x44: {  	[hbm4b:s6+s2] =	stream.indirect_vreg.scatter [tilespmem:s0], [sflag:$0x1], $0x80, v3, vm0, $0xb8;
	[tilespmem:$0x10100] =	vst v63  }
0x45: {  	v3 =	vld [tilespmem:$0x10020];
	_ =	sdelay $0x4  }
0x46: {  	v58 =	vshll.u32 v3, $0x3  }
0x47: {  	v3 =	vand.u32 $0x7, v3;
	v4 =	vand.u32 $0xFFFFFFC0, v58  }
0x48: {  	v3 =	vor.u32 v3, v4  }
0x49: {  	v4 =	vperm.xlane v3, v0;
	_ =	sdelay $0x1  }
0x4a: {  	v4 =	vadd.s32 v1, v4;
	_ =	sdelay $0x4  }
0x4b: {  	[hbm4b:s3+s2] =	stream.indirect_vreg.scatter [tilespmem:s1], [sflag:$0x1], $0x80, v4, vm0, $0xb8;
	[tilespmem:$0x10100] =	vst v63  }
0x4c: {  	v3 =	vperm.xlane v3, v2  }
0x4d: {  	[hbm4b:s4+s2] =	stream.indirect_vreg.scatter [tilespmem:s9], [sflag:$0x1], $0x80, v4, vm0, $0xb8;
	[tilespmem:$0x10100] =	vst v63  }
0x4e: {  	v3 =	vadd.s32 v1, v3  }
0x4f: {  	[hbm4b:s5+s2] =	stream.indirect_vreg.scatter [tilespmem:s10], [sflag:$0x1], $0x80, v4, vm0, $0xb8;
	[tilespmem:$0x10100] =	vst v63  }
0x50: {  	_ = 	snop  }
0x51: {  	[hbm4b:s6+s2] =	stream.indirect_vreg.scatter [tilespmem:s11], [sflag:$0x1], $0x80, v4, vm0, $0xb8;
	[tilespmem:$0x10100] =	vst v63  }
0x52: {  	_ = 	snop  }
0x53: {  	[hbm4b:s3+s2] =	stream.indirect_vreg.scatter [tilespmem:s12], [sflag:$0x1], $0x80, v3, vm0, $0xb8;
	[tilespmem:$0x10100] =	vst v63  }
0x54: {  	_ = 	snop  }
0x55: {  	[hbm4b:s4+s2] =	stream.indirect_vreg.scatter [tilespmem:s13], [sflag:$0x1], $0x80, v3, vm0, $0xb8;
	[tilespmem:$0x10100] =	vst v63  }
0x56: {  	_ = 	snop  }
0x57: {  	[hbm4b:s5+s2] =	stream.indirect_vreg.scatter [tilespmem:s14], [sflag:$0x1], $0x80, v3, vm0, $0xb8;
	[tilespmem:$0x10100] =	vst v63  }
0x58: {  	_ = 	snop  }
0x59: {  	[hbm4b:s6+s2] =	stream.indirect_vreg.scatter [tilespmem:s15], [sflag:$0x1], $0x80, v3, vm0, $0xb8;
	[tilespmem:$0x10100] =	vst v63  }
0x5a: {  	v3 =	vld [tilespmem:$0x10030];
	_ =	sdelay $0x4  }
0x5b: {  	v59 =	vshll.u32 v3, $0x3  }
0x5c: {  	v3 =	vand.u32 $0x7, v3;
	v4 =	vand.u32 $0xFFFFFFC0, v59  }
0x5d: {  	v3 =	vor.u32 v3, v4  }
0x5e: {  	v4 =	vperm.xlane v3, v0;
	_ =	sdelay $0x1  }
0x5f: {  	v4 =	vadd.s32 v1, v4;
	_ =	sdelay $0x4  }
0x60: {  	[hbm4b:s3+s2] =	stream.indirect_vreg.scatter [tilespmem:s8], [sflag:$0x1], $0x80, v4, vm0, $0xb8;
	[tilespmem:$0x10100] =	vst v63  }
0x61: {  	s0 =	simm.s32 $0xC800;
	v3 =	vperm.xlane v3, v2  }
0x62: {  	[hbm4b:s4+s2] =	stream.indirect_vreg.scatter [tilespmem:s0], [sflag:$0x1], $0x80, v4, vm0, $0xb8;
	[tilespmem:$0x10100] =	vst v63  }
0x63: {  	v3 =	vadd.s32 v1, v3;
	s0 =	simm.s32 $0xD000  }
0x64: {  	[hbm4b:s5+s2] =	stream.indirect_vreg.scatter [tilespmem:s0], [sflag:$0x1], $0x80, v4, vm0, $0xb8;
	[tilespmem:$0x10100] =	vst v63  }
0x65: {  	s0 =	simm.s32 $0xD800  }
0x66: {  	[hbm4b:s6+s2] =	stream.indirect_vreg.scatter [tilespmem:s0], [sflag:$0x1], $0x80, v4, vm0, $0xb8;
	[tilespmem:$0x10100] =	vst v63  }
0x67: {  	s0 =	simm.s32 $0xE000  }
0x68: {  	[hbm4b:s3+s2] =	stream.indirect_vreg.scatter [tilespmem:s0], [sflag:$0x1], $0x80, v3, vm0, $0xb8;
	[tilespmem:$0x10100] =	vst v63  }
0x69: {  	s0 =	simm.s32 $0xE800  }
0x6a: {  	[hbm4b:s4+s2] =	stream.indirect_vreg.scatter [tilespmem:s0], [sflag:$0x1], $0x80, v3, vm0, $0xb8;
	[tilespmem:$0x10100] =	vst v63  }
0x6b: {  	s0 =	simm.s32 $0xF000  }
0x6c: {  	[hbm4b:s5+s2] =	stream.indirect_vreg.scatter [tilespmem:s0], [sflag:$0x1], $0x80, v3, vm0, $0xb8;
	[tilespmem:$0x10100] =	vst v63  }
0x6d: {  	s0 =	simm.s32 $0xF800  }
0x6e: {  	[hbm4b:s6+s2] =	stream.indirect_vreg.scatter [tilespmem:s0], [sflag:$0x1], $0x80, v3, vm0, $0xb8;
	[tilespmem:$0x10100] =	vst v63  }
0x6f: {  	v3 =	vld [tilespmem:$0x10080];
	_ =	sdelay $0x4  }
0x70: {  	v60 =	vshll.u32 v3, $0x3  }
0x71: {  	v3 =	vand.u32 $0x7, v3;
	v4 =	vand.u32 $0xFFFFFFC0, v60  }
0x72: {  	v3 =	vor.u32 v3, v4  }
0x73: {  	v4 =	vperm.xlane v3, v0;
	_ =	sdelay $0x1  }
0x74: {  	v4 =	vadd.s32 v1, v4;
	_ =	sdelay $0x4  }
0x75: {  	[hbm4b:s3+s2] =	stream.indirect_vreg.scatter [tilespmem:s2], [sflag:$0x1], $0x80, v4, vm0, $0xb8;
	[tilespmem:$0x10100] =	vst v63  }
0x76: {  	v3 =	vperm.xlane v3, v2  }
0x77: {  	[hbm4b:s4+s2] =	stream.indirect_vreg.scatter [tilespmem:s17], [sflag:$0x1], $0x80, v4, vm0, $0xb8;
	[tilespmem:$0x10100] =	vst v63  }
0x78: {  	v3 =	vadd.s32 v1, v3  }
0x79: {  	[hbm4b:s5+s2] =	stream.indirect_vreg.scatter [tilespmem:s18], [sflag:$0x1], $0x80, v4, vm0, $0xb8;
	[tilespmem:$0x10100] =	vst v63  }
0x7a: {  	_ = 	snop  }
0x7b: {  	[hbm4b:s6+s2] =	stream.indirect_vreg.scatter [tilespmem:s19], [sflag:$0x1], $0x80, v4, vm0, $0xb8;
	[tilespmem:$0x10100] =	vst v63  }
0x7c: {  	_ = 	snop  }
0x7d: {  	[hbm4b:s3+s2] =	stream.indirect_vreg.scatter [tilespmem:s20], [sflag:$0x1], $0x80, v3, vm0, $0xb8;
	[tilespmem:$0x10100] =	vst v63  }
0x7e: {  	_ = 	snop  }
0x7f: {  	[hbm4b:s4+s2] =	stream.indirect_vreg.scatter [tilespmem:s21], [sflag:$0x1], $0x80, v3, vm0, $0xb8;
	[tilespmem:$0x10100] =	vst v63  }
0x80: {  	_ = 	snop  }
0x81: {  	[hbm4b:s5+s2] =	stream.indirect_vreg.scatter [tilespmem:s22], [sflag:$0x1], $0x80, v3, vm0, $0xb8;
	[tilespmem:$0x10100] =	vst v63  }
0x82: {  	_ = 	snop  }
0x83: {  	[hbm4b:s6+s2] =	stream.indirect_vreg.scatter [tilespmem:s23], [sflag:$0x1], $0x80, v3, vm0, $0xb8;
	[tilespmem:$0x10100] =	vst v63  }
0x84: {  	v3 =	vld [tilespmem:$0x10090];
	_ =	sdelay $0x4  }
0x85: {  	v61 =	vshll.u32 v3, $0x3  }
0x86: {  	v3 =	vand.u32 $0x7, v3;
	v4 =	vand.u32 $0xFFFFFFC0, v61  }
0x87: {  	v3 =	vor.u32 v3, v4  }
0x88: {  	v4 =	vperm.xlane v3, v0;
	_ =	sdelay $0x1  }
0x89: {  	v4 =	vadd.s32 v1, v4;
	_ =	sdelay $0x4  }
0x8a: {  	[hbm4b:s3+s2] =	stream.indirect_vreg.scatter [tilespmem:s24], [sflag:$0x1], $0x80, v4, vm0, $0xb8;
	[tilespmem:$0x10100] =	vst v63  }
0x8b: {  	v3 =	vperm.xlane v3, v2  }
0x8c: {  	[hbm4b:s4+s2] =	stream.indirect_vreg.scatter [tilespmem:s25], [sflag:$0x1], $0x80, v4, vm0, $0xb8;
	[tilespmem:$0x10100] =	vst v63  }
0x8d: {  	v3 =	vadd.s32 v1, v3  }
0x8e: {  	[hbm4b:s5+s2] =	stream.indirect_vreg.scatter [tilespmem:s26], [sflag:$0x1], $0x80, v4, vm0, $0xb8;
	[tilespmem:$0x10100] =	vst v63  }
0x8f: {  	_ = 	snop  }
0x90: {  	[hbm4b:s6+s2] =	stream.indirect_vreg.scatter [tilespmem:s28], [sflag:$0x1], $0x80, v4, vm0, $0xb8;
	[tilespmem:$0x10100] =	vst v63  }
0x91: {  	_ = 	snop  }
0x92: {  	[hbm4b:s3+s2] =	stream.indirect_vreg.scatter [tilespmem:s29], [sflag:$0x1], $0x80, v3, vm0, $0xb8;
	[tilespmem:$0x10100] =	vst v63  }
0x93: {  	_ = 	snop  }
0x94: {  	[hbm4b:s4+s2] =	stream.indirect_vreg.scatter [tilespmem:s30], [sflag:$0x1], $0x80, v3, vm0, $0xb8;
	[tilespmem:$0x10100] =	vst v63  }
0x95: {  	_ = 	snop  }
0x96: {  	[hbm4b:s5+s2] =	stream.indirect_vreg.scatter [tilespmem:s31], [sflag:$0x1], $0x80, v3, vm0, $0xb8;
	[tilespmem:$0x10100] =	vst v63  }
0x97: {  	s17 =	simm.s32 $0x7800  }
0x98: {  	[hbm4b:s6+s2] =	stream.indirect_vreg.scatter [tilespmem:s17], [sflag:$0x1], $0x80, v3, vm0, $0xb8;
	[tilespmem:$0x10100] =	vst v63  }
0x99: {  	v3 =	vld [tilespmem:$0x100A0];
	_ =	sdelay $0x4  }
0x9a: {  	v62 =	vshll.u32 v3, $0x3  }
0x9b: {  	v3 =	vand.u32 $0x7, v3;
	v4 =	vand.u32 $0xFFFFFFC0, v62  }
0x9c: {  	v3 =	vor.u32 v3, v4  }
0x9d: {  	v4 =	vperm.xlane v3, v0;
	_ =	sdelay $0x1  }
0x9e: {  	v4 =	vadd.s32 v1, v4;
	_ =	sdelay $0x4  }
0x9f: {  	[hbm4b:s3+s2] =	stream.indirect_vreg.scatter [tilespmem:s1], [sflag:$0x1], $0x80, v4, vm0, $0xb8;
	[tilespmem:$0x10100] =	vst v63  }
0xa0: {  	v3 =	vperm.xlane v3, v2  }
0xa1: {  	[hbm4b:s4+s2] =	stream.indirect_vreg.scatter [tilespmem:s9], [sflag:$0x1], $0x80, v4, vm0, $0xb8;
	[tilespmem:$0x10100] =	vst v63  }
0xa2: {  	v3 =	vadd.s32 v1, v3  }
0xa3: {  	[hbm4b:s5+s2] =	stream.indirect_vreg.scatter [tilespmem:s10], [sflag:$0x1], $0x80, v4, vm0, $0xb8;
	[tilespmem:$0x10100] =	vst v63  }
0xa4: {  	_ = 	snop  }
0xa5: {  	[hbm4b:s6+s2] =	stream.indirect_vreg.scatter [tilespmem:s11], [sflag:$0x1], $0x80, v4, vm0, $0xb8;
	[tilespmem:$0x10100] =	vst v63  }
0xa6: {  	_ = 	snop  }
0xa7: {  	[hbm4b:s3+s2] =	stream.indirect_vreg.scatter [tilespmem:s12], [sflag:$0x1], $0x80, v3, vm0, $0xb8;
	[tilespmem:$0x10100] =	vst v63  }
0xa8: {  	_ = 	snop  }
0xa9: {  	[hbm4b:s4+s2] =	stream.indirect_vreg.scatter [tilespmem:s13], [sflag:$0x1], $0x80, v3, vm0, $0xb8;
	[tilespmem:$0x10100] =	vst v63  }
0xaa: {  	_ = 	snop  }
0xab: {  	[hbm4b:s5+s2] =	stream.indirect_vreg.scatter [tilespmem:s14], [sflag:$0x1], $0x80, v3, vm0, $0xb8;
	[tilespmem:$0x10100] =	vst v63  }
0xac: {  	_ = 	snop  }
0xad: {  	[hbm4b:s6+s2] =	stream.indirect_vreg.scatter [tilespmem:s15], [sflag:$0x1], $0x80, v3, vm0, $0xb8;
	[tilespmem:$0x10100] =	vst v63  }
0xae: {  	v3 =	vld [tilespmem:$0x100B0];
	_ =	sdelay $0x4  }
0xaf: {  	v63 =	vshll.u32 v3, $0x3  }
0xb0: {  	v3 =	vand.u32 $0x7, v3;
	v4 =	vand.u32 $0xFFFFFFC0, v63  }
0xb1: {  	v3 =	vor.u32 v3, v4  }
0xb2: {  	v4 =	vperm.xlane v3, v0;
	_ =	sdelay $0x1  }
0xb3: {  	v4 =	vadd.s32 v1, v4;
	_ =	sdelay $0x4  }
0xb4: {  	[hbm4b:s3+s2] =	stream.indirect_vreg.scatter [tilespmem:s8], [sflag:$0x1], $0x80, v4, vm0, $0xb8;
	[tilespmem:$0x10100] =	vst v63  }
0xb5: {  	s18 =	simm.s32 $0xC800;
	v3 =	vperm.xlane v3, v2  }
0xb6: {  	[hbm4b:s4+s2] =	stream.indirect_vreg.scatter [tilespmem:s18], [sflag:$0x1], $0x80, v4, vm0, $0xb8;
	[tilespmem:$0x10100] =	vst v63  }
0xb7: {  	s17 =	simm.s32 $0xD000;
	v3 =	vadd.s32 v1, v3  }
0xb8: {  	[hbm4b:s5+s2] =	stream.indirect_vreg.scatter [tilespmem:s17], [sflag:$0x1], $0x80, v4, vm0, $0xb8;
	[tilespmem:$0x10100] =	vst v63  }
0xb9: {  	s18 =	simm.s32 $0xD800  }
0xba: {  	[hbm4b:s6+s2] =	stream.indirect_vreg.scatter [tilespmem:s18], [sflag:$0x1], $0x80, v4, vm0, $0xb8;
	[tilespmem:$0x10100] =	vst v63  }
0xbb: {  	s17 =	simm.s32 $0xE000  }
0xbc: {  	[hbm4b:s3+s2] =	stream.indirect_vreg.scatter [tilespmem:s17], [sflag:$0x1], $0x80, v3, vm0, $0xb8;
	[tilespmem:$0x10100] =	vst v63  }
0xbd: {  	s18 =	simm.s32 $0xE800  }
0xbe: {  	[hbm4b:s4+s2] =	stream.indirect_vreg.scatter [tilespmem:s18], [sflag:$0x1], $0x80, v3, vm0, $0xb8;
	[tilespmem:$0x10100] =	vst v63  }
0xbf: {  	s17 =	simm.s32 $0xF000  }
0xc0: {  	[hbm4b:s5+s2] =	stream.indirect_vreg.scatter [tilespmem:s17], [sflag:$0x1], $0x80, v3, vm0, $0xb8;
	[tilespmem:$0x10100] =	vst v63  }
0xc1: {  	s18 =	simm.s32 $0xF800  }
0xc2: {  	[hbm4b:s6+s2] =	stream.indirect_vreg.scatter [tilespmem:s18], [sflag:$0x1], $0x80, v3, vm0, $0xb8;
	[tilespmem:$0x10100] =	vst v63  }
0xc3: {  	p0 =	sne.s32 s7, $0x1;
	_ =	swait.ge [sflag:s16], $0x10000  }
.Ltmp0:
0xc4: {  	[sflag:s16] =	ssyncset.done $0x0;
	(pc) =	sbr.rel @p0 .LBB2_1-.Ltmp0, $4  }
0xc5: {  	[sflag:s16] =	ssyncadd.s32 $0xFFFF0000  }
0xc6: {  	_ =	swait.ge [sflag:s16], $0x10000  }
0xc7: {  	[sflag:s16] =	ssyncset.done $0x0  }
0xc8: {  	s7 =	sadd.s32 $0xFFFFFFFF, s7;
	[sflag:s16] =	ssyncadd.s32 $0xFFFF0000  }
0xc9: {  	_ =	sfence.sel $0x180000  }
0xca: {  	[bflag:$0x0] =	sbarrier.arrive $0xFFFF  }
0xcb: {  	_ =	strace $0x90000047  }
0xcc: {  	s0 =	stileid.u32;
	[bflag:$0x2] =	sbarrier.arrive $0xFFFF  }
0xcd: {  	p0 =	sne.s32 s0, $0x0;
	s0 =	rddreg [dreg:$0x2]  }
0xce: {  	s0 =	sadd.s32 @!p0 $0x100000, s0  }
0xcf: {  	[sflag:s0] =	ssyncadd.tile.s32 @!p0 $0x1;
	_ =	shalt  }
.Lfunc_end2:
_tile_overlayer_lowered:
.L_overlay_start_2:
0xd0: {  	(tag) =	ssettag $0x2  }
0xd1: {  	s0 =	rddreg [dreg:$0x0];
	s2 =	stileid.u32  }
0xd2: {  	s1 =	rddreg [dreg:$0x1];
	p0 =	sne.s32 s2, $0x0  }
0xd3: {  	s3 =	rddreg [dreg:$0x2];
	[bflag:$0x3] =	sbarrier.arrive $0xFFFF;
	s2 =	simm.s32 @!p0 $0x1C02  }
0xd4: {  	[timem:s3], [sflag:s2] =	dma.local @!p0 [hbm:s0], s1  }
0xd5: {  	s0 =	simm.s32 @!p0 $0x2  }
0xd6: {  	_ =	swait.ge @!p0 [sflag:s0], s1  }
0xd7: {  	s1 =	ssub.s32 @!p0 $0x0, s1;
	[sflag:s0] =	ssyncset.done @!p0 $0x0  }
0xd8: {  	[sflag:s0] =	ssyncadd.s32 @!p0 s1  }
0xd9: {  	[bflag:$0x3] =	sbarrier.arrive $0xFFFF  }
0xda: {  	_ =	shalt  }

// kernel: kernel.9.cloned.1.call-start
scs
__scs_entry_jumppad:
0x0: {  	(pc) =	sbr.rel $0x88, $3  }
0x1: {  	(tag) =	ssettag $0x0;
	lr =	simm.s32 $0x1  }
0x2: {  	[smem:$0x3F9C] =	sst lr;
	_ =	strace $0xD0000000  }
0x3: {  	_ = 	snop  }
0x4: {  	_ = 	snop  }
0x5: {  	_ = 	snop  }
0x6: {  	_ = 	snop  }
0x7: {  	_ = 	snop  }
__scs_overlays_trampoline_lowered:
0x8: {  	[smem:$0x3FAB] =	sst s0  }
0x9: {  	[smem:$0x3FAC] =	sst s1  }
0xa: {  	[smem:$0x3FAD] =	sst s2  }
0xb: {  	[smem:$0x3FAE] =	sst s3  }
0xc: {  	[smem:$0x3FAF] =	sst s4  }
0xd: {  	[smem:$0x3FB0] =	sst s5  }
0xe: {  	[smem:$0x3FB1] =	sst s6  }
0xf: {  	[smem:$0x3FB2] =	sst s7  }
0x10: {  	[smem:$0x3FB3] =	sst s8  }
0x11: {  	[smem:$0x3FB4] =	sst s9;
	s0 =	simm.s32 @!p0 $0x0  }
0x12: {  	s1 =	sld [smem:$0x3F9A];
	s0 =	simm.s32 @p0 $0x1  }
0x13: {  	[smem:$0x3FB5] =	sst s0;
	s0 =	simm.s32 @!p1 $0x0  }
0x14: {  	s2 =	sld [smem:$0x3F99];
	s0 =	simm.s32 @p1 $0x1  }
0x15: {  	[smem:$0x3FB6] =	sst s0;
	s0 =	simm.s32 @!p2 $0x0  }
0x16: {  	s3 =	sld [smem:$0x3FDB];
	s0 =	simm.s32 @p2 $0x1  }
0x17: {  	s4 =	simm.s32 $0x1BF5;
	[smem:$0x3FB8] =	sst s0  }
0x18: {  	s0 =	sld [smem:$0x3F9B];
	_ =	swait.ge [sflag:s4], $0x0  }
0x19: {  	s7 =	sld [smem:$0x3F9C]  }
0x1a: {  	s8 =	sadd.s32 $0xFFFFE003, lr  }
0x1b: {  	s9 =	sadd.s32 $0xFFFFFEF7, lr;
	s5 =	simm.s32 $0xFFFFFFFF;
	p2 =	slt.u32 s8, $0xFFFFF086  }
0x1c: {  	p1 =	slt.u32 s9, $0xF7A;
	s5 =	simm.s32 @!p2 $0x0  }
0x1d: {  	s5 =	simm.s32 @p1 $0x1;
	p0 =	seq.s32 s7, s2  }
0x1e: {  	s7 =	smul.u32 @!p0 $0xF7A, s2;
	p2 =	seq.s32 @!p0 s5, $0x0  }
0x1f: {  	s9 =	smul.u32 $0xF7A, s1;
	s8 =	simm.s32 @!p0 $0x1BF5;
	p2 =	por !p2, p0  }
0x20: {  	[sflag:s8] =	ssyncset.s32 @!p0 $0xFFFFF086;
	s6 =	sadd.s32 @!p0 s3, s7;
	s7 =	simm.s32 @!p0 $0x108  }
0x21: {  	s3 =	sadd.s32 s3, s9;
	s6 =	sadd.s32 @!p0 $0x88, s6;
	s7 =	simm.s32 @p2 $0x1082  }
0x22: {  	[simem:s7], [sflag:s8] =	dma.local @!p0 [hbm:s6], $0xF7A  }
0x23: {  	s9 =	sor.u32 $0xD0000000, s2;
	s6 =	simm.s32 $0x108;
	_ =	swait.ge @!p0 [sflag:s8], $0x0  }
0x24: {  	s3 =	sadd.s32 $0x88, s3;
	s6 =	simm.s32 @!p1 $0x1082;
	[sflag:s4] =	ssyncset.s32 $0xFFFFF086  }
0x25: {  	[simem:s6], [sflag:s4] =	dma.local [hbm:s3], $0xF7A  }
0x26: {  	[smem:$0x3F9C] =	sst s1;
	(tag) =	ssettag s2;
	_ =	strace s9  }
0x27: {  	s1 =	sld [smem:$0x3FAC]  }
0x28: {  	s2 =	sld [smem:$0x3FAD]  }
0x29: {  	s4 =	sld [smem:$0x3FAF]  }
0x2a: {  	p0 =	seq.s32 s5, $0x0;
	s5 =	sld [smem:$0x3FB0]  }
0x2b: {  	s6 =	sld [smem:$0x3FB1]  }
0x2c: {  	s7 =	sld [smem:$0x3FB2]  }
0x2d: {  	s3 =	simm.s32 $0x108;
	s8 =	sld [smem:$0x3FB3]  }
0x2e: {  	s3 =	simm.s32 @!p0 $0x1082;
	s9 =	sld [smem:$0x3FB4]  }
0x2f: {  	lr =	sadd.s32 s0, s3;
	s0 =	sld [smem:$0x3FAB]  }
0x30: {  	s3 =	sld [smem:$0x3FAE]  }
0x31: {  	[smem:$0x3FB7] =	sst s10  }
0x32: {  	s10 =	sld [smem:$0x3FB5];
	_ =	sdelay $0x3  }
0x33: {  	p0 =	seq.s32 s10, $0x1;
	s10 =	sld [smem:$0x3FB7];
	_ =	sdelay $0x3  }
0x34: {  	[smem:$0x3FB7] =	sst s10  }
0x35: {  	s10 =	sld [smem:$0x3FB6];
	_ =	sdelay $0x3  }
0x36: {  	p1 =	seq.s32 s10, $0x1;
	s10 =	sld [smem:$0x3FB7];
	_ =	sdelay $0x3  }
0x37: {  	[smem:$0x3FB7] =	sst s10  }
0x38: {  	s10 =	sld [smem:$0x3FB8]  }
0x39: {  	_ = 	snop;
	(pc) =	sbr.ind lr, $3  }
0x3a: {  	_ = 	snop  }
0x3b: {  	_ = 	snop  }
0x3c: {  	p2 =	seq.s32 s10, $0x1;
	s10 =	sld [smem:$0x3FB7]  }
0x3d: {  	_ =	shalt  }
0x3e: {  	_ =	shalt  }
0x3f: {  	_ =	shalt  }
0x40: {  	_ =	shalt  }
0x41: {  	_ =	shalt  }
0x42: {  	_ =	shalt  }
0x43: {  	_ =	shalt  }
0x44: {  	_ =	shalt  }
0x45: {  	_ =	shalt  }
0x46: {  	_ =	shalt  }
0x47: {  	_ =	shalt  }
0x48: {  	_ =	shalt  }
0x49: {  	_ =	shalt  }
0x4a: {  	_ =	shalt  }
0x4b: {  	_ =	shalt  }
0x4c: {  	_ =	shalt  }
0x4d: {  	_ =	shalt  }
0x4e: {  	_ =	shalt  }
0x4f: {  	_ =	shalt  }
0x50: {  	_ =	shalt  }
0x51: {  	_ =	shalt  }
0x52: {  	_ =	shalt  }
0x53: {  	_ =	shalt  }
0x54: {  	_ =	shalt  }
0x55: {  	_ =	shalt  }
0x56: {  	_ =	shalt  }
0x57: {  	_ =	shalt  }
0x58: {  	_ =	shalt  }
0x59: {  	_ =	shalt  }
0x5a: {  	_ =	shalt  }
0x5b: {  	_ =	shalt  }
0x5c: {  	_ =	shalt  }
0x5d: {  	_ =	shalt  }
0x5e: {  	_ =	shalt  }
0x5f: {  	_ =	shalt  }
0x60: {  	_ =	shalt  }
0x61: {  	_ =	shalt  }
0x62: {  	_ =	shalt  }
0x63: {  	_ =	shalt  }
0x64: {  	_ =	shalt  }
0x65: {  	_ =	shalt  }
0x66: {  	_ =	shalt  }
0x67: {  	_ =	shalt  }
0x68: {  	_ =	shalt  }
0x69: {  	_ =	shalt  }
0x6a: {  	_ =	shalt  }
0x6b: {  	_ =	shalt  }
0x6c: {  	_ =	shalt  }
0x6d: {  	_ =	shalt  }
0x6e: {  	_ =	shalt  }
0x6f: {  	_ =	shalt  }
0x70: {  	_ =	shalt  }
0x71: {  	_ =	shalt  }
0x72: {  	_ =	shalt  }
0x73: {  	_ =	shalt  }
0x74: {  	_ =	shalt  }
0x75: {  	_ =	shalt  }
0x76: {  	_ =	shalt  }
0x77: {  	_ =	shalt  }
0x78: {  	_ =	shalt  }
0x79: {  	_ =	shalt  }
0x7a: {  	_ =	shalt  }
0x7b: {  	_ =	shalt  }
0x7c: {  	_ =	shalt  }
0x7d: {  	_ =	shalt  }
0x7e: {  	_ =	shalt  }
0x7f: {  	_ =	shalt  }
0x80: {  	_ =	shalt  }
0x81: {  	_ =	shalt  }
0x82: {  	_ =	shalt  }
0x83: {  	_ =	shalt  }
0x84: {  	_ =	shalt  }
0x85: {  	_ =	shalt  }
0x86: {  	_ =	shalt  }
0x87: {  	_ =	shalt  }
.Lfunc_end0:
.L_simem_size_0:
called_computation.1_lowered:
.L_overlay_start_0:
0x88: {  	s2 =	sld [smem:$0x3FD9]  }
0x89: {  	s3 =	sld [smem:$0x3FFE];
	_ =	sdelay $0x1  }
0x8a: {  	s1 =	srdreg.scid  }
0x8b: {  	s0 =	sand.u32 $0x1, s1  }
0x8c: {  	s14 =	sshll.u32 s0, $0xA;
	s2 =	sadd.s32 s3, s2  }
0x8d: {  	s2 =	sadd.s32 s2, s14  }
0x8e: {  	[smem:$0x3FC3] =	sst s2  }
0x8f: {  	_ = 	snop  }
0x90: {  	s2 =	sld [smem:$0x3FD0];
	_ =	sdelay $0x2  }
0x91: {  	s15 =	simm.s32 $0xA;
	s4 =	simm.s32 $0x10  }
0x92: {  	[smem:s4], [sflag:s15] =	dma.local [hbm:s2], $0x1  }
0x93: {  	_ =	swait.eq [sflag:s15], $0x1  }
0x94: {  	[sflag:s15] =	ssyncset.done $0x0  }
0x95: {  	[sflag:s15] =	ssyncadd.s32 $0xFFFFFFFF  }
0x96: {  	s16 =	sld [smem:$0x10];
	(tm) =	ssettm $0x1  }
0x97: {  	s17 =	sld [smem:$0x3FFB];
	_ =	sdelay $0x3  }
0x98: {  	_ =	strace s17  }
0x99: {  	s3 =	sld [smem:$0x3FFC];
	_ =	sdelay $0x3  }
0x9a: {  	_ =	strace s3  }
0x9b: {  	s3 =	sld [smem:$0x3FFD];
	_ =	sdelay $0x3  }
0x9c: {  	_ =	strace s3  }
0x9d: {  	_ =	strace $0x8FFFFFFF  }
0x9e: {  	s18 =	sld [smem:$0x3FDB];
	_ =	sdelay $0x1  }
0x9f: {  	s19 =	simm.s32 $_scs_section_size  }
0xa0: {  	s5 =	simm.s32 $_size__tile_overlayer_lowered;
	s6 =	simm.s32 $_tile_overlayer_lowered  }
0xa1: {  	s22 =	simm.s32 $0x1BFF;
	s21 =	sshll.u32 s6, $0x1;
	s3 =	sadd.s32 s19, s18  }
0xa2: {  	s7 =	simm.s32 $0x0;
	s20 =	sshll.u32 s5, $0x1;
	s5 =	sadd.s32 s21, s3  }
0xa3: {  	[timem:s7], [sflag:s22] =	dma.local [hbm:s5], s20  }
0xa4: {  	_ =	swait.ge [sflag:s22], s20  }
0xa5: {  	s4 =	ssub.s32 $0x0, s20;
	[sflag:s22] =	ssyncset.done $0x0  }
0xa6: {  	[sflag:s22] =	ssyncadd.s32 s4;
	_ =	sdelay $0x1  }
0xa7: {  	s23 =	simm.s32 $0x1B8B  }
0xa8: {  	_ =	swait.ge [sflag:s23], $0x1  }
0xa9: {  	[sflag:s23] =	ssyncset.done $0x0  }
0xaa: {  	s25 =	simm.s32 $0x1B8E;
	s24 =	sld [smem:$0x3FFE];
	[sflag:s23] =	ssyncadd.s32 $0xFFFFFFFF  }
0xab: {  	s26 =	simm.s32 $execute0_lowered;
	[smem:$0x3FD2] =	sst s25  }
0xac: {  	s5 =	sshll.u32 s26, $0x1;
	_ =	strace $0x80000049;
	[dreg:$0x1] =	wrdreg $0xFFFFFFFF  }
0xad: {  	s28 =	simm.s32 $_size_execute0_lowered;
	s3 =	sadd.s32 s3, s5;
	[dreg:$0x0] =	wrdreg $0x0  }
0xae: {  	s5 =	sshll.u32 s28, $0x1;
	[dreg:$0x2] =	wrdreg s3  }
0xaf: {  	[dreg:$0x3] =	wrdreg s5  }
0xb0: {  	[dreg:$0x4] =	wrdreg $0xC0  }
0xb1: {  	_ =	task [dreg:s7], $0x5FFFF  }
0xb2: {  	[dreg:$0x1] =	wrdreg $0xFFFFFFFF  }
0xb3: {  	[dreg:$0x0] =	wrdreg $0x60  }
0xb4: {  	[dreg:$0x2] =	wrdreg s24  }
0xb5: {  	[dreg:$0x3] =	wrdreg s16  }
0xb6: {  	[dreg:$0x4] =	wrdreg $0x9  }
0xb7: {  	_ =	task.clear_ibuf [dreg:s7], $0x5FFFF;
	_ =	strace $0x90000049  }
0xb8: {  	s29 =	simm.s32 $0x9;
	_ =	strace $0x8000004B  }
0xb9: {  	_ =	swait.ge [sflag:s29], $0x1  }
0xba: {  	[sflag:s29] =	ssyncadd.s32 $0xFFFFFFFF  }
0xbb: {  	_ =	strace $0x9000004B  }
0xbc: {  	_ =	sfence  }
0xbd: {  	s30 =	sld [smem:$0x0];
	_ =	sdelay $0x2  }
0xbe: {  	s31 =	sshll.u32 s1, $0xD;
	s1 =	sshrl.u32 s1, $0x2  }
0xbf: {  	s3 =	sand.u32 $0x4000, s31;
	s1 =	sadd.s32 s1, s30  }
0xc0: {  	s0 =	sor.u32 s3, s0;
	s1 =	sshll.u32 s1, $0x11  }
0xc1: {  	s0 =	sor.u32 s1, s0  }
0xc2: {  	s0 =	sadd.s32 $0x8F2B, s0  }
0xc3: {  	[sflag:s0] =	ssyncadd.remote.s32 $0x1  }
0xc4: {  	_ =	sfence.sel $0xFFFF  }
0xc5: {  	[dreg:$0x0] =	wrdreg $0xFFFFFFFF;
	(pc) =	sbr.abs _section_cstart, $3  }
0xc6: {  	[dreg:$0x1] =	wrdreg $0xFFFFFFFF  }
0xc7: {  	_ =	task.clear_ibuf [dreg:s7], $0x2FFFF;
	_ =	strace $0x9FFFFFFF  }
0xc8: {  	(tm) =	ssettm $0x7FFFFFFF  }
0xc9: {  	_ =	shalt  }
tec
execute0_lowered:
.L_overlay_start_1:
0x0: {  	(tag) =	ssettag $0x1  }
0x1: {  	s0 =	rddreg [dreg:$0x0]  }
0x2: {  	s1 =	rddreg [dreg:$0x1]  }
0x3: {  	s2 =	srdreg.scid;
	s6 =	stileid.u32  }
0x4: {  	s13 =	simm.s32 $0x3;
	s14 =	simm.s32 $0x10100;
	s16 =	simm.s32 $0xA800  }
0x5: {  	s17 =	simm.s32 $0xB000;
	s18 =	simm.s32 $0xB800;
	s19 =	simm.s32 $0xC000  }
0x6: {  	s20 =	simm.s32 $0xC800;
	s21 =	simm.s32 $0xD800;
	s22 =	simm.s32 $0xE000  }
0x7: {  	s23 =	simm.s32 $0xE800;
	s24 =	simm.s32 $0xF000;
	s25 =	simm.s32 $0xF800  }
0x8: {  	s26 =	simm.s32 $0x1;
	s10 =	simm.s32 $0x2;
	s28 =	simm.s32 $0x0  }
0x9: {  	s3 =	sand.u32 $0x1, s2;
	s2 =	simm.s32 $0x0;
	s8 =	sadd.s32 $0xC0B00, s0  }
0xa: {  	s4 =	sshll.u32 s3, $0x4;
	[smem:$0x7FF] =	sst s2;
	s5 =	ssub.s32 $0x2, s3  }
0xb: {  	s3 =	sadd.s32 $0xC0800, s0;
	s7 =	sor.u32 s6, s4;
	s29 =	sshrl.u32 s5, $0x1  }
0xc: {  	_ =	strace $0x8000004A;
	s6 =	sshll.u32 s7, $0x5;
	s5 =	ssub.s32 s5, s29  }
0xd: {  	s9 =	sshll.u32 s7, $0xD;
	s4 =	sadd.s32 s0, s6;
	s31 =	smax.u32 s5, $0x1  }
0xe: {  	v2 =	vlaneseq.u32;
	s9 =	sadd.s32 s1, s9;
	s6 =	sadd.s32 $0xC0400, s4;
	[dreg:$0x5] =	wrdreg s31  }
0xf: {  	vm0 =	vmmov $0xffff;
	v1 =	vshrl.u32 v2, $0x3;
	s7 =	sadd.s32 $0xC0A00, s0;
	s30 =	sadd.s32 $0x1000, s9;
	[dreg:$0x3] =	wrdreg s6  }
0x10: {  	v0 =	vand.u32 $0x7, v2;
	v2 =	vor.u32 $0x8, v2;
	v1 =	vmul.u32 $0x8, v1;
	s5 =	simm.s32 $0xD000;
	s6 =	sadd.s32 $0xC0900, s0;
	[dreg:$0x4] =	wrdreg s30  }
.LBB2_1:
0x11: {  	s0 =	simm.s32 $0x10000  }
0x12: {  	[tilespmem:s0], [sflag:$0x3] =	stream.linear.gather [hbm4b:s4+s2], $0x100, $0x38;
	[tilespmem:$0x10200] =	vst v63  }
0x13: {  	_ =	swait.ge [sflag:s13], $0x100  }
0x14: {  	[sflag:s13] =	ssyncset.done $0x0  }
0x15: {  	s15 =	rddreg [dreg:$0x3];
	[sflag:s13] =	ssyncadd.s32 $0xFFFFFF00  }
0x16: {  	[tilespmem:s14], [sflag:$0x3] =	stream.linear.gather [hbm4b:s15+s2], $0x100, $0x38;
	[tilespmem:$0x10200] =	vst v63  }
0x17: {  	_ =	swait.ge [sflag:s13], $0x100  }
0x18: {  	[sflag:s13] =	ssyncset.done $0x0  }
0x19: {  	[sflag:s13] =	ssyncadd.s32 $0xFFFFFF00  }
0x1a: {  	v3 =	vld [tilespmem:$0x10000];
	_ =	sdelay $0x4  }
0x1b: {  	v4 =	vshll.u32 v3, $0x3  }
0x1c: {  	v3 =	vand.u32 $0x7, v3;
	v4 =	vand.u32 $0xFFFFFFC0, v4  }
0x1d: {  	v3 =	vor.u32 v3, v4  }
0x1e: {  	v4 =	vperm.xlane v3, v0;
	_ =	sdelay $0x1  }
0x1f: {  	v4 =	vadd.s32 v1, v4;
	_ =	sdelay $0x4  }
0x20: {  	[tilespmem:s2], [sflag:$0x1] =	stream.indirect_vreg.gather [hbm4b:s3+s2], $0x80, v4, vm0, $0xb8;
	[tilespmem:$0x10200] =	vst v63  }
0x21: {  	s1 =	simm.s32 $0x800;
	v3 =	vperm.xlane v3, v2  }
0x22: {  	[tilespmem:s1], [sflag:$0x1] =	stream.indirect_vreg.gather [hbm4b:s6+s2], $0x80, v4, vm0, $0xb8;
	[tilespmem:$0x10200] =	vst v63  }
0x23: {  	s11 =	simm.s32 $0x1000;
	v3 =	vadd.s32 v1, v3  }
0x24: {  	[tilespmem:s11], [sflag:$0x1] =	stream.indirect_vreg.gather [hbm4b:s7+s2], $0x80, v4, vm0, $0xb8;
	[tilespmem:$0x10200] =	vst v63  }
0x25: {  	s12 =	simm.s32 $0x1800  }
0x26: {  	[tilespmem:s12], [sflag:$0x1] =	stream.indirect_vreg.gather [hbm4b:s8+s2], $0x80, v4, vm0, $0xb8;
	[tilespmem:$0x10200] =	vst v63  }
0x27: {  	s15 =	simm.s32 $0x2000  }
0x28: {  	[tilespmem:s15], [sflag:$0x1] =	stream.indirect_vreg.gather [hbm4b:s3+s2], $0x80, v3, vm0, $0xb8;
	[tilespmem:$0x10200] =	vst v63  }
0x29: {  	s1 =	simm.s32 $0x2800  }
0x2a: {  	[tilespmem:s1], [sflag:$0x1] =	stream.indirect_vreg.gather [hbm4b:s6+s2], $0x80, v3, vm0, $0xb8;
	[tilespmem:$0x10200] =	vst v63  }
0x2b: {  	s11 =	simm.s32 $0x3000  }
0x2c: {  	[tilespmem:s11], [sflag:$0x1] =	stream.indirect_vreg.gather [hbm4b:s7+s2], $0x80, v3, vm0, $0xb8;
	[tilespmem:$0x10200] =	vst v63  }
0x2d: {  	s12 =	simm.s32 $0x3800  }
0x2e: {  	[tilespmem:s12], [sflag:$0x1] =	stream.indirect_vreg.gather [hbm4b:s8+s2], $0x80, v3, vm0, $0xb8;
	[tilespmem:$0x10200] =	vst v63  }
0x2f: {  	v3 =	vld [tilespmem:$0x10010];
	_ =	sdelay $0x4  }
0x30: {  	v61 =	vshll.u32 v3, $0x3  }
0x31: {  	v3 =	vand.u32 $0x7, v3;
	v4 =	vand.u32 $0xFFFFFFC0, v61  }
0x32: {  	v3 =	vor.u32 v3, v4  }
0x33: {  	v4 =	vperm.xlane v3, v0;
	_ =	sdelay $0x1  }
0x34: {  	v4 =	vadd.s32 v1, v4;
	_ =	sdelay $0x3  }
0x35: {  	s15 =	simm.s32 $0x4000  }
0x36: {  	[tilespmem:s15], [sflag:$0x1] =	stream.indirect_vreg.gather [hbm4b:s3+s2], $0x80, v4, vm0, $0xb8;
	[tilespmem:$0x10200] =	vst v63  }
0x37: {  	s1 =	simm.s32 $0x4800;
	v3 =	vperm.xlane v3, v2  }
0x38: {  	[tilespmem:s1], [sflag:$0x1] =	stream.indirect_vreg.gather [hbm4b:s6+s2], $0x80, v4, vm0, $0xb8;
	[tilespmem:$0x10200] =	vst v63  }
0x39: {  	s11 =	simm.s32 $0x5000;
	v3 =	vadd.s32 v1, v3  }
0x3a: {  	[tilespmem:s11], [sflag:$0x1] =	stream.indirect_vreg.gather [hbm4b:s7+s2], $0x80, v4, vm0, $0xb8;
	[tilespmem:$0x10200] =	vst v63  }
0x3b: {  	s12 =	simm.s32 $0x5800  }
0x3c: {  	[tilespmem:s12], [sflag:$0x1] =	stream.indirect_vreg.gather [hbm4b:s8+s2], $0x80, v4, vm0, $0xb8;
	[tilespmem:$0x10200] =	vst v63  }
0x3d: {  	s15 =	simm.s32 $0x6000  }
0x3e: {  	[tilespmem:s15], [sflag:$0x1] =	stream.indirect_vreg.gather [hbm4b:s3+s2], $0x80, v3, vm0, $0xb8;
	[tilespmem:$0x10200] =	vst v63  }
0x3f: {  	s1 =	simm.s32 $0x6800  }
0x40: {  	[tilespmem:s1], [sflag:$0x1] =	stream.indirect_vreg.gather [hbm4b:s6+s2], $0x80, v3, vm0, $0xb8;
	[tilespmem:$0x10200] =	vst v63  }
0x41: {  	s11 =	simm.s32 $0x7000  }
0x42: {  	[tilespmem:s11], [sflag:$0x1] =	stream.indirect_vreg.gather [hbm4b:s7+s2], $0x80, v3, vm0, $0xb8;
	[tilespmem:$0x10200] =	vst v63  }
0x43: {  	s12 =	simm.s32 $0x7800  }
0x44: {  	[tilespmem:s12], [sflag:$0x1] =	stream.indirect_vreg.gather [hbm4b:s8+s2], $0x80, v3, vm0, $0xb8;
	[tilespmem:$0x10200] =	vst v63  }
0x45: {  	v3 =	vld [tilespmem:$0x10080];
	_ =	sdelay $0x4  }
0x46: {  	v62 =	vshll.u32 v3, $0x3  }
0x47: {  	v3 =	vand.u32 $0x7, v3;
	v4 =	vand.u32 $0xFFFFFFC0, v62  }
0x48: {  	v3 =	vor.u32 v3, v4  }
0x49: {  	v4 =	vperm.xlane v3, v0;
	_ =	sdelay $0x1  }
0x4a: {  	v4 =	vadd.s32 v1, v4;
	_ =	sdelay $0x3  }
0x4b: {  	s15 =	simm.s32 $0x8000  }
0x4c: {  	[tilespmem:s15], [sflag:$0x2] =	stream.indirect_vreg.gather [hbm4b:s3+s2], $0x80, v4, vm0, $0xb8;
	[tilespmem:$0x10200] =	vst v63  }
0x4d: {  	s1 =	simm.s32 $0x8800;
	v3 =	vperm.xlane v3, v2  }
0x4e: {  	[tilespmem:s1], [sflag:$0x2] =	stream.indirect_vreg.gather [hbm4b:s6+s2], $0x80, v4, vm0, $0xb8;
	[tilespmem:$0x10200] =	vst v63  }
0x4f: {  	s11 =	simm.s32 $0x9000;
	v3 =	vadd.s32 v1, v3  }
0x50: {  	[tilespmem:s11], [sflag:$0x2] =	stream.indirect_vreg.gather [hbm4b:s7+s2], $0x80, v4, vm0, $0xb8;
	[tilespmem:$0x10200] =	vst v63  }
0x51: {  	s12 =	simm.s32 $0x9800  }
0x52: {  	[tilespmem:s12], [sflag:$0x2] =	stream.indirect_vreg.gather [hbm4b:s8+s2], $0x80, v4, vm0, $0xb8;
	[tilespmem:$0x10200] =	vst v63  }
0x53: {  	s15 =	simm.s32 $0xA000  }
0x54: {  	[tilespmem:s15], [sflag:$0x2] =	stream.indirect_vreg.gather [hbm4b:s3+s2], $0x80, v3, vm0, $0xb8;
	[tilespmem:$0x10200] =	vst v63  }
0x55: {  	_ = 	snop  }
0x56: {  	[tilespmem:s16], [sflag:$0x2] =	stream.indirect_vreg.gather [hbm4b:s6+s2], $0x80, v3, vm0, $0xb8;
	[tilespmem:$0x10200] =	vst v63  }
0x57: {  	_ = 	snop  }
0x58: {  	[tilespmem:s17], [sflag:$0x2] =	stream.indirect_vreg.gather [hbm4b:s7+s2], $0x80, v3, vm0, $0xb8;
	[tilespmem:$0x10200] =	vst v63  }
0x59: {  	_ = 	snop  }
0x5a: {  	[tilespmem:s18], [sflag:$0x2] =	stream.indirect_vreg.gather [hbm4b:s8+s2], $0x80, v3, vm0, $0xb8;
	[tilespmem:$0x10200] =	vst v63  }
0x5b: {  	v3 =	vld [tilespmem:$0x10090];
	_ =	sdelay $0x4  }
0x5c: {  	v63 =	vshll.u32 v3, $0x3  }
0x5d: {  	v3 =	vand.u32 $0x7, v3;
	v4 =	vand.u32 $0xFFFFFFC0, v63  }
0x5e: {  	v3 =	vor.u32 v3, v4  }
0x5f: {  	v4 =	vperm.xlane v3, v0;
	_ =	sdelay $0x1  }
0x60: {  	v4 =	vadd.s32 v1, v4;
	_ =	sdelay $0x4  }
0x61: {  	[tilespmem:s19], [sflag:$0x2] =	stream.indirect_vreg.gather [hbm4b:s3+s2], $0x80, v4, vm0, $0xb8;
	[tilespmem:$0x10200] =	vst v63  }
0x62: {  	v3 =	vperm.xlane v3, v2  }
0x63: {  	[tilespmem:s20], [sflag:$0x2] =	stream.indirect_vreg.gather [hbm4b:s6+s2], $0x80, v4, vm0, $0xb8;
	[tilespmem:$0x10200] =	vst v63  }
0x64: {  	v3 =	vadd.s32 v1, v3  }
0x65: {  	[tilespmem:s5], [sflag:$0x2] =	stream.indirect_vreg.gather [hbm4b:s7+s2], $0x80, v4, vm0, $0xb8;
	[tilespmem:$0x10200] =	vst v63  }
0x66: {  	_ = 	snop  }
0x67: {  	[tilespmem:s21], [sflag:$0x2] =	stream.indirect_vreg.gather [hbm4b:s8+s2], $0x80, v4, vm0, $0xb8;
	[tilespmem:$0x10200] =	vst v63  }
0x68: {  	_ = 	snop  }
0x69: {  	[tilespmem:s22], [sflag:$0x2] =	stream.indirect_vreg.gather [hbm4b:s3+s2], $0x80, v3, vm0, $0xb8;
	[tilespmem:$0x10200] =	vst v63  }
0x6a: {  	_ = 	snop  }
0x6b: {  	[tilespmem:s23], [sflag:$0x2] =	stream.indirect_vreg.gather [hbm4b:s6+s2], $0x80, v3, vm0, $0xb8;
	[tilespmem:$0x10200] =	vst v63  }
0x6c: {  	_ = 	snop  }
0x6d: {  	[tilespmem:s24], [sflag:$0x2] =	stream.indirect_vreg.gather [hbm4b:s7+s2], $0x80, v3, vm0, $0xb8;
	[tilespmem:$0x10200] =	vst v63  }
0x6e: {  	_ = 	snop  }
0x6f: {  	[tilespmem:s25], [sflag:$0x2] =	stream.indirect_vreg.gather [hbm4b:s8+s2], $0x80, v3, vm0, $0xb8;
	[tilespmem:$0x10200] =	vst v63  }
0x70: {  	_ =	swait.ge [sflag:s26], $0x8000  }
0x71: {  	[sflag:s26] =	ssyncset.done $0x0  }
0x72: {  	[sflag:s26] =	ssyncadd.s32 $0xFFFF8000  }
0x73: {  	_ =	swait.ge [sflag:s10], $0x8000  }
0x74: {  	s29 =	simm.s32 $0x0;
	s30 =	simm.s32 $0x0;
	[sflag:s10] =	ssyncset.done $0x0  }
0x75: {  	s31 =	simm.s32 $0x0;
	s11 =	simm.s32 $0x0;
	[sflag:s10] =	ssyncadd.s32 $0xFFFF8000  }
.LBB2_2:
0x76: {  	s1 =	sand.u32 $0x6000, s29;
	s0 =	sand.u32 $0x380, s30  }
0x77: {  	s0 =	sor.u32 s0, s1  }
0x78: {  	v5 =	vld [tilespmem:s0+$0x0]  }
0x79: {  	v6 =	vld [tilespmem:s0+$0x8000]  }
0x7a: {  	v7 =	vld [tilespmem:s0+$0x10]  }
0x7b: {  	v8 =	vld [tilespmem:s0+$0x8010]  }
0x7c: {  	v9 =	vld [tilespmem:s0+$0x20]  }
0x7d: {  	v10 =	vld [tilespmem:s0+$0x8020]  }
0x7e: {  	v11 =	vld [tilespmem:s0+$0x30]  }
0x7f: {  	v12 =	vld [tilespmem:s0+$0x8030]  }
0x80: {  	v13 =	vld [tilespmem:s0+$0x40]  }
0x81: {  	v14 =	vld [tilespmem:s0+$0x8040]  }
0x82: {  	v15 =	vld [tilespmem:s0+$0x50]  }
0x83: {  	v16 =	vld [tilespmem:s0+$0x8050]  }
0x84: {  	v17 =	vld [tilespmem:s0+$0x60]  }
0x85: {  	v18 =	vld [tilespmem:s0+$0x8060]  }
0x86: {  	v19 =	vld [tilespmem:s0+$0x70]  }
0x87: {  	v20 =	vld [tilespmem:s0+$0x8070]  }
0x88: {  	v21 =	vld [tilespmem:s0+$0x400]  }
0x89: {  	v22 =	vld [tilespmem:s0+$0x8400]  }
0x8a: {  	v23 =	vld [tilespmem:s0+$0x410]  }
0x8b: {  	v24 =	vld [tilespmem:s0+$0x8410]  }
0x8c: {  	v25 =	vld [tilespmem:s0+$0x420]  }
0x8d: {  	v3 =	vmov s31;
	v26 =	vld [tilespmem:s0+$0x8420]  }
0x8e: {  	v4 =	vor.u32 $0x80, v3;
	v27 =	vld [tilespmem:s0+$0x430]  }
0x8f: {  	v28 =	vld [tilespmem:s0+$0x8430]  }
0x90: {  	v29 =	vld [tilespmem:s0+$0x440]  }
0x91: {  	v30 =	vld [tilespmem:s0+$0x8440]  }
0x92: {  	v3 =	vld.idx.msk [tilespmem:v3+s14+$0x0], $0xffff  }
0x93: {  	v4 =	vld.idx.msk [tilespmem:v4+s14+$0x0], $0xffff  }
0x94: {  	v31 =	vld [tilespmem:s0+$0x450]  }
0x95: {  	v32 =	vld [tilespmem:s0+$0x8450]  }
0x96: {  	v33 =	vld [tilespmem:s0+$0x460]  }
0x97: {  	v34 =	vld [tilespmem:s0+$0x8460];
	v5 =	vmul.f32 v5, v3  }
0x98: {  	v35 =	vld [tilespmem:s0+$0x470];
	v7 =	vmul.f32 v7, v3;
	v6 =	vmul.f32 v6, v4  }
0x99: {  	v36 =	vld [tilespmem:s0+$0x8470];
	v40 =	vmul.f32 v9, v3;
	v8 =	vmul.f32 v8, v4  }
0x9a: {  	v39 =	vld [tilespmem:s0+$0x850];
	v42 =	vmul.f32 v11, v3;
	v41 =	vmul.f32 v10, v4;
	v5 =	vadd.f32 v6, v5  }
0x9b: {  	v45 =	vmul.f32 v13, v3;
	v13 =	vld [tilespmem:s0+$0x810];
	v43 =	vmul.f32 v12, v4;
	v7 =	vadd.f32 v8, v7  }
0x9c: {  	v48 =	vmul.f32 v15, v3;
	v15 =	vld [tilespmem:s0+$0x820];
	v46 =	vmul.f32 v14, v4;
	v44 =	vadd.f32 v41, v40;
	[tilespmem:s0+$0x0] =	vst v5  }
0x9d: {  	v51 =	vmul.f32 v17, v3;
	v17 =	vld [tilespmem:s0+$0x830];
	v49 =	vmul.f32 v16, v4;
	v47 =	vadd.f32 v43, v42;
	[tilespmem:s0+$0x10] =	vst v7  }
0x9e: {  	v54 =	vmul.f32 v19, v3;
	v19 =	vld [tilespmem:s0+$0x840];
	v52 =	vmul.f32 v18, v4;
	v50 =	vadd.f32 v46, v45;
	[tilespmem:s0+$0x20] =	vst v44  }
0x9f: {  	v10 =	vld [tilespmem:s0+$0x800];
	v55 =	vmul.f32 v20, v4;
	v53 =	vadd.f32 v49, v48;
	[tilespmem:s0+$0x30] =	vst v47  }
0xa0: {  	v57 =	vmul.f32 v21, v3;
	v12 =	vld [tilespmem:s0+$0x8800];
	v58 =	vmul.f32 v22, v4;
	v56 =	vadd.f32 v52, v51;
	[tilespmem:s0+$0x40] =	vst v50  }
0xa1: {  	v60 =	vmul.f32 v23, v3;
	v14 =	vld [tilespmem:s0+$0x8810];
	v61 =	vmul.f32 v24, v4;
	v59 =	vadd.f32 v55, v54;
	[tilespmem:s0+$0x50] =	vst v53  }
0xa2: {  	v63 =	vmul.f32 v25, v3;
	v16 =	vld [tilespmem:s0+$0x8820];
	v24 =	vmul.f32 v26, v4;
	v62 =	vadd.f32 v58, v57;
	[tilespmem:s0+$0x60] =	vst v56  }
0xa3: {  	v18 =	vld [tilespmem:s0+$0x8830];
	v26 =	vmul.f32 v27, v3;
	v27 =	vmul.f32 v28, v4;
	v25 =	vadd.f32 v61, v60;
	[tilespmem:s0+$0x70] =	vst v59  }
0xa4: {  	v37 =	vmul.f32 v29, v3;
	v20 =	vld [tilespmem:s0+$0x8840];
	v38 =	vmul.f32 v30, v4;
	v28 =	vadd.f32 v24, v63;
	[tilespmem:s0+$0x400] =	vst v62  }
0xa5: {  	v40 =	vadd.f32 v27, v26;
	v41 =	vmul.f32 v31, v3;
	v42 =	vmul.f32 v32, v4;
	v43 =	vld [tilespmem:s0+$0x8850];
	[tilespmem:s0+$0x410] =	vst v25  }
0xa6: {  	v45 =	vmul.f32 v33, v3;
	v46 =	vmul.f32 v34, v4;
	v51 =	vld [tilespmem:s0+$0x8860];
	[tilespmem:s0+$0x420] =	vst v28;
	v44 =	vadd.f32 v38, v37  }
0xa7: {  	s1 =	sor.u32 s1, s30;
	v49 =	vmul.f32 v35, v3;
	v55 =	vld [tilespmem:s0+$0x870];
	[tilespmem:s0+$0x430] =	vst v40;
	v48 =	vadd.f32 v42, v41;
	v50 =	vmul.f32 v36, v4  }
0xa8: {  	s1 =	sor.u32 $0x8C00, s1;
	v63 =	vld [tilespmem:s0+$0xC00];
	v52 =	vadd.f32 v46, v45;
	v53 =	vmul.f32 v10, v3;
	v54 =	vmul.f32 v12, v4;
	[tilespmem:s0+$0x440] =	vst v44  }
0xa9: {  	v26 =	vld [tilespmem:s1+$0x0];
	v57 =	vmul.f32 v13, v3;
	v58 =	vmul.f32 v14, v4;
	[tilespmem:s0+$0x450] =	vst v48;
	v56 =	vadd.f32 v50, v49  }
0xaa: {  	v47 =	vld [tilespmem:s0+$0x860];
	v61 =	vmul.f32 v15, v3;
	v62 =	vmul.f32 v16, v4;
	[tilespmem:s0+$0x460] =	vst v52;
	v60 =	vadd.f32 v54, v53  }
0xab: {  	v59 =	vld [tilespmem:s0+$0x8870];
	v17 =	vmul.f32 v17, v3;
	v25 =	vmul.f32 v18, v4;
	v16 =	vadd.f32 v58, v57;
	[tilespmem:s0+$0x470] =	vst v56  }
0xac: {  	v28 =	vmul.f32 v19, v3;
	v29 =	vmul.f32 v20, v4;
	v27 =	vadd.f32 v62, v61;
	[tilespmem:s0+$0x800] =	vst v60  }
0xad: {  	v31 =	vmul.f32 v39, v3;
	v30 =	vadd.f32 v25, v17;
	v32 =	vmul.f32 v43, v4;
	[tilespmem:s0+$0x810] =	vst v16  }
0xae: {  	v33 =	vadd.f32 v29, v28;
	v40 =	vmul.f32 v63, v3;
	v41 =	vmul.f32 v26, v4;
	[tilespmem:s0+$0x820] =	vst v27  }
0xaf: {  	v35 =	vmul.f32 v51, v4;
	v34 =	vmul.f32 v47, v3;
	[tilespmem:s0+$0x830] =	vst v30;
	v36 =	vadd.f32 v32, v31  }
0xb0: {  	v37 =	vmul.f32 v55, v3;
	v38 =	vmul.f32 v59, v4;
	[tilespmem:s0+$0x840] =	vst v33;
	v43 =	vadd.f32 v41, v40  }
0xb1: {  	v39 =	vadd.f32 v35, v34;
	[tilespmem:s0+$0x850] =	vst v36  }
0xb2: {  	v42 =	vadd.f32 v38, v37;
	[tilespmem:s0+$0xC00] =	vst v43  }
0xb3: {  	[tilespmem:s0+$0x860] =	vst v39  }
0xb4: {  	v44 =	vld [tilespmem:s0+$0xC10];
	[tilespmem:s0+$0x870] =	vst v42  }
0xb5: {  	v45 =	vld [tilespmem:s1+$0x10];
	_ =	sdelay $0x4  }
0xb6: {  	v5 =	vmul.f32 v44, v3;
	v6 =	vmul.f32 v45, v4;
	_ =	sdelay $0x1  }
0xb7: {  	v5 =	vadd.f32 v6, v5;
	_ =	sdelay $0x1  }
0xb8: {  	v46 =	vld [tilespmem:s0+$0xC20];
	[tilespmem:s0+$0xC10] =	vst v5  }
0xb9: {  	v47 =	vld [tilespmem:s1+$0x20];
	_ =	sdelay $0x4  }
0xba: {  	v5 =	vmul.f32 v46, v3;
	v6 =	vmul.f32 v47, v4;
	_ =	sdelay $0x1  }
0xbb: {  	v5 =	vadd.f32 v6, v5;
	_ =	sdelay $0x1  }
0xbc: {  	v48 =	vld [tilespmem:s0+$0xC30];
	[tilespmem:s0+$0xC20] =	vst v5  }
0xbd: {  	v49 =	vld [tilespmem:s1+$0x30];
	_ =	sdelay $0x1  }
0xbe: {  	v13 =	vld [tilespmem:s0+$0x9800]  }
0xbf: {  	v15 =	vld [tilespmem:s0+$0x9810]  }
0xc0: {  	v10 =	vld [tilespmem:s0+$0x9470]  }
0xc1: {  	v12 =	vld [tilespmem:s0+$0x1800];
	v5 =	vmul.f32 v48, v3;
	v6 =	vmul.f32 v49, v4  }
0xc2: {  	v14 =	vld [tilespmem:s0+$0x1810]  }
0xc3: {  	v50 =	vld [tilespmem:s0+$0xC40];
	v5 =	vadd.f32 v6, v5  }
0xc4: {  	v52 =	vld [tilespmem:s0+$0xC50]  }
0xc5: {  	v54 =	vld [tilespmem:s0+$0xC60];
	[tilespmem:s0+$0xC30] =	vst v5  }
0xc6: {  	v51 =	vld [tilespmem:s1+$0x40]  }
0xc7: {  	v58 =	vld [tilespmem:s0+$0x1000]  }
0xc8: {  	v61 =	vld [tilespmem:s0+$0x9010]  }
0xc9: {  	v62 =	vld [tilespmem:s0+$0x1020]  }
0xca: {  	v63 =	vld [tilespmem:s0+$0x9020]  }
0xcb: {  	v28 =	vld [tilespmem:s0+$0x9430];
	v5 =	vmul.f32 v50, v3;
	v6 =	vmul.f32 v51, v4  }
0xcc: {  	v29 =	vld [tilespmem:s0+$0x1450]  }
0xcd: {  	v56 =	vld [tilespmem:s0+$0xC70];
	v5 =	vadd.f32 v6, v5  }
0xce: {  	v59 =	vld [tilespmem:s0+$0x9000]  }
0xcf: {  	v60 =	vld [tilespmem:s0+$0x1010];
	[tilespmem:s0+$0xC40] =	vst v5  }
0xd0: {  	v53 =	vld [tilespmem:s1+$0x50]  }
0xd1: {  	v40 =	vld [tilespmem:s0+$0x1060]  }
0xd2: {  	v41 =	vld [tilespmem:s0+$0x9060]  }
0xd3: {  	v27 =	vld [tilespmem:s0+$0x1430]  }
0xd4: {  	v31 =	vld [tilespmem:s0+$0x1460]  }
0xd5: {  	v32 =	vld [tilespmem:s0+$0x9460];
	v5 =	vmul.f32 v52, v3;
	v6 =	vmul.f32 v53, v4  }
0xd6: {  	v38 =	vld [tilespmem:s0+$0x1050]  }
0xd7: {  	v43 =	vld [tilespmem:s0+$0x9070];
	v5 =	vadd.f32 v6, v5  }
0xd8: {  	v44 =	vld [tilespmem:s0+$0x1400]  }
0xd9: {  	v39 =	vld [tilespmem:s0+$0x9050];
	[tilespmem:s0+$0xC50] =	vst v5  }
0xda: {  	v55 =	vld [tilespmem:s1+$0x60]  }
0xdb: {  	v26 =	vmul.f32 v13, v4;
	v42 =	vld [tilespmem:s0+$0x1070]  }
0xdc: {  	v25 =	vmul.f32 v12, v3;
	v7 =	vmul.f32 v58, v3;
	v45 =	vld [tilespmem:s0+$0x9400]  }
0xdd: {  	v8 =	vmul.f32 v59, v4;
	v58 =	vmul.f32 v38, v3;
	v46 =	vld [tilespmem:s0+$0x1410]  }
0xde: {  	v35 =	vmul.f32 v43, v4;
	v38 =	vmul.f32 v44, v3;
	v47 =	vld [tilespmem:s0+$0x9410]  }
0xdf: {  	v36 =	vld [tilespmem:s0+$0x1030];
	v5 =	vmul.f32 v54, v3;
	v6 =	vmul.f32 v55, v4  }
0xe0: {  	v37 =	vld [tilespmem:s0+$0x9030];
	v59 =	vmul.f32 v39, v4;
	v34 =	vmul.f32 v42, v3  }
0xe1: {  	v48 =	vld [tilespmem:s0+$0x1420];
	v50 =	vmul.f32 v60, v3;
	v51 =	vmul.f32 v61, v4;
	v5 =	vadd.f32 v6, v5  }
0xe2: {  	v7 =	vadd.f32 v8, v7;
	v39 =	vmul.f32 v45, v4;
	v42 =	vmul.f32 v46, v3;
	v49 =	vld [tilespmem:s0+$0x9420]  }
0xe3: {  	v43 =	vmul.f32 v47, v4;
	v61 =	vmul.f32 v40, v3;
	v40 =	vld [tilespmem:s0+$0x9820];
	v54 =	vadd.f32 v51, v50;
	[tilespmem:s0+$0xC60] =	vst v5  }
0xe4: {  	v52 =	vmul.f32 v62, v3;
	v53 =	vmul.f32 v63, v4;
	v63 =	vadd.f32 v59, v58;
	v57 =	vld [tilespmem:s1+$0x70];
	[tilespmem:s0+$0x1000] =	vst v7  }
0xe5: {  	v33 =	vld [tilespmem:s0+$0x1470];
	v62 =	vmul.f32 v41, v4;
	v41 =	vadd.f32 v35, v34;
	v58 =	vmul.f32 v31, v3;
	[tilespmem:s0+$0x1010] =	vst v54  }
0xe6: {  	v45 =	vadd.f32 v39, v38;
	v59 =	vmul.f32 v32, v4;
	v55 =	vmul.f32 v36, v3;
	v36 =	vld [tilespmem:s0+$0x1820];
	[tilespmem:s0+$0x1050] =	vst v63  }
0xe7: {  	v30 =	vld [tilespmem:s0+$0x9450];
	v46 =	vmul.f32 v48, v3;
	v47 =	vmul.f32 v49, v4;
	v49 =	vadd.f32 v43, v42;
	[tilespmem:s0+$0x1070] =	vst v41  }
0xe8: {  	v44 =	vld [tilespmem:s0+$0x1830];
	v34 =	vmul.f32 v40, v4;
	v24 =	vadd.f32 v59, v58;
	v50 =	vmul.f32 v27, v3;
	[tilespmem:s0+$0x1400] =	vst v45  }
0xe9: {  	v48 =	vld [tilespmem:s0+$0x9830];
	v32 =	vadd.f32 v26, v25;
	v5 =	vmul.f32 v56, v3;
	v56 =	vmul.f32 v37, v4;
	[tilespmem:s0+$0x1410] =	vst v49  }
0xea: {  	v37 =	vadd.f32 v62, v61;
	v62 =	vmul.f32 v33, v3;
	v63 =	vmul.f32 v10, v4;
	[tilespmem:s0+$0x1460] =	vst v24  }
0xeb: {  	v23 =	vld [tilespmem:s0+$0x9860];
	v51 =	vmul.f32 v28, v4;
	v33 =	vmul.f32 v36, v3;
	[tilespmem:s0+$0x1800] =	vst v32;
	v60 =	vadd.f32 v56, v55  }
0xec: {  	v31 =	vld [tilespmem:s0+$0x9870];
	v54 =	vmul.f32 v29, v3;
	[tilespmem:s0+$0x1060] =	vst v37;
	v55 =	vmul.f32 v30, v4;
	v28 =	vadd.f32 v63, v62  }
0xed: {  	v27 =	vld [tilespmem:s0+$0x1870];
	v29 =	vmul.f32 v14, v3;
	v30 =	vmul.f32 v15, v4;
	v38 =	vadd.f32 v34, v33;
	[tilespmem:s0+$0x1030] =	vst v60  }
0xee: {  	v36 =	vmul.f32 v44, v3;
	v56 =	vld [tilespmem:s0+$0x9850];
	v37 =	vmul.f32 v48, v4;
	v61 =	vadd.f32 v55, v54;
	[tilespmem:s0+$0x1470] =	vst v28  }
0xef: {  	v60 =	vld [tilespmem:s0+$0x1860];
	v35 =	vadd.f32 v30, v29;
	[tilespmem:s0+$0x1820] =	vst v38  }
0xf0: {  	v41 =	vadd.f32 v37, v36;
	v6 =	vmul.f32 v57, v4;
	v57 =	vadd.f32 v53, v52;
	v52 =	vld [tilespmem:s0+$0x1850];
	[tilespmem:s0+$0x1450] =	vst v61  }
0xf1: {  	[tilespmem:s0+$0x1810] =	vst v35  }
0xf2: {  	v53 =	vadd.f32 v47, v46;
	[tilespmem:s0+$0x1830] =	vst v41  }
0xf3: {  	v42 =	vld [tilespmem:s0+$0x1040];
	v46 =	vmul.f32 v27, v3;
	v47 =	vmul.f32 v31, v4;
	v5 =	vadd.f32 v6, v5;
	[tilespmem:s0+$0x1020] =	vst v57  }
0xf4: {  	v10 =	vmul.f32 v23, v4;
	v45 =	vld [tilespmem:s0+$0x9040];
	v57 =	vadd.f32 v51, v50;
	[tilespmem:s0+$0x1420] =	vst v53;
	v43 =	vmul.f32 v60, v3  }
0xf5: {  	s15 =	sand.u32 $0x7, s11;
	v49 =	vld [tilespmem:s0+$0x9440];
	v40 =	vmul.f32 v56, v4;
	v50 =	vadd.f32 v47, v46;
	[tilespmem:s0+$0xC70] =	vst v5;
	v39 =	vmul.f32 v52, v3  }
0xf6: {  	s1 =	sshll.u32 s15, $0x7;
	s15 =	sor.u32 s29, s30;
	v48 =	vld [tilespmem:s0+$0x1440];
	[tilespmem:s0+$0x1430] =	vst v57;
	v9 =	vadd.f32 v10, v43  }
0xf7: {  	s15 =	sor.u32 $0x9C00, s15;
	v51 =	vld [tilespmem:s0+$0x1840];
	[tilespmem:s0+$0x1870] =	vst v50;
	v44 =	vadd.f32 v40, v39  }
0xf8: {  	s1 =	sadd.s32 s1, s29;
	v53 =	vld [tilespmem:s15+$0x0];
	[tilespmem:s0+$0x1860] =	vst v9  }
0xf9: {  	s12 =	sor.u32 $0x1C00, s1;
	v52 =	vld [tilespmem:s0+$0x9840];
	[tilespmem:s0+$0x1850] =	vst v44  }
0xfa: {  	v7 =	vld [tilespmem:s12+$0x0];
	_ =	sdelay $0x1  }
0xfb: {  	v8 =	vmul.f32 v45, v4;
	v6 =	vmul.f32 v42, v3  }
0xfc: {  	v5 =	vmul.f32 v48, v3;
	v10 =	vmul.f32 v49, v4  }
0xfd: {  	v6 =	vadd.f32 v8, v6;
	v54 =	vmul.f32 v51, v3;
	v9 =	vmul.f32 v52, v4  }
0xfe: {  	v5 =	vadd.f32 v10, v5;
	v55 =	vmul.f32 v53, v4;
	v7 =	vmul.f32 v7, v3  }
0xff: {  	[tilespmem:s0+$0x1040] =	vst v6;
	v56 =	vadd.f32 v9, v54  }
0x100: {  	[tilespmem:s0+$0x1440] =	vst v5;
	v57 =	vadd.f32 v55, v7  }
0x101: {  	[tilespmem:s0+$0x1840] =	vst v56  }
0x102: {  	[tilespmem:s12+$0x0] =	vst v57;
	s12 =	sor.u32 $0x1C10, s1  }
0x103: {  	v5 =	vld [tilespmem:s12+$0x0]  }
0x104: {  	v6 =	vld [tilespmem:s15+$0x10];
	_ =	sdelay $0x4  }
0x105: {  	v5 =	vmul.f32 v5, v3;
	v6 =	vmul.f32 v6, v4;
	_ =	sdelay $0x1  }
0x106: {  	v5 =	vadd.f32 v6, v5;
	_ =	sdelay $0x1  }
0x107: {  	[tilespmem:s12+$0x0] =	vst v5;
	s12 =	sor.u32 $0x1C20, s1  }
0x108: {  	v5 =	vld [tilespmem:s12+$0x0]  }
0x109: {  	v58 =	vld [tilespmem:s15+$0x20];
	_ =	sdelay $0x4  }
0x10a: {  	v5 =	vmul.f32 v5, v3;
	v6 =	vmul.f32 v58, v4;
	_ =	sdelay $0x1  }
0x10b: {  	v5 =	vadd.f32 v6, v5;
	_ =	sdelay $0x1  }
0x10c: {  	[tilespmem:s12+$0x0] =	vst v5;
	s12 =	sor.u32 $0x1C30, s1  }
0x10d: {  	v5 =	vld [tilespmem:s12+$0x0]  }
0x10e: {  	v59 =	vld [tilespmem:s15+$0x30];
	_ =	sdelay $0x4  }
0x10f: {  	v5 =	vmul.f32 v5, v3;
	v6 =	vmul.f32 v59, v4;
	_ =	sdelay $0x1  }
0x110: {  	v5 =	vadd.f32 v6, v5;
	_ =	sdelay $0x1  }
0x111: {  	[tilespmem:s12+$0x0] =	vst v5;
	s12 =	sor.u32 $0x1C40, s1  }
0x112: {  	v5 =	vld [tilespmem:s12+$0x0]  }
0x113: {  	v60 =	vld [tilespmem:s15+$0x40];
	_ =	sdelay $0x4  }
0x114: {  	v5 =	vmul.f32 v5, v3;
	v6 =	vmul.f32 v60, v4;
	_ =	sdelay $0x1  }
0x115: {  	v5 =	vadd.f32 v6, v5;
	_ =	sdelay $0x1  }
0x116: {  	[tilespmem:s12+$0x0] =	vst v5;
	s12 =	sor.u32 $0x1C50, s1  }
0x117: {  	v5 =	vld [tilespmem:s12+$0x0]  }
0x118: {  	v61 =	vld [tilespmem:s15+$0x50];
	_ =	sdelay $0x4  }
0x119: {  	v5 =	vmul.f32 v5, v3;
	v6 =	vmul.f32 v61, v4;
	_ =	sdelay $0x1  }
0x11a: {  	v5 =	vadd.f32 v6, v5;
	_ =	sdelay $0x1  }
0x11b: {  	[tilespmem:s12+$0x0] =	vst v5;
	s12 =	sor.u32 $0x1C60, s1  }
0x11c: {  	v5 =	vld [tilespmem:s12+$0x0]  }
0x11d: {  	v62 =	vld [tilespmem:s15+$0x60];
	_ =	sdelay $0x4  }
0x11e: {  	v5 =	vmul.f32 v5, v3;
	v6 =	vmul.f32 v62, v4;
	_ =	sdelay $0x1  }
0x11f: {  	v5 =	vadd.f32 v6, v5;
	_ =	sdelay $0x1  }
0x120: {  	[tilespmem:s12+$0x0] =	vst v5;
	s12 =	sor.u32 $0x1C70, s1  }
0x121: {  	v5 =	vld [tilespmem:s12+$0x0]  }
0x122: {  	v63 =	vld [tilespmem:s15+$0x70];
	_ =	sdelay $0x3  }
0x123: {  	p0 =	sne.s32 s31, $0x1F  }
.Ltmp0:
0x124: {  	v3 =	vmul.f32 v5, v3;
	v4 =	vmul.f32 v63, v4;
	(pc) =	sbr.rel @p0 .LBB2_2-.Ltmp0, $4  }
0x125: {  	_ = 	snop  }
0x126: {  	v3 =	vadd.f32 v4, v3  }
0x127: {  	s11 =	sadd.s32 $0x1, s11  }
0x128: {  	s31 =	sadd.s32 $0x1, s31;
	s30 =	sadd.s32 $0x80, s30;
	s29 =	sadd.s32 $0x400, s29;
	[tilespmem:s12+$0x0] =	vst v3  }
0x129: {  	s11 =	simm.s32 $0x0  }
0x12a: {  	[hbm4b:s9+s11] =	stream.linear.scatter [tilespmem:s11], [sflag:$0x3], $0x8000, $0x38;
	[tilespmem:$0x10200] =	vst v63  }
0x12b: {  	_ =	swait.ge [sflag:s13], $0x8000  }
0x12c: {  	[sflag:s13] =	ssyncset.done $0x0  }
0x12d: {  	[sflag:s13] =	ssyncadd.s32 $0xFFFF8000  }
0x12e: {  	v3 =	vld [tilespmem:$0x10020];
	_ =	sdelay $0x4  }
0x12f: {  	v4 =	vshll.u32 v3, $0x3  }
0x130: {  	v3 =	vand.u32 $0x7, v3;
	v4 =	vand.u32 $0xFFFFFFC0, v4  }
0x131: {  	v3 =	vor.u32 v3, v4  }
0x132: {  	v4 =	vperm.xlane v3, v0;
	_ =	sdelay $0x1  }
0x133: {  	v4 =	vadd.s32 v1, v4;
	_ =	sdelay $0x4  }
0x134: {  	[tilespmem:s11], [sflag:$0x1] =	stream.indirect_vreg.gather [hbm4b:s3+s11], $0x80, v4, vm0, $0xb8;
	[tilespmem:$0x10200] =	vst v63  }
0x135: {  	s0 =	simm.s32 $0x800;
	v3 =	vperm.xlane v3, v2  }
0x136: {  	[tilespmem:s0], [sflag:$0x1] =	stream.indirect_vreg.gather [hbm4b:s6+s11], $0x80, v4, vm0, $0xb8;
	[tilespmem:$0x10200] =	vst v63  }
0x137: {  	s15 =	simm.s32 $0x1000;
	v3 =	vadd.s32 v1, v3  }
0x138: {  	[tilespmem:s15], [sflag:$0x1] =	stream.indirect_vreg.gather [hbm4b:s7+s11], $0x80, v4, vm0, $0xb8;
	[tilespmem:$0x10200] =	vst v63  }
0x139: {  	s1 =	simm.s32 $0x1800  }
0x13a: {  	[tilespmem:s1], [sflag:$0x1] =	stream.indirect_vreg.gather [hbm4b:s8+s11], $0x80, v4, vm0, $0xb8;
	[tilespmem:$0x10200] =	vst v63  }
0x13b: {  	s12 =	simm.s32 $0x2000  }
0x13c: {  	[tilespmem:s12], [sflag:$0x1] =	stream.indirect_vreg.gather [hbm4b:s3+s11], $0x80, v3, vm0, $0xb8;
	[tilespmem:$0x10200] =	vst v63  }
0x13d: {  	s15 =	simm.s32 $0x2800  }
0x13e: {  	[tilespmem:s15], [sflag:$0x1] =	stream.indirect_vreg.gather [hbm4b:s6+s11], $0x80, v3, vm0, $0xb8;
	[tilespmem:$0x10200] =	vst v63  }
0x13f: {  	s1 =	simm.s32 $0x3000  }
0x140: {  	[tilespmem:s1], [sflag:$0x1] =	stream.indirect_vreg.gather [hbm4b:s7+s11], $0x80, v3, vm0, $0xb8;
	[tilespmem:$0x10200] =	vst v63  }
0x141: {  	s12 =	simm.s32 $0x3800  }
0x142: {  	[tilespmem:s12], [sflag:$0x1] =	stream.indirect_vreg.gather [hbm4b:s8+s11], $0x80, v3, vm0, $0xb8;
	[tilespmem:$0x10200] =	vst v63  }
0x143: {  	v3 =	vld [tilespmem:$0x10030];
	_ =	sdelay $0x4  }
0x144: {  	v61 =	vshll.u32 v3, $0x3  }
0x145: {  	v3 =	vand.u32 $0x7, v3;
	v4 =	vand.u32 $0xFFFFFFC0, v61  }
0x146: {  	v3 =	vor.u32 v3, v4  }
0x147: {  	v4 =	vperm.xlane v3, v0;
	_ =	sdelay $0x1  }
0x148: {  	v4 =	vadd.s32 v1, v4;
	_ =	sdelay $0x3  }
0x149: {  	s15 =	simm.s32 $0x4000  }
0x14a: {  	[tilespmem:s15], [sflag:$0x1] =	stream.indirect_vreg.gather [hbm4b:s3+s11], $0x80, v4, vm0, $0xb8;
	[tilespmem:$0x10200] =	vst v63  }
0x14b: {  	s1 =	simm.s32 $0x4800;
	v3 =	vperm.xlane v3, v2  }
0x14c: {  	[tilespmem:s1], [sflag:$0x1] =	stream.indirect_vreg.gather [hbm4b:s6+s11], $0x80, v4, vm0, $0xb8;
	[tilespmem:$0x10200] =	vst v63  }
0x14d: {  	s12 =	simm.s32 $0x5000;
	v3 =	vadd.s32 v1, v3  }
0x14e: {  	[tilespmem:s12], [sflag:$0x1] =	stream.indirect_vreg.gather [hbm4b:s7+s11], $0x80, v4, vm0, $0xb8;
	[tilespmem:$0x10200] =	vst v63  }
0x14f: {  	s15 =	simm.s32 $0x5800  }
0x150: {  	[tilespmem:s15], [sflag:$0x1] =	stream.indirect_vreg.gather [hbm4b:s8+s11], $0x80, v4, vm0, $0xb8;
	[tilespmem:$0x10200] =	vst v63  }
0x151: {  	s1 =	simm.s32 $0x6000  }
0x152: {  	[tilespmem:s1], [sflag:$0x1] =	stream.indirect_vreg.gather [hbm4b:s3+s11], $0x80, v3, vm0, $0xb8;
	[tilespmem:$0x10200] =	vst v63  }
0x153: {  	s12 =	simm.s32 $0x6800  }
0x154: {  	[tilespmem:s12], [sflag:$0x1] =	stream.indirect_vreg.gather [hbm4b:s6+s11], $0x80, v3, vm0, $0xb8;
	[tilespmem:$0x10200] =	vst v63  }
0x155: {  	s15 =	simm.s32 $0x7000  }
0x156: {  	[tilespmem:s15], [sflag:$0x1] =	stream.indirect_vreg.gather [hbm4b:s7+s11], $0x80, v3, vm0, $0xb8;
	[tilespmem:$0x10200] =	vst v63  }
0x157: {  	s1 =	simm.s32 $0x7800  }
0x158: {  	[tilespmem:s1], [sflag:$0x1] =	stream.indirect_vreg.gather [hbm4b:s8+s11], $0x80, v3, vm0, $0xb8;
	[tilespmem:$0x10200] =	vst v63  }
0x159: {  	v3 =	vld [tilespmem:$0x100A0];
	_ =	sdelay $0x4  }
0x15a: {  	v62 =	vshll.u32 v3, $0x3  }
0x15b: {  	v3 =	vand.u32 $0x7, v3;
	v4 =	vand.u32 $0xFFFFFFC0, v62  }
0x15c: {  	v3 =	vor.u32 v3, v4  }
0x15d: {  	v4 =	vperm.xlane v3, v0;
	_ =	sdelay $0x1  }
0x15e: {  	v4 =	vadd.s32 v1, v4;
	_ =	sdelay $0x3  }
0x15f: {  	s12 =	simm.s32 $0x8000  }
0x160: {  	[tilespmem:s12], [sflag:$0x2] =	stream.indirect_vreg.gather [hbm4b:s3+s11], $0x80, v4, vm0, $0xb8;
	[tilespmem:$0x10200] =	vst v63  }
0x161: {  	s15 =	simm.s32 $0x8800;
	v3 =	vperm.xlane v3, v2  }
0x162: {  	[tilespmem:s15], [sflag:$0x2] =	stream.indirect_vreg.gather [hbm4b:s6+s11], $0x80, v4, vm0, $0xb8;
	[tilespmem:$0x10200] =	vst v63  }
0x163: {  	s1 =	simm.s32 $0x9000;
	v3 =	vadd.s32 v1, v3  }
0x164: {  	[tilespmem:s1], [sflag:$0x2] =	stream.indirect_vreg.gather [hbm4b:s7+s11], $0x80, v4, vm0, $0xb8;
	[tilespmem:$0x10200] =	vst v63  }
0x165: {  	s12 =	simm.s32 $0x9800  }
0x166: {  	[tilespmem:s12], [sflag:$0x2] =	stream.indirect_vreg.gather [hbm4b:s8+s11], $0x80, v4, vm0, $0xb8;
	[tilespmem:$0x10200] =	vst v63  }
0x167: {  	s15 =	simm.s32 $0xA000  }
0x168: {  	[tilespmem:s15], [sflag:$0x2] =	stream.indirect_vreg.gather [hbm4b:s3+s11], $0x80, v3, vm0, $0xb8;
	[tilespmem:$0x10200] =	vst v63  }
0x169: {  	_ = 	snop  }
0x16a: {  	[tilespmem:s16], [sflag:$0x2] =	stream.indirect_vreg.gather [hbm4b:s6+s11], $0x80, v3, vm0, $0xb8;
	[tilespmem:$0x10200] =	vst v63  }
0x16b: {  	_ = 	snop  }
0x16c: {  	[tilespmem:s17], [sflag:$0x2] =	stream.indirect_vreg.gather [hbm4b:s7+s11], $0x80, v3, vm0, $0xb8;
	[tilespmem:$0x10200] =	vst v63  }
0x16d: {  	_ = 	snop  }
0x16e: {  	[tilespmem:s18], [sflag:$0x2] =	stream.indirect_vreg.gather [hbm4b:s8+s11], $0x80, v3, vm0, $0xb8;
	[tilespmem:$0x10200] =	vst v63  }
0x16f: {  	v3 =	vld [tilespmem:$0x100B0];
	_ =	sdelay $0x4  }
0x170: {  	v63 =	vshll.u32 v3, $0x3  }
0x171: {  	v3 =	vand.u32 $0x7, v3;
	v4 =	vand.u32 $0xFFFFFFC0, v63  }
0x172: {  	v3 =	vor.u32 v3, v4  }
0x173: {  	v4 =	vperm.xlane v3, v0;
	_ =	sdelay $0x1  }
0x174: {  	v4 =	vadd.s32 v1, v4;
	_ =	sdelay $0x4  }
0x175: {  	[tilespmem:s19], [sflag:$0x2] =	stream.indirect_vreg.gather [hbm4b:s3+s11], $0x80, v4, vm0, $0xb8;
	[tilespmem:$0x10200] =	vst v63  }
0x176: {  	v3 =	vperm.xlane v3, v2  }
0x177: {  	[tilespmem:s20], [sflag:$0x2] =	stream.indirect_vreg.gather [hbm4b:s6+s11], $0x80, v4, vm0, $0xb8;
	[tilespmem:$0x10200] =	vst v63  }
0x178: {  	v3 =	vadd.s32 v1, v3  }
0x179: {  	[tilespmem:s5], [sflag:$0x2] =	stream.indirect_vreg.gather [hbm4b:s7+s11], $0x80, v4, vm0, $0xb8;
	[tilespmem:$0x10200] =	vst v63  }
0x17a: {  	_ = 	snop  }
0x17b: {  	[tilespmem:s21], [sflag:$0x2] =	stream.indirect_vreg.gather [hbm4b:s8+s11], $0x80, v4, vm0, $0xb8;
	[tilespmem:$0x10200] =	vst v63  }
0x17c: {  	_ = 	snop  }
0x17d: {  	[tilespmem:s22], [sflag:$0x2] =	stream.indirect_vreg.gather [hbm4b:s3+s11], $0x80, v3, vm0, $0xb8;
	[tilespmem:$0x10200] =	vst v63  }
0x17e: {  	_ = 	snop  }
0x17f: {  	[tilespmem:s23], [sflag:$0x2] =	stream.indirect_vreg.gather [hbm4b:s6+s11], $0x80, v3, vm0, $0xb8;
	[tilespmem:$0x10200] =	vst v63  }
0x180: {  	_ = 	snop  }
0x181: {  	[tilespmem:s24], [sflag:$0x2] =	stream.indirect_vreg.gather [hbm4b:s7+s11], $0x80, v3, vm0, $0xb8;
	[tilespmem:$0x10200] =	vst v63  }
0x182: {  	_ = 	snop  }
0x183: {  	[tilespmem:s25], [sflag:$0x2] =	stream.indirect_vreg.gather [hbm4b:s8+s11], $0x80, v3, vm0, $0xb8;
	[tilespmem:$0x10200] =	vst v63  }
0x184: {  	_ =	swait.ge [sflag:s26], $0x8000  }
0x185: {  	[sflag:s26] =	ssyncset.done $0x0  }
0x186: {  	[sflag:s26] =	ssyncadd.s32 $0xFFFF8000  }
0x187: {  	_ =	swait.ge [sflag:s10], $0x8000  }
0x188: {  	s29 =	simm.s32 $0x20;
	[sflag:s10] =	ssyncset.done $0x0  }
0x189: {  	s30 =	simm.s32 $0x0;
	s31 =	simm.s32 $0x0;
	[sflag:s10] =	ssyncadd.s32 $0xFFFF8000  }
.LBB2_4:
0x18a: {  	s1 =	sand.u32 $0x6000, s30;
	s0 =	sand.u32 $0x380, s31  }
0x18b: {  	s0 =	sor.u32 s0, s1  }
0x18c: {  	v5 =	vld [tilespmem:s0+$0x0]  }
0x18d: {  	v6 =	vld [tilespmem:s0+$0x8000]  }
0x18e: {  	v7 =	vld [tilespmem:s0+$0x10]  }
0x18f: {  	v8 =	vld [tilespmem:s0+$0x8010]  }
0x190: {  	v9 =	vld [tilespmem:s0+$0x20]  }
0x191: {  	v10 =	vld [tilespmem:s0+$0x8020]  }
0x192: {  	v11 =	vld [tilespmem:s0+$0x30]  }
0x193: {  	v12 =	vld [tilespmem:s0+$0x8030]  }
0x194: {  	v13 =	vld [tilespmem:s0+$0x40]  }
0x195: {  	v14 =	vld [tilespmem:s0+$0x8040]  }
0x196: {  	v15 =	vld [tilespmem:s0+$0x50]  }
0x197: {  	v16 =	vld [tilespmem:s0+$0x8050]  }
0x198: {  	v17 =	vld [tilespmem:s0+$0x60]  }
0x199: {  	v18 =	vld [tilespmem:s0+$0x8060]  }
0x19a: {  	v19 =	vld [tilespmem:s0+$0x70]  }
0x19b: {  	v20 =	vld [tilespmem:s0+$0x8070]  }
0x19c: {  	v21 =	vld [tilespmem:s0+$0x400]  }
0x19d: {  	v22 =	vld [tilespmem:s0+$0x8400]  }
0x19e: {  	v23 =	vld [tilespmem:s0+$0x410]  }
0x19f: {  	v24 =	vld [tilespmem:s0+$0x8410]  }
0x1a0: {  	v25 =	vld [tilespmem:s0+$0x420]  }
0x1a1: {  	v3 =	vmov s29;
	v26 =	vld [tilespmem:s0+$0x8420]  }
0x1a2: {  	v4 =	vor.u32 $0x80, v3;
	v27 =	vld [tilespmem:s0+$0x430]  }
0x1a3: {  	v28 =	vld [tilespmem:s0+$0x8430]  }
0x1a4: {  	v29 =	vld [tilespmem:s0+$0x440]  }
0x1a5: {  	v30 =	vld [tilespmem:s0+$0x8440]  }
0x1a6: {  	v3 =	vld.idx.msk [tilespmem:v3+s14+$0x0], $0xffff  }
0x1a7: {  	v4 =	vld.idx.msk [tilespmem:v4+s14+$0x0], $0xffff  }
0x1a8: {  	v31 =	vld [tilespmem:s0+$0x450]  }
0x1a9: {  	v32 =	vld [tilespmem:s0+$0x8450]  }
0x1aa: {  	v33 =	vld [tilespmem:s0+$0x460]  }
0x1ab: {  	v34 =	vld [tilespmem:s0+$0x8460];
	v5 =	vmul.f32 v5, v3  }
0x1ac: {  	v35 =	vld [tilespmem:s0+$0x470];
	v7 =	vmul.f32 v7, v3;
	v6 =	vmul.f32 v6, v4  }
0x1ad: {  	v36 =	vld [tilespmem:s0+$0x8470];
	v40 =	vmul.f32 v9, v3;
	v8 =	vmul.f32 v8, v4  }
0x1ae: {  	v39 =	vld [tilespmem:s0+$0x850];
	v42 =	vmul.f32 v11, v3;
	v41 =	vmul.f32 v10, v4;
	v5 =	vadd.f32 v6, v5  }
0x1af: {  	v45 =	vmul.f32 v13, v3;
	v13 =	vld [tilespmem:s0+$0x810];
	v43 =	vmul.f32 v12, v4;
	v7 =	vadd.f32 v8, v7  }
0x1b0: {  	v48 =	vmul.f32 v15, v3;
	v15 =	vld [tilespmem:s0+$0x820];
	v46 =	vmul.f32 v14, v4;
	v44 =	vadd.f32 v41, v40;
	[tilespmem:s0+$0x0] =	vst v5  }
0x1b1: {  	v51 =	vmul.f32 v17, v3;
	v17 =	vld [tilespmem:s0+$0x830];
	v49 =	vmul.f32 v16, v4;
	v47 =	vadd.f32 v43, v42;
	[tilespmem:s0+$0x10] =	vst v7  }
0x1b2: {  	v54 =	vmul.f32 v19, v3;
	v19 =	vld [tilespmem:s0+$0x840];
	v52 =	vmul.f32 v18, v4;
	v50 =	vadd.f32 v46, v45;
	[tilespmem:s0+$0x20] =	vst v44  }
0x1b3: {  	v10 =	vld [tilespmem:s0+$0x800];
	v55 =	vmul.f32 v20, v4;
	v53 =	vadd.f32 v49, v48;
	[tilespmem:s0+$0x30] =	vst v47  }
0x1b4: {  	v57 =	vmul.f32 v21, v3;
	v12 =	vld [tilespmem:s0+$0x8800];
	v58 =	vmul.f32 v22, v4;
	v56 =	vadd.f32 v52, v51;
	[tilespmem:s0+$0x40] =	vst v50  }
0x1b5: {  	v60 =	vmul.f32 v23, v3;
	v14 =	vld [tilespmem:s0+$0x8810];
	v61 =	vmul.f32 v24, v4;
	v59 =	vadd.f32 v55, v54;
	[tilespmem:s0+$0x50] =	vst v53  }
0x1b6: {  	v63 =	vmul.f32 v25, v3;
	v16 =	vld [tilespmem:s0+$0x8820];
	v24 =	vmul.f32 v26, v4;
	v62 =	vadd.f32 v58, v57;
	[tilespmem:s0+$0x60] =	vst v56  }
0x1b7: {  	v18 =	vld [tilespmem:s0+$0x8830];
	v26 =	vmul.f32 v27, v3;
	v27 =	vmul.f32 v28, v4;
	v25 =	vadd.f32 v61, v60;
	[tilespmem:s0+$0x70] =	vst v59  }
0x1b8: {  	v37 =	vmul.f32 v29, v3;
	v20 =	vld [tilespmem:s0+$0x8840];
	v38 =	vmul.f32 v30, v4;
	v28 =	vadd.f32 v24, v63;
	[tilespmem:s0+$0x400] =	vst v62  }
0x1b9: {  	v40 =	vadd.f32 v27, v26;
	v41 =	vmul.f32 v31, v3;
	v42 =	vmul.f32 v32, v4;
	v43 =	vld [tilespmem:s0+$0x8850];
	[tilespmem:s0+$0x410] =	vst v25  }
0x1ba: {  	v45 =	vmul.f32 v33, v3;
	v46 =	vmul.f32 v34, v4;
	v51 =	vld [tilespmem:s0+$0x8860];
	[tilespmem:s0+$0x420] =	vst v28;
	v44 =	vadd.f32 v38, v37  }
0x1bb: {  	s1 =	sor.u32 s1, s31;
	v49 =	vmul.f32 v35, v3;
	v55 =	vld [tilespmem:s0+$0x870];
	[tilespmem:s0+$0x430] =	vst v40;
	v48 =	vadd.f32 v42, v41;
	v50 =	vmul.f32 v36, v4  }
0x1bc: {  	s1 =	sor.u32 $0x8C00, s1;
	v63 =	vld [tilespmem:s0+$0xC00];
	v52 =	vadd.f32 v46, v45;
	v53 =	vmul.f32 v10, v3;
	v54 =	vmul.f32 v12, v4;
	[tilespmem:s0+$0x440] =	vst v44  }
0x1bd: {  	v26 =	vld [tilespmem:s1+$0x0];
	v57 =	vmul.f32 v13, v3;
	v58 =	vmul.f32 v14, v4;
	[tilespmem:s0+$0x450] =	vst v48;
	v56 =	vadd.f32 v50, v49  }
0x1be: {  	v47 =	vld [tilespmem:s0+$0x860];
	v61 =	vmul.f32 v15, v3;
	v62 =	vmul.f32 v16, v4;
	[tilespmem:s0+$0x460] =	vst v52;
	v60 =	vadd.f32 v54, v53  }
0x1bf: {  	v59 =	vld [tilespmem:s0+$0x8870];
	v17 =	vmul.f32 v17, v3;
	v25 =	vmul.f32 v18, v4;
	v16 =	vadd.f32 v58, v57;
	[tilespmem:s0+$0x470] =	vst v56  }
0x1c0: {  	v28 =	vmul.f32 v19, v3;
	v29 =	vmul.f32 v20, v4;
	v27 =	vadd.f32 v62, v61;
	[tilespmem:s0+$0x800] =	vst v60  }
0x1c1: {  	v31 =	vmul.f32 v39, v3;
	v30 =	vadd.f32 v25, v17;
	v32 =	vmul.f32 v43, v4;
	[tilespmem:s0+$0x810] =	vst v16  }
0x1c2: {  	v33 =	vadd.f32 v29, v28;
	v40 =	vmul.f32 v63, v3;
	v41 =	vmul.f32 v26, v4;
	[tilespmem:s0+$0x820] =	vst v27  }
0x1c3: {  	v35 =	vmul.f32 v51, v4;
	v34 =	vmul.f32 v47, v3;
	[tilespmem:s0+$0x830] =	vst v30;
	v36 =	vadd.f32 v32, v31  }
0x1c4: {  	v37 =	vmul.f32 v55, v3;
	v38 =	vmul.f32 v59, v4;
	[tilespmem:s0+$0x840] =	vst v33;
	v43 =	vadd.f32 v41, v40  }
0x1c5: {  	v39 =	vadd.f32 v35, v34;
	[tilespmem:s0+$0x850] =	vst v36  }
0x1c6: {  	v42 =	vadd.f32 v38, v37;
	[tilespmem:s0+$0xC00] =	vst v43  }
0x1c7: {  	[tilespmem:s0+$0x860] =	vst v39  }
0x1c8: {  	v44 =	vld [tilespmem:s0+$0xC10];
	[tilespmem:s0+$0x870] =	vst v42  }
0x1c9: {  	v45 =	vld [tilespmem:s1+$0x10];
	_ =	sdelay $0x4  }
0x1ca: {  	v5 =	vmul.f32 v44, v3;
	v6 =	vmul.f32 v45, v4;
	_ =	sdelay $0x1  }
0x1cb: {  	v5 =	vadd.f32 v6, v5;
	_ =	sdelay $0x1  }
0x1cc: {  	v46 =	vld [tilespmem:s0+$0xC20];
	[tilespmem:s0+$0xC10] =	vst v5  }
0x1cd: {  	v47 =	vld [tilespmem:s1+$0x20];
	_ =	sdelay $0x4  }
0x1ce: {  	v5 =	vmul.f32 v46, v3;
	v6 =	vmul.f32 v47, v4;
	_ =	sdelay $0x1  }
0x1cf: {  	v5 =	vadd.f32 v6, v5;
	_ =	sdelay $0x1  }
0x1d0: {  	v48 =	vld [tilespmem:s0+$0xC30];
	[tilespmem:s0+$0xC20] =	vst v5  }
0x1d1: {  	v49 =	vld [tilespmem:s1+$0x30];
	_ =	sdelay $0x1  }
0x1d2: {  	v13 =	vld [tilespmem:s0+$0x9800]  }
0x1d3: {  	v15 =	vld [tilespmem:s0+$0x9810]  }
0x1d4: {  	v10 =	vld [tilespmem:s0+$0x9470]  }
0x1d5: {  	v12 =	vld [tilespmem:s0+$0x1800];
	v5 =	vmul.f32 v48, v3;
	v6 =	vmul.f32 v49, v4  }
0x1d6: {  	v14 =	vld [tilespmem:s0+$0x1810]  }
0x1d7: {  	v50 =	vld [tilespmem:s0+$0xC40];
	v5 =	vadd.f32 v6, v5  }
0x1d8: {  	v52 =	vld [tilespmem:s0+$0xC50]  }
0x1d9: {  	v54 =	vld [tilespmem:s0+$0xC60];
	[tilespmem:s0+$0xC30] =	vst v5  }
0x1da: {  	v51 =	vld [tilespmem:s1+$0x40]  }
0x1db: {  	v58 =	vld [tilespmem:s0+$0x1000]  }
0x1dc: {  	v61 =	vld [tilespmem:s0+$0x9010]  }
0x1dd: {  	v62 =	vld [tilespmem:s0+$0x1020]  }
0x1de: {  	v63 =	vld [tilespmem:s0+$0x9020]  }
0x1df: {  	v28 =	vld [tilespmem:s0+$0x9430];
	v5 =	vmul.f32 v50, v3;
	v6 =	vmul.f32 v51, v4  }
0x1e0: {  	v29 =	vld [tilespmem:s0+$0x1450]  }
0x1e1: {  	v56 =	vld [tilespmem:s0+$0xC70];
	v5 =	vadd.f32 v6, v5  }
0x1e2: {  	v59 =	vld [tilespmem:s0+$0x9000]  }
0x1e3: {  	v60 =	vld [tilespmem:s0+$0x1010];
	[tilespmem:s0+$0xC40] =	vst v5  }
0x1e4: {  	v53 =	vld [tilespmem:s1+$0x50]  }
0x1e5: {  	v40 =	vld [tilespmem:s0+$0x1060]  }
0x1e6: {  	v41 =	vld [tilespmem:s0+$0x9060]  }
0x1e7: {  	v27 =	vld [tilespmem:s0+$0x1430]  }
0x1e8: {  	v31 =	vld [tilespmem:s0+$0x1460]  }
0x1e9: {  	v32 =	vld [tilespmem:s0+$0x9460];
	v5 =	vmul.f32 v52, v3;
	v6 =	vmul.f32 v53, v4  }
0x1ea: {  	v38 =	vld [tilespmem:s0+$0x1050]  }
0x1eb: {  	v43 =	vld [tilespmem:s0+$0x9070];
	v5 =	vadd.f32 v6, v5  }
0x1ec: {  	v44 =	vld [tilespmem:s0+$0x1400]  }
0x1ed: {  	v39 =	vld [tilespmem:s0+$0x9050];
	[tilespmem:s0+$0xC50] =	vst v5  }
0x1ee: {  	v55 =	vld [tilespmem:s1+$0x60]  }
0x1ef: {  	v26 =	vmul.f32 v13, v4;
	v42 =	vld [tilespmem:s0+$0x1070]  }
0x1f0: {  	v25 =	vmul.f32 v12, v3;
	v7 =	vmul.f32 v58, v3;
	v45 =	vld [tilespmem:s0+$0x9400]  }
0x1f1: {  	v8 =	vmul.f32 v59, v4;
	v58 =	vmul.f32 v38, v3;
	v46 =	vld [tilespmem:s0+$0x1410]  }
0x1f2: {  	v35 =	vmul.f32 v43, v4;
	v38 =	vmul.f32 v44, v3;
	v47 =	vld [tilespmem:s0+$0x9410]  }
0x1f3: {  	v36 =	vld [tilespmem:s0+$0x1030];
	v5 =	vmul.f32 v54, v3;
	v6 =	vmul.f32 v55, v4  }
0x1f4: {  	v37 =	vld [tilespmem:s0+$0x9030];
	v59 =	vmul.f32 v39, v4;
	v34 =	vmul.f32 v42, v3  }
0x1f5: {  	v48 =	vld [tilespmem:s0+$0x1420];
	v50 =	vmul.f32 v60, v3;
	v51 =	vmul.f32 v61, v4;
	v5 =	vadd.f32 v6, v5  }
0x1f6: {  	v7 =	vadd.f32 v8, v7;
	v39 =	vmul.f32 v45, v4;
	v42 =	vmul.f32 v46, v3;
	v49 =	vld [tilespmem:s0+$0x9420]  }
0x1f7: {  	v43 =	vmul.f32 v47, v4;
	v61 =	vmul.f32 v40, v3;
	v40 =	vld [tilespmem:s0+$0x9820];
	v54 =	vadd.f32 v51, v50;
	[tilespmem:s0+$0xC60] =	vst v5  }
0x1f8: {  	v52 =	vmul.f32 v62, v3;
	v53 =	vmul.f32 v63, v4;
	v63 =	vadd.f32 v59, v58;
	v57 =	vld [tilespmem:s1+$0x70];
	[tilespmem:s0+$0x1000] =	vst v7  }
0x1f9: {  	v33 =	vld [tilespmem:s0+$0x1470];
	v62 =	vmul.f32 v41, v4;
	v41 =	vadd.f32 v35, v34;
	v58 =	vmul.f32 v31, v3;
	[tilespmem:s0+$0x1010] =	vst v54  }
0x1fa: {  	v45 =	vadd.f32 v39, v38;
	v59 =	vmul.f32 v32, v4;
	v55 =	vmul.f32 v36, v3;
	v36 =	vld [tilespmem:s0+$0x1820];
	[tilespmem:s0+$0x1050] =	vst v63  }
0x1fb: {  	v30 =	vld [tilespmem:s0+$0x9450];
	v46 =	vmul.f32 v48, v3;
	v47 =	vmul.f32 v49, v4;
	v49 =	vadd.f32 v43, v42;
	[tilespmem:s0+$0x1070] =	vst v41  }
0x1fc: {  	v44 =	vld [tilespmem:s0+$0x1830];
	v34 =	vmul.f32 v40, v4;
	v24 =	vadd.f32 v59, v58;
	v50 =	vmul.f32 v27, v3;
	[tilespmem:s0+$0x1400] =	vst v45  }
0x1fd: {  	v48 =	vld [tilespmem:s0+$0x9830];
	v32 =	vadd.f32 v26, v25;
	v5 =	vmul.f32 v56, v3;
	v56 =	vmul.f32 v37, v4;
	[tilespmem:s0+$0x1410] =	vst v49  }
0x1fe: {  	v37 =	vadd.f32 v62, v61;
	v62 =	vmul.f32 v33, v3;
	v63 =	vmul.f32 v10, v4;
	[tilespmem:s0+$0x1460] =	vst v24  }
0x1ff: {  	v23 =	vld [tilespmem:s0+$0x9860];
	v51 =	vmul.f32 v28, v4;
	v33 =	vmul.f32 v36, v3;
	[tilespmem:s0+$0x1800] =	vst v32;
	v60 =	vadd.f32 v56, v55  }
0x200: {  	v31 =	vld [tilespmem:s0+$0x9870];
	v54 =	vmul.f32 v29, v3;
	[tilespmem:s0+$0x1060] =	vst v37;
	v55 =	vmul.f32 v30, v4;
	v28 =	vadd.f32 v63, v62  }
0x201: {  	v27 =	vld [tilespmem:s0+$0x1870];
	v29 =	vmul.f32 v14, v3;
	v30 =	vmul.f32 v15, v4;
	v38 =	vadd.f32 v34, v33;
	[tilespmem:s0+$0x1030] =	vst v60  }
0x202: {  	v36 =	vmul.f32 v44, v3;
	v56 =	vld [tilespmem:s0+$0x9850];
	v37 =	vmul.f32 v48, v4;
	v61 =	vadd.f32 v55, v54;
	[tilespmem:s0+$0x1470] =	vst v28  }
0x203: {  	v60 =	vld [tilespmem:s0+$0x1860];
	v35 =	vadd.f32 v30, v29;
	[tilespmem:s0+$0x1820] =	vst v38  }
0x204: {  	v41 =	vadd.f32 v37, v36;
	v6 =	vmul.f32 v57, v4;
	v57 =	vadd.f32 v53, v52;
	v52 =	vld [tilespmem:s0+$0x1850];
	[tilespmem:s0+$0x1450] =	vst v61  }
0x205: {  	[tilespmem:s0+$0x1810] =	vst v35  }
0x206: {  	v53 =	vadd.f32 v47, v46;
	[tilespmem:s0+$0x1830] =	vst v41  }
0x207: {  	v42 =	vld [tilespmem:s0+$0x1040];
	v46 =	vmul.f32 v27, v3;
	v47 =	vmul.f32 v31, v4;
	v5 =	vadd.f32 v6, v5;
	[tilespmem:s0+$0x1020] =	vst v57  }
0x208: {  	v10 =	vmul.f32 v23, v4;
	v45 =	vld [tilespmem:s0+$0x9040];
	v57 =	vadd.f32 v51, v50;
	[tilespmem:s0+$0x1420] =	vst v53;
	v43 =	vmul.f32 v60, v3  }
0x209: {  	s15 =	sand.u32 $0x7, s11;
	v49 =	vld [tilespmem:s0+$0x9440];
	v40 =	vmul.f32 v56, v4;
	v50 =	vadd.f32 v47, v46;
	[tilespmem:s0+$0xC70] =	vst v5;
	v39 =	vmul.f32 v52, v3  }
0x20a: {  	s1 =	sshll.u32 s15, $0x7;
	s15 =	sor.u32 s30, s31;
	v48 =	vld [tilespmem:s0+$0x1440];
	[tilespmem:s0+$0x1430] =	vst v57;
	v9 =	vadd.f32 v10, v43  }
0x20b: {  	s15 =	sor.u32 $0x9C00, s15;
	v51 =	vld [tilespmem:s0+$0x1840];
	[tilespmem:s0+$0x1870] =	vst v50;
	v44 =	vadd.f32 v40, v39  }
0x20c: {  	s1 =	sadd.s32 s1, s30;
	v53 =	vld [tilespmem:s15+$0x0];
	[tilespmem:s0+$0x1860] =	vst v9  }
0x20d: {  	s12 =	sor.u32 $0x1C00, s1;
	v52 =	vld [tilespmem:s0+$0x9840];
	[tilespmem:s0+$0x1850] =	vst v44  }
0x20e: {  	v7 =	vld [tilespmem:s12+$0x0];
	_ =	sdelay $0x1  }
0x20f: {  	v8 =	vmul.f32 v45, v4;
	v6 =	vmul.f32 v42, v3  }
0x210: {  	v5 =	vmul.f32 v48, v3;
	v10 =	vmul.f32 v49, v4  }
0x211: {  	v6 =	vadd.f32 v8, v6;
	v54 =	vmul.f32 v51, v3;
	v9 =	vmul.f32 v52, v4  }
0x212: {  	v5 =	vadd.f32 v10, v5;
	v55 =	vmul.f32 v53, v4;
	v7 =	vmul.f32 v7, v3  }
0x213: {  	[tilespmem:s0+$0x1040] =	vst v6;
	v56 =	vadd.f32 v9, v54  }
0x214: {  	[tilespmem:s0+$0x1440] =	vst v5;
	v57 =	vadd.f32 v55, v7  }
0x215: {  	[tilespmem:s0+$0x1840] =	vst v56  }
0x216: {  	[tilespmem:s12+$0x0] =	vst v57;
	s12 =	sor.u32 $0x1C10, s1  }
0x217: {  	v5 =	vld [tilespmem:s12+$0x0]  }
0x218: {  	v6 =	vld [tilespmem:s15+$0x10];
	_ =	sdelay $0x4  }
0x219: {  	v5 =	vmul.f32 v5, v3;
	v6 =	vmul.f32 v6, v4;
	_ =	sdelay $0x1  }
0x21a: {  	v5 =	vadd.f32 v6, v5;
	_ =	sdelay $0x1  }
0x21b: {  	[tilespmem:s12+$0x0] =	vst v5;
	s12 =	sor.u32 $0x1C20, s1  }
0x21c: {  	v5 =	vld [tilespmem:s12+$0x0]  }
0x21d: {  	v58 =	vld [tilespmem:s15+$0x20];
	_ =	sdelay $0x4  }
0x21e: {  	v5 =	vmul.f32 v5, v3;
	v6 =	vmul.f32 v58, v4;
	_ =	sdelay $0x1  }
0x21f: {  	v5 =	vadd.f32 v6, v5;
	_ =	sdelay $0x1  }
0x220: {  	[tilespmem:s12+$0x0] =	vst v5;
	s12 =	sor.u32 $0x1C30, s1  }
0x221: {  	v5 =	vld [tilespmem:s12+$0x0]  }
0x222: {  	v59 =	vld [tilespmem:s15+$0x30];
	_ =	sdelay $0x4  }
0x223: {  	v5 =	vmul.f32 v5, v3;
	v6 =	vmul.f32 v59, v4;
	_ =	sdelay $0x1  }
0x224: {  	v5 =	vadd.f32 v6, v5;
	_ =	sdelay $0x1  }
0x225: {  	[tilespmem:s12+$0x0] =	vst v5;
	s12 =	sor.u32 $0x1C40, s1  }
0x226: {  	v5 =	vld [tilespmem:s12+$0x0]  }
0x227: {  	v60 =	vld [tilespmem:s15+$0x40];
	_ =	sdelay $0x4  }
0x228: {  	v5 =	vmul.f32 v5, v3;
	v6 =	vmul.f32 v60, v4;
	_ =	sdelay $0x1  }
0x229: {  	v5 =	vadd.f32 v6, v5;
	_ =	sdelay $0x1  }
0x22a: {  	[tilespmem:s12+$0x0] =	vst v5;
	s12 =	sor.u32 $0x1C50, s1  }
0x22b: {  	v5 =	vld [tilespmem:s12+$0x0]  }
0x22c: {  	v61 =	vld [tilespmem:s15+$0x50];
	_ =	sdelay $0x4  }
0x22d: {  	v5 =	vmul.f32 v5, v3;
	v6 =	vmul.f32 v61, v4;
	_ =	sdelay $0x1  }
0x22e: {  	v5 =	vadd.f32 v6, v5;
	_ =	sdelay $0x1  }
0x22f: {  	[tilespmem:s12+$0x0] =	vst v5;
	s12 =	sor.u32 $0x1C60, s1  }
0x230: {  	v5 =	vld [tilespmem:s12+$0x0]  }
0x231: {  	v62 =	vld [tilespmem:s15+$0x60];
	_ =	sdelay $0x4  }
0x232: {  	v5 =	vmul.f32 v5, v3;
	v6 =	vmul.f32 v62, v4;
	_ =	sdelay $0x1  }
0x233: {  	v5 =	vadd.f32 v6, v5;
	_ =	sdelay $0x1  }
0x234: {  	[tilespmem:s12+$0x0] =	vst v5;
	s12 =	sor.u32 $0x1C70, s1  }
0x235: {  	v5 =	vld [tilespmem:s12+$0x0]  }
0x236: {  	v63 =	vld [tilespmem:s15+$0x70];
	_ =	sdelay $0x3  }
0x237: {  	p0 =	sne.s32 s29, $0x3F  }
.Ltmp1:
0x238: {  	v3 =	vmul.f32 v5, v3;
	v4 =	vmul.f32 v63, v4;
	(pc) =	sbr.rel @p0 .LBB2_4-.Ltmp1, $4  }
0x239: {  	_ = 	snop  }
0x23a: {  	v3 =	vadd.f32 v4, v3  }
0x23b: {  	s11 =	sadd.s32 $0x1, s11  }
0x23c: {  	s29 =	sadd.s32 $0x1, s29;
	s31 =	sadd.s32 $0x80, s31;
	s30 =	sadd.s32 $0x400, s30;
	[tilespmem:s12+$0x0] =	vst v3  }
0x23d: {  	s0 =	rddreg [dreg:$0x4]  }
0x23e: {  	[hbm4b:s0+s2] =	stream.linear.scatter [tilespmem:s2], [sflag:$0x3], $0x8000, $0x38;
	[tilespmem:$0x10200] =	vst v63  }
0x23f: {  	_ =	swait.ge [sflag:s13], $0x8000  }
0x240: {  	s28 =	sadd.s32 $0x1, s28;
	s31 =	rddreg [dreg:$0x5]  }
0x241: {  	p0 =	sne.s32 s28, s31  }
.Ltmp2:
0x242: {  	_ = 	snop;
	(pc) =	sbr.rel @p0 .LBB2_1-.Ltmp2, $3  }
0x243: {  	_ =	sdelay $0x1  }
0x244: {  	[sflag:s13] =	ssyncset.done $0x0  }
0x245: {  	[sflag:s13] =	ssyncadd.s32 $0xFFFF8000  }
0x246: {  	_ =	sfence.sel $0x180000  }
0x247: {  	[bflag:$0x0] =	sbarrier.arrive $0xFFFF  }
0x248: {  	_ =	strace $0x9000004A  }
0x249: {  	s0 =	stileid.u32;
	[bflag:$0x2] =	sbarrier.arrive $0xFFFF  }
0x24a: {  	p0 =	sne.s32 s0, $0x0;
	s0 =	rddreg [dreg:$0x2]  }
0x24b: {  	s0 =	sadd.s32 @!p0 $0x100000, s0  }
0x24c: {  	[sflag:s0] =	ssyncadd.tile.s32 @!p0 $0x1;
	_ =	shalt  }
.Lfunc_end2:
_tile_overlayer_lowered:
.L_overlay_start_2:
0x24d: {  	(tag) =	ssettag $0x2  }
0x24e: {  	s0 =	rddreg [dreg:$0x0];
	s2 =	stileid.u32  }
0x24f: {  	s1 =	rddreg [dreg:$0x1];
	p0 =	sne.s32 s2, $0x0  }
0x250: {  	s3 =	rddreg [dreg:$0x2];
	[bflag:$0x3] =	sbarrier.arrive $0xFFFF;
	s2 =	simm.s32 @!p0 $0x1C03  }
0x251: {  	[timem:s3], [sflag:s2] =	dma.local @!p0 [hbm:s0], s1  }
0x252: {  	s0 =	simm.s32 @!p0 $0x3  }
0x253: {  	_ =	swait.ge @!p0 [sflag:s0], s1  }
0x254: {  	s1 =	ssub.s32 @!p0 $0x0, s1;
	[sflag:s0] =	ssyncset.done @!p0 $0x0  }
0x255: {  	[sflag:s0] =	ssyncadd.s32 @!p0 s1  }
0x256: {  	[bflag:$0x3] =	sbarrier.arrive $0xFFFF  }
0x257: {  	_ =	shalt  }

</sc_bundles>
